<compile_context>
chip_gen: v7x
topology: tpu7x:2x2x1
jax: 0.10.2.dev20260603
libtpu: 0.0.44.dev20260713+nightly
codegen_flags: <defaults>
</compile_context>

<pallas_src>
import functools

import jax
import jax.numpy as jnp
import numpy as np
from jax import lax
from jax.experimental import pallas as pl
from jax.experimental.pallas import tpu as pltpu
from jax.experimental.pallas import tpu_sc as plsc

_B, _F, _V, _E = 16384, 26, 100000, 16
_NC, _NS = 2, 16
_NW = _NC * _NS
_G = 128
_BF = _B * _F
_PER_W = _BF // _NW
_BW = _B // _NW
_JG = _BW // _G
_BB = 512

_CH = 2048
_NFULL = _V // _CH
_TAIL = 1664
_REM = _V - _NFULL * _CH - _TAIL
_FULL_TASKS = _F * _NFULL
_TPW = _FULL_TASKS // _NW


@functools.cache
def _make_sc_convert():
    @functools.partial(
        pl.kernel,
        mesh=plsc.VectorSubcoreMesh(core_axis_name="c", subcore_axis_name="s"),
        out_type=(
            jax.ShapeDtypeStruct((_F * _V * _E,), jnp.float32),
            jax.ShapeDtypeStruct((_F * _V,), jnp.float32),
        ),
        scratch_types=[
            pltpu.VMEM((_E, _CH + 8), jnp.float32),
            pltpu.VMEM((_E, _CH + 8), jnp.float32),
            pltpu.VMEM((_CH * _E,), jnp.float32),
            pltpu.VMEM((_CH,), jnp.float32),
            pltpu.VMEM((_CH,), jnp.float32),
            pltpu.SemaphoreType.DMA,
            pltpu.SemaphoreType.DMA,
            pltpu.SemaphoreType.DMA,
            pltpu.SemaphoreType.DMA,
        ],
        compiler_params=pltpu.CompilerParams(use_tc_tiling_on_sc=True,
                                             needs_layout_passes=False,
                                             disable_bounds_checks=True),
    )
    def _sc_convert(emb2t_hbm, emb1t_hbm, tail2_hbm, tail1_hbm,
                    tab_out, e1_out, bi, bi2, bo, be, be2,
                    sem2, sem1, semA, semB):
        wid = lax.axis_index("s") * _NC + lax.axis_index("c")
        iota = lax.iota(jnp.int32, 16)

        def chunk_of(t):
            k = t * _NW + wid
            f = k // _NFULL
            cb = k % _NFULL
            return f, cb * _CH

        def in_copies(t, bi_b, sem_b):
            f, v0 = chunk_of(t)
            c0 = pltpu.make_async_copy(
                emb2t_hbm.at[f, pl.ds(0, 8), pl.ds(v0, _CH)],
                bi_b.at[pl.ds(0, 8), pl.ds(0, _CH)], sem_b)
            c1 = pltpu.make_async_copy(
                emb2t_hbm.at[f, pl.ds(8, 8), pl.ds(v0, _CH)],
                bi_b.at[pl.ds(8, 8), pl.ds(0, _CH)], sem_b)
            return c0, c1

        def transpose_compute(bi_b, size):
            @plsc.parallel_loop(0, size, step=8, unroll=4)
            def vbody(v):
                for u in range(8):
                    vv = jnp.full((16,), v + u, jnp.int32)
                    row = plsc.load_gather(bi_b, [iota, vv])
                    bo[pl.ds((v + u) * _E, _E)] = row

        def out_copy(t):
            f, v0 = chunk_of(t)
            return pltpu.make_async_copy(
                bo, tab_out.at[pl.ds((f * _V + v0) * _E, _CH * _E)], sem2)

        def do_chunk(t, bi_b, sem_b, bi_o, sem_o):
            c0, c1 = in_copies(t, bi_b, sem_b)
            c0.wait()
            c1.wait()

            @pl.when(t + 1 < _TPW)
            def _():
                n0, n1 = in_copies(t + 1, bi_o, sem_o)
                n0.start()
                n1.start()

            @pl.when(t > 0)
            def _():
                out_copy(t - 1).wait()

            transpose_compute(bi_b, _CH)
            out_copy(t).start()

        def transpose_chunk(f, v0, size):
            cp0 = pltpu.async_copy(
                emb2t_hbm.at[f, pl.ds(0, 8), pl.ds(v0, size)],
                bi.at[pl.ds(0, 8), pl.ds(0, size)], sem2)
            cp1 = pltpu.async_copy(
                emb2t_hbm.at[f, pl.ds(8, 8), pl.ds(v0, size)],
                bi.at[pl.ds(8, 8), pl.ds(0, size)], sem2)
            cp0.wait()
            cp1.wait()

            @plsc.parallel_loop(0, size, step=8, unroll=4)
            def vbody(v):
                for u in range(8):
                    vv = jnp.full((16,), v + u, jnp.int32)
                    row = plsc.load_gather(bi, [iota, vv])
                    bo[pl.ds((v + u) * _E, _E)] = row
            pltpu.sync_copy(
                bo.at[pl.ds(0, size * _E)],
                tab_out.at[pl.ds((f * _V + v0) * _E, size * _E)])

        p0, p1 = in_copies(0, bi, semA)
        p0.start()
        p1.start()

        def full_body(t, c):
            @pl.when(t % 2 == 0)
            def _():
                do_chunk(t, bi, semA, bi2, semB)

            @pl.when(t % 2 == 1)
            def _():
                do_chunk(t, bi2, semB, bi, semA)

            return c

        lax.fori_loop(0, _TPW, full_body, 0)
        out_copy(_TPW - 1).wait()

        @pl.when(wid < _F)
        def _():
            transpose_chunk(wid, _NFULL * _CH, _TAIL)
            v1 = _NFULL * _CH + _TAIL
            pltpu.async_copy(tail2_hbm.at[pl.ds(wid * _REM * _E, _REM * _E)],
                             bo.at[pl.ds(0, _REM * _E)], sem2).wait()
            pltpu.sync_copy(
                bo.at[pl.ds(0, _REM * _E)],
                tab_out.at[pl.ds((wid * _V + v1) * _E, _REM * _E)])

        def e1_in(t, buf, sem_b):
            f, v0 = chunk_of(t)
            return pltpu.make_async_copy(
                emb1t_hbm.at[f, 0, pl.ds(v0, _CH)], buf, sem_b)

        e1_in(0, be, semA).start()

        def e1_body(t, c):
            def step(buf, sem_b, obuf, sem_o):
                e1_in(t, buf, sem_b).wait()

                @pl.when(t + 1 < _TPW)
                def _():
                    e1_in(t + 1, obuf, sem_o).start()

                f, v0 = chunk_of(t)
                pltpu.sync_copy(buf, e1_out.at[pl.ds(f * _V + v0, _CH)])

            @pl.when(t % 2 == 0)
            def _():
                step(be, semA, be2, semB)

            @pl.when(t % 2 == 1)
            def _():
                step(be2, semB, be, semA)

            return c

        lax.fori_loop(0, _TPW, e1_body, 0)

        @pl.when(wid < _F)
        def _():
            v0 = _NFULL * _CH
            pltpu.async_copy(emb1t_hbm.at[wid, 0, pl.ds(v0, _TAIL)],
                             be.at[pl.ds(0, _TAIL)], sem1).wait()
            pltpu.sync_copy(be.at[pl.ds(0, _TAIL)],
                            e1_out.at[pl.ds(wid * _V + v0, _TAIL)])
            v1 = v0 + _TAIL
            pltpu.async_copy(tail1_hbm.at[pl.ds(wid * _REM, _REM)],
                             be.at[pl.ds(0, _REM)], sem1).wait()
            pltpu.sync_copy(be.at[pl.ds(0, _REM)],
                            e1_out.at[pl.ds(wid * _V + v1, _REM)])

    return _sc_convert


@functools.cache
def _make_sc_gather():
    @functools.partial(
        pl.kernel,
        mesh=plsc.VectorSubcoreMesh(core_axis_name="c", subcore_axis_name="s"),
        out_type=(
            jax.ShapeDtypeStruct((_B, _F * _E), jnp.float32),
            jax.ShapeDtypeStruct((_BF,), jnp.float32),
        ),
        scratch_types=[
            pltpu.VMEM((_F, _JG, _G), jnp.int32),
            pltpu.VMEM((_G, _E), jnp.float32),
            pltpu.VMEM((_G,), jnp.float32),
            pltpu.SemaphoreType.DMA,
            pltpu.SemaphoreType.DMA,
        ],
        compiler_params=pltpu.CompilerParams(use_tc_tiling_on_sc=False),
    )
    def _sc_gather(idx_hbm, emb2_hbm, emb1_hbm, e2_out, e1_out,
                   idx_v, rows_v, vals_v, sem2, sem1):
        wid = lax.axis_index("s") * _NC + lax.axis_index("c")
        base_b = wid * _BW
        pltpu.sync_copy(idx_hbm.at[wid], idx_v)

        def body(t, carry):
            f = t // _JG
            j = t % _JG
            cp2 = pltpu.async_copy(emb2_hbm.at[idx_v.at[f, j]], rows_v, sem2)
            cp1 = pltpu.async_copy(emb1_hbm.at[idx_v.at[f, j]], vals_v, sem1)
            cp2.wait()
            cp1.wait()
            pltpu.sync_copy(
                rows_v,
                e2_out.at[pl.ds(base_b + j * _G, _G), pl.ds(f * _E, _E)])
            pltpu.sync_copy(vals_v, e1_out.at[pl.ds(wid * _PER_W + t * _G, _G)])
            return carry

        lax.fori_loop(0, _F * _JG, body, 0)

    return _sc_gather


def _tc_body(e2_ref, xv_ref, e1_ref, r_ref, m1_ref, w1_ref, b1_ref,
             w2_ref, b2_ref, bias_ref, out_ref):
    e2 = e2_ref[...]
    xv = xv_ref[...]
    xvrep = jnp.dot(xv, r_ref[...],
                    preferred_element_type=jnp.float32)
    deep = e2 * xvrep
    fm_sum = jnp.dot(deep, m1_ref[...],
                     preferred_element_type=jnp.float32)
    fm2 = 0.5 * (jnp.sum(fm_sum * fm_sum, axis=1)
                 - jnp.sum(deep * deep, axis=1))
    fm1 = jnp.sum(e1_ref[...] * xv, axis=1)
    h = jnp.maximum(
        jnp.dot(deep, w1_ref[...], preferred_element_type=jnp.float32)
        + b1_ref[...], 0.0)
    h2 = jnp.maximum(
        jnp.dot(h, w2_ref[...], preferred_element_type=jnp.float32)
        + b2_ref[...], 0.0)
    out_ref[...] = (fm1 + fm2 + jnp.sum(h2, axis=1)
                    + bias_ref[0, 0])[None, None, :]


_R_NP = np.kron(np.eye(_F), np.ones((1, _E))).astype(np.float32)
_M1_NP = np.kron(np.ones((_F, 1)), np.eye(_E)).astype(np.float32)


def _tc_dense(e2m, Xv, e1m, W1, b1, W2, b2, bias):
    nblk = _B // _BB
    out = pl.pallas_call(
        _tc_body,
        grid=(nblk,),
        in_specs=[
            pl.BlockSpec((_BB, _F * _E), lambda i: (i, 0)),
            pl.BlockSpec((_BB, _F), lambda i: (i, 0)),
            pl.BlockSpec((_BB, _F), lambda i: (i, 0)),
            pl.BlockSpec((_F, _F * _E), lambda i: (0, 0)),
            pl.BlockSpec((_F * _E, _E), lambda i: (0, 0)),
            pl.BlockSpec((_F * _E, 128), lambda i: (0, 0)),
            pl.BlockSpec((1, 128), lambda i: (0, 0)),
            pl.BlockSpec((128, 128), lambda i: (0, 0)),
            pl.BlockSpec((1, 128), lambda i: (0, 0)),
            pl.BlockSpec((1, 1), lambda i: (0, 0)),
        ],
        out_specs=pl.BlockSpec((1, 1, _BB), lambda i: (i, 0, 0)),
        out_shape=jax.ShapeDtypeStruct((nblk, 1, _BB), jnp.float32),
    )(e2m, Xv, e1m, jnp.asarray(_R_NP), jnp.asarray(_M1_NP), W1,
      b1.reshape(1, 128), W2,
      b2.reshape(1, 128), bias.reshape(1, 1))
    return out.reshape(_B)


def kernel(Xi, Xv, emb1, emb2, W1, b1, W2, b2, bias):
    idx = Xi[:, :, 0].astype(jnp.int32)
    flat_idx = idx + (jnp.arange(_F, dtype=jnp.int32) * _V)[None, :]
    idx4 = (flat_idx.reshape(_NW, _BW, _F)
            .transpose(0, 2, 1)
            .reshape(_NW, _F, _JG, _G))

    emb2t = emb2.transpose(0, 2, 1)
    emb1t = emb1.transpose(0, 2, 1)
    vcut = _NFULL * _CH + _TAIL
    tail2 = emb2[:, vcut:, :].reshape(-1)
    tail1 = emb1[:, vcut:, 0].reshape(-1)

    tab_lin, e1_lin = _make_sc_convert()(emb2t, emb1t, tail2, tail1)
    emb2_flat = tab_lin.reshape(_F * _V, _E)

    e2m, e1_vals = _make_sc_gather()(idx4, emb2_flat, e1_lin)

    e1m = (e1_vals.reshape(_NW, _F, _JG, _G)
           .transpose(0, 2, 3, 1)
           .reshape(_B, _F))
    return _tc_dense(e2m, Xv, e1m, W1, b1, W2, b2, bias)

# --- scband reference (transcript-rebuilt; emitter-appended) ---
"""Pipeline reference for scband-deep-fm-83339545411899 (READ-ONLY COPY).

The authoritative reference and input builder live on the scoring server;
editing this copy changes nothing except your own understanding.
"""

import jax, jax.numpy as jnp
import numpy as np

B = 16384
F = 26
V = 100000
E = 16
D1 = 128
D2 = 128


def setup_inputs(seed: int = 0) -> dict:
    key = jax.random.key(seed)
    ks = jax.random.split(key, 8)
    Xi = jax.random.randint(ks[0], (B, F, 1), 0, V)
    Xv = jax.random.uniform(ks[1], (B, F), dtype=jnp.float32)
    # stacked per-field embedding tables (all feature_sizes == V)
    emb1 = jax.random.normal(ks[2], (F, V, 1), dtype=jnp.float32) * 0.01
    emb2 = jax.random.normal(ks[3], (F, V, E), dtype=jnp.float32) * 0.01
    W1 = jax.random.normal(ks[4], (F * E, D1), dtype=jnp.float32) * (1.0 / np.sqrt(F * E))
    b1 = jnp.zeros((D1,), dtype=jnp.float32)
    W2 = jax.random.normal(ks[5], (D1, D2), dtype=jnp.float32) * (1.0 / np.sqrt(D1))
    b2 = jnp.zeros((D2,), dtype=jnp.float32)
    bias = jax.random.normal(ks[6], (1,), dtype=jnp.float32)
    return {"Xi": Xi, "Xv": Xv, "emb1": emb1, "emb2": emb2,
            "W1": W1, "b1": b1, "W2": W2, "b2": b2, "bias": bias}


def reference(Xi, Xv, emb1, emb2, W1, b1, W2, b2, bias):
    # Xi: [B, F, 1] int indices; Xv: [B, F] float values
    idx = Xi[:, :, 0]                      # [B, F]
    fidx = jnp.arange(F)[None, :]          # [1, F] -> broadcast with idx

    # --- fm first order ---
    # per field: sum(emb(Xi[:, i, :]), 1) == emb row (only one index per field), scaled by Xv
    e1 = emb1[fidx, idx, 0]                # [B, F] gather from [F, V, 1]
    fm_first_order = e1 * Xv               # [B, F] (== torch.cat of per-field columns)

    # --- fm second order ---
    e2 = emb2[fidx, idx]                   # [B, F, E] gather from [F, V, E]
    scaled = e2 * Xv[:, :, None]           # [B, F, E]
    fm_sum = jnp.sum(scaled, axis=1)       # [B, E]
    fm_sum_sq = fm_sum * fm_sum
    fm_sq_sum = jnp.sum(scaled * scaled, axis=1)
    fm_second_order = 0.5 * (fm_sum_sq - fm_sq_sum)   # [B, E]

    # --- deep part ---
    deep_emb = scaled.reshape(B, F * E)    # cat of fm_second_order_emb_arr along dim 1
    x = jax.nn.relu(deep_emb @ W1 + b1)
    x = jax.nn.relu(x @ W2 + b2)

    total = (jnp.sum(fm_first_order, axis=1)
             + jnp.sum(fm_second_order, axis=1)
             + jnp.sum(x, axis=1)
             + bias)                       # bias [1] broadcasts -> [B]
    return total


if False:  # reference __main__ guard neutralized (emitter)
    out = reference(**setup_inputs())
    print(out.shape, out.dtype)

if __name__ == "__main__":
    import jax
    _d = setup_inputs()
    print(jax.jit(kernel)(*tuple(_d.values())))

</pallas_src>

<mosaic_0001>
#map = affine_map<(d0, d1) -> (0, 0, 0)>
#map1 = affine_map<(d0, d1) -> (0)>
module attributes {stable_mosaic.version = 14 : i64} {
  func.func @_sc_convert(%arg0: i32, %arg1: i32, %arg2: memref<26x16x100000xf32, #tpu.memory_space<hbm>>, %arg3: memref<26x1x100000xf32, #tpu.memory_space<hbm>>, %arg4: memref<13312xf32, #tpu.memory_space<hbm>>, %arg5: memref<832xf32, #tpu.memory_space<hbm>>, %arg6: memref<41600000xf32, #tpu.memory_space<hbm>>, %arg7: memref<2600000xf32, #tpu.memory_space<hbm>>, %arg8: memref<16x2056xf32, #tpu.memory_space<vmem>>, %arg9: memref<16x2056xf32, #tpu.memory_space<vmem>>, %arg10: memref<32768xf32, #tpu.memory_space<vmem>>, %arg11: memref<2048xf32, #tpu.memory_space<vmem>>, %arg12: memref<2048xf32, #tpu.memory_space<vmem>>, %arg13: memref<!tpu.dma_semaphore, #tpu.memory_space<semaphore_mem>>, %arg14: memref<!tpu.dma_semaphore, #tpu.memory_space<semaphore_mem>>, %arg15: memref<!tpu.dma_semaphore, #tpu.memory_space<semaphore_mem>>, %arg16: memref<!tpu.dma_semaphore, #tpu.memory_space<semaphore_mem>>) attributes {dimension_semantics = [#tpu.dimension_semantics<core_parallel>, #tpu.dimension_semantics<subcore_parallel>], iteration_bounds = array<i64: 2, 16>, scalar_prefetch = 0 : i64, scratch_operands = 9 : i64, tpu.core_type = #tpu.core_type<sc_vector_subcore>, window_params = [{transform_indices = #map}, {transform_indices = #map}, {transform_indices = #map1}, {transform_indices = #map1}, {transform_indices = #map1}, {transform_indices = #map1}]} {
    %mul3A = arith.constant 2 : i32
    %mul3A_0 = arith.muli %arg1, %mul3A : i32
    %add3A = arith.addi %mul3A_0, %arg0 : i32
    %iota3A = tpu.iota {dimensions = array<i32: 0>} : vector<16xi32>
    %add3A_1 = arith.constant 0 : i32
    %add3A_2 = arith.addi %add3A_1, %add3A : i32
    %jit3A = arith.constant 48 : i32
    %div3A = arith.divsi %add3A_2, %jit3A : i32
    %sign3A = arith.constant 0 : i32
    %sign3A_3 = arith.cmpi sgt, %add3A_2, %sign3A : i32
    %sign3A_4 = arith.extui %sign3A_3 : i1 to i32
    %sign3A_5 = arith.constant 0 : i32
    %sign3A_6 = arith.cmpi slt, %add3A_2, %sign3A_5 : i32
    %sign3A_7 = arith.extui %sign3A_6 : i1 to i32
    %sign3A_8 = arith.subi %sign3A_4, %sign3A_7 : i32
    %sign3A_9 = arith.constant 0 : i32
    %sign3A_10 = arith.cmpi sgt, %jit3A, %sign3A_9 : i32
    %sign3A_11 = arith.extui %sign3A_10 : i1 to i32
    %sign3A_12 = arith.constant 0 : i32
    %sign3A_13 = arith.cmpi slt, %jit3A, %sign3A_12 : i32
    %sign3A_14 = arith.extui %sign3A_13 : i1 to i32
    %sign3A_15 = arith.subi %sign3A_11, %sign3A_14 : i32
    %ne3A = arith.cmpi ne, %sign3A_8, %sign3A_15 : i32
    %rem3A = arith.remsi %add3A_2, %jit3A : i32
    %ne3A_16 = arith.constant 0 : i32
    %ne3A_17 = arith.cmpi ne, %rem3A, %ne3A_16 : i32
    %and3A = arith.andi %ne3A, %ne3A_17 : i1
    %sub3A = arith.constant 1 : i32
    %sub3A_18 = arith.subi %div3A, %sub3A : i32
    %select_n3A = arith.select %and3A, %sub3A_18, %div3A : i32
    %jit3A_19 = arith.constant 48 : i32
    %eq3A = arith.constant 0 : i32
    %eq3A_20 = arith.cmpi eq, %jit3A_19, %eq3A : i32
    %jit3A_21 = arith.constant 1 : i32
    %select_n3A_22 = arith.select %eq3A_20, %jit3A_21, %jit3A_19 : i32
    %rem3A_23 = arith.remsi %add3A_2, %select_n3A_22 : i32
    %ne3A_24 = arith.constant 0 : i32
    %ne3A_25 = arith.cmpi ne, %rem3A_23, %ne3A_24 : i32
    %lt3A = arith.constant 0 : i32
    %lt3A_26 = arith.cmpi slt, %rem3A_23, %lt3A : i32
    %lt3A_27 = arith.constant 0 : i32
    %lt3A_28 = arith.cmpi slt, %select_n3A_22, %lt3A_27 : i32
    %ne3A_29 = arith.xori %lt3A_26, %lt3A_28 : i1
    %and3A_30 = arith.andi %ne3A_29, %ne3A_25 : i1
    %add3A_31 = arith.addi %rem3A_23, %select_n3A_22 : i32
    %select_n3A_32 = arith.select %and3A_30, %add3A_31, %rem3A_23 : i32
    %mul3A_33 = arith.constant 2048 : i32
    %mul3A_34 = arith.muli %select_n3A_32, %mul3A_33 : i32
    %dma_start3A = arith.constant 0 : i32
    %dma_start3A_35 = arith.constant 0 : i32
    %dma_start3A_36 = tpu.memref_slice %arg8[%dma_start3A, %dma_start3A_35] : memref<16x2056xf32, #tpu.memory_space<vmem>> -> memref<8x2048xf32, #tpu.memory_space<vmem>>
    %dma_start3A_37 = arith.constant 0 : i32
    %dma_start3A_38 = tpu.memref_slice %arg2[%select_n3A, %dma_start3A_37, %mul3A_34] : memref<26x16x100000xf32, #tpu.memory_space<hbm>> -> memref<1x8x2048xf32, #tpu.memory_space<hbm>>
    %dma_start3A_39 = tpu.memref_squeeze %dma_start3A_38 : memref<1x8x2048xf32, #tpu.memory_space<hbm>> -> memref<8x2048xf32, #tpu.memory_space<hbm>>
    %dma_start3A_40 = arith.constant 0 : i32
    %dma_start3A_41 = arith.constant 0 : i32
    %dma_start3A_42 = tpu.memref_slice %arg8[%dma_start3A_40, %dma_start3A_41] : memref<16x2056xf32, #tpu.memory_space<vmem>> -> memref<8x2048xf32, #tpu.memory_space<vmem>>
    %dma_start3A_43 = arith.constant 0 : i32
    %dma_start3A_44 = tpu.memref_slice %arg2[%select_n3A, %dma_start3A_43, %mul3A_34] : memref<26x16x100000xf32, #tpu.memory_space<hbm>> -> memref<1x8x2048xf32, #tpu.memory_space<hbm>>
    %dma_start3A_45 = tpu.memref_squeeze %dma_start3A_44 : memref<1x8x2048xf32, #tpu.memory_space<hbm>> -> memref<8x2048xf32, #tpu.memory_space<hbm>>
    tpu.enqueue_dma source(%dma_start3A_45 : memref<8x2048xf32, #tpu.memory_space<hbm>>) target(%dma_start3A_42 : memref<8x2048xf32, #tpu.memory_space<vmem>>) target_semaphore(%arg15 : memref<!tpu.dma_semaphore, #tpu.memory_space<semaphore_mem>>)
    %dma_start3A_46 = arith.constant 8 : i32
    %dma_start3A_47 = arith.constant 0 : i32
    %dma_start3A_48 = tpu.memref_slice %arg8[%dma_start3A_46, %dma_start3A_47] : memref<16x2056xf32, #tpu.memory_space<vmem>> -> memref<8x2048xf32, #tpu.memory_space<vmem>>
    %dma_start3A_49 = arith.constant 8 : i32
    %dma_start3A_50 = tpu.memref_slice %arg2[%select_n3A, %dma_start3A_49, %mul3A_34] : memref<26x16x100000xf32, #tpu.memory_space<hbm>> -> memref<1x8x2048xf32, #tpu.memory_space<hbm>>
    %dma_start3A_51 = tpu.memref_squeeze %dma_start3A_50 : memref<1x8x2048xf32, #tpu.memory_space<hbm>> -> memref<8x2048xf32, #tpu.memory_space<hbm>>
    %dma_start3A_52 = arith.constant 8 : i32
    %dma_start3A_53 = arith.constant 0 : i32
    %dma_start3A_54 = tpu.memref_slice %arg8[%dma_start3A_52, %dma_start3A_53] : memref<16x2056xf32, #tpu.memory_space<vmem>> -> memref<8x2048xf32, #tpu.memory_space<vmem>>
    %dma_start3A_55 = arith.constant 8 : i32
    %dma_start3A_56 = tpu.memref_slice %arg2[%select_n3A, %dma_start3A_55, %mul3A_34] : memref<26x16x100000xf32, #tpu.memory_space<hbm>> -> memref<1x8x2048xf32, #tpu.memory_space<hbm>>
    %dma_start3A_57 = tpu.memref_squeeze %dma_start3A_56 : memref<1x8x2048xf32, #tpu.memory_space<hbm>> -> memref<8x2048xf32, #tpu.memory_space<hbm>>
    tpu.enqueue_dma source(%dma_start3A_57 : memref<8x2048xf32, #tpu.memory_space<hbm>>) target(%dma_start3A_54 : memref<8x2048xf32, #tpu.memory_space<vmem>>) target_semaphore(%arg15 : memref<!tpu.dma_semaphore, #tpu.memory_space<semaphore_mem>>)
    %scan3A = arith.constant 0 : i32
    %scan3A_58 = arith.constant 0 : i32
    %scan3A_59 = arith.constant 39 : i32
    %scan3A_60 = arith.addi %scan3A_58, %scan3A_59 : i32
    %scan3A_61 = arith.constant 1 : i32
    scf.for %scan3A_176 = %scan3A_58 to %scan3A_60 step %scan3A_61  : i32 {
      %jit3A_177 = arith.constant 2 : i32
      %eq3A_178 = arith.constant 0 : i32
      %eq3A_179 = arith.cmpi eq, %jit3A_177, %eq3A_178 : i32
      %jit3A_180 = arith.constant 1 : i32
      %select_n3A_181 = arith.select %eq3A_179, %jit3A_180, %jit3A_177 : i32
      %rem3A_182 = arith.remsi %scan3A_176, %select_n3A_181 : i32
      %ne3A_183 = arith.constant 0 : i32
      %ne3A_184 = arith.cmpi ne, %rem3A_182, %ne3A_183 : i32
      %lt3A_185 = arith.constant 0 : i32
      %lt3A_186 = arith.cmpi slt, %rem3A_182, %lt3A_185 : i32
      %lt3A_187 = arith.constant 0 : i32
      %lt3A_188 = arith.cmpi slt, %select_n3A_181, %lt3A_187 : i32
      %ne3A_189 = arith.xori %lt3A_186, %lt3A_188 : i1
      %and3A_190 = arith.andi %ne3A_189, %ne3A_184 : i1
      %add3A_191 = arith.addi %rem3A_182, %select_n3A_181 : i32
      %select_n3A_192 = arith.select %and3A_190, %add3A_191, %rem3A_182 : i32
      %eq3A_193 = arith.constant 0 : i32
      %eq3A_194 = arith.cmpi eq, %select_n3A_192, %eq3A_193 : i32
      %convert_element_type3A_195 = arith.extui %eq3A_194 : i1 to i32
      %cond3A_196 = arith.constant 0 : i32
      %cond3A_197 = arith.cmpi ne, %convert_element_type3A_195, %cond3A_196 : i32
      scf.if %cond3A_197 {
        %mul3A_219 = arith.constant 32 : i32
        %mul3A_220 = arith.muli %scan3A_176, %mul3A_219 : i32
        %add3A_221 = arith.addi %mul3A_220, %add3A : i32
        %jit3A_222 = arith.constant 48 : i32
        %div3A_223 = arith.divsi %add3A_221, %jit3A_222 : i32
        %sign3A_224 = arith.constant 0 : i32
        %sign3A_225 = arith.cmpi sgt, %add3A_221, %sign3A_224 : i32
        %sign3A_226 = arith.extui %sign3A_225 : i1 to i32
        %sign3A_227 = arith.constant 0 : i32
        %sign3A_228 = arith.cmpi slt, %add3A_221, %sign3A_227 : i32
        %sign3A_229 = arith.extui %sign3A_228 : i1 to i32
        %sign3A_230 = arith.subi %sign3A_226, %sign3A_229 : i32
        %sign3A_231 = arith.constant 0 : i32
        %sign3A_232 = arith.cmpi sgt, %jit3A_222, %sign3A_231 : i32
        %sign3A_233 = arith.extui %sign3A_232 : i1 to i32
        %sign3A_234 = arith.constant 0 : i32
        %sign3A_235 = arith.cmpi slt, %jit3A_222, %sign3A_234 : i32
        %sign3A_236 = arith.extui %sign3A_235 : i1 to i32
        %sign3A_237 = arith.subi %sign3A_233, %sign3A_236 : i32
        %ne3A_238 = arith.cmpi ne, %sign3A_230, %sign3A_237 : i32
        %rem3A_239 = arith.remsi %add3A_221, %jit3A_222 : i32
        %ne3A_240 = arith.constant 0 : i32
        %ne3A_241 = arith.cmpi ne, %rem3A_239, %ne3A_240 : i32
        %and3A_242 = arith.andi %ne3A_238, %ne3A_241 : i1
        %sub3A_243 = arith.constant 1 : i32
        %sub3A_244 = arith.subi %div3A_223, %sub3A_243 : i32
        %select_n3A_245 = arith.select %and3A_242, %sub3A_244, %div3A_223 : i32
        %jit3A_246 = arith.constant 48 : i32
        %eq3A_247 = arith.constant 0 : i32
        %eq3A_248 = arith.cmpi eq, %jit3A_246, %eq3A_247 : i32
        %jit3A_249 = arith.constant 1 : i32
        %select_n3A_250 = arith.select %eq3A_248, %jit3A_249, %jit3A_246 : i32
        %rem3A_251 = arith.remsi %add3A_221, %select_n3A_250 : i32
        %ne3A_252 = arith.constant 0 : i32
        %ne3A_253 = arith.cmpi ne, %rem3A_251, %ne3A_252 : i32
        %lt3A_254 = arith.constant 0 : i32
        %lt3A_255 = arith.cmpi slt, %rem3A_251, %lt3A_254 : i32
        %lt3A_256 = arith.constant 0 : i32
        %lt3A_257 = arith.cmpi slt, %select_n3A_250, %lt3A_256 : i32
        %ne3A_258 = arith.xori %lt3A_255, %lt3A_257 : i1
        %and3A_259 = arith.andi %ne3A_258, %ne3A_253 : i1
        %add3A_260 = arith.addi %rem3A_251, %select_n3A_250 : i32
        %select_n3A_261 = arith.select %and3A_259, %add3A_260, %rem3A_251 : i32
        %mul3A_262 = arith.constant 2048 : i32
        %mul3A_263 = arith.muli %select_n3A_261, %mul3A_262 : i32
        %dma_wait3A_264 = arith.constant 0 : i32
        %dma_wait3A_265 = arith.constant 0 : i32
        %dma_wait3A_266 = tpu.memref_slice %arg8[%dma_wait3A_264, %dma_wait3A_265] : memref<16x2056xf32, #tpu.memory_space<vmem>> -> memref<8x2048xf32, #tpu.memory_space<vmem>>
        %dma_wait3A_267 = arith.constant 0 : i32
        %dma_wait3A_268 = tpu.memref_slice %arg2[%select_n3A_245, %dma_wait3A_267, %mul3A_263] : memref<26x16x100000xf32, #tpu.memory_space<hbm>> -> memref<1x8x2048xf32, #tpu.memory_space<hbm>>
        %dma_wait3A_269 = tpu.memref_squeeze %dma_wait3A_268 : memref<1x8x2048xf32, #tpu.memory_space<hbm>> -> memref<8x2048xf32, #tpu.memory_space<hbm>>
        %dma_wait3A_270 = arith.constant 0 : i32
        %dma_wait3A_271 = arith.constant 0 : i32
        %dma_wait3A_272 = tpu.memref_slice %arg8[%dma_wait3A_270, %dma_wait3A_271] : memref<16x2056xf32, #tpu.memory_space<vmem>> -> memref<8x2048xf32, #tpu.memory_space<vmem>>
        %dma_wait3A_273 = arith.constant 0 : i32
        %dma_wait3A_274 = tpu.memref_slice %arg2[%select_n3A_245, %dma_wait3A_273, %mul3A_263] : memref<26x16x100000xf32, #tpu.memory_space<hbm>> -> memref<1x8x2048xf32, #tpu.memory_space<hbm>>
        %dma_wait3A_275 = tpu.memref_squeeze %dma_wait3A_274 : memref<1x8x2048xf32, #tpu.memory_space<hbm>> -> memref<8x2048xf32, #tpu.memory_space<hbm>>
        tpu.wait_dma2 semaphore(%arg15 : memref<!tpu.dma_semaphore, #tpu.memory_space<semaphore_mem>>) src(%dma_wait3A_275 : memref<8x2048xf32, #tpu.memory_space<hbm>>) dst(%dma_wait3A_272 : memref<8x2048xf32, #tpu.memory_space<vmem>>)
        %dma_wait3A_276 = arith.constant 8 : i32
        %dma_wait3A_277 = arith.constant 0 : i32
        %dma_wait3A_278 = tpu.memref_slice %arg8[%dma_wait3A_276, %dma_wait3A_277] : memref<16x2056xf32, #tpu.memory_space<vmem>> -> memref<8x2048xf32, #tpu.memory_space<vmem>>
        %dma_wait3A_279 = arith.constant 8 : i32
        %dma_wait3A_280 = tpu.memref_slice %arg2[%select_n3A_245, %dma_wait3A_279, %mul3A_263] : memref<26x16x100000xf32, #tpu.memory_space<hbm>> -> memref<1x8x2048xf32, #tpu.memory_space<hbm>>
        %dma_wait3A_281 = tpu.memref_squeeze %dma_wait3A_280 : memref<1x8x2048xf32, #tpu.memory_space<hbm>> -> memref<8x2048xf32, #tpu.memory_space<hbm>>
        %dma_wait3A_282 = arith.constant 8 : i32
        %dma_wait3A_283 = arith.constant 0 : i32
        %dma_wait3A_284 = tpu.memref_slice %arg8[%dma_wait3A_282, %dma_wait3A_283] : memref<16x2056xf32, #tpu.memory_space<vmem>> -> memref<8x2048xf32, #tpu.memory_space<vmem>>
        %dma_wait3A_285 = arith.constant 8 : i32
        %dma_wait3A_286 = tpu.memref_slice %arg2[%select_n3A_245, %dma_wait3A_285, %mul3A_263] : memref<26x16x100000xf32, #tpu.memory_space<hbm>> -> memref<1x8x2048xf32, #tpu.memory_space<hbm>>
        %dma_wait3A_287 = tpu.memref_squeeze %dma_wait3A_286 : memref<1x8x2048xf32, #tpu.memory_space<hbm>> -> memref<8x2048xf32, #tpu.memory_space<hbm>>
        tpu.wait_dma2 semaphore(%arg15 : memref<!tpu.dma_semaphore, #tpu.memory_space<semaphore_mem>>) src(%dma_wait3A_287 : memref<8x2048xf32, #tpu.memory_space<hbm>>) dst(%dma_wait3A_284 : memref<8x2048xf32, #tpu.memory_space<vmem>>)
        %add3A_288 = arith.constant 1 : i32
        %add3A_289 = arith.addi %scan3A_176, %add3A_288 : i32
        %lt3A_290 = arith.constant 39 : i32
        %lt3A_291 = arith.cmpi slt, %add3A_289, %lt3A_290 : i32
        %convert_element_type3A_292 = arith.extui %lt3A_291 : i1 to i32
        %cond3A_293 = arith.constant 0 : i32
        %cond3A_294 = arith.cmpi ne, %convert_element_type3A_292, %cond3A_293 : i32
        scf.if %cond3A_294 {
          %add3A_353 = arith.constant 1 : i32
          %add3A_354 = arith.addi %scan3A_176, %add3A_353 : i32
          %mul3A_355 = arith.constant 32 : i32
          %mul3A_356 = arith.muli %add3A_354, %mul3A_355 : i32
          %add3A_357 = arith.addi %mul3A_356, %add3A : i32
          %jit3A_358 = arith.constant 48 : i32
          %div3A_359 = arith.divsi %add3A_357, %jit3A_358 : i32
          %sign3A_360 = arith.constant 0 : i32
          %sign3A_361 = arith.cmpi sgt, %add3A_357, %sign3A_360 : i32
          %sign3A_362 = arith.extui %sign3A_361 : i1 to i32
          %sign3A_363 = arith.constant 0 : i32
          %sign3A_364 = arith.cmpi slt, %add3A_357, %sign3A_363 : i32
          %sign3A_365 = arith.extui %sign3A_364 : i1 to i32
          %sign3A_366 = arith.subi %sign3A_362, %sign3A_365 : i32
          %sign3A_367 = arith.constant 0 : i32
          %sign3A_368 = arith.cmpi sgt, %jit3A_358, %sign3A_367 : i32
          %sign3A_369 = arith.extui %sign3A_368 : i1 to i32
          %sign3A_370 = arith.constant 0 : i32
          %sign3A_371 = arith.cmpi slt, %jit3A_358, %sign3A_370 : i32
          %sign3A_372 = arith.extui %sign3A_371 : i1 to i32
          %sign3A_373 = arith.subi %sign3A_369, %sign3A_372 : i32
          %ne3A_374 = arith.cmpi ne, %sign3A_366, %sign3A_373 : i32
          %rem3A_375 = arith.remsi %add3A_357, %jit3A_358 : i32
          %ne3A_376 = arith.constant 0 : i32
          %ne3A_377 = arith.cmpi ne, %rem3A_375, %ne3A_376 : i32
          %and3A_378 = arith.andi %ne3A_374, %ne3A_377 : i1
          %sub3A_379 = arith.constant 1 : i32
          %sub3A_380 = arith.subi %div3A_359, %sub3A_379 : i32
          %select_n3A_381 = arith.select %and3A_378, %sub3A_380, %div3A_359 : i32
          %jit3A_382 = arith.constant 48 : i32
          %eq3A_383 = arith.constant 0 : i32
          %eq3A_384 = arith.cmpi eq, %jit3A_382, %eq3A_383 : i32
          %jit3A_385 = arith.constant 1 : i32
          %select_n3A_386 = arith.select %eq3A_384, %jit3A_385, %jit3A_382 : i32
          %rem3A_387 = arith.remsi %add3A_357, %select_n3A_386 : i32
          %ne3A_388 = arith.constant 0 : i32
          %ne3A_389 = arith.cmpi ne, %rem3A_387, %ne3A_388 : i32
          %lt3A_390 = arith.constant 0 : i32
          %lt3A_391 = arith.cmpi slt, %rem3A_387, %lt3A_390 : i32
          %lt3A_392 = arith.constant 0 : i32
          %lt3A_393 = arith.cmpi slt, %select_n3A_386, %lt3A_392 : i32
          %ne3A_394 = arith.xori %lt3A_391, %lt3A_393 : i1
          %and3A_395 = arith.andi %ne3A_394, %ne3A_389 : i1
          %add3A_396 = arith.addi %rem3A_387, %select_n3A_386 : i32
          %select_n3A_397 = arith.select %and3A_395, %add3A_396, %rem3A_387 : i32
          %mul3A_398 = arith.constant 2048 : i32
          %mul3A_399 = arith.muli %select_n3A_397, %mul3A_398 : i32
          %dma_start3A_400 = arith.constant 0 : i32
          %dma_start3A_401 = arith.constant 0 : i32
          %dma_start3A_402 = tpu.memref_slice %arg9[%dma_start3A_400, %dma_start3A_401] : memref<16x2056xf32, #tpu.memory_space<vmem>> -> memref<8x2048xf32, #tpu.memory_space<vmem>>
          %dma_start3A_403 = arith.constant 0 : i32
          %dma_start3A_404 = tpu.memref_slice %arg2[%select_n3A_381, %dma_start3A_403, %mul3A_399] : memref<26x16x100000xf32, #tpu.memory_space<hbm>> -> memref<1x8x2048xf32, #tpu.memory_space<hbm>>
          %dma_start3A_405 = tpu.memref_squeeze %dma_start3A_404 : memref<1x8x2048xf32, #tpu.memory_space<hbm>> -> memref<8x2048xf32, #tpu.memory_space<hbm>>
          %dma_start3A_406 = arith.constant 0 : i32
          %dma_start3A_407 = arith.constant 0 : i32
          %dma_start3A_408 = tpu.memref_slice %arg9[%dma_start3A_406, %dma_start3A_407] : memref<16x2056xf32, #tpu.memory_space<vmem>> -> memref<8x2048xf32, #tpu.memory_space<vmem>>
          %dma_start3A_409 = arith.constant 0 : i32
          %dma_start3A_410 = tpu.memref_slice %arg2[%select_n3A_381, %dma_start3A_409, %mul3A_399] : memref<26x16x100000xf32, #tpu.memory_space<hbm>> -> memref<1x8x2048xf32, #tpu.memory_space<hbm>>
          %dma_start3A_411 = tpu.memref_squeeze %dma_start3A_410 : memref<1x8x2048xf32, #tpu.memory_space<hbm>> -> memref<8x2048xf32, #tpu.memory_space<hbm>>
          tpu.enqueue_dma source(%dma_start3A_411 : memref<8x2048xf32, #tpu.memory_space<hbm>>) target(%dma_start3A_408 : memref<8x2048xf32, #tpu.memory_space<vmem>>) target_semaphore(%arg16 : memref<!tpu.dma_semaphore, #tpu.memory_space<semaphore_mem>>)
          %dma_start3A_412 = arith.constant 8 : i32
          %dma_start3A_413 = arith.constant 0 : i32
          %dma_start3A_414 = tpu.memref_slice %arg9[%dma_start3A_412, %dma_start3A_413] : memref<16x2056xf32, #tpu.memory_space<vmem>> -> memref<8x2048xf32, #tpu.memory_space<vmem>>
          %dma_start3A_415 = arith.constant 8 : i32
          %dma_start3A_416 = tpu.memref_slice %arg2[%select_n3A_381, %dma_start3A_415, %mul3A_399] : memref<26x16x100000xf32, #tpu.memory_space<hbm>> -> memref<1x8x2048xf32, #tpu.memory_space<hbm>>
          %dma_start3A_417 = tpu.memref_squeeze %dma_start3A_416 : memref<1x8x2048xf32, #tpu.memory_space<hbm>> -> memref<8x2048xf32, #tpu.memory_space<hbm>>
          %dma_start3A_418 = arith.constant 8 : i32
          %dma_start3A_419 = arith.constant 0 : i32
          %dma_start3A_420 = tpu.memref_slice %arg9[%dma_start3A_418, %dma_start3A_419] : memref<16x2056xf32, #tpu.memory_space<vmem>> -> memref<8x2048xf32, #tpu.memory_space<vmem>>
          %dma_start3A_421 = arith.constant 8 : i32
          %dma_start3A_422 = tpu.memref_slice %arg2[%select_n3A_381, %dma_start3A_421, %mul3A_399] : memref<26x16x100000xf32, #tpu.memory_space<hbm>> -> memref<1x8x2048xf32, #tpu.memory_space<hbm>>
          %dma_start3A_423 = tpu.memref_squeeze %dma_start3A_422 : memref<1x8x2048xf32, #tpu.memory_space<hbm>> -> memref<8x2048xf32, #tpu.memory_space<hbm>>
          tpu.enqueue_dma source(%dma_start3A_423 : memref<8x2048xf32, #tpu.memory_space<hbm>>) target(%dma_start3A_420 : memref<8x2048xf32, #tpu.memory_space<vmem>>) target_semaphore(%arg16 : memref<!tpu.dma_semaphore, #tpu.memory_space<semaphore_mem>>)
        } else {
        }
        %gt3A = arith.constant 0 : i32
        %gt3A_295 = arith.cmpi sgt, %scan3A_176, %gt3A : i32
        %convert_element_type3A_296 = arith.extui %gt3A_295 : i1 to i32
        %cond3A_297 = arith.constant 0 : i32
        %cond3A_298 = arith.cmpi ne, %convert_element_type3A_296, %cond3A_297 : i32
        scf.if %cond3A_298 {
          %sub3A_353 = arith.constant 1 : i32
          %sub3A_354 = arith.subi %scan3A_176, %sub3A_353 : i32
          %mul3A_355 = arith.constant 32 : i32
          %mul3A_356 = arith.muli %sub3A_354, %mul3A_355 : i32
          %add3A_357 = arith.addi %mul3A_356, %add3A : i32
          %jit3A_358 = arith.constant 48 : i32
          %div3A_359 = arith.divsi %add3A_357, %jit3A_358 : i32
          %sign3A_360 = arith.constant 0 : i32
          %sign3A_361 = arith.cmpi sgt, %add3A_357, %sign3A_360 : i32
          %sign3A_362 = arith.extui %sign3A_361 : i1 to i32
          %sign3A_363 = arith.constant 0 : i32
          %sign3A_364 = arith.cmpi slt, %add3A_357, %sign3A_363 : i32
          %sign3A_365 = arith.extui %sign3A_364 : i1 to i32
          %sign3A_366 = arith.subi %sign3A_362, %sign3A_365 : i32
          %sign3A_367 = arith.constant 0 : i32
          %sign3A_368 = arith.cmpi sgt, %jit3A_358, %sign3A_367 : i32
          %sign3A_369 = arith.extui %sign3A_368 : i1 to i32
          %sign3A_370 = arith.constant 0 : i32
          %sign3A_371 = arith.cmpi slt, %jit3A_358, %sign3A_370 : i32
          %sign3A_372 = arith.extui %sign3A_371 : i1 to i32
          %sign3A_373 = arith.subi %sign3A_369, %sign3A_372 : i32
          %ne3A_374 = arith.cmpi ne, %sign3A_366, %sign3A_373 : i32
          %rem3A_375 = arith.remsi %add3A_357, %jit3A_358 : i32
          %ne3A_376 = arith.constant 0 : i32
          %ne3A_377 = arith.cmpi ne, %rem3A_375, %ne3A_376 : i32
          %and3A_378 = arith.andi %ne3A_374, %ne3A_377 : i1
          %sub3A_379 = arith.constant 1 : i32
          %sub3A_380 = arith.subi %div3A_359, %sub3A_379 : i32
          %select_n3A_381 = arith.select %and3A_378, %sub3A_380, %div3A_359 : i32
          %jit3A_382 = arith.constant 48 : i32
          %eq3A_383 = arith.constant 0 : i32
          %eq3A_384 = arith.cmpi eq, %jit3A_382, %eq3A_383 : i32
          %jit3A_385 = arith.constant 1 : i32
          %select_n3A_386 = arith.select %eq3A_384, %jit3A_385, %jit3A_382 : i32
          %rem3A_387 = arith.remsi %add3A_357, %select_n3A_386 : i32
          %ne3A_388 = arith.constant 0 : i32
          %ne3A_389 = arith.cmpi ne, %rem3A_387, %ne3A_388 : i32
          %lt3A_390 = arith.constant 0 : i32
          %lt3A_391 = arith.cmpi slt, %rem3A_387, %lt3A_390 : i32
          %lt3A_392 = arith.constant 0 : i32
          %lt3A_393 = arith.cmpi slt, %select_n3A_386, %lt3A_392 : i32
          %ne3A_394 = arith.xori %lt3A_391, %lt3A_393 : i1
          %and3A_395 = arith.andi %ne3A_394, %ne3A_389 : i1
          %add3A_396 = arith.addi %rem3A_387, %select_n3A_386 : i32
          %select_n3A_397 = arith.select %and3A_395, %add3A_396, %rem3A_387 : i32
          %mul3A_398 = arith.constant 2048 : i32
          %mul3A_399 = arith.muli %select_n3A_397, %mul3A_398 : i32
          %mul3A_400 = arith.constant 100000 : i32
          %mul3A_401 = arith.muli %select_n3A_381, %mul3A_400 : i32
          %add3A_402 = arith.addi %mul3A_401, %mul3A_399 : i32
          %mul3A_403 = arith.constant 16 : i32
          %mul3A_404 = arith.muli %add3A_402, %mul3A_403 : i32
          %dma_wait3A_405 = tpu.memref_slice %arg6[%mul3A_404] : memref<41600000xf32, #tpu.memory_space<hbm>> -> memref<32768xf32, #tpu.memory_space<hbm>>
          %dma_wait3A_406 = tpu.memref_slice %arg6[%mul3A_404] : memref<41600000xf32, #tpu.memory_space<hbm>> -> memref<32768xf32, #tpu.memory_space<hbm>>
          tpu.wait_dma2 semaphore(%arg13 : memref<!tpu.dma_semaphore, #tpu.memory_space<semaphore_mem>>) src(%arg10 : memref<32768xf32, #tpu.memory_space<vmem>>) dst(%dma_wait3A_406 : memref<32768xf32, #tpu.memory_space<hbm>>)
        } else {
        }
        %parallel_loop3A = arith.constant 0 : i32
        %parallel_loop3A_299 = arith.constant 2048 : i32
        %parallel_loop3A_300 = arith.constant 8 : i32
        scf.for %parallel_loop3A_353 = %parallel_loop3A to %parallel_loop3A_299 step %parallel_loop3A_300  : i32 {
          %parallel_loop3A_354 = arith.constant 0 : i32
          %parallel_loop3A_355 = arith.addi %parallel_loop3A_353, %parallel_loop3A_354 : i32
          %parallel_loop3A_356 = vector.broadcast %parallel_loop3A_355 : i32 to vector<16xi32>
          %parallel_loop3A_357 = tpu.vector_load_idx %arg8[%iota3A, %parallel_loop3A_356] : memref<16x2056xf32, #tpu.memory_space<vmem>>[vector<16xi32>, vector<16xi32>], vector<16xf32>,
          %parallel_loop3A_358 = arith.constant 0 : i32
          %parallel_loop3A_359 = arith.addi %parallel_loop3A_353, %parallel_loop3A_358 : i32
          %parallel_loop3A_360 = arith.constant 16 : i32
          %parallel_loop3A_361 = arith.muli %parallel_loop3A_359, %parallel_loop3A_360 : i32
          %parallel_loop3A_362 = arith.index_cast %parallel_loop3A_361 : i32 to index
          %parallel_loop3A_363 = tpu.vector_load %arg10[%parallel_loop3A_362] {strides = array<i32>} : memref<32768xf32, #tpu.memory_space<vmem>>, vector<16xf32>,
          tpu.vector_store %arg10[%parallel_loop3A_362], %parallel_loop3A_357 {strides = array<i32>} : memref<32768xf32, #tpu.memory_space<vmem>>, vector<16xf32>,
          %parallel_loop3A_364 = arith.constant 1 : i32
          %parallel_loop3A_365 = arith.addi %parallel_loop3A_353, %parallel_loop3A_364 : i32
          %parallel_loop3A_366 = vector.broadcast %parallel_loop3A_365 : i32 to vector<16xi32>
          %parallel_loop3A_367 = tpu.vector_load_idx %arg8[%iota3A, %parallel_loop3A_366] : memref<16x2056xf32, #tpu.memory_space<vmem>>[vector<16xi32>, vector<16xi32>], vector<16xf32>,
          %parallel_loop3A_368 = arith.constant 1 : i32
          %parallel_loop3A_369 = arith.addi %parallel_loop3A_353, %parallel_loop3A_368 : i32
          %parallel_loop3A_370 = arith.constant 16 : i32
          %parallel_loop3A_371 = arith.muli %parallel_loop3A_369, %parallel_loop3A_370 : i32
          %parallel_loop3A_372 = arith.index_cast %parallel_loop3A_371 : i32 to index
          %parallel_loop3A_373 = tpu.vector_load %arg10[%parallel_loop3A_372] {strides = array<i32>} : memref<32768xf32, #tpu.memory_space<vmem>>, vector<16xf32>,
          tpu.vector_store %arg10[%parallel_loop3A_372], %parallel_loop3A_367 {strides = array<i32>} : memref<32768xf32, #tpu.memory_space<vmem>>, vector<16xf32>,
          %parallel_loop3A_374 = arith.constant 2 : i32
          %parallel_loop3A_375 = arith.addi %parallel_loop3A_353, %parallel_loop3A_374 : i32
          %parallel_loop3A_376 = vector.broadcast %parallel_loop3A_375 : i32 to vector<16xi32>
          %parallel_loop3A_377 = tpu.vector_load_idx %arg8[%iota3A, %parallel_loop3A_376] : memref<16x2056xf32, #tpu.memory_space<vmem>>[vector<16xi32>, vector<16xi32>], vector<16xf32>,
          %parallel_loop3A_378 = arith.constant 2 : i32
          %parallel_loop3A_379 = arith.addi %parallel_loop3A_353, %parallel_loop3A_378 : i32
          %parallel_loop3A_380 = arith.constant 16 : i32
          %parallel_loop3A_381 = arith.muli %parallel_loop3A_379, %parallel_loop3A_380 : i32
          %parallel_loop3A_382 = arith.index_cast %parallel_loop3A_381 : i32 to index
          %parallel_loop3A_383 = tpu.vector_load %arg10[%parallel_loop3A_382] {strides = array<i32>} : memref<32768xf32, #tpu.memory_space<vmem>>, vector<16xf32>,
          tpu.vector_store %arg10[%parallel_loop3A_382], %parallel_loop3A_377 {strides = array<i32>} : memref<32768xf32, #tpu.memory_space<vmem>>, vector<16xf32>,
          %parallel_loop3A_384 = arith.constant 3 : i32
          %parallel_loop3A_385 = arith.addi %parallel_loop3A_353, %parallel_loop3A_384 : i32
          %parallel_loop3A_386 = vector.broadcast %parallel_loop3A_385 : i32 to vector<16xi32>
          %parallel_loop3A_387 = tpu.vector_load_idx %arg8[%iota3A, %parallel_loop3A_386] : memref<16x2056xf32, #tpu.memory_space<vmem>>[vector<16xi32>, vector<16xi32>], vector<16xf32>,
          %parallel_loop3A_388 = arith.constant 3 : i32
          %parallel_loop3A_389 = arith.addi %parallel_loop3A_353, %parallel_loop3A_388 : i32
          %parallel_loop3A_390 = arith.constant 16 : i32
          %parallel_loop3A_391 = arith.muli %parallel_loop3A_389, %parallel_loop3A_390 : i32
          %parallel_loop3A_392 = arith.index_cast %parallel_loop3A_391 : i32 to index
          %parallel_loop3A_393 = tpu.vector_load %arg10[%parallel_loop3A_392] {strides = array<i32>} : memref<32768xf32, #tpu.memory_space<vmem>>, vector<16xf32>,
          tpu.vector_store %arg10[%parallel_loop3A_392], %parallel_loop3A_387 {strides = array<i32>} : memref<32768xf32, #tpu.memory_space<vmem>>, vector<16xf32>,
          %parallel_loop3A_394 = arith.constant 4 : i32
          %parallel_loop3A_395 = arith.addi %parallel_loop3A_353, %parallel_loop3A_394 : i32
          %parallel_loop3A_396 = vector.broadcast %parallel_loop3A_395 : i32 to vector<16xi32>
          %parallel_loop3A_397 = tpu.vector_load_idx %arg8[%iota3A, %parallel_loop3A_396] : memref<16x2056xf32, #tpu.memory_space<vmem>>[vector<16xi32>, vector<16xi32>], vector<16xf32>,
          %parallel_loop3A_398 = arith.constant 4 : i32
          %parallel_loop3A_399 = arith.addi %parallel_loop3A_353, %parallel_loop3A_398 : i32
          %parallel_loop3A_400 = arith.constant 16 : i32
          %parallel_loop3A_401 = arith.muli %parallel_loop3A_399, %parallel_loop3A_400 : i32
          %parallel_loop3A_402 = arith.index_cast %parallel_loop3A_401 : i32 to index
          %parallel_loop3A_403 = tpu.vector_load %arg10[%parallel_loop3A_402] {strides = array<i32>} : memref<32768xf32, #tpu.memory_space<vmem>>, vector<16xf32>,
          tpu.vector_store %arg10[%parallel_loop3A_402], %parallel_loop3A_397 {strides = array<i32>} : memref<32768xf32, #tpu.memory_space<vmem>>, vector<16xf32>,
          %parallel_loop3A_404 = arith.constant 5 : i32
          %parallel_loop3A_405 = arith.addi %parallel_loop3A_353, %parallel_loop3A_404 : i32
          %parallel_loop3A_406 = vector.broadcast %parallel_loop3A_405 : i32 to vector<16xi32>
          %parallel_loop3A_407 = tpu.vector_load_idx %arg8[%iota3A, %parallel_loop3A_406] : memref<16x2056xf32, #tpu.memory_space<vmem>>[vector<16xi32>, vector<16xi32>], vector<16xf32>,
          %parallel_loop3A_408 = arith.constant 5 : i32
          %parallel_loop3A_409 = arith.addi %parallel_loop3A_353, %parallel_loop3A_408 : i32
          %parallel_loop3A_410 = arith.constant 16 : i32
          %parallel_loop3A_411 = arith.muli %parallel_loop3A_409, %parallel_loop3A_410 : i32
          %parallel_loop3A_412 = arith.index_cast %parallel_loop3A_411 : i32 to index
          %parallel_loop3A_413 = tpu.vector_load %arg10[%parallel_loop3A_412] {strides = array<i32>} : memref<32768xf32, #tpu.memory_space<vmem>>, vector<16xf32>,
          tpu.vector_store %arg10[%parallel_loop3A_412], %parallel_loop3A_407 {strides = array<i32>} : memref<32768xf32, #tpu.memory_space<vmem>>, vector<16xf32>,
          %parallel_loop3A_414 = arith.constant 6 : i32
          %parallel_loop3A_415 = arith.addi %parallel_loop3A_353, %parallel_loop3A_414 : i32
          %parallel_loop3A_416 = vector.broadcast %parallel_loop3A_415 : i32 to vector<16xi32>
          %parallel_loop3A_417 = tpu.vector_load_idx %arg8[%iota3A, %parallel_loop3A_416] : memref<16x2056xf32, #tpu.memory_space<vmem>>[vector<16xi32>, vector<16xi32>], vector<16xf32>,
          %parallel_loop3A_418 = arith.constant 6 : i32
          %parallel_loop3A_419 = arith.addi %parallel_loop3A_353, %parallel_loop3A_418 : i32
          %parallel_loop3A_420 = arith.constant 16 : i32
          %parallel_loop3A_421 = arith.muli %parallel_loop3A_419, %parallel_loop3A_420 : i32
          %parallel_loop3A_422 = arith.index_cast %parallel_loop3A_421 : i32 to index
          %parallel_loop3A_423 = tpu.vector_load %arg10[%parallel_loop3A_422] {strides = array<i32>} : memref<32768xf32, #tpu.memory_space<vmem>>, vector<16xf32>,
          tpu.vector_store %arg10[%parallel_loop3A_422], %parallel_loop3A_417 {strides = array<i32>} : memref<32768xf32, #tpu.memory_space<vmem>>, vector<16xf32>,
          %parallel_loop3A_424 = arith.constant 7 : i32
          %parallel_loop3A_425 = arith.addi %parallel_loop3A_353, %parallel_loop3A_424 : i32
          %parallel_loop3A_426 = vector.broadcast %parallel_loop3A_425 : i32 to vector<16xi32>
          %parallel_loop3A_427 = tpu.vector_load_idx %arg8[%iota3A, %parallel_loop3A_426] : memref<16x2056xf32, #tpu.memory_space<vmem>>[vector<16xi32>, vector<16xi32>], vector<16xf32>,
          %parallel_loop3A_428 = arith.constant 7 : i32
          %parallel_loop3A_429 = arith.addi %parallel_loop3A_353, %parallel_loop3A_428 : i32
          %parallel_loop3A_430 = arith.constant 16 : i32
          %parallel_loop3A_431 = arith.muli %parallel_loop3A_429, %parallel_loop3A_430 : i32
          %parallel_loop3A_432 = arith.index_cast %parallel_loop3A_431 : i32 to index
          %parallel_loop3A_433 = tpu.vector_load %arg10[%parallel_loop3A_432] {strides = array<i32>} : memref<32768xf32, #tpu.memory_space<vmem>>, vector<16xf32>,
          tpu.vector_store %arg10[%parallel_loop3A_432], %parallel_loop3A_427 {strides = array<i32>} : memref<32768xf32, #tpu.memory_space<vmem>>, vector<16xf32>,
        } {sc.loop_unroll_factor = 4 : i64, sc.parallel_access}
        %mul3A_301 = arith.constant 32 : i32
        %mul3A_302 = arith.muli %scan3A_176, %mul3A_301 : i32
        %add3A_303 = arith.addi %mul3A_302, %add3A : i32
        %jit3A_304 = arith.constant 48 : i32
        %div3A_305 = arith.divsi %add3A_303, %jit3A_304 : i32
        %sign3A_306 = arith.constant 0 : i32
        %sign3A_307 = arith.cmpi sgt, %add3A_303, %sign3A_306 : i32
        %sign3A_308 = arith.extui %sign3A_307 : i1 to i32
        %sign3A_309 = arith.constant 0 : i32
        %sign3A_310 = arith.cmpi slt, %add3A_303, %sign3A_309 : i32
        %sign3A_311 = arith.extui %sign3A_310 : i1 to i32
        %sign3A_312 = arith.subi %sign3A_308, %sign3A_311 : i32
        %sign3A_313 = arith.constant 0 : i32
        %sign3A_314 = arith.cmpi sgt, %jit3A_304, %sign3A_313 : i32
        %sign3A_315 = arith.extui %sign3A_314 : i1 to i32
        %sign3A_316 = arith.constant 0 : i32
        %sign3A_317 = arith.cmpi slt, %jit3A_304, %sign3A_316 : i32
        %sign3A_318 = arith.extui %sign3A_317 : i1 to i32
        %sign3A_319 = arith.subi %sign3A_315, %sign3A_318 : i32
        %ne3A_320 = arith.cmpi ne, %sign3A_312, %sign3A_319 : i32
        %rem3A_321 = arith.remsi %add3A_303, %jit3A_304 : i32
        %ne3A_322 = arith.constant 0 : i32
        %ne3A_323 = arith.cmpi ne, %rem3A_321, %ne3A_322 : i32
        %and3A_324 = arith.andi %ne3A_320, %ne3A_323 : i1
        %sub3A_325 = arith.constant 1 : i32
        %sub3A_326 = arith.subi %div3A_305, %sub3A_325 : i32
        %select_n3A_327 = arith.select %and3A_324, %sub3A_326, %div3A_305 : i32
        %jit3A_328 = arith.constant 48 : i32
        %eq3A_329 = arith.constant 0 : i32
        %eq3A_330 = arith.cmpi eq, %jit3A_328, %eq3A_329 : i32
        %jit3A_331 = arith.constant 1 : i32
        %select_n3A_332 = arith.select %eq3A_330, %jit3A_331, %jit3A_328 : i32
        %rem3A_333 = arith.remsi %add3A_303, %select_n3A_332 : i32
        %ne3A_334 = arith.constant 0 : i32
        %ne3A_335 = arith.cmpi ne, %rem3A_333, %ne3A_334 : i32
        %lt3A_336 = arith.constant 0 : i32
        %lt3A_337 = arith.cmpi slt, %rem3A_333, %lt3A_336 : i32
        %lt3A_338 = arith.constant 0 : i32
        %lt3A_339 = arith.cmpi slt, %select_n3A_332, %lt3A_338 : i32
        %ne3A_340 = arith.xori %lt3A_337, %lt3A_339 : i1
        %and3A_341 = arith.andi %ne3A_340, %ne3A_335 : i1
        %add3A_342 = arith.addi %rem3A_333, %select_n3A_332 : i32
        %select_n3A_343 = arith.select %and3A_341, %add3A_342, %rem3A_333 : i32
        %mul3A_344 = arith.constant 2048 : i32
        %mul3A_345 = arith.muli %select_n3A_343, %mul3A_344 : i32
        %mul3A_346 = arith.constant 100000 : i32
        %mul3A_347 = arith.muli %select_n3A_327, %mul3A_346 : i32
        %add3A_348 = arith.addi %mul3A_347, %mul3A_345 : i32
        %mul3A_349 = arith.constant 16 : i32
        %mul3A_350 = arith.muli %add3A_348, %mul3A_349 : i32
        %dma_start3A_351 = tpu.memref_slice %arg6[%mul3A_350] : memref<41600000xf32, #tpu.memory_space<hbm>> -> memref<32768xf32, #tpu.memory_space<hbm>>
        %dma_start3A_352 = tpu.memref_slice %arg6[%mul3A_350] : memref<41600000xf32, #tpu.memory_space<hbm>> -> memref<32768xf32, #tpu.memory_space<hbm>>
        tpu.enqueue_dma source(%arg10 : memref<32768xf32, #tpu.memory_space<vmem>>) target(%dma_start3A_352 : memref<32768xf32, #tpu.memory_space<hbm>>) target_semaphore(%arg13 : memref<!tpu.dma_semaphore, #tpu.memory_space<semaphore_mem>>)
      } else {
      }
      %jit3A_198 = arith.constant 2 : i32
      %eq3A_199 = arith.constant 0 : i32
      %eq3A_200 = arith.cmpi eq, %jit3A_198, %eq3A_199 : i32
      %jit3A_201 = arith.constant 1 : i32
      %select_n3A_202 = arith.select %eq3A_200, %jit3A_201, %jit3A_198 : i32
      %rem3A_203 = arith.remsi %scan3A_176, %select_n3A_202 : i32
      %ne3A_204 = arith.constant 0 : i32
      %ne3A_205 = arith.cmpi ne, %rem3A_203, %ne3A_204 : i32
      %lt3A_206 = arith.constant 0 : i32
      %lt3A_207 = arith.cmpi slt, %rem3A_203, %lt3A_206 : i32
      %lt3A_208 = arith.constant 0 : i32
      %lt3A_209 = arith.cmpi slt, %select_n3A_202, %lt3A_208 : i32
      %ne3A_210 = arith.xori %lt3A_207, %lt3A_209 : i1
      %and3A_211 = arith.andi %ne3A_210, %ne3A_205 : i1
      %add3A_212 = arith.addi %rem3A_203, %select_n3A_202 : i32
      %select_n3A_213 = arith.select %and3A_211, %add3A_212, %rem3A_203 : i32
      %eq3A_214 = arith.constant 1 : i32
      %eq3A_215 = arith.cmpi eq, %select_n3A_213, %eq3A_214 : i32
      %convert_element_type3A_216 = arith.extui %eq3A_215 : i1 to i32
      %cond3A_217 = arith.constant 0 : i32
      %cond3A_218 = arith.cmpi ne, %convert_element_type3A_216, %cond3A_217 : i32
      scf.if %cond3A_218 {
        %mul3A_219 = arith.constant 32 : i32
        %mul3A_220 = arith.muli %scan3A_176, %mul3A_219 : i32
        %add3A_221 = arith.addi %mul3A_220, %add3A : i32
        %jit3A_222 = arith.constant 48 : i32
        %div3A_223 = arith.divsi %add3A_221, %jit3A_222 : i32
        %sign3A_224 = arith.constant 0 : i32
        %sign3A_225 = arith.cmpi sgt, %add3A_221, %sign3A_224 : i32
        %sign3A_226 = arith.extui %sign3A_225 : i1 to i32
        %sign3A_227 = arith.constant 0 : i32
        %sign3A_228 = arith.cmpi slt, %add3A_221, %sign3A_227 : i32
        %sign3A_229 = arith.extui %sign3A_228 : i1 to i32
        %sign3A_230 = arith.subi %sign3A_226, %sign3A_229 : i32
        %sign3A_231 = arith.constant 0 : i32
        %sign3A_232 = arith.cmpi sgt, %jit3A_222, %sign3A_231 : i32
        %sign3A_233 = arith.extui %sign3A_232 : i1 to i32
        %sign3A_234 = arith.constant 0 : i32
        %sign3A_235 = arith.cmpi slt, %jit3A_222, %sign3A_234 : i32
        %sign3A_236 = arith.extui %sign3A_235 : i1 to i32
        %sign3A_237 = arith.subi %sign3A_233, %sign3A_236 : i32
        %ne3A_238 = arith.cmpi ne, %sign3A_230, %sign3A_237 : i32
        %rem3A_239 = arith.remsi %add3A_221, %jit3A_222 : i32
        %ne3A_240 = arith.constant 0 : i32
        %ne3A_241 = arith.cmpi ne, %rem3A_239, %ne3A_240 : i32
        %and3A_242 = arith.andi %ne3A_238, %ne3A_241 : i1
        %sub3A_243 = arith.constant 1 : i32
        %sub3A_244 = arith.subi %div3A_223, %sub3A_243 : i32
        %select_n3A_245 = arith.select %and3A_242, %sub3A_244, %div3A_223 : i32
        %jit3A_246 = arith.constant 48 : i32
        %eq3A_247 = arith.constant 0 : i32
        %eq3A_248 = arith.cmpi eq, %jit3A_246, %eq3A_247 : i32
        %jit3A_249 = arith.constant 1 : i32
        %select_n3A_250 = arith.select %eq3A_248, %jit3A_249, %jit3A_246 : i32
        %rem3A_251 = arith.remsi %add3A_221, %select_n3A_250 : i32
        %ne3A_252 = arith.constant 0 : i32
        %ne3A_253 = arith.cmpi ne, %rem3A_251, %ne3A_252 : i32
        %lt3A_254 = arith.constant 0 : i32
        %lt3A_255 = arith.cmpi slt, %rem3A_251, %lt3A_254 : i32
        %lt3A_256 = arith.constant 0 : i32
        %lt3A_257 = arith.cmpi slt, %select_n3A_250, %lt3A_256 : i32
        %ne3A_258 = arith.xori %lt3A_255, %lt3A_257 : i1
        %and3A_259 = arith.andi %ne3A_258, %ne3A_253 : i1
        %add3A_260 = arith.addi %rem3A_251, %select_n3A_250 : i32
        %select_n3A_261 = arith.select %and3A_259, %add3A_260, %rem3A_251 : i32
        %mul3A_262 = arith.constant 2048 : i32
        %mul3A_263 = arith.muli %select_n3A_261, %mul3A_262 : i32
        %dma_wait3A_264 = arith.constant 0 : i32
        %dma_wait3A_265 = arith.constant 0 : i32
        %dma_wait3A_266 = tpu.memref_slice %arg9[%dma_wait3A_264, %dma_wait3A_265] : memref<16x2056xf32, #tpu.memory_space<vmem>> -> memref<8x2048xf32, #tpu.memory_space<vmem>>
        %dma_wait3A_267 = arith.constant 0 : i32
        %dma_wait3A_268 = tpu.memref_slice %arg2[%select_n3A_245, %dma_wait3A_267, %mul3A_263] : memref<26x16x100000xf32, #tpu.memory_space<hbm>> -> memref<1x8x2048xf32, #tpu.memory_space<hbm>>
        %dma_wait3A_269 = tpu.memref_squeeze %dma_wait3A_268 : memref<1x8x2048xf32, #tpu.memory_space<hbm>> -> memref<8x2048xf32, #tpu.memory_space<hbm>>
        %dma_wait3A_270 = arith.constant 0 : i32
        %dma_wait3A_271 = arith.constant 0 : i32
        %dma_wait3A_272 = tpu.memref_slice %arg9[%dma_wait3A_270, %dma_wait3A_271] : memref<16x2056xf32, #tpu.memory_space<vmem>> -> memref<8x2048xf32, #tpu.memory_space<vmem>>
        %dma_wait3A_273 = arith.constant 0 : i32
        %dma_wait3A_274 = tpu.memref_slice %arg2[%select_n3A_245, %dma_wait3A_273, %mul3A_263] : memref<26x16x100000xf32, #tpu.memory_space<hbm>> -> memref<1x8x2048xf32, #tpu.memory_space<hbm>>
        %dma_wait3A_275 = tpu.memref_squeeze %dma_wait3A_274 : memref<1x8x2048xf32, #tpu.memory_space<hbm>> -> memref<8x2048xf32, #tpu.memory_space<hbm>>
        tpu.wait_dma2 semaphore(%arg16 : memref<!tpu.dma_semaphore, #tpu.memory_space<semaphore_mem>>) src(%dma_wait3A_275 : memref<8x2048xf32, #tpu.memory_space<hbm>>) dst(%dma_wait3A_272 : memref<8x2048xf32, #tpu.memory_space<vmem>>)
        %dma_wait3A_276 = arith.constant 8 : i32
        %dma_wait3A_277 = arith.constant 0 : i32
        %dma_wait3A_278 = tpu.memref_slice %arg9[%dma_wait3A_276, %dma_wait3A_277] : memref<16x2056xf32, #tpu.memory_space<vmem>> -> memref<8x2048xf32, #tpu.memory_space<vmem>>
        %dma_wait3A_279 = arith.constant 8 : i32
        %dma_wait3A_280 = tpu.memref_slice %arg2[%select_n3A_245, %dma_wait3A_279, %mul3A_263] : memref<26x16x100000xf32, #tpu.memory_space<hbm>> -> memref<1x8x2048xf32, #tpu.memory_space<hbm>>
        %dma_wait3A_281 = tpu.memref_squeeze %dma_wait3A_280 : memref<1x8x2048xf32, #tpu.memory_space<hbm>> -> memref<8x2048xf32, #tpu.memory_space<hbm>>
        %dma_wait3A_282 = arith.constant 8 : i32
        %dma_wait3A_283 = arith.constant 0 : i32
        %dma_wait3A_284 = tpu.memref_slice %arg9[%dma_wait3A_282, %dma_wait3A_283] : memref<16x2056xf32, #tpu.memory_space<vmem>> -> memref<8x2048xf32, #tpu.memory_space<vmem>>
        %dma_wait3A_285 = arith.constant 8 : i32
        %dma_wait3A_286 = tpu.memref_slice %arg2[%select_n3A_245, %dma_wait3A_285, %mul3A_263] : memref<26x16x100000xf32, #tpu.memory_space<hbm>> -> memref<1x8x2048xf32, #tpu.memory_space<hbm>>
        %dma_wait3A_287 = tpu.memref_squeeze %dma_wait3A_286 : memref<1x8x2048xf32, #tpu.memory_space<hbm>> -> memref<8x2048xf32, #tpu.memory_space<hbm>>
        tpu.wait_dma2 semaphore(%arg16 : memref<!tpu.dma_semaphore, #tpu.memory_space<semaphore_mem>>) src(%dma_wait3A_287 : memref<8x2048xf32, #tpu.memory_space<hbm>>) dst(%dma_wait3A_284 : memref<8x2048xf32, #tpu.memory_space<vmem>>)
        %add3A_288 = arith.constant 1 : i32
        %add3A_289 = arith.addi %scan3A_176, %add3A_288 : i32
        %lt3A_290 = arith.constant 39 : i32
        %lt3A_291 = arith.cmpi slt, %add3A_289, %lt3A_290 : i32
        %convert_element_type3A_292 = arith.extui %lt3A_291 : i1 to i32
        %cond3A_293 = arith.constant 0 : i32
        %cond3A_294 = arith.cmpi ne, %convert_element_type3A_292, %cond3A_293 : i32
        scf.if %cond3A_294 {
          %add3A_353 = arith.constant 1 : i32
          %add3A_354 = arith.addi %scan3A_176, %add3A_353 : i32
          %mul3A_355 = arith.constant 32 : i32
          %mul3A_356 = arith.muli %add3A_354, %mul3A_355 : i32
          %add3A_357 = arith.addi %mul3A_356, %add3A : i32
          %jit3A_358 = arith.constant 48 : i32
          %div3A_359 = arith.divsi %add3A_357, %jit3A_358 : i32
          %sign3A_360 = arith.constant 0 : i32
          %sign3A_361 = arith.cmpi sgt, %add3A_357, %sign3A_360 : i32
          %sign3A_362 = arith.extui %sign3A_361 : i1 to i32
          %sign3A_363 = arith.constant 0 : i32
          %sign3A_364 = arith.cmpi slt, %add3A_357, %sign3A_363 : i32
          %sign3A_365 = arith.extui %sign3A_364 : i1 to i32
          %sign3A_366 = arith.subi %sign3A_362, %sign3A_365 : i32
          %sign3A_367 = arith.constant 0 : i32
          %sign3A_368 = arith.cmpi sgt, %jit3A_358, %sign3A_367 : i32
          %sign3A_369 = arith.extui %sign3A_368 : i1 to i32
          %sign3A_370 = arith.constant 0 : i32
          %sign3A_371 = arith.cmpi slt, %jit3A_358, %sign3A_370 : i32
          %sign3A_372 = arith.extui %sign3A_371 : i1 to i32
          %sign3A_373 = arith.subi %sign3A_369, %sign3A_372 : i32
          %ne3A_374 = arith.cmpi ne, %sign3A_366, %sign3A_373 : i32
          %rem3A_375 = arith.remsi %add3A_357, %jit3A_358 : i32
          %ne3A_376 = arith.constant 0 : i32
          %ne3A_377 = arith.cmpi ne, %rem3A_375, %ne3A_376 : i32
          %and3A_378 = arith.andi %ne3A_374, %ne3A_377 : i1
          %sub3A_379 = arith.constant 1 : i32
          %sub3A_380 = arith.subi %div3A_359, %sub3A_379 : i32
          %select_n3A_381 = arith.select %and3A_378, %sub3A_380, %div3A_359 : i32
          %jit3A_382 = arith.constant 48 : i32
          %eq3A_383 = arith.constant 0 : i32
          %eq3A_384 = arith.cmpi eq, %jit3A_382, %eq3A_383 : i32
          %jit3A_385 = arith.constant 1 : i32
          %select_n3A_386 = arith.select %eq3A_384, %jit3A_385, %jit3A_382 : i32
          %rem3A_387 = arith.remsi %add3A_357, %select_n3A_386 : i32
          %ne3A_388 = arith.constant 0 : i32
          %ne3A_389 = arith.cmpi ne, %rem3A_387, %ne3A_388 : i32
          %lt3A_390 = arith.constant 0 : i32
          %lt3A_391 = arith.cmpi slt, %rem3A_387, %lt3A_390 : i32
          %lt3A_392 = arith.constant 0 : i32
          %lt3A_393 = arith.cmpi slt, %select_n3A_386, %lt3A_392 : i32
          %ne3A_394 = arith.xori %lt3A_391, %lt3A_393 : i1
          %and3A_395 = arith.andi %ne3A_394, %ne3A_389 : i1
          %add3A_396 = arith.addi %rem3A_387, %select_n3A_386 : i32
          %select_n3A_397 = arith.select %and3A_395, %add3A_396, %rem3A_387 : i32
          %mul3A_398 = arith.constant 2048 : i32
          %mul3A_399 = arith.muli %select_n3A_397, %mul3A_398 : i32
          %dma_start3A_400 = arith.constant 0 : i32
          %dma_start3A_401 = arith.constant 0 : i32
          %dma_start3A_402 = tpu.memref_slice %arg8[%dma_start3A_400, %dma_start3A_401] : memref<16x2056xf32, #tpu.memory_space<vmem>> -> memref<8x2048xf32, #tpu.memory_space<vmem>>
          %dma_start3A_403 = arith.constant 0 : i32
          %dma_start3A_404 = tpu.memref_slice %arg2[%select_n3A_381, %dma_start3A_403, %mul3A_399] : memref<26x16x100000xf32, #tpu.memory_space<hbm>> -> memref<1x8x2048xf32, #tpu.memory_space<hbm>>
          %dma_start3A_405 = tpu.memref_squeeze %dma_start3A_404 : memref<1x8x2048xf32, #tpu.memory_space<hbm>> -> memref<8x2048xf32, #tpu.memory_space<hbm>>
          %dma_start3A_406 = arith.constant 0 : i32
          %dma_start3A_407 = arith.constant 0 : i32
          %dma_start3A_408 = tpu.memref_slice %arg8[%dma_start3A_406, %dma_start3A_407] : memref<16x2056xf32, #tpu.memory_space<vmem>> -> memref<8x2048xf32, #tpu.memory_space<vmem>>
          %dma_start3A_409 = arith.constant 0 : i32
          %dma_start3A_410 = tpu.memref_slice %arg2[%select_n3A_381, %dma_start3A_409, %mul3A_399] : memref<26x16x100000xf32, #tpu.memory_space<hbm>> -> memref<1x8x2048xf32, #tpu.memory_space<hbm>>
          %dma_start3A_411 = tpu.memref_squeeze %dma_start3A_410 : memref<1x8x2048xf32, #tpu.memory_space<hbm>> -> memref<8x2048xf32, #tpu.memory_space<hbm>>
          tpu.enqueue_dma source(%dma_start3A_411 : memref<8x2048xf32, #tpu.memory_space<hbm>>) target(%dma_start3A_408 : memref<8x2048xf32, #tpu.memory_space<vmem>>) target_semaphore(%arg15 : memref<!tpu.dma_semaphore, #tpu.memory_space<semaphore_mem>>)
          %dma_start3A_412 = arith.constant 8 : i32
          %dma_start3A_413 = arith.constant 0 : i32
          %dma_start3A_414 = tpu.memref_slice %arg8[%dma_start3A_412, %dma_start3A_413] : memref<16x2056xf32, #tpu.memory_space<vmem>> -> memref<8x2048xf32, #tpu.memory_space<vmem>>
          %dma_start3A_415 = arith.constant 8 : i32
          %dma_start3A_416 = tpu.memref_slice %arg2[%select_n3A_381, %dma_start3A_415, %mul3A_399] : memref<26x16x100000xf32, #tpu.memory_space<hbm>> -> memref<1x8x2048xf32, #tpu.memory_space<hbm>>
          %dma_start3A_417 = tpu.memref_squeeze %dma_start3A_416 : memref<1x8x2048xf32, #tpu.memory_space<hbm>> -> memref<8x2048xf32, #tpu.memory_space<hbm>>
          %dma_start3A_418 = arith.constant 8 : i32
          %dma_start3A_419 = arith.constant 0 : i32
          %dma_start3A_420 = tpu.memref_slice %arg8[%dma_start3A_418, %dma_start3A_419] : memref<16x2056xf32, #tpu.memory_space<vmem>> -> memref<8x2048xf32, #tpu.memory_space<vmem>>
          %dma_start3A_421 = arith.constant 8 : i32
          %dma_start3A_422 = tpu.memref_slice %arg2[%select_n3A_381, %dma_start3A_421, %mul3A_399] : memref<26x16x100000xf32, #tpu.memory_space<hbm>> -> memref<1x8x2048xf32, #tpu.memory_space<hbm>>
          %dma_start3A_423 = tpu.memref_squeeze %dma_start3A_422 : memref<1x8x2048xf32, #tpu.memory_space<hbm>> -> memref<8x2048xf32, #tpu.memory_space<hbm>>
          tpu.enqueue_dma source(%dma_start3A_423 : memref<8x2048xf32, #tpu.memory_space<hbm>>) target(%dma_start3A_420 : memref<8x2048xf32, #tpu.memory_space<vmem>>) target_semaphore(%arg15 : memref<!tpu.dma_semaphore, #tpu.memory_space<semaphore_mem>>)
        } else {
        }
        %gt3A = arith.constant 0 : i32
        %gt3A_295 = arith.cmpi sgt, %scan3A_176, %gt3A : i32
        %convert_element_type3A_296 = arith.extui %gt3A_295 : i1 to i32
        %cond3A_297 = arith.constant 0 : i32
        %cond3A_298 = arith.cmpi ne, %convert_element_type3A_296, %cond3A_297 : i32
        scf.if %cond3A_298 {
          %sub3A_353 = arith.constant 1 : i32
          %sub3A_354 = arith.subi %scan3A_176, %sub3A_353 : i32
          %mul3A_355 = arith.constant 32 : i32
          %mul3A_356 = arith.muli %sub3A_354, %mul3A_355 : i32
          %add3A_357 = arith.addi %mul3A_356, %add3A : i32
          %jit3A_358 = arith.constant 48 : i32
          %div3A_359 = arith.divsi %add3A_357, %jit3A_358 : i32
          %sign3A_360 = arith.constant 0 : i32
          %sign3A_361 = arith.cmpi sgt, %add3A_357, %sign3A_360 : i32
          %sign3A_362 = arith.extui %sign3A_361 : i1 to i32
          %sign3A_363 = arith.constant 0 : i32
          %sign3A_364 = arith.cmpi slt, %add3A_357, %sign3A_363 : i32
          %sign3A_365 = arith.extui %sign3A_364 : i1 to i32
          %sign3A_366 = arith.subi %sign3A_362, %sign3A_365 : i32
          %sign3A_367 = arith.constant 0 : i32
          %sign3A_368 = arith.cmpi sgt, %jit3A_358, %sign3A_367 : i32
          %sign3A_369 = arith.extui %sign3A_368 : i1 to i32
          %sign3A_370 = arith.constant 0 : i32
          %sign3A_371 = arith.cmpi slt, %jit3A_358, %sign3A_370 : i32
          %sign3A_372 = arith.extui %sign3A_371 : i1 to i32
          %sign3A_373 = arith.subi %sign3A_369, %sign3A_372 : i32
          %ne3A_374 = arith.cmpi ne, %sign3A_366, %sign3A_373 : i32
          %rem3A_375 = arith.remsi %add3A_357, %jit3A_358 : i32
          %ne3A_376 = arith.constant 0 : i32
          %ne3A_377 = arith.cmpi ne, %rem3A_375, %ne3A_376 : i32
          %and3A_378 = arith.andi %ne3A_374, %ne3A_377 : i1
          %sub3A_379 = arith.constant 1 : i32
          %sub3A_380 = arith.subi %div3A_359, %sub3A_379 : i32
          %select_n3A_381 = arith.select %and3A_378, %sub3A_380, %div3A_359 : i32
          %jit3A_382 = arith.constant 48 : i32
          %eq3A_383 = arith.constant 0 : i32
          %eq3A_384 = arith.cmpi eq, %jit3A_382, %eq3A_383 : i32
          %jit3A_385 = arith.constant 1 : i32
          %select_n3A_386 = arith.select %eq3A_384, %jit3A_385, %jit3A_382 : i32
          %rem3A_387 = arith.remsi %add3A_357, %select_n3A_386 : i32
          %ne3A_388 = arith.constant 0 : i32
          %ne3A_389 = arith.cmpi ne, %rem3A_387, %ne3A_388 : i32
          %lt3A_390 = arith.constant 0 : i32
          %lt3A_391 = arith.cmpi slt, %rem3A_387, %lt3A_390 : i32
          %lt3A_392 = arith.constant 0 : i32
          %lt3A_393 = arith.cmpi slt, %select_n3A_386, %lt3A_392 : i32
          %ne3A_394 = arith.xori %lt3A_391, %lt3A_393 : i1
          %and3A_395 = arith.andi %ne3A_394, %ne3A_389 : i1
          %add3A_396 = arith.addi %rem3A_387, %select_n3A_386 : i32
          %select_n3A_397 = arith.select %and3A_395, %add3A_396, %rem3A_387 : i32
          %mul3A_398 = arith.constant 2048 : i32
          %mul3A_399 = arith.muli %select_n3A_397, %mul3A_398 : i32
          %mul3A_400 = arith.constant 100000 : i32
          %mul3A_401 = arith.muli %select_n3A_381, %mul3A_400 : i32
          %add3A_402 = arith.addi %mul3A_401, %mul3A_399 : i32
          %mul3A_403 = arith.constant 16 : i32
          %mul3A_404 = arith.muli %add3A_402, %mul3A_403 : i32
          %dma_wait3A_405 = tpu.memref_slice %arg6[%mul3A_404] : memref<41600000xf32, #tpu.memory_space<hbm>> -> memref<32768xf32, #tpu.memory_space<hbm>>
          %dma_wait3A_406 = tpu.memref_slice %arg6[%mul3A_404] : memref<41600000xf32, #tpu.memory_space<hbm>> -> memref<32768xf32, #tpu.memory_space<hbm>>
          tpu.wait_dma2 semaphore(%arg13 : memref<!tpu.dma_semaphore, #tpu.memory_space<semaphore_mem>>) src(%arg10 : memref<32768xf32, #tpu.memory_space<vmem>>) dst(%dma_wait3A_406 : memref<32768xf32, #tpu.memory_space<hbm>>)
        } else {
        }
        %parallel_loop3A = arith.constant 0 : i32
        %parallel_loop3A_299 = arith.constant 2048 : i32
        %parallel_loop3A_300 = arith.constant 8 : i32
        scf.for %parallel_loop3A_353 = %parallel_loop3A to %parallel_loop3A_299 step %parallel_loop3A_300  : i32 {
          %parallel_loop3A_354 = arith.constant 0 : i32
          %parallel_loop3A_355 = arith.addi %parallel_loop3A_353, %parallel_loop3A_354 : i32
          %parallel_loop3A_356 = vector.broadcast %parallel_loop3A_355 : i32 to vector<16xi32>
          %parallel_loop3A_357 = tpu.vector_load_idx %arg9[%iota3A, %parallel_loop3A_356] : memref<16x2056xf32, #tpu.memory_space<vmem>>[vector<16xi32>, vector<16xi32>], vector<16xf32>,
          %parallel_loop3A_358 = arith.constant 0 : i32
          %parallel_loop3A_359 = arith.addi %parallel_loop3A_353, %parallel_loop3A_358 : i32
          %parallel_loop3A_360 = arith.constant 16 : i32
          %parallel_loop3A_361 = arith.muli %parallel_loop3A_359, %parallel_loop3A_360 : i32
          %parallel_loop3A_362 = arith.index_cast %parallel_loop3A_361 : i32 to index
          %parallel_loop3A_363 = tpu.vector_load %arg10[%parallel_loop3A_362] {strides = array<i32>} : memref<32768xf32, #tpu.memory_space<vmem>>, vector<16xf32>,
          tpu.vector_store %arg10[%parallel_loop3A_362], %parallel_loop3A_357 {strides = array<i32>} : memref<32768xf32, #tpu.memory_space<vmem>>, vector<16xf32>,
          %parallel_loop3A_364 = arith.constant 1 : i32
          %parallel_loop3A_365 = arith.addi %parallel_loop3A_353, %parallel_loop3A_364 : i32
          %parallel_loop3A_366 = vector.broadcast %parallel_loop3A_365 : i32 to vector<16xi32>
          %parallel_loop3A_367 = tpu.vector_load_idx %arg9[%iota3A, %parallel_loop3A_366] : memref<16x2056xf32, #tpu.memory_space<vmem>>[vector<16xi32>, vector<16xi32>], vector<16xf32>,
          %parallel_loop3A_368 = arith.constant 1 : i32
          %parallel_loop3A_369 = arith.addi %parallel_loop3A_353, %parallel_loop3A_368 : i32
          %parallel_loop3A_370 = arith.constant 16 : i32
          %parallel_loop3A_371 = arith.muli %parallel_loop3A_369, %parallel_loop3A_370 : i32
          %parallel_loop3A_372 = arith.index_cast %parallel_loop3A_371 : i32 to index
          %parallel_loop3A_373 = tpu.vector_load %arg10[%parallel_loop3A_372] {strides = array<i32>} : memref<32768xf32, #tpu.memory_space<vmem>>, vector<16xf32>,
          tpu.vector_store %arg10[%parallel_loop3A_372], %parallel_loop3A_367 {strides = array<i32>} : memref<32768xf32, #tpu.memory_space<vmem>>, vector<16xf32>,
          %parallel_loop3A_374 = arith.constant 2 : i32
          %parallel_loop3A_375 = arith.addi %parallel_loop3A_353, %parallel_loop3A_374 : i32
          %parallel_loop3A_376 = vector.broadcast %parallel_loop3A_375 : i32 to vector<16xi32>
          %parallel_loop3A_377 = tpu.vector_load_idx %arg9[%iota3A, %parallel_loop3A_376] : memref<16x2056xf32, #tpu.memory_space<vmem>>[vector<16xi32>, vector<16xi32>], vector<16xf32>,
          %parallel_loop3A_378 = arith.constant 2 : i32
          %parallel_loop3A_379 = arith.addi %parallel_loop3A_353, %parallel_loop3A_378 : i32
          %parallel_loop3A_380 = arith.constant 16 : i32
          %parallel_loop3A_381 = arith.muli %parallel_loop3A_379, %parallel_loop3A_380 : i32
          %parallel_loop3A_382 = arith.index_cast %parallel_loop3A_381 : i32 to index
          %parallel_loop3A_383 = tpu.vector_load %arg10[%parallel_loop3A_382] {strides = array<i32>} : memref<32768xf32, #tpu.memory_space<vmem>>, vector<16xf32>,
          tpu.vector_store %arg10[%parallel_loop3A_382], %parallel_loop3A_377 {strides = array<i32>} : memref<32768xf32, #tpu.memory_space<vmem>>, vector<16xf32>,
          %parallel_loop3A_384 = arith.constant 3 : i32
          %parallel_loop3A_385 = arith.addi %parallel_loop3A_353, %parallel_loop3A_384 : i32
          %parallel_loop3A_386 = vector.broadcast %parallel_loop3A_385 : i32 to vector<16xi32>
          %parallel_loop3A_387 = tpu.vector_load_idx %arg9[%iota3A, %parallel_loop3A_386] : memref<16x2056xf32, #tpu.memory_space<vmem>>[vector<16xi32>, vector<16xi32>], vector<16xf32>,
          %parallel_loop3A_388 = arith.constant 3 : i32
          %parallel_loop3A_389 = arith.addi %parallel_loop3A_353, %parallel_loop3A_388 : i32
          %parallel_loop3A_390 = arith.constant 16 : i32
          %parallel_loop3A_391 = arith.muli %parallel_loop3A_389, %parallel_loop3A_390 : i32
          %parallel_loop3A_392 = arith.index_cast %parallel_loop3A_391 : i32 to index
          %parallel_loop3A_393 = tpu.vector_load %arg10[%parallel_loop3A_392] {strides = array<i32>} : memref<32768xf32, #tpu.memory_space<vmem>>, vector<16xf32>,
          tpu.vector_store %arg10[%parallel_loop3A_392], %parallel_loop3A_387 {strides = array<i32>} : memref<32768xf32, #tpu.memory_space<vmem>>, vector<16xf32>,
          %parallel_loop3A_394 = arith.constant 4 : i32
          %parallel_loop3A_395 = arith.addi %parallel_loop3A_353, %parallel_loop3A_394 : i32
          %parallel_loop3A_396 = vector.broadcast %parallel_loop3A_395 : i32 to vector<16xi32>
          %parallel_loop3A_397 = tpu.vector_load_idx %arg9[%iota3A, %parallel_loop3A_396] : memref<16x2056xf32, #tpu.memory_space<vmem>>[vector<16xi32>, vector<16xi32>], vector<16xf32>,
          %parallel_loop3A_398 = arith.constant 4 : i32
          %parallel_loop3A_399 = arith.addi %parallel_loop3A_353, %parallel_loop3A_398 : i32
          %parallel_loop3A_400 = arith.constant 16 : i32
          %parallel_loop3A_401 = arith.muli %parallel_loop3A_399, %parallel_loop3A_400 : i32
          %parallel_loop3A_402 = arith.index_cast %parallel_loop3A_401 : i32 to index
          %parallel_loop3A_403 = tpu.vector_load %arg10[%parallel_loop3A_402] {strides = array<i32>} : memref<32768xf32, #tpu.memory_space<vmem>>, vector<16xf32>,
          tpu.vector_store %arg10[%parallel_loop3A_402], %parallel_loop3A_397 {strides = array<i32>} : memref<32768xf32, #tpu.memory_space<vmem>>, vector<16xf32>,
          %parallel_loop3A_404 = arith.constant 5 : i32
          %parallel_loop3A_405 = arith.addi %parallel_loop3A_353, %parallel_loop3A_404 : i32
          %parallel_loop3A_406 = vector.broadcast %parallel_loop3A_405 : i32 to vector<16xi32>
          %parallel_loop3A_407 = tpu.vector_load_idx %arg9[%iota3A, %parallel_loop3A_406] : memref<16x2056xf32, #tpu.memory_space<vmem>>[vector<16xi32>, vector<16xi32>], vector<16xf32>,
          %parallel_loop3A_408 = arith.constant 5 : i32
          %parallel_loop3A_409 = arith.addi %parallel_loop3A_353, %parallel_loop3A_408 : i32
          %parallel_loop3A_410 = arith.constant 16 : i32
          %parallel_loop3A_411 = arith.muli %parallel_loop3A_409, %parallel_loop3A_410 : i32
          %parallel_loop3A_412 = arith.index_cast %parallel_loop3A_411 : i32 to index
          %parallel_loop3A_413 = tpu.vector_load %arg10[%parallel_loop3A_412] {strides = array<i32>} : memref<32768xf32, #tpu.memory_space<vmem>>, vector<16xf32>,
          tpu.vector_store %arg10[%parallel_loop3A_412], %parallel_loop3A_407 {strides = array<i32>} : memref<32768xf32, #tpu.memory_space<vmem>>, vector<16xf32>,
          %parallel_loop3A_414 = arith.constant 6 : i32
          %parallel_loop3A_415 = arith.addi %parallel_loop3A_353, %parallel_loop3A_414 : i32
          %parallel_loop3A_416 = vector.broadcast %parallel_loop3A_415 : i32 to vector<16xi32>
          %parallel_loop3A_417 = tpu.vector_load_idx %arg9[%iota3A, %parallel_loop3A_416] : memref<16x2056xf32, #tpu.memory_space<vmem>>[vector<16xi32>, vector<16xi32>], vector<16xf32>,
          %parallel_loop3A_418 = arith.constant 6 : i32
          %parallel_loop3A_419 = arith.addi %parallel_loop3A_353, %parallel_loop3A_418 : i32
          %parallel_loop3A_420 = arith.constant 16 : i32
          %parallel_loop3A_421 = arith.muli %parallel_loop3A_419, %parallel_loop3A_420 : i32
          %parallel_loop3A_422 = arith.index_cast %parallel_loop3A_421 : i32 to index
          %parallel_loop3A_423 = tpu.vector_load %arg10[%parallel_loop3A_422] {strides = array<i32>} : memref<32768xf32, #tpu.memory_space<vmem>>, vector<16xf32>,
          tpu.vector_store %arg10[%parallel_loop3A_422], %parallel_loop3A_417 {strides = array<i32>} : memref<32768xf32, #tpu.memory_space<vmem>>, vector<16xf32>,
          %parallel_loop3A_424 = arith.constant 7 : i32
          %parallel_loop3A_425 = arith.addi %parallel_loop3A_353, %parallel_loop3A_424 : i32
          %parallel_loop3A_426 = vector.broadcast %parallel_loop3A_425 : i32 to vector<16xi32>
          %parallel_loop3A_427 = tpu.vector_load_idx %arg9[%iota3A, %parallel_loop3A_426] : memref<16x2056xf32, #tpu.memory_space<vmem>>[vector<16xi32>, vector<16xi32>], vector<16xf32>,
          %parallel_loop3A_428 = arith.constant 7 : i32
          %parallel_loop3A_429 = arith.addi %parallel_loop3A_353, %parallel_loop3A_428 : i32
          %parallel_loop3A_430 = arith.constant 16 : i32
          %parallel_loop3A_431 = arith.muli %parallel_loop3A_429, %parallel_loop3A_430 : i32
          %parallel_loop3A_432 = arith.index_cast %parallel_loop3A_431 : i32 to index
          %parallel_loop3A_433 = tpu.vector_load %arg10[%parallel_loop3A_432] {strides = array<i32>} : memref<32768xf32, #tpu.memory_space<vmem>>, vector<16xf32>,
          tpu.vector_store %arg10[%parallel_loop3A_432], %parallel_loop3A_427 {strides = array<i32>} : memref<32768xf32, #tpu.memory_space<vmem>>, vector<16xf32>,
        } {sc.loop_unroll_factor = 4 : i64, sc.parallel_access}
        %mul3A_301 = arith.constant 32 : i32
        %mul3A_302 = arith.muli %scan3A_176, %mul3A_301 : i32
        %add3A_303 = arith.addi %mul3A_302, %add3A : i32
        %jit3A_304 = arith.constant 48 : i32
        %div3A_305 = arith.divsi %add3A_303, %jit3A_304 : i32
        %sign3A_306 = arith.constant 0 : i32
        %sign3A_307 = arith.cmpi sgt, %add3A_303, %sign3A_306 : i32
        %sign3A_308 = arith.extui %sign3A_307 : i1 to i32
        %sign3A_309 = arith.constant 0 : i32
        %sign3A_310 = arith.cmpi slt, %add3A_303, %sign3A_309 : i32
        %sign3A_311 = arith.extui %sign3A_310 : i1 to i32
        %sign3A_312 = arith.subi %sign3A_308, %sign3A_311 : i32
        %sign3A_313 = arith.constant 0 : i32
        %sign3A_314 = arith.cmpi sgt, %jit3A_304, %sign3A_313 : i32
        %sign3A_315 = arith.extui %sign3A_314 : i1 to i32
        %sign3A_316 = arith.constant 0 : i32
        %sign3A_317 = arith.cmpi slt, %jit3A_304, %sign3A_316 : i32
        %sign3A_318 = arith.extui %sign3A_317 : i1 to i32
        %sign3A_319 = arith.subi %sign3A_315, %sign3A_318 : i32
        %ne3A_320 = arith.cmpi ne, %sign3A_312, %sign3A_319 : i32
        %rem3A_321 = arith.remsi %add3A_303, %jit3A_304 : i32
        %ne3A_322 = arith.constant 0 : i32
        %ne3A_323 = arith.cmpi ne, %rem3A_321, %ne3A_322 : i32
        %and3A_324 = arith.andi %ne3A_320, %ne3A_323 : i1
        %sub3A_325 = arith.constant 1 : i32
        %sub3A_326 = arith.subi %div3A_305, %sub3A_325 : i32
        %select_n3A_327 = arith.select %and3A_324, %sub3A_326, %div3A_305 : i32
        %jit3A_328 = arith.constant 48 : i32
        %eq3A_329 = arith.constant 0 : i32
        %eq3A_330 = arith.cmpi eq, %jit3A_328, %eq3A_329 : i32
        %jit3A_331 = arith.constant 1 : i32
        %select_n3A_332 = arith.select %eq3A_330, %jit3A_331, %jit3A_328 : i32
        %rem3A_333 = arith.remsi %add3A_303, %select_n3A_332 : i32
        %ne3A_334 = arith.constant 0 : i32
        %ne3A_335 = arith.cmpi ne, %rem3A_333, %ne3A_334 : i32
        %lt3A_336 = arith.constant 0 : i32
        %lt3A_337 = arith.cmpi slt, %rem3A_333, %lt3A_336 : i32
        %lt3A_338 = arith.constant 0 : i32
        %lt3A_339 = arith.cmpi slt, %select_n3A_332, %lt3A_338 : i32
        %ne3A_340 = arith.xori %lt3A_337, %lt3A_339 : i1
        %and3A_341 = arith.andi %ne3A_340, %ne3A_335 : i1
        %add3A_342 = arith.addi %rem3A_333, %select_n3A_332 : i32
        %select_n3A_343 = arith.select %and3A_341, %add3A_342, %rem3A_333 : i32
        %mul3A_344 = arith.constant 2048 : i32
        %mul3A_345 = arith.muli %select_n3A_343, %mul3A_344 : i32
        %mul3A_346 = arith.constant 100000 : i32
        %mul3A_347 = arith.muli %select_n3A_327, %mul3A_346 : i32
        %add3A_348 = arith.addi %mul3A_347, %mul3A_345 : i32
        %mul3A_349 = arith.constant 16 : i32
        %mul3A_350 = arith.muli %add3A_348, %mul3A_349 : i32
        %dma_start3A_351 = tpu.memref_slice %arg6[%mul3A_350] : memref<41600000xf32, #tpu.memory_space<hbm>> -> memref<32768xf32, #tpu.memory_space<hbm>>
        %dma_start3A_352 = tpu.memref_slice %arg6[%mul3A_350] : memref<41600000xf32, #tpu.memory_space<hbm>> -> memref<32768xf32, #tpu.memory_space<hbm>>
        tpu.enqueue_dma source(%arg10 : memref<32768xf32, #tpu.memory_space<vmem>>) target(%dma_start3A_352 : memref<32768xf32, #tpu.memory_space<hbm>>) target_semaphore(%arg13 : memref<!tpu.dma_semaphore, #tpu.memory_space<semaphore_mem>>)
      } else {
      }
    }
    %scan3A_62 = arith.constant 39 : i32
    %add3A_63 = arith.constant 1216 : i32
    %add3A_64 = arith.addi %add3A_63, %add3A : i32
    %jit3A_65 = arith.constant 48 : i32
    %div3A_66 = arith.divsi %add3A_64, %jit3A_65 : i32
    %sign3A_67 = arith.constant 0 : i32
    %sign3A_68 = arith.cmpi sgt, %add3A_64, %sign3A_67 : i32
    %sign3A_69 = arith.extui %sign3A_68 : i1 to i32
    %sign3A_70 = arith.constant 0 : i32
    %sign3A_71 = arith.cmpi slt, %add3A_64, %sign3A_70 : i32
    %sign3A_72 = arith.extui %sign3A_71 : i1 to i32
    %sign3A_73 = arith.subi %sign3A_69, %sign3A_72 : i32
    %sign3A_74 = arith.constant 0 : i32
    %sign3A_75 = arith.cmpi sgt, %jit3A_65, %sign3A_74 : i32
    %sign3A_76 = arith.extui %sign3A_75 : i1 to i32
    %sign3A_77 = arith.constant 0 : i32
    %sign3A_78 = arith.cmpi slt, %jit3A_65, %sign3A_77 : i32
    %sign3A_79 = arith.extui %sign3A_78 : i1 to i32
    %sign3A_80 = arith.subi %sign3A_76, %sign3A_79 : i32
    %ne3A_81 = arith.cmpi ne, %sign3A_73, %sign3A_80 : i32
    %rem3A_82 = arith.remsi %add3A_64, %jit3A_65 : i32
    %ne3A_83 = arith.constant 0 : i32
    %ne3A_84 = arith.cmpi ne, %rem3A_82, %ne3A_83 : i32
    %and3A_85 = arith.andi %ne3A_81, %ne3A_84 : i1
    %sub3A_86 = arith.constant 1 : i32
    %sub3A_87 = arith.subi %div3A_66, %sub3A_86 : i32
    %select_n3A_88 = arith.select %and3A_85, %sub3A_87, %div3A_66 : i32
    %jit3A_89 = arith.constant 48 : i32
    %eq3A_90 = arith.constant 0 : i32
    %eq3A_91 = arith.cmpi eq, %jit3A_89, %eq3A_90 : i32
    %jit3A_92 = arith.constant 1 : i32
    %select_n3A_93 = arith.select %eq3A_91, %jit3A_92, %jit3A_89 : i32
    %rem3A_94 = arith.remsi %add3A_64, %select_n3A_93 : i32
    %ne3A_95 = arith.constant 0 : i32
    %ne3A_96 = arith.cmpi ne, %rem3A_94, %ne3A_95 : i32
    %lt3A_97 = arith.constant 0 : i32
    %lt3A_98 = arith.cmpi slt, %rem3A_94, %lt3A_97 : i32
    %lt3A_99 = arith.constant 0 : i32
    %lt3A_100 = arith.cmpi slt, %select_n3A_93, %lt3A_99 : i32
    %ne3A_101 = arith.xori %lt3A_98, %lt3A_100 : i1
    %and3A_102 = arith.andi %ne3A_101, %ne3A_96 : i1
    %add3A_103 = arith.addi %rem3A_94, %select_n3A_93 : i32
    %select_n3A_104 = arith.select %and3A_102, %add3A_103, %rem3A_94 : i32
    %mul3A_105 = arith.constant 2048 : i32
    %mul3A_106 = arith.muli %select_n3A_104, %mul3A_105 : i32
    %mul3A_107 = arith.constant 100000 : i32
    %mul3A_108 = arith.muli %select_n3A_88, %mul3A_107 : i32
    %add3A_109 = arith.addi %mul3A_108, %mul3A_106 : i32
    %mul3A_110 = arith.constant 16 : i32
    %mul3A_111 = arith.muli %add3A_109, %mul3A_110 : i32
    %dma_wait3A = tpu.memref_slice %arg6[%mul3A_111] : memref<41600000xf32, #tpu.memory_space<hbm>> -> memref<32768xf32, #tpu.memory_space<hbm>>
    %dma_wait3A_112 = tpu.memref_slice %arg6[%mul3A_111] : memref<41600000xf32, #tpu.memory_space<hbm>> -> memref<32768xf32, #tpu.memory_space<hbm>>
    tpu.wait_dma2 semaphore(%arg13 : memref<!tpu.dma_semaphore, #tpu.memory_space<semaphore_mem>>) src(%arg10 : memref<32768xf32, #tpu.memory_space<vmem>>) dst(%dma_wait3A_112 : memref<32768xf32, #tpu.memory_space<hbm>>)
    %lt3A_113 = arith.constant 26 : i32
    %lt3A_114 = arith.cmpi slt, %add3A, %lt3A_113 : i32
    %convert_element_type3A = arith.extui %lt3A_114 : i1 to i32
    %cond3A = arith.constant 0 : i32
    %cond3A_115 = arith.cmpi ne, %convert_element_type3A, %cond3A : i32
    scf.if %cond3A_115 {
      %dma_start3A_176 = arith.constant 0 : i32
      %dma_start3A_177 = arith.constant 0 : i32
      %dma_start3A_178 = tpu.memref_slice %arg8[%dma_start3A_176, %dma_start3A_177] : memref<16x2056xf32, #tpu.memory_space<vmem>> -> memref<8x1664xf32, #tpu.memory_space<vmem>>
      %dma_start3A_179 = arith.constant 0 : i32
      %dma_start3A_180 = arith.constant 98304 : i32
      %dma_start3A_181 = tpu.memref_slice %arg2[%add3A, %dma_start3A_179, %dma_start3A_180] : memref<26x16x100000xf32, #tpu.memory_space<hbm>> -> memref<1x8x1664xf32, #tpu.memory_space<hbm>>
      %dma_start3A_182 = tpu.memref_squeeze %dma_start3A_181 : memref<1x8x1664xf32, #tpu.memory_space<hbm>> -> memref<8x1664xf32, #tpu.memory_space<hbm>>
      %dma_start3A_183 = arith.constant 0 : i32
      %dma_start3A_184 = arith.constant 0 : i32
      %dma_start3A_185 = tpu.memref_slice %arg8[%dma_start3A_183, %dma_start3A_184] : memref<16x2056xf32, #tpu.memory_space<vmem>> -> memref<8x1664xf32, #tpu.memory_space<vmem>>
      %dma_start3A_186 = arith.constant 0 : i32
      %dma_start3A_187 = arith.constant 98304 : i32
      %dma_start3A_188 = tpu.memref_slice %arg2[%add3A, %dma_start3A_186, %dma_start3A_187] : memref<26x16x100000xf32, #tpu.memory_space<hbm>> -> memref<1x8x1664xf32, #tpu.memory_space<hbm>>
      %dma_start3A_189 = tpu.memref_squeeze %dma_start3A_188 : memref<1x8x1664xf32, #tpu.memory_space<hbm>> -> memref<8x1664xf32, #tpu.memory_space<hbm>>
      tpu.enqueue_dma source(%dma_start3A_189 : memref<8x1664xf32, #tpu.memory_space<hbm>>) target(%dma_start3A_185 : memref<8x1664xf32, #tpu.memory_space<vmem>>) target_semaphore(%arg13 : memref<!tpu.dma_semaphore, #tpu.memory_space<semaphore_mem>>)
      %dma_start3A_190 = arith.constant 8 : i32
      %dma_start3A_191 = arith.constant 0 : i32
      %dma_start3A_192 = tpu.memref_slice %arg8[%dma_start3A_190, %dma_start3A_191] : memref<16x2056xf32, #tpu.memory_space<vmem>> -> memref<8x1664xf32, #tpu.memory_space<vmem>>
      %dma_start3A_193 = arith.constant 8 : i32
      %dma_start3A_194 = arith.constant 98304 : i32
      %dma_start3A_195 = tpu.memref_slice %arg2[%add3A, %dma_start3A_193, %dma_start3A_194] : memref<26x16x100000xf32, #tpu.memory_space<hbm>> -> memref<1x8x1664xf32, #tpu.memory_space<hbm>>
      %dma_start3A_196 = tpu.memref_squeeze %dma_start3A_195 : memref<1x8x1664xf32, #tpu.memory_space<hbm>> -> memref<8x1664xf32, #tpu.memory_space<hbm>>
      %dma_start3A_197 = arith.constant 8 : i32
      %dma_start3A_198 = arith.constant 0 : i32
      %dma_start3A_199 = tpu.memref_slice %arg8[%dma_start3A_197, %dma_start3A_198] : memref<16x2056xf32, #tpu.memory_space<vmem>> -> memref<8x1664xf32, #tpu.memory_space<vmem>>
      %dma_start3A_200 = arith.constant 8 : i32
      %dma_start3A_201 = arith.constant 98304 : i32
      %dma_start3A_202 = tpu.memref_slice %arg2[%add3A, %dma_start3A_200, %dma_start3A_201] : memref<26x16x100000xf32, #tpu.memory_space<hbm>> -> memref<1x8x1664xf32, #tpu.memory_space<hbm>>
      %dma_start3A_203 = tpu.memref_squeeze %dma_start3A_202 : memref<1x8x1664xf32, #tpu.memory_space<hbm>> -> memref<8x1664xf32, #tpu.memory_space<hbm>>
      tpu.enqueue_dma source(%dma_start3A_203 : memref<8x1664xf32, #tpu.memory_space<hbm>>) target(%dma_start3A_199 : memref<8x1664xf32, #tpu.memory_space<vmem>>) target_semaphore(%arg13 : memref<!tpu.dma_semaphore, #tpu.memory_space<semaphore_mem>>)
      %dma_wait3A_204 = arith.constant 0 : i32
      %dma_wait3A_205 = arith.constant 0 : i32
      %dma_wait3A_206 = tpu.memref_slice %arg8[%dma_wait3A_204, %dma_wait3A_205] : memref<16x2056xf32, #tpu.memory_space<vmem>> -> memref<8x1664xf32, #tpu.memory_space<vmem>>
      %dma_wait3A_207 = arith.constant 0 : i32
      %dma_wait3A_208 = arith.constant 98304 : i32
      %dma_wait3A_209 = tpu.memref_slice %arg2[%add3A, %dma_wait3A_207, %dma_wait3A_208] : memref<26x16x100000xf32, #tpu.memory_space<hbm>> -> memref<1x8x1664xf32, #tpu.memory_space<hbm>>
      %dma_wait3A_210 = tpu.memref_squeeze %dma_wait3A_209 : memref<1x8x1664xf32, #tpu.memory_space<hbm>> -> memref<8x1664xf32, #tpu.memory_space<hbm>>
      %dma_wait3A_211 = arith.constant 0 : i32
      %dma_wait3A_212 = arith.constant 0 : i32
      %dma_wait3A_213 = tpu.memref_slice %arg8[%dma_wait3A_211, %dma_wait3A_212] : memref<16x2056xf32, #tpu.memory_space<vmem>> -> memref<8x1664xf32, #tpu.memory_space<vmem>>
      %dma_wait3A_214 = arith.constant 0 : i32
      %dma_wait3A_215 = arith.constant 98304 : i32
      %dma_wait3A_216 = tpu.memref_slice %arg2[%add3A, %dma_wait3A_214, %dma_wait3A_215] : memref<26x16x100000xf32, #tpu.memory_space<hbm>> -> memref<1x8x1664xf32, #tpu.memory_space<hbm>>
      %dma_wait3A_217 = tpu.memref_squeeze %dma_wait3A_216 : memref<1x8x1664xf32, #tpu.memory_space<hbm>> -> memref<8x1664xf32, #tpu.memory_space<hbm>>
      tpu.wait_dma2 semaphore(%arg13 : memref<!tpu.dma_semaphore, #tpu.memory_space<semaphore_mem>>) src(%dma_wait3A_217 : memref<8x1664xf32, #tpu.memory_space<hbm>>) dst(%dma_wait3A_213 : memref<8x1664xf32, #tpu.memory_space<vmem>>)
      %dma_wait3A_218 = arith.constant 8 : i32
      %dma_wait3A_219 = arith.constant 0 : i32
      %dma_wait3A_220 = tpu.memref_slice %arg8[%dma_wait3A_218, %dma_wait3A_219] : memref<16x2056xf32, #tpu.memory_space<vmem>> -> memref<8x1664xf32, #tpu.memory_space<vmem>>
      %dma_wait3A_221 = arith.constant 8 : i32
      %dma_wait3A_222 = arith.constant 98304 : i32
      %dma_wait3A_223 = tpu.memref_slice %arg2[%add3A, %dma_wait3A_221, %dma_wait3A_222] : memref<26x16x100000xf32, #tpu.memory_space<hbm>> -> memref<1x8x1664xf32, #tpu.memory_space<hbm>>
      %dma_wait3A_224 = tpu.memref_squeeze %dma_wait3A_223 : memref<1x8x1664xf32, #tpu.memory_space<hbm>> -> memref<8x1664xf32, #tpu.memory_space<hbm>>
      %dma_wait3A_225 = arith.constant 8 : i32
      %dma_wait3A_226 = arith.constant 0 : i32
      %dma_wait3A_227 = tpu.memref_slice %arg8[%dma_wait3A_225, %dma_wait3A_226] : memref<16x2056xf32, #tpu.memory_space<vmem>> -> memref<8x1664xf32, #tpu.memory_space<vmem>>
      %dma_wait3A_228 = arith.constant 8 : i32
      %dma_wait3A_229 = arith.constant 98304 : i32
      %dma_wait3A_230 = tpu.memref_slice %arg2[%add3A, %dma_wait3A_228, %dma_wait3A_229] : memref<26x16x100000xf32, #tpu.memory_space<hbm>> -> memref<1x8x1664xf32, #tpu.memory_space<hbm>>
      %dma_wait3A_231 = tpu.memref_squeeze %dma_wait3A_230 : memref<1x8x1664xf32, #tpu.memory_space<hbm>> -> memref<8x1664xf32, #tpu.memory_space<hbm>>
      tpu.wait_dma2 semaphore(%arg13 : memref<!tpu.dma_semaphore, #tpu.memory_space<semaphore_mem>>) src(%dma_wait3A_231 : memref<8x1664xf32, #tpu.memory_space<hbm>>) dst(%dma_wait3A_227 : memref<8x1664xf32, #tpu.memory_space<vmem>>)
      %parallel_loop3A = arith.constant 0 : i32
      %parallel_loop3A_232 = arith.constant 1664 : i32
      %parallel_loop3A_233 = arith.constant 8 : i32
      scf.for %parallel_loop3A_262 = %parallel_loop3A to %parallel_loop3A_232 step %parallel_loop3A_233  : i32 {
        %parallel_loop3A_263 = arith.constant 0 : i32
        %parallel_loop3A_264 = arith.addi %parallel_loop3A_262, %parallel_loop3A_263 : i32
        %parallel_loop3A_265 = vector.broadcast %parallel_loop3A_264 : i32 to vector<16xi32>
        %parallel_loop3A_266 = tpu.vector_load_idx %arg8[%iota3A, %parallel_loop3A_265] : memref<16x2056xf32, #tpu.memory_space<vmem>>[vector<16xi32>, vector<16xi32>], vector<16xf32>,
        %parallel_loop3A_267 = arith.constant 0 : i32
        %parallel_loop3A_268 = arith.addi %parallel_loop3A_262, %parallel_loop3A_267 : i32
        %parallel_loop3A_269 = arith.constant 16 : i32
        %parallel_loop3A_270 = arith.muli %parallel_loop3A_268, %parallel_loop3A_269 : i32
        %parallel_loop3A_271 = arith.index_cast %parallel_loop3A_270 : i32 to index
        %parallel_loop3A_272 = tpu.vector_load %arg10[%parallel_loop3A_271] {strides = array<i32>} : memref<32768xf32, #tpu.memory_space<vmem>>, vector<16xf32>,
        tpu.vector_store %arg10[%parallel_loop3A_271], %parallel_loop3A_266 {strides = array<i32>} : memref<32768xf32, #tpu.memory_space<vmem>>, vector<16xf32>,
        %parallel_loop3A_273 = arith.constant 1 : i32
        %parallel_loop3A_274 = arith.addi %parallel_loop3A_262, %parallel_loop3A_273 : i32
        %parallel_loop3A_275 = vector.broadcast %parallel_loop3A_274 : i32 to vector<16xi32>
        %parallel_loop3A_276 = tpu.vector_load_idx %arg8[%iota3A, %parallel_loop3A_275] : memref<16x2056xf32, #tpu.memory_space<vmem>>[vector<16xi32>, vector<16xi32>], vector<16xf32>,
        %parallel_loop3A_277 = arith.constant 1 : i32
        %parallel_loop3A_278 = arith.addi %parallel_loop3A_262, %parallel_loop3A_277 : i32
        %parallel_loop3A_279 = arith.constant 16 : i32
        %parallel_loop3A_280 = arith.muli %parallel_loop3A_278, %parallel_loop3A_279 : i32
        %parallel_loop3A_281 = arith.index_cast %parallel_loop3A_280 : i32 to index
        %parallel_loop3A_282 = tpu.vector_load %arg10[%parallel_loop3A_281] {strides = array<i32>} : memref<32768xf32, #tpu.memory_space<vmem>>, vector<16xf32>,
        tpu.vector_store %arg10[%parallel_loop3A_281], %parallel_loop3A_276 {strides = array<i32>} : memref<32768xf32, #tpu.memory_space<vmem>>, vector<16xf32>,
        %parallel_loop3A_283 = arith.constant 2 : i32
        %parallel_loop3A_284 = arith.addi %parallel_loop3A_262, %parallel_loop3A_283 : i32
        %parallel_loop3A_285 = vector.broadcast %parallel_loop3A_284 : i32 to vector<16xi32>
        %parallel_loop3A_286 = tpu.vector_load_idx %arg8[%iota3A, %parallel_loop3A_285] : memref<16x2056xf32, #tpu.memory_space<vmem>>[vector<16xi32>, vector<16xi32>], vector<16xf32>,
        %parallel_loop3A_287 = arith.constant 2 : i32
        %parallel_loop3A_288 = arith.addi %parallel_loop3A_262, %parallel_loop3A_287 : i32
        %parallel_loop3A_289 = arith.constant 16 : i32
        %parallel_loop3A_290 = arith.muli %parallel_loop3A_288, %parallel_loop3A_289 : i32
        %parallel_loop3A_291 = arith.index_cast %parallel_loop3A_290 : i32 to index
        %parallel_loop3A_292 = tpu.vector_load %arg10[%parallel_loop3A_291] {strides = array<i32>} : memref<32768xf32, #tpu.memory_space<vmem>>, vector<16xf32>,
        tpu.vector_store %arg10[%parallel_loop3A_291], %parallel_loop3A_286 {strides = array<i32>} : memref<32768xf32, #tpu.memory_space<vmem>>, vector<16xf32>,
        %parallel_loop3A_293 = arith.constant 3 : i32
        %parallel_loop3A_294 = arith.addi %parallel_loop3A_262, %parallel_loop3A_293 : i32
        %parallel_loop3A_295 = vector.broadcast %parallel_loop3A_294 : i32 to vector<16xi32>
        %parallel_loop3A_296 = tpu.vector_load_idx %arg8[%iota3A, %parallel_loop3A_295] : memref<16x2056xf32, #tpu.memory_space<vmem>>[vector<16xi32>, vector<16xi32>], vector<16xf32>,
        %parallel_loop3A_297 = arith.constant 3 : i32
        %parallel_loop3A_298 = arith.addi %parallel_loop3A_262, %parallel_loop3A_297 : i32
        %parallel_loop3A_299 = arith.constant 16 : i32
        %parallel_loop3A_300 = arith.muli %parallel_loop3A_298, %parallel_loop3A_299 : i32
        %parallel_loop3A_301 = arith.index_cast %parallel_loop3A_300 : i32 to index
        %parallel_loop3A_302 = tpu.vector_load %arg10[%parallel_loop3A_301] {strides = array<i32>} : memref<32768xf32, #tpu.memory_space<vmem>>, vector<16xf32>,
        tpu.vector_store %arg10[%parallel_loop3A_301], %parallel_loop3A_296 {strides = array<i32>} : memref<32768xf32, #tpu.memory_space<vmem>>, vector<16xf32>,
        %parallel_loop3A_303 = arith.constant 4 : i32
        %parallel_loop3A_304 = arith.addi %parallel_loop3A_262, %parallel_loop3A_303 : i32
        %parallel_loop3A_305 = vector.broadcast %parallel_loop3A_304 : i32 to vector<16xi32>
        %parallel_loop3A_306 = tpu.vector_load_idx %arg8[%iota3A, %parallel_loop3A_305] : memref<16x2056xf32, #tpu.memory_space<vmem>>[vector<16xi32>, vector<16xi32>], vector<16xf32>,
        %parallel_loop3A_307 = arith.constant 4 : i32
        %parallel_loop3A_308 = arith.addi %parallel_loop3A_262, %parallel_loop3A_307 : i32
        %parallel_loop3A_309 = arith.constant 16 : i32
        %parallel_loop3A_310 = arith.muli %parallel_loop3A_308, %parallel_loop3A_309 : i32
        %parallel_loop3A_311 = arith.index_cast %parallel_loop3A_310 : i32 to index
        %parallel_loop3A_312 = tpu.vector_load %arg10[%parallel_loop3A_311] {strides = array<i32>} : memref<32768xf32, #tpu.memory_space<vmem>>, vector<16xf32>,
        tpu.vector_store %arg10[%parallel_loop3A_311], %parallel_loop3A_306 {strides = array<i32>} : memref<32768xf32, #tpu.memory_space<vmem>>, vector<16xf32>,
        %parallel_loop3A_313 = arith.constant 5 : i32
        %parallel_loop3A_314 = arith.addi %parallel_loop3A_262, %parallel_loop3A_313 : i32
        %parallel_loop3A_315 = vector.broadcast %parallel_loop3A_314 : i32 to vector<16xi32>
        %parallel_loop3A_316 = tpu.vector_load_idx %arg8[%iota3A, %parallel_loop3A_315] : memref<16x2056xf32, #tpu.memory_space<vmem>>[vector<16xi32>, vector<16xi32>], vector<16xf32>,
        %parallel_loop3A_317 = arith.constant 5 : i32
        %parallel_loop3A_318 = arith.addi %parallel_loop3A_262, %parallel_loop3A_317 : i32
        %parallel_loop3A_319 = arith.constant 16 : i32
        %parallel_loop3A_320 = arith.muli %parallel_loop3A_318, %parallel_loop3A_319 : i32
        %parallel_loop3A_321 = arith.index_cast %parallel_loop3A_320 : i32 to index
        %parallel_loop3A_322 = tpu.vector_load %arg10[%parallel_loop3A_321] {strides = array<i32>} : memref<32768xf32, #tpu.memory_space<vmem>>, vector<16xf32>,
        tpu.vector_store %arg10[%parallel_loop3A_321], %parallel_loop3A_316 {strides = array<i32>} : memref<32768xf32, #tpu.memory_space<vmem>>, vector<16xf32>,
        %parallel_loop3A_323 = arith.constant 6 : i32
        %parallel_loop3A_324 = arith.addi %parallel_loop3A_262, %parallel_loop3A_323 : i32
        %parallel_loop3A_325 = vector.broadcast %parallel_loop3A_324 : i32 to vector<16xi32>
        %parallel_loop3A_326 = tpu.vector_load_idx %arg8[%iota3A, %parallel_loop3A_325] : memref<16x2056xf32, #tpu.memory_space<vmem>>[vector<16xi32>, vector<16xi32>], vector<16xf32>,
        %parallel_loop3A_327 = arith.constant 6 : i32
        %parallel_loop3A_328 = arith.addi %parallel_loop3A_262, %parallel_loop3A_327 : i32
        %parallel_loop3A_329 = arith.constant 16 : i32
        %parallel_loop3A_330 = arith.muli %parallel_loop3A_328, %parallel_loop3A_329 : i32
        %parallel_loop3A_331 = arith.index_cast %parallel_loop3A_330 : i32 to index
        %parallel_loop3A_332 = tpu.vector_load %arg10[%parallel_loop3A_331] {strides = array<i32>} : memref<32768xf32, #tpu.memory_space<vmem>>, vector<16xf32>,
        tpu.vector_store %arg10[%parallel_loop3A_331], %parallel_loop3A_326 {strides = array<i32>} : memref<32768xf32, #tpu.memory_space<vmem>>, vector<16xf32>,
        %parallel_loop3A_333 = arith.constant 7 : i32
        %parallel_loop3A_334 = arith.addi %parallel_loop3A_262, %parallel_loop3A_333 : i32
        %parallel_loop3A_335 = vector.broadcast %parallel_loop3A_334 : i32 to vector<16xi32>
        %parallel_loop3A_336 = tpu.vector_load_idx %arg8[%iota3A, %parallel_loop3A_335] : memref<16x2056xf32, #tpu.memory_space<vmem>>[vector<16xi32>, vector<16xi32>], vector<16xf32>,
        %parallel_loop3A_337 = arith.constant 7 : i32
        %parallel_loop3A_338 = arith.addi %parallel_loop3A_262, %parallel_loop3A_337 : i32
        %parallel_loop3A_339 = arith.constant 16 : i32
        %parallel_loop3A_340 = arith.muli %parallel_loop3A_338, %parallel_loop3A_339 : i32
        %parallel_loop3A_341 = arith.index_cast %parallel_loop3A_340 : i32 to index
        %parallel_loop3A_342 = tpu.vector_load %arg10[%parallel_loop3A_341] {strides = array<i32>} : memref<32768xf32, #tpu.memory_space<vmem>>, vector<16xf32>,
        tpu.vector_store %arg10[%parallel_loop3A_341], %parallel_loop3A_336 {strides = array<i32>} : memref<32768xf32, #tpu.memory_space<vmem>>, vector<16xf32>,
      } {sc.loop_unroll_factor = 4 : i64, sc.parallel_access}
      %mul3A_234 = arith.constant 100000 : i32
      %mul3A_235 = arith.muli %add3A, %mul3A_234 : i32
      %add3A_236 = arith.constant 98304 : i32
      %add3A_237 = arith.addi %mul3A_235, %add3A_236 : i32
      %mul3A_238 = arith.constant 16 : i32
      %mul3A_239 = arith.muli %add3A_237, %mul3A_238 : i32
      "tpu.region"() ({
        %run_scoped3A = tpu.sem_alloc : memref<!tpu.dma_semaphore, #tpu.memory_space<semaphore_mem>>
        %dma_start3A_262 = arith.constant 0 : i32
        %dma_start3A_263 = tpu.memref_slice %arg10[%dma_start3A_262] : memref<32768xf32, #tpu.memory_space<vmem>> -> memref<26624xf32, #tpu.memory_space<vmem>>
        %dma_start3A_264 = tpu.memref_slice %arg6[%mul3A_239] : memref<41600000xf32, #tpu.memory_space<hbm>> -> memref<26624xf32, #tpu.memory_space<hbm>>
        %dma_start3A_265 = tpu.memref_slice %arg6[%mul3A_239] : memref<41600000xf32, #tpu.memory_space<hbm>> -> memref<26624xf32, #tpu.memory_space<hbm>>
        %dma_start3A_266 = arith.constant 0 : i32
        %dma_start3A_267 = tpu.memref_slice %arg10[%dma_start3A_266] : memref<32768xf32, #tpu.memory_space<vmem>> -> memref<26624xf32, #tpu.memory_space<vmem>>
        tpu.enqueue_dma source(%dma_start3A_267 : memref<26624xf32, #tpu.memory_space<vmem>>) target(%dma_start3A_265 : memref<26624xf32, #tpu.memory_space<hbm>>) target_semaphore(%run_scoped3A : memref<!tpu.dma_semaphore, #tpu.memory_space<semaphore_mem>>)
        %dma_wait3A_268 = arith.constant 0 : i32
        %dma_wait3A_269 = tpu.memref_slice %arg10[%dma_wait3A_268] : memref<32768xf32, #tpu.memory_space<vmem>> -> memref<26624xf32, #tpu.memory_space<vmem>>
        %dma_wait3A_270 = tpu.memref_slice %arg6[%mul3A_239] : memref<41600000xf32, #tpu.memory_space<hbm>> -> memref<26624xf32, #tpu.memory_space<hbm>>
        %dma_wait3A_271 = tpu.memref_slice %arg6[%mul3A_239] : memref<41600000xf32, #tpu.memory_space<hbm>> -> memref<26624xf32, #tpu.memory_space<hbm>>
        %dma_wait3A_272 = arith.constant 0 : i32
        %dma_wait3A_273 = tpu.memref_slice %arg10[%dma_wait3A_272] : memref<32768xf32, #tpu.memory_space<vmem>> -> memref<26624xf32, #tpu.memory_space<vmem>>
        tpu.wait_dma2 semaphore(%run_scoped3A : memref<!tpu.dma_semaphore, #tpu.memory_space<semaphore_mem>>) src(%dma_wait3A_273 : memref<26624xf32, #tpu.memory_space<vmem>>) dst(%dma_wait3A_271 : memref<26624xf32, #tpu.memory_space<hbm>>)
        tpu.yield
      }) : () -> ()
      %mul3A_240 = arith.constant 32 : i32
      %mul3A_241 = arith.muli %add3A, %mul3A_240 : i32
      %mul3A_242 = arith.constant 16 : i32
      %mul3A_243 = arith.muli %mul3A_241, %mul3A_242 : i32
      %dma_start3A_244 = arith.constant 0 : i32
      %dma_start3A_245 = tpu.memref_slice %arg10[%dma_start3A_244] : memref<32768xf32, #tpu.memory_space<vmem>> -> memref<512xf32, #tpu.memory_space<vmem>>
      %dma_start3A_246 = tpu.memref_slice %arg4[%mul3A_243] : memref<13312xf32, #tpu.memory_space<hbm>> -> memref<512xf32, #tpu.memory_space<hbm>>
      %dma_start3A_247 = arith.constant 0 : i32
      %dma_start3A_248 = tpu.memref_slice %arg10[%dma_start3A_247] : memref<32768xf32, #tpu.memory_space<vmem>> -> memref<512xf32, #tpu.memory_space<vmem>>
      %dma_start3A_249 = tpu.memref_slice %arg4[%mul3A_243] : memref<13312xf32, #tpu.memory_space<hbm>> -> memref<512xf32, #tpu.memory_space<hbm>>
      tpu.enqueue_dma source(%dma_start3A_249 : memref<512xf32, #tpu.memory_space<hbm>>) target(%dma_start3A_248 : memref<512xf32, #tpu.memory_space<vmem>>) target_semaphore(%arg13 : memref<!tpu.dma_semaphore, #tpu.memory_space<semaphore_mem>>)
      %dma_wait3A_250 = arith.constant 0 : i32
      %dma_wait3A_251 = tpu.memref_slice %arg10[%dma_wait3A_250] : memref<32768xf32, #tpu.memory_space<vmem>> -> memref<512xf32, #tpu.memory_space<vmem>>
      %dma_wait3A_252 = tpu.memref_slice %arg4[%mul3A_243] : memref<13312xf32, #tpu.memory_space<hbm>> -> memref<512xf32, #tpu.memory_space<hbm>>
      %dma_wait3A_253 = arith.constant 0 : i32
      %dma_wait3A_254 = tpu.memref_slice %arg10[%dma_wait3A_253] : memref<32768xf32, #tpu.memory_space<vmem>> -> memref<512xf32, #tpu.memory_space<vmem>>
      %dma_wait3A_255 = tpu.memref_slice %arg4[%mul3A_243] : memref<13312xf32, #tpu.memory_space<hbm>> -> memref<512xf32, #tpu.memory_space<hbm>>
      tpu.wait_dma2 semaphore(%arg13 : memref<!tpu.dma_semaphore, #tpu.memory_space<semaphore_mem>>) src(%dma_wait3A_255 : memref<512xf32, #tpu.memory_space<hbm>>) dst(%dma_wait3A_254 : memref<512xf32, #tpu.memory_space<vmem>>)
      %mul3A_256 = arith.constant 100000 : i32
      %mul3A_257 = arith.muli %add3A, %mul3A_256 : i32
      %add3A_258 = arith.constant 99968 : i32
      %add3A_259 = arith.addi %mul3A_257, %add3A_258 : i32
      %mul3A_260 = arith.constant 16 : i32
      %mul3A_261 = arith.muli %add3A_259, %mul3A_260 : i32
      "tpu.region"() ({
        %run_scoped3A = tpu.sem_alloc : memref<!tpu.dma_semaphore, #tpu.memory_space<semaphore_mem>>
        %dma_start3A_262 = arith.constant 0 : i32
        %dma_start3A_263 = tpu.memref_slice %arg10[%dma_start3A_262] : memref<32768xf32, #tpu.memory_space<vmem>> -> memref<512xf32, #tpu.memory_space<vmem>>
        %dma_start3A_264 = tpu.memref_slice %arg6[%mul3A_261] : memref<41600000xf32, #tpu.memory_space<hbm>> -> memref<512xf32, #tpu.memory_space<hbm>>
        %dma_start3A_265 = tpu.memref_slice %arg6[%mul3A_261] : memref<41600000xf32, #tpu.memory_space<hbm>> -> memref<512xf32, #tpu.memory_space<hbm>>
        %dma_start3A_266 = arith.constant 0 : i32
        %dma_start3A_267 = tpu.memref_slice %arg10[%dma_start3A_266] : memref<32768xf32, #tpu.memory_space<vmem>> -> memref<512xf32, #tpu.memory_space<vmem>>
        tpu.enqueue_dma source(%dma_start3A_267 : memref<512xf32, #tpu.memory_space<vmem>>) target(%dma_start3A_265 : memref<512xf32, #tpu.memory_space<hbm>>) target_semaphore(%run_scoped3A : memref<!tpu.dma_semaphore, #tpu.memory_space<semaphore_mem>>)
        %dma_wait3A_268 = arith.constant 0 : i32
        %dma_wait3A_269 = tpu.memref_slice %arg10[%dma_wait3A_268] : memref<32768xf32, #tpu.memory_space<vmem>> -> memref<512xf32, #tpu.memory_space<vmem>>
        %dma_wait3A_270 = tpu.memref_slice %arg6[%mul3A_261] : memref<41600000xf32, #tpu.memory_space<hbm>> -> memref<512xf32, #tpu.memory_space<hbm>>
        %dma_wait3A_271 = tpu.memref_slice %arg6[%mul3A_261] : memref<41600000xf32, #tpu.memory_space<hbm>> -> memref<512xf32, #tpu.memory_space<hbm>>
        %dma_wait3A_272 = arith.constant 0 : i32
        %dma_wait3A_273 = tpu.memref_slice %arg10[%dma_wait3A_272] : memref<32768xf32, #tpu.memory_space<vmem>> -> memref<512xf32, #tpu.memory_space<vmem>>
        tpu.wait_dma2 semaphore(%run_scoped3A : memref<!tpu.dma_semaphore, #tpu.memory_space<semaphore_mem>>) src(%dma_wait3A_273 : memref<512xf32, #tpu.memory_space<vmem>>) dst(%dma_wait3A_271 : memref<512xf32, #tpu.memory_space<hbm>>)
        tpu.yield
      }) : () -> ()
    } else {
    }
    %add3A_116 = arith.constant 0 : i32
    %add3A_117 = arith.addi %add3A_116, %add3A : i32
    %jit3A_118 = arith.constant 48 : i32
    %div3A_119 = arith.divsi %add3A_117, %jit3A_118 : i32
    %sign3A_120 = arith.constant 0 : i32
    %sign3A_121 = arith.cmpi sgt, %add3A_117, %sign3A_120 : i32
    %sign3A_122 = arith.extui %sign3A_121 : i1 to i32
    %sign3A_123 = arith.constant 0 : i32
    %sign3A_124 = arith.cmpi slt, %add3A_117, %sign3A_123 : i32
    %sign3A_125 = arith.extui %sign3A_124 : i1 to i32
    %sign3A_126 = arith.subi %sign3A_122, %sign3A_125 : i32
    %sign3A_127 = arith.constant 0 : i32
    %sign3A_128 = arith.cmpi sgt, %jit3A_118, %sign3A_127 : i32
    %sign3A_129 = arith.extui %sign3A_128 : i1 to i32
    %sign3A_130 = arith.constant 0 : i32
    %sign3A_131 = arith.cmpi slt, %jit3A_118, %sign3A_130 : i32
    %sign3A_132 = arith.extui %sign3A_131 : i1 to i32
    %sign3A_133 = arith.subi %sign3A_129, %sign3A_132 : i32
    %ne3A_134 = arith.cmpi ne, %sign3A_126, %sign3A_133 : i32
    %rem3A_135 = arith.remsi %add3A_117, %jit3A_118 : i32
    %ne3A_136 = arith.constant 0 : i32
    %ne3A_137 = arith.cmpi ne, %rem3A_135, %ne3A_136 : i32
    %and3A_138 = arith.andi %ne3A_134, %ne3A_137 : i1
    %sub3A_139 = arith.constant 1 : i32
    %sub3A_140 = arith.subi %div3A_119, %sub3A_139 : i32
    %select_n3A_141 = arith.select %and3A_138, %sub3A_140, %div3A_119 : i32
    %jit3A_142 = arith.constant 48 : i32
    %eq3A_143 = arith.constant 0 : i32
    %eq3A_144 = arith.cmpi eq, %jit3A_142, %eq3A_143 : i32
    %jit3A_145 = arith.constant 1 : i32
    %select_n3A_146 = arith.select %eq3A_144, %jit3A_145, %jit3A_142 : i32
    %rem3A_147 = arith.remsi %add3A_117, %select_n3A_146 : i32
    %ne3A_148 = arith.constant 0 : i32
    %ne3A_149 = arith.cmpi ne, %rem3A_147, %ne3A_148 : i32
    %lt3A_150 = arith.constant 0 : i32
    %lt3A_151 = arith.cmpi slt, %rem3A_147, %lt3A_150 : i32
    %lt3A_152 = arith.constant 0 : i32
    %lt3A_153 = arith.cmpi slt, %select_n3A_146, %lt3A_152 : i32
    %ne3A_154 = arith.xori %lt3A_151, %lt3A_153 : i1
    %and3A_155 = arith.andi %ne3A_154, %ne3A_149 : i1
    %add3A_156 = arith.addi %rem3A_147, %select_n3A_146 : i32
    %select_n3A_157 = arith.select %and3A_155, %add3A_156, %rem3A_147 : i32
    %mul3A_158 = arith.constant 2048 : i32
    %mul3A_159 = arith.muli %select_n3A_157, %mul3A_158 : i32
    %dma_start3A_160 = arith.constant 0 : i32
    %dma_start3A_161 = tpu.memref_slice %arg3[%select_n3A_141, %dma_start3A_160, %mul3A_159] : memref<26x1x100000xf32, #tpu.memory_space<hbm>> -> memref<1x1x2048xf32, #tpu.memory_space<hbm>>
    %dma_start3A_162 = tpu.memref_squeeze %dma_start3A_161 : memref<1x1x2048xf32, #tpu.memory_space<hbm>> -> memref<2048xf32, #tpu.memory_space<hbm>>
    %dma_start3A_163 = tpu.memref_slice %arg3[%select_n3A_141, %dma_start3A_160, %mul3A_159] : memref<26x1x100000xf32, #tpu.memory_space<hbm>> -> memref<1x1x2048xf32, #tpu.memory_space<hbm>>
    %dma_start3A_164 = tpu.memref_squeeze %dma_start3A_163 : memref<1x1x2048xf32, #tpu.memory_space<hbm>> -> memref<2048xf32, #tpu.memory_space<hbm>>
    tpu.enqueue_dma source(%dma_start3A_164 : memref<2048xf32, #tpu.memory_space<hbm>>) target(%arg11 : memref<2048xf32, #tpu.memory_space<vmem>>) target_semaphore(%arg15 : memref<!tpu.dma_semaphore, #tpu.memory_space<semaphore_mem>>)
    %scan3A_165 = arith.constant 0 : i32
    %scan3A_166 = arith.constant 0 : i32
    %scan3A_167 = arith.constant 39 : i32
    %scan3A_168 = arith.addi %scan3A_166, %scan3A_167 : i32
    %scan3A_169 = arith.constant 1 : i32
    scf.for %scan3A_176 = %scan3A_166 to %scan3A_168 step %scan3A_169  : i32 {
      %jit3A_177 = arith.constant 2 : i32
      %eq3A_178 = arith.constant 0 : i32
      %eq3A_179 = arith.cmpi eq, %jit3A_177, %eq3A_178 : i32
      %jit3A_180 = arith.constant 1 : i32
      %select_n3A_181 = arith.select %eq3A_179, %jit3A_180, %jit3A_177 : i32
      %rem3A_182 = arith.remsi %scan3A_176, %select_n3A_181 : i32
      %ne3A_183 = arith.constant 0 : i32
      %ne3A_184 = arith.cmpi ne, %rem3A_182, %ne3A_183 : i32
      %lt3A_185 = arith.constant 0 : i32
      %lt3A_186 = arith.cmpi slt, %rem3A_182, %lt3A_185 : i32
      %lt3A_187 = arith.constant 0 : i32
      %lt3A_188 = arith.cmpi slt, %select_n3A_181, %lt3A_187 : i32
      %ne3A_189 = arith.xori %lt3A_186, %lt3A_188 : i1
      %and3A_190 = arith.andi %ne3A_189, %ne3A_184 : i1
      %add3A_191 = arith.addi %rem3A_182, %select_n3A_181 : i32
      %select_n3A_192 = arith.select %and3A_190, %add3A_191, %rem3A_182 : i32
      %eq3A_193 = arith.constant 0 : i32
      %eq3A_194 = arith.cmpi eq, %select_n3A_192, %eq3A_193 : i32
      %convert_element_type3A_195 = arith.extui %eq3A_194 : i1 to i32
      %cond3A_196 = arith.constant 0 : i32
      %cond3A_197 = arith.cmpi ne, %convert_element_type3A_195, %cond3A_196 : i32
      scf.if %cond3A_197 {
        %mul3A_219 = arith.constant 32 : i32
        %mul3A_220 = arith.muli %scan3A_176, %mul3A_219 : i32
        %add3A_221 = arith.addi %mul3A_220, %add3A : i32
        %jit3A_222 = arith.constant 48 : i32
        %div3A_223 = arith.divsi %add3A_221, %jit3A_222 : i32
        %sign3A_224 = arith.constant 0 : i32
        %sign3A_225 = arith.cmpi sgt, %add3A_221, %sign3A_224 : i32
        %sign3A_226 = arith.extui %sign3A_225 : i1 to i32
        %sign3A_227 = arith.constant 0 : i32
        %sign3A_228 = arith.cmpi slt, %add3A_221, %sign3A_227 : i32
        %sign3A_229 = arith.extui %sign3A_228 : i1 to i32
        %sign3A_230 = arith.subi %sign3A_226, %sign3A_229 : i32
        %sign3A_231 = arith.constant 0 : i32
        %sign3A_232 = arith.cmpi sgt, %jit3A_222, %sign3A_231 : i32
        %sign3A_233 = arith.extui %sign3A_232 : i1 to i32
        %sign3A_234 = arith.constant 0 : i32
        %sign3A_235 = arith.cmpi slt, %jit3A_222, %sign3A_234 : i32
        %sign3A_236 = arith.extui %sign3A_235 : i1 to i32
        %sign3A_237 = arith.subi %sign3A_233, %sign3A_236 : i32
        %ne3A_238 = arith.cmpi ne, %sign3A_230, %sign3A_237 : i32
        %rem3A_239 = arith.remsi %add3A_221, %jit3A_222 : i32
        %ne3A_240 = arith.constant 0 : i32
        %ne3A_241 = arith.cmpi ne, %rem3A_239, %ne3A_240 : i32
        %and3A_242 = arith.andi %ne3A_238, %ne3A_241 : i1
        %sub3A_243 = arith.constant 1 : i32
        %sub3A_244 = arith.subi %div3A_223, %sub3A_243 : i32
        %select_n3A_245 = arith.select %and3A_242, %sub3A_244, %div3A_223 : i32
        %jit3A_246 = arith.constant 48 : i32
        %eq3A_247 = arith.constant 0 : i32
        %eq3A_248 = arith.cmpi eq, %jit3A_246, %eq3A_247 : i32
        %jit3A_249 = arith.constant 1 : i32
        %select_n3A_250 = arith.select %eq3A_248, %jit3A_249, %jit3A_246 : i32
        %rem3A_251 = arith.remsi %add3A_221, %select_n3A_250 : i32
        %ne3A_252 = arith.constant 0 : i32
        %ne3A_253 = arith.cmpi ne, %rem3A_251, %ne3A_252 : i32
        %lt3A_254 = arith.constant 0 : i32
        %lt3A_255 = arith.cmpi slt, %rem3A_251, %lt3A_254 : i32
        %lt3A_256 = arith.constant 0 : i32
        %lt3A_257 = arith.cmpi slt, %select_n3A_250, %lt3A_256 : i32
        %ne3A_258 = arith.xori %lt3A_255, %lt3A_257 : i1
        %and3A_259 = arith.andi %ne3A_258, %ne3A_253 : i1
        %add3A_260 = arith.addi %rem3A_251, %select_n3A_250 : i32
        %select_n3A_261 = arith.select %and3A_259, %add3A_260, %rem3A_251 : i32
        %mul3A_262 = arith.constant 2048 : i32
        %mul3A_263 = arith.muli %select_n3A_261, %mul3A_262 : i32
        %dma_wait3A_264 = arith.constant 0 : i32
        %dma_wait3A_265 = tpu.memref_slice %arg3[%select_n3A_245, %dma_wait3A_264, %mul3A_263] : memref<26x1x100000xf32, #tpu.memory_space<hbm>> -> memref<1x1x2048xf32, #tpu.memory_space<hbm>>
        %dma_wait3A_266 = tpu.memref_squeeze %dma_wait3A_265 : memref<1x1x2048xf32, #tpu.memory_space<hbm>> -> memref<2048xf32, #tpu.memory_space<hbm>>
        %dma_wait3A_267 = tpu.memref_slice %arg3[%select_n3A_245, %dma_wait3A_264, %mul3A_263] : memref<26x1x100000xf32, #tpu.memory_space<hbm>> -> memref<1x1x2048xf32, #tpu.memory_space<hbm>>
        %dma_wait3A_268 = tpu.memref_squeeze %dma_wait3A_267 : memref<1x1x2048xf32, #tpu.memory_space<hbm>> -> memref<2048xf32, #tpu.memory_space<hbm>>
        tpu.wait_dma2 semaphore(%arg15 : memref<!tpu.dma_semaphore, #tpu.memory_space<semaphore_mem>>) src(%dma_wait3A_268 : memref<2048xf32, #tpu.memory_space<hbm>>) dst(%arg11 : memref<2048xf32, #tpu.memory_space<vmem>>)
        %add3A_269 = arith.constant 1 : i32
        %add3A_270 = arith.addi %scan3A_176, %add3A_269 : i32
        %lt3A_271 = arith.constant 39 : i32
        %lt3A_272 = arith.cmpi slt, %add3A_270, %lt3A_271 : i32
        %convert_element_type3A_273 = arith.extui %lt3A_272 : i1 to i32
        %cond3A_274 = arith.constant 0 : i32
        %cond3A_275 = arith.cmpi ne, %convert_element_type3A_273, %cond3A_274 : i32
        scf.if %cond3A_275 {
          %add3A_324 = arith.constant 1 : i32
          %add3A_325 = arith.addi %scan3A_176, %add3A_324 : i32
          %mul3A_326 = arith.constant 32 : i32
          %mul3A_327 = arith.muli %add3A_325, %mul3A_326 : i32
          %add3A_328 = arith.addi %mul3A_327, %add3A : i32
          %jit3A_329 = arith.constant 48 : i32
          %div3A_330 = arith.divsi %add3A_328, %jit3A_329 : i32
          %sign3A_331 = arith.constant 0 : i32
          %sign3A_332 = arith.cmpi sgt, %add3A_328, %sign3A_331 : i32
          %sign3A_333 = arith.extui %sign3A_332 : i1 to i32
          %sign3A_334 = arith.constant 0 : i32
          %sign3A_335 = arith.cmpi slt, %add3A_328, %sign3A_334 : i32
          %sign3A_336 = arith.extui %sign3A_335 : i1 to i32
          %sign3A_337 = arith.subi %sign3A_333, %sign3A_336 : i32
          %sign3A_338 = arith.constant 0 : i32
          %sign3A_339 = arith.cmpi sgt, %jit3A_329, %sign3A_338 : i32
          %sign3A_340 = arith.extui %sign3A_339 : i1 to i32
          %sign3A_341 = arith.constant 0 : i32
          %sign3A_342 = arith.cmpi slt, %jit3A_329, %sign3A_341 : i32
          %sign3A_343 = arith.extui %sign3A_342 : i1 to i32
          %sign3A_344 = arith.subi %sign3A_340, %sign3A_343 : i32
          %ne3A_345 = arith.cmpi ne, %sign3A_337, %sign3A_344 : i32
          %rem3A_346 = arith.remsi %add3A_328, %jit3A_329 : i32
          %ne3A_347 = arith.constant 0 : i32
          %ne3A_348 = arith.cmpi ne, %rem3A_346, %ne3A_347 : i32
          %and3A_349 = arith.andi %ne3A_345, %ne3A_348 : i1
          %sub3A_350 = arith.constant 1 : i32
          %sub3A_351 = arith.subi %div3A_330, %sub3A_350 : i32
          %select_n3A_352 = arith.select %and3A_349, %sub3A_351, %div3A_330 : i32
          %jit3A_353 = arith.constant 48 : i32
          %eq3A_354 = arith.constant 0 : i32
          %eq3A_355 = arith.cmpi eq, %jit3A_353, %eq3A_354 : i32
          %jit3A_356 = arith.constant 1 : i32
          %select_n3A_357 = arith.select %eq3A_355, %jit3A_356, %jit3A_353 : i32
          %rem3A_358 = arith.remsi %add3A_328, %select_n3A_357 : i32
          %ne3A_359 = arith.constant 0 : i32
          %ne3A_360 = arith.cmpi ne, %rem3A_358, %ne3A_359 : i32
          %lt3A_361 = arith.constant 0 : i32
          %lt3A_362 = arith.cmpi slt, %rem3A_358, %lt3A_361 : i32
          %lt3A_363 = arith.constant 0 : i32
          %lt3A_364 = arith.cmpi slt, %select_n3A_357, %lt3A_363 : i32
          %ne3A_365 = arith.xori %lt3A_362, %lt3A_364 : i1
          %and3A_366 = arith.andi %ne3A_365, %ne3A_360 : i1
          %add3A_367 = arith.addi %rem3A_358, %select_n3A_357 : i32
          %select_n3A_368 = arith.select %and3A_366, %add3A_367, %rem3A_358 : i32
          %mul3A_369 = arith.constant 2048 : i32
          %mul3A_370 = arith.muli %select_n3A_368, %mul3A_369 : i32
          %dma_start3A_371 = arith.constant 0 : i32
          %dma_start3A_372 = tpu.memref_slice %arg3[%select_n3A_352, %dma_start3A_371, %mul3A_370] : memref<26x1x100000xf32, #tpu.memory_space<hbm>> -> memref<1x1x2048xf32, #tpu.memory_space<hbm>>
          %dma_start3A_373 = tpu.memref_squeeze %dma_start3A_372 : memref<1x1x2048xf32, #tpu.memory_space<hbm>> -> memref<2048xf32, #tpu.memory_space<hbm>>
          %dma_start3A_374 = tpu.memref_slice %arg3[%select_n3A_352, %dma_start3A_371, %mul3A_370] : memref<26x1x100000xf32, #tpu.memory_space<hbm>> -> memref<1x1x2048xf32, #tpu.memory_space<hbm>>
          %dma_start3A_375 = tpu.memref_squeeze %dma_start3A_374 : memref<1x1x2048xf32, #tpu.memory_space<hbm>> -> memref<2048xf32, #tpu.memory_space<hbm>>
          tpu.enqueue_dma source(%dma_start3A_375 : memref<2048xf32, #tpu.memory_space<hbm>>) target(%arg12 : memref<2048xf32, #tpu.memory_space<vmem>>) target_semaphore(%arg16 : memref<!tpu.dma_semaphore, #tpu.memory_space<semaphore_mem>>)
        } else {
        }
        %mul3A_276 = arith.constant 32 : i32
        %mul3A_277 = arith.muli %scan3A_176, %mul3A_276 : i32
        %add3A_278 = arith.addi %mul3A_277, %add3A : i32
        %jit3A_279 = arith.constant 48 : i32
        %div3A_280 = arith.divsi %add3A_278, %jit3A_279 : i32
        %sign3A_281 = arith.constant 0 : i32
        %sign3A_282 = arith.cmpi sgt, %add3A_278, %sign3A_281 : i32
        %sign3A_283 = arith.extui %sign3A_282 : i1 to i32
        %sign3A_284 = arith.constant 0 : i32
        %sign3A_285 = arith.cmpi slt, %add3A_278, %sign3A_284 : i32
        %sign3A_286 = arith.extui %sign3A_285 : i1 to i32
        %sign3A_287 = arith.subi %sign3A_283, %sign3A_286 : i32
        %sign3A_288 = arith.constant 0 : i32
        %sign3A_289 = arith.cmpi sgt, %jit3A_279, %sign3A_288 : i32
        %sign3A_290 = arith.extui %sign3A_289 : i1 to i32
        %sign3A_291 = arith.constant 0 : i32
        %sign3A_292 = arith.cmpi slt, %jit3A_279, %sign3A_291 : i32
        %sign3A_293 = arith.extui %sign3A_292 : i1 to i32
        %sign3A_294 = arith.subi %sign3A_290, %sign3A_293 : i32
        %ne3A_295 = arith.cmpi ne, %sign3A_287, %sign3A_294 : i32
        %rem3A_296 = arith.remsi %add3A_278, %jit3A_279 : i32
        %ne3A_297 = arith.constant 0 : i32
        %ne3A_298 = arith.cmpi ne, %rem3A_296, %ne3A_297 : i32
        %and3A_299 = arith.andi %ne3A_295, %ne3A_298 : i1
        %sub3A_300 = arith.constant 1 : i32
        %sub3A_301 = arith.subi %div3A_280, %sub3A_300 : i32
        %select_n3A_302 = arith.select %and3A_299, %sub3A_301, %div3A_280 : i32
        %jit3A_303 = arith.constant 48 : i32
        %eq3A_304 = arith.constant 0 : i32
        %eq3A_305 = arith.cmpi eq, %jit3A_303, %eq3A_304 : i32
        %jit3A_306 = arith.constant 1 : i32
        %select_n3A_307 = arith.select %eq3A_305, %jit3A_306, %jit3A_303 : i32
        %rem3A_308 = arith.remsi %add3A_278, %select_n3A_307 : i32
        %ne3A_309 = arith.constant 0 : i32
        %ne3A_310 = arith.cmpi ne, %rem3A_308, %ne3A_309 : i32
        %lt3A_311 = arith.constant 0 : i32
        %lt3A_312 = arith.cmpi slt, %rem3A_308, %lt3A_311 : i32
        %lt3A_313 = arith.constant 0 : i32
        %lt3A_314 = arith.cmpi slt, %select_n3A_307, %lt3A_313 : i32
        %ne3A_315 = arith.xori %lt3A_312, %lt3A_314 : i1
        %and3A_316 = arith.andi %ne3A_315, %ne3A_310 : i1
        %add3A_317 = arith.addi %rem3A_308, %select_n3A_307 : i32
        %select_n3A_318 = arith.select %and3A_316, %add3A_317, %rem3A_308 : i32
        %mul3A_319 = arith.constant 2048 : i32
        %mul3A_320 = arith.muli %select_n3A_318, %mul3A_319 : i32
        %mul3A_321 = arith.constant 100000 : i32
        %mul3A_322 = arith.muli %select_n3A_302, %mul3A_321 : i32
        %add3A_323 = arith.addi %mul3A_322, %mul3A_320 : i32
        "tpu.region"() ({
          %run_scoped3A = tpu.sem_alloc : memref<!tpu.dma_semaphore, #tpu.memory_space<semaphore_mem>>
          %dma_start3A_324 = tpu.memref_slice %arg7[%add3A_323] : memref<2600000xf32, #tpu.memory_space<hbm>> -> memref<2048xf32, #tpu.memory_space<hbm>>
          %dma_start3A_325 = tpu.memref_slice %arg7[%add3A_323] : memref<2600000xf32, #tpu.memory_space<hbm>> -> memref<2048xf32, #tpu.memory_space<hbm>>
          tpu.enqueue_dma source(%arg11 : memref<2048xf32, #tpu.memory_space<vmem>>) target(%dma_start3A_325 : memref<2048xf32, #tpu.memory_space<hbm>>) target_semaphore(%run_scoped3A : memref<!tpu.dma_semaphore, #tpu.memory_space<semaphore_mem>>)
          %dma_wait3A_326 = tpu.memref_slice %arg7[%add3A_323] : memref<2600000xf32, #tpu.memory_space<hbm>> -> memref<2048xf32, #tpu.memory_space<hbm>>
          %dma_wait3A_327 = tpu.memref_slice %arg7[%add3A_323] : memref<2600000xf32, #tpu.memory_space<hbm>> -> memref<2048xf32, #tpu.memory_space<hbm>>
          tpu.wait_dma2 semaphore(%run_scoped3A : memref<!tpu.dma_semaphore, #tpu.memory_space<semaphore_mem>>) src(%arg11 : memref<2048xf32, #tpu.memory_space<vmem>>) dst(%dma_wait3A_327 : memref<2048xf32, #tpu.memory_space<hbm>>)
          tpu.yield
        }) : () -> ()
      } else {
      }
      %jit3A_198 = arith.constant 2 : i32
      %eq3A_199 = arith.constant 0 : i32
      %eq3A_200 = arith.cmpi eq, %jit3A_198, %eq3A_199 : i32
      %jit3A_201 = arith.constant 1 : i32
      %select_n3A_202 = arith.select %eq3A_200, %jit3A_201, %jit3A_198 : i32
      %rem3A_203 = arith.remsi %scan3A_176, %select_n3A_202 : i32
      %ne3A_204 = arith.constant 0 : i32
      %ne3A_205 = arith.cmpi ne, %rem3A_203, %ne3A_204 : i32
      %lt3A_206 = arith.constant 0 : i32
      %lt3A_207 = arith.cmpi slt, %rem3A_203, %lt3A_206 : i32
      %lt3A_208 = arith.constant 0 : i32
      %lt3A_209 = arith.cmpi slt, %select_n3A_202, %lt3A_208 : i32
      %ne3A_210 = arith.xori %lt3A_207, %lt3A_209 : i1
      %and3A_211 = arith.andi %ne3A_210, %ne3A_205 : i1
      %add3A_212 = arith.addi %rem3A_203, %select_n3A_202 : i32
      %select_n3A_213 = arith.select %and3A_211, %add3A_212, %rem3A_203 : i32
      %eq3A_214 = arith.constant 1 : i32
      %eq3A_215 = arith.cmpi eq, %select_n3A_213, %eq3A_214 : i32
      %convert_element_type3A_216 = arith.extui %eq3A_215 : i1 to i32
      %cond3A_217 = arith.constant 0 : i32
      %cond3A_218 = arith.cmpi ne, %convert_element_type3A_216, %cond3A_217 : i32
      scf.if %cond3A_218 {
        %mul3A_219 = arith.constant 32 : i32
        %mul3A_220 = arith.muli %scan3A_176, %mul3A_219 : i32
        %add3A_221 = arith.addi %mul3A_220, %add3A : i32
        %jit3A_222 = arith.constant 48 : i32
        %div3A_223 = arith.divsi %add3A_221, %jit3A_222 : i32
        %sign3A_224 = arith.constant 0 : i32
        %sign3A_225 = arith.cmpi sgt, %add3A_221, %sign3A_224 : i32
        %sign3A_226 = arith.extui %sign3A_225 : i1 to i32
        %sign3A_227 = arith.constant 0 : i32
        %sign3A_228 = arith.cmpi slt, %add3A_221, %sign3A_227 : i32
        %sign3A_229 = arith.extui %sign3A_228 : i1 to i32
        %sign3A_230 = arith.subi %sign3A_226, %sign3A_229 : i32
        %sign3A_231 = arith.constant 0 : i32
        %sign3A_232 = arith.cmpi sgt, %jit3A_222, %sign3A_231 : i32
        %sign3A_233 = arith.extui %sign3A_232 : i1 to i32
        %sign3A_234 = arith.constant 0 : i32
        %sign3A_235 = arith.cmpi slt, %jit3A_222, %sign3A_234 : i32
        %sign3A_236 = arith.extui %sign3A_235 : i1 to i32
        %sign3A_237 = arith.subi %sign3A_233, %sign3A_236 : i32
        %ne3A_238 = arith.cmpi ne, %sign3A_230, %sign3A_237 : i32
        %rem3A_239 = arith.remsi %add3A_221, %jit3A_222 : i32
        %ne3A_240 = arith.constant 0 : i32
        %ne3A_241 = arith.cmpi ne, %rem3A_239, %ne3A_240 : i32
        %and3A_242 = arith.andi %ne3A_238, %ne3A_241 : i1
        %sub3A_243 = arith.constant 1 : i32
        %sub3A_244 = arith.subi %div3A_223, %sub3A_243 : i32
        %select_n3A_245 = arith.select %and3A_242, %sub3A_244, %div3A_223 : i32
        %jit3A_246 = arith.constant 48 : i32
        %eq3A_247 = arith.constant 0 : i32
        %eq3A_248 = arith.cmpi eq, %jit3A_246, %eq3A_247 : i32
        %jit3A_249 = arith.constant 1 : i32
        %select_n3A_250 = arith.select %eq3A_248, %jit3A_249, %jit3A_246 : i32
        %rem3A_251 = arith.remsi %add3A_221, %select_n3A_250 : i32
        %ne3A_252 = arith.constant 0 : i32
        %ne3A_253 = arith.cmpi ne, %rem3A_251, %ne3A_252 : i32
        %lt3A_254 = arith.constant 0 : i32
        %lt3A_255 = arith.cmpi slt, %rem3A_251, %lt3A_254 : i32
        %lt3A_256 = arith.constant 0 : i32
        %lt3A_257 = arith.cmpi slt, %select_n3A_250, %lt3A_256 : i32
        %ne3A_258 = arith.xori %lt3A_255, %lt3A_257 : i1
        %and3A_259 = arith.andi %ne3A_258, %ne3A_253 : i1
        %add3A_260 = arith.addi %rem3A_251, %select_n3A_250 : i32
        %select_n3A_261 = arith.select %and3A_259, %add3A_260, %rem3A_251 : i32
        %mul3A_262 = arith.constant 2048 : i32
        %mul3A_263 = arith.muli %select_n3A_261, %mul3A_262 : i32
        %dma_wait3A_264 = arith.constant 0 : i32
        %dma_wait3A_265 = tpu.memref_slice %arg3[%select_n3A_245, %dma_wait3A_264, %mul3A_263] : memref<26x1x100000xf32, #tpu.memory_space<hbm>> -> memref<1x1x2048xf32, #tpu.memory_space<hbm>>
        %dma_wait3A_266 = tpu.memref_squeeze %dma_wait3A_265 : memref<1x1x2048xf32, #tpu.memory_space<hbm>> -> memref<2048xf32, #tpu.memory_space<hbm>>
        %dma_wait3A_267 = tpu.memref_slice %arg3[%select_n3A_245, %dma_wait3A_264, %mul3A_263] : memref<26x1x100000xf32, #tpu.memory_space<hbm>> -> memref<1x1x2048xf32, #tpu.memory_space<hbm>>
        %dma_wait3A_268 = tpu.memref_squeeze %dma_wait3A_267 : memref<1x1x2048xf32, #tpu.memory_space<hbm>> -> memref<2048xf32, #tpu.memory_space<hbm>>
        tpu.wait_dma2 semaphore(%arg16 : memref<!tpu.dma_semaphore, #tpu.memory_space<semaphore_mem>>) src(%dma_wait3A_268 : memref<2048xf32, #tpu.memory_space<hbm>>) dst(%arg12 : memref<2048xf32, #tpu.memory_space<vmem>>)
        %add3A_269 = arith.constant 1 : i32
        %add3A_270 = arith.addi %scan3A_176, %add3A_269 : i32
        %lt3A_271 = arith.constant 39 : i32
        %lt3A_272 = arith.cmpi slt, %add3A_270, %lt3A_271 : i32
        %convert_element_type3A_273 = arith.extui %lt3A_272 : i1 to i32
        %cond3A_274 = arith.constant 0 : i32
        %cond3A_275 = arith.cmpi ne, %convert_element_type3A_273, %cond3A_274 : i32
        scf.if %cond3A_275 {
          %add3A_324 = arith.constant 1 : i32
          %add3A_325 = arith.addi %scan3A_176, %add3A_324 : i32
          %mul3A_326 = arith.constant 32 : i32
          %mul3A_327 = arith.muli %add3A_325, %mul3A_326 : i32
          %add3A_328 = arith.addi %mul3A_327, %add3A : i32
          %jit3A_329 = arith.constant 48 : i32
          %div3A_330 = arith.divsi %add3A_328, %jit3A_329 : i32
          %sign3A_331 = arith.constant 0 : i32
          %sign3A_332 = arith.cmpi sgt, %add3A_328, %sign3A_331 : i32
          %sign3A_333 = arith.extui %sign3A_332 : i1 to i32
          %sign3A_334 = arith.constant 0 : i32
          %sign3A_335 = arith.cmpi slt, %add3A_328, %sign3A_334 : i32
          %sign3A_336 = arith.extui %sign3A_335 : i1 to i32
          %sign3A_337 = arith.subi %sign3A_333, %sign3A_336 : i32
          %sign3A_338 = arith.constant 0 : i32
          %sign3A_339 = arith.cmpi sgt, %jit3A_329, %sign3A_338 : i32
          %sign3A_340 = arith.extui %sign3A_339 : i1 to i32
          %sign3A_341 = arith.constant 0 : i32
          %sign3A_342 = arith.cmpi slt, %jit3A_329, %sign3A_341 : i32
          %sign3A_343 = arith.extui %sign3A_342 : i1 to i32
          %sign3A_344 = arith.subi %sign3A_340, %sign3A_343 : i32
          %ne3A_345 = arith.cmpi ne, %sign3A_337, %sign3A_344 : i32
          %rem3A_346 = arith.remsi %add3A_328, %jit3A_329 : i32
          %ne3A_347 = arith.constant 0 : i32
          %ne3A_348 = arith.cmpi ne, %rem3A_346, %ne3A_347 : i32
          %and3A_349 = arith.andi %ne3A_345, %ne3A_348 : i1
          %sub3A_350 = arith.constant 1 : i32
          %sub3A_351 = arith.subi %div3A_330, %sub3A_350 : i32
          %select_n3A_352 = arith.select %and3A_349, %sub3A_351, %div3A_330 : i32
          %jit3A_353 = arith.constant 48 : i32
          %eq3A_354 = arith.constant 0 : i32
          %eq3A_355 = arith.cmpi eq, %jit3A_353, %eq3A_354 : i32
          %jit3A_356 = arith.constant 1 : i32
          %select_n3A_357 = arith.select %eq3A_355, %jit3A_356, %jit3A_353 : i32
          %rem3A_358 = arith.remsi %add3A_328, %select_n3A_357 : i32
          %ne3A_359 = arith.constant 0 : i32
          %ne3A_360 = arith.cmpi ne, %rem3A_358, %ne3A_359 : i32
          %lt3A_361 = arith.constant 0 : i32
          %lt3A_362 = arith.cmpi slt, %rem3A_358, %lt3A_361 : i32
          %lt3A_363 = arith.constant 0 : i32
          %lt3A_364 = arith.cmpi slt, %select_n3A_357, %lt3A_363 : i32
          %ne3A_365 = arith.xori %lt3A_362, %lt3A_364 : i1
          %and3A_366 = arith.andi %ne3A_365, %ne3A_360 : i1
          %add3A_367 = arith.addi %rem3A_358, %select_n3A_357 : i32
          %select_n3A_368 = arith.select %and3A_366, %add3A_367, %rem3A_358 : i32
          %mul3A_369 = arith.constant 2048 : i32
          %mul3A_370 = arith.muli %select_n3A_368, %mul3A_369 : i32
          %dma_start3A_371 = arith.constant 0 : i32
          %dma_start3A_372 = tpu.memref_slice %arg3[%select_n3A_352, %dma_start3A_371, %mul3A_370] : memref<26x1x100000xf32, #tpu.memory_space<hbm>> -> memref<1x1x2048xf32, #tpu.memory_space<hbm>>
          %dma_start3A_373 = tpu.memref_squeeze %dma_start3A_372 : memref<1x1x2048xf32, #tpu.memory_space<hbm>> -> memref<2048xf32, #tpu.memory_space<hbm>>
          %dma_start3A_374 = tpu.memref_slice %arg3[%select_n3A_352, %dma_start3A_371, %mul3A_370] : memref<26x1x100000xf32, #tpu.memory_space<hbm>> -> memref<1x1x2048xf32, #tpu.memory_space<hbm>>
          %dma_start3A_375 = tpu.memref_squeeze %dma_start3A_374 : memref<1x1x2048xf32, #tpu.memory_space<hbm>> -> memref<2048xf32, #tpu.memory_space<hbm>>
          tpu.enqueue_dma source(%dma_start3A_375 : memref<2048xf32, #tpu.memory_space<hbm>>) target(%arg11 : memref<2048xf32, #tpu.memory_space<vmem>>) target_semaphore(%arg15 : memref<!tpu.dma_semaphore, #tpu.memory_space<semaphore_mem>>)
        } else {
        }
        %mul3A_276 = arith.constant 32 : i32
        %mul3A_277 = arith.muli %scan3A_176, %mul3A_276 : i32
        %add3A_278 = arith.addi %mul3A_277, %add3A : i32
        %jit3A_279 = arith.constant 48 : i32
        %div3A_280 = arith.divsi %add3A_278, %jit3A_279 : i32
        %sign3A_281 = arith.constant 0 : i32
        %sign3A_282 = arith.cmpi sgt, %add3A_278, %sign3A_281 : i32
        %sign3A_283 = arith.extui %sign3A_282 : i1 to i32
        %sign3A_284 = arith.constant 0 : i32
        %sign3A_285 = arith.cmpi slt, %add3A_278, %sign3A_284 : i32
        %sign3A_286 = arith.extui %sign3A_285 : i1 to i32
        %sign3A_287 = arith.subi %sign3A_283, %sign3A_286 : i32
        %sign3A_288 = arith.constant 0 : i32
        %sign3A_289 = arith.cmpi sgt, %jit3A_279, %sign3A_288 : i32
        %sign3A_290 = arith.extui %sign3A_289 : i1 to i32
        %sign3A_291 = arith.constant 0 : i32
        %sign3A_292 = arith.cmpi slt, %jit3A_279, %sign3A_291 : i32
        %sign3A_293 = arith.extui %sign3A_292 : i1 to i32
        %sign3A_294 = arith.subi %sign3A_290, %sign3A_293 : i32
        %ne3A_295 = arith.cmpi ne, %sign3A_287, %sign3A_294 : i32
        %rem3A_296 = arith.remsi %add3A_278, %jit3A_279 : i32
        %ne3A_297 = arith.constant 0 : i32
        %ne3A_298 = arith.cmpi ne, %rem3A_296, %ne3A_297 : i32
        %and3A_299 = arith.andi %ne3A_295, %ne3A_298 : i1
        %sub3A_300 = arith.constant 1 : i32
        %sub3A_301 = arith.subi %div3A_280, %sub3A_300 : i32
        %select_n3A_302 = arith.select %and3A_299, %sub3A_301, %div3A_280 : i32
        %jit3A_303 = arith.constant 48 : i32
        %eq3A_304 = arith.constant 0 : i32
        %eq3A_305 = arith.cmpi eq, %jit3A_303, %eq3A_304 : i32
        %jit3A_306 = arith.constant 1 : i32
        %select_n3A_307 = arith.select %eq3A_305, %jit3A_306, %jit3A_303 : i32
        %rem3A_308 = arith.remsi %add3A_278, %select_n3A_307 : i32
        %ne3A_309 = arith.constant 0 : i32
        %ne3A_310 = arith.cmpi ne, %rem3A_308, %ne3A_309 : i32
        %lt3A_311 = arith.constant 0 : i32
        %lt3A_312 = arith.cmpi slt, %rem3A_308, %lt3A_311 : i32
        %lt3A_313 = arith.constant 0 : i32
        %lt3A_314 = arith.cmpi slt, %select_n3A_307, %lt3A_313 : i32
        %ne3A_315 = arith.xori %lt3A_312, %lt3A_314 : i1
        %and3A_316 = arith.andi %ne3A_315, %ne3A_310 : i1
        %add3A_317 = arith.addi %rem3A_308, %select_n3A_307 : i32
        %select_n3A_318 = arith.select %and3A_316, %add3A_317, %rem3A_308 : i32
        %mul3A_319 = arith.constant 2048 : i32
        %mul3A_320 = arith.muli %select_n3A_318, %mul3A_319 : i32
        %mul3A_321 = arith.constant 100000 : i32
        %mul3A_322 = arith.muli %select_n3A_302, %mul3A_321 : i32
        %add3A_323 = arith.addi %mul3A_322, %mul3A_320 : i32
        "tpu.region"() ({
          %run_scoped3A = tpu.sem_alloc : memref<!tpu.dma_semaphore, #tpu.memory_space<semaphore_mem>>
          %dma_start3A_324 = tpu.memref_slice %arg7[%add3A_323] : memref<2600000xf32, #tpu.memory_space<hbm>> -> memref<2048xf32, #tpu.memory_space<hbm>>
          %dma_start3A_325 = tpu.memref_slice %arg7[%add3A_323] : memref<2600000xf32, #tpu.memory_space<hbm>> -> memref<2048xf32, #tpu.memory_space<hbm>>
          tpu.enqueue_dma source(%arg12 : memref<2048xf32, #tpu.memory_space<vmem>>) target(%dma_start3A_325 : memref<2048xf32, #tpu.memory_space<hbm>>) target_semaphore(%run_scoped3A : memref<!tpu.dma_semaphore, #tpu.memory_space<semaphore_mem>>)
          %dma_wait3A_326 = tpu.memref_slice %arg7[%add3A_323] : memref<2600000xf32, #tpu.memory_space<hbm>> -> memref<2048xf32, #tpu.memory_space<hbm>>
          %dma_wait3A_327 = tpu.memref_slice %arg7[%add3A_323] : memref<2600000xf32, #tpu.memory_space<hbm>> -> memref<2048xf32, #tpu.memory_space<hbm>>
          tpu.wait_dma2 semaphore(%run_scoped3A : memref<!tpu.dma_semaphore, #tpu.memory_space<semaphore_mem>>) src(%arg12 : memref<2048xf32, #tpu.memory_space<vmem>>) dst(%dma_wait3A_327 : memref<2048xf32, #tpu.memory_space<hbm>>)
          tpu.yield
        }) : () -> ()
      } else {
      }
    }
    %scan3A_170 = arith.constant 39 : i32
    %lt3A_171 = arith.constant 26 : i32
    %lt3A_172 = arith.cmpi slt, %add3A, %lt3A_171 : i32
    %convert_element_type3A_173 = arith.extui %lt3A_172 : i1 to i32
    %cond3A_174 = arith.constant 0 : i32
    %cond3A_175 = arith.cmpi ne, %convert_element_type3A_173, %cond3A_174 : i32
    scf.if %cond3A_175 {
      %dma_start3A_176 = arith.constant 0 : i32
      %dma_start3A_177 = arith.constant 0 : i32
      %dma_start3A_178 = tpu.memref_slice %arg11[%dma_start3A_177] : memref<2048xf32, #tpu.memory_space<vmem>> -> memref<1664xf32, #tpu.memory_space<vmem>>
      %dma_start3A_179 = arith.constant 98304 : i32
      %dma_start3A_180 = tpu.memref_slice %arg3[%add3A, %dma_start3A_176, %dma_start3A_179] : memref<26x1x100000xf32, #tpu.memory_space<hbm>> -> memref<1x1x1664xf32, #tpu.memory_space<hbm>>
      %dma_start3A_181 = tpu.memref_squeeze %dma_start3A_180 : memref<1x1x1664xf32, #tpu.memory_space<hbm>> -> memref<1664xf32, #tpu.memory_space<hbm>>
      %dma_start3A_182 = arith.constant 0 : i32
      %dma_start3A_183 = tpu.memref_slice %arg11[%dma_start3A_182] : memref<2048xf32, #tpu.memory_space<vmem>> -> memref<1664xf32, #tpu.memory_space<vmem>>
      %dma_start3A_184 = arith.constant 98304 : i32
      %dma_start3A_185 = tpu.memref_slice %arg3[%add3A, %dma_start3A_176, %dma_start3A_184] : memref<26x1x100000xf32, #tpu.memory_space<hbm>> -> memref<1x1x1664xf32, #tpu.memory_space<hbm>>
      %dma_start3A_186 = tpu.memref_squeeze %dma_start3A_185 : memref<1x1x1664xf32, #tpu.memory_space<hbm>> -> memref<1664xf32, #tpu.memory_space<hbm>>
      tpu.enqueue_dma source(%dma_start3A_186 : memref<1664xf32, #tpu.memory_space<hbm>>) target(%dma_start3A_183 : memref<1664xf32, #tpu.memory_space<vmem>>) target_semaphore(%arg14 : memref<!tpu.dma_semaphore, #tpu.memory_space<semaphore_mem>>)
      %dma_wait3A_187 = arith.constant 0 : i32
      %dma_wait3A_188 = arith.constant 0 : i32
      %dma_wait3A_189 = tpu.memref_slice %arg11[%dma_wait3A_188] : memref<2048xf32, #tpu.memory_space<vmem>> -> memref<1664xf32, #tpu.memory_space<vmem>>
      %dma_wait3A_190 = arith.constant 98304 : i32
      %dma_wait3A_191 = tpu.memref_slice %arg3[%add3A, %dma_wait3A_187, %dma_wait3A_190] : memref<26x1x100000xf32, #tpu.memory_space<hbm>> -> memref<1x1x1664xf32, #tpu.memory_space<hbm>>
      %dma_wait3A_192 = tpu.memref_squeeze %dma_wait3A_191 : memref<1x1x1664xf32, #tpu.memory_space<hbm>> -> memref<1664xf32, #tpu.memory_space<hbm>>
      %dma_wait3A_193 = arith.constant 0 : i32
      %dma_wait3A_194 = tpu.memref_slice %arg11[%dma_wait3A_193] : memref<2048xf32, #tpu.memory_space<vmem>> -> memref<1664xf32, #tpu.memory_space<vmem>>
      %dma_wait3A_195 = arith.constant 98304 : i32
      %dma_wait3A_196 = tpu.memref_slice %arg3[%add3A, %dma_wait3A_187, %dma_wait3A_195] : memref<26x1x100000xf32, #tpu.memory_space<hbm>> -> memref<1x1x1664xf32, #tpu.memory_space<hbm>>
      %dma_wait3A_197 = tpu.memref_squeeze %dma_wait3A_196 : memref<1x1x1664xf32, #tpu.memory_space<hbm>> -> memref<1664xf32, #tpu.memory_space<hbm>>
      tpu.wait_dma2 semaphore(%arg14 : memref<!tpu.dma_semaphore, #tpu.memory_space<semaphore_mem>>) src(%dma_wait3A_197 : memref<1664xf32, #tpu.memory_space<hbm>>) dst(%dma_wait3A_194 : memref<1664xf32, #tpu.memory_space<vmem>>)
      %mul3A_198 = arith.constant 100000 : i32
      %mul3A_199 = arith.muli %add3A, %mul3A_198 : i32
      %add3A_200 = arith.constant 98304 : i32
      %add3A_201 = arith.addi %mul3A_199, %add3A_200 : i32
      "tpu.region"() ({
        %run_scoped3A = tpu.sem_alloc : memref<!tpu.dma_semaphore, #tpu.memory_space<semaphore_mem>>
        %dma_start3A_220 = arith.constant 0 : i32
        %dma_start3A_221 = tpu.memref_slice %arg11[%dma_start3A_220] : memref<2048xf32, #tpu.memory_space<vmem>> -> memref<1664xf32, #tpu.memory_space<vmem>>
        %dma_start3A_222 = tpu.memref_slice %arg7[%add3A_201] : memref<2600000xf32, #tpu.memory_space<hbm>> -> memref<1664xf32, #tpu.memory_space<hbm>>
        %dma_start3A_223 = tpu.memref_slice %arg7[%add3A_201] : memref<2600000xf32, #tpu.memory_space<hbm>> -> memref<1664xf32, #tpu.memory_space<hbm>>
        %dma_start3A_224 = arith.constant 0 : i32
        %dma_start3A_225 = tpu.memref_slice %arg11[%dma_start3A_224] : memref<2048xf32, #tpu.memory_space<vmem>> -> memref<1664xf32, #tpu.memory_space<vmem>>
        tpu.enqueue_dma source(%dma_start3A_225 : memref<1664xf32, #tpu.memory_space<vmem>>) target(%dma_start3A_223 : memref<1664xf32, #tpu.memory_space<hbm>>) target_semaphore(%run_scoped3A : memref<!tpu.dma_semaphore, #tpu.memory_space<semaphore_mem>>)
        %dma_wait3A_226 = arith.constant 0 : i32
        %dma_wait3A_227 = tpu.memref_slice %arg11[%dma_wait3A_226] : memref<2048xf32, #tpu.memory_space<vmem>> -> memref<1664xf32, #tpu.memory_space<vmem>>
        %dma_wait3A_228 = tpu.memref_slice %arg7[%add3A_201] : memref<2600000xf32, #tpu.memory_space<hbm>> -> memref<1664xf32, #tpu.memory_space<hbm>>
        %dma_wait3A_229 = tpu.memref_slice %arg7[%add3A_201] : memref<2600000xf32, #tpu.memory_space<hbm>> -> memref<1664xf32, #tpu.memory_space<hbm>>
        %dma_wait3A_230 = arith.constant 0 : i32
        %dma_wait3A_231 = tpu.memref_slice %arg11[%dma_wait3A_230] : memref<2048xf32, #tpu.memory_space<vmem>> -> memref<1664xf32, #tpu.memory_space<vmem>>
        tpu.wait_dma2 semaphore(%run_scoped3A : memref<!tpu.dma_semaphore, #tpu.memory_space<semaphore_mem>>) src(%dma_wait3A_231 : memref<1664xf32, #tpu.memory_space<vmem>>) dst(%dma_wait3A_229 : memref<1664xf32, #tpu.memory_space<hbm>>)
        tpu.yield
      }) : () -> ()
      %mul3A_202 = arith.constant 32 : i32
      %mul3A_203 = arith.muli %add3A, %mul3A_202 : i32
      %dma_start3A_204 = arith.constant 0 : i32
      %dma_start3A_205 = tpu.memref_slice %arg11[%dma_start3A_204] : memref<2048xf32, #tpu.memory_space<vmem>> -> memref<32xf32, #tpu.memory_space<vmem>>
      %dma_start3A_206 = tpu.memref_slice %arg5[%mul3A_203] : memref<832xf32, #tpu.memory_space<hbm>> -> memref<32xf32, #tpu.memory_space<hbm>>
      %dma_start3A_207 = arith.constant 0 : i32
      %dma_start3A_208 = tpu.memref_slice %arg11[%dma_start3A_207] : memref<2048xf32, #tpu.memory_space<vmem>> -> memref<32xf32, #tpu.memory_space<vmem>>
      %dma_start3A_209 = tpu.memref_slice %arg5[%mul3A_203] : memref<832xf32, #tpu.memory_space<hbm>> -> memref<32xf32, #tpu.memory_space<hbm>>
      tpu.enqueue_dma source(%dma_start3A_209 : memref<32xf32, #tpu.memory_space<hbm>>) target(%dma_start3A_208 : memref<32xf32, #tpu.memory_space<vmem>>) target_semaphore(%arg14 : memref<!tpu.dma_semaphore, #tpu.memory_space<semaphore_mem>>)
      %dma_wait3A_210 = arith.constant 0 : i32
      %dma_wait3A_211 = tpu.memref_slice %arg11[%dma_wait3A_210] : memref<2048xf32, #tpu.memory_space<vmem>> -> memref<32xf32, #tpu.memory_space<vmem>>
      %dma_wait3A_212 = tpu.memref_slice %arg5[%mul3A_203] : memref<832xf32, #tpu.memory_space<hbm>> -> memref<32xf32, #tpu.memory_space<hbm>>
      %dma_wait3A_213 = arith.constant 0 : i32
      %dma_wait3A_214 = tpu.memref_slice %arg11[%dma_wait3A_213] : memref<2048xf32, #tpu.memory_space<vmem>> -> memref<32xf32, #tpu.memory_space<vmem>>
      %dma_wait3A_215 = tpu.memref_slice %arg5[%mul3A_203] : memref<832xf32, #tpu.memory_space<hbm>> -> memref<32xf32, #tpu.memory_space<hbm>>
      tpu.wait_dma2 semaphore(%arg14 : memref<!tpu.dma_semaphore, #tpu.memory_space<semaphore_mem>>) src(%dma_wait3A_215 : memref<32xf32, #tpu.memory_space<hbm>>) dst(%dma_wait3A_214 : memref<32xf32, #tpu.memory_space<vmem>>)
      %mul3A_216 = arith.constant 100000 : i32
      %mul3A_217 = arith.muli %add3A, %mul3A_216 : i32
      %add3A_218 = arith.constant 99968 : i32
      %add3A_219 = arith.addi %mul3A_217, %add3A_218 : i32
      "tpu.region"() ({
        %run_scoped3A = tpu.sem_alloc : memref<!tpu.dma_semaphore, #tpu.memory_space<semaphore_mem>>
        %dma_start3A_220 = arith.constant 0 : i32
        %dma_start3A_221 = tpu.memref_slice %arg11[%dma_start3A_220] : memref<2048xf32, #tpu.memory_space<vmem>> -> memref<32xf32, #tpu.memory_space<vmem>>
        %dma_start3A_222 = tpu.memref_slice %arg7[%add3A_219] : memref<2600000xf32, #tpu.memory_space<hbm>> -> memref<32xf32, #tpu.memory_space<hbm>>
        %dma_start3A_223 = tpu.memref_slice %arg7[%add3A_219] : memref<2600000xf32, #tpu.memory_space<hbm>> -> memref<32xf32, #tpu.memory_space<hbm>>
        %dma_start3A_224 = arith.constant 0 : i32
        %dma_start3A_225 = tpu.memref_slice %arg11[%dma_start3A_224] : memref<2048xf32, #tpu.memory_space<vmem>> -> memref<32xf32, #tpu.memory_space<vmem>>
        tpu.enqueue_dma source(%dma_start3A_225 : memref<32xf32, #tpu.memory_space<vmem>>) target(%dma_start3A_223 : memref<32xf32, #tpu.memory_space<hbm>>) target_semaphore(%run_scoped3A : memref<!tpu.dma_semaphore, #tpu.memory_space<semaphore_mem>>)
        %dma_wait3A_226 = arith.constant 0 : i32
        %dma_wait3A_227 = tpu.memref_slice %arg11[%dma_wait3A_226] : memref<2048xf32, #tpu.memory_space<vmem>> -> memref<32xf32, #tpu.memory_space<vmem>>
        %dma_wait3A_228 = tpu.memref_slice %arg7[%add3A_219] : memref<2600000xf32, #tpu.memory_space<hbm>> -> memref<32xf32, #tpu.memory_space<hbm>>
        %dma_wait3A_229 = tpu.memref_slice %arg7[%add3A_219] : memref<2600000xf32, #tpu.memory_space<hbm>> -> memref<32xf32, #tpu.memory_space<hbm>>
        %dma_wait3A_230 = arith.constant 0 : i32
        %dma_wait3A_231 = tpu.memref_slice %arg11[%dma_wait3A_230] : memref<2048xf32, #tpu.memory_space<vmem>> -> memref<32xf32, #tpu.memory_space<vmem>>
        tpu.wait_dma2 semaphore(%run_scoped3A : memref<!tpu.dma_semaphore, #tpu.memory_space<semaphore_mem>>) src(%dma_wait3A_231 : memref<32xf32, #tpu.memory_space<vmem>>) dst(%dma_wait3A_229 : memref<32xf32, #tpu.memory_space<hbm>>)
        tpu.yield
      }) : () -> ()
    } else {
    }
    return
  }
}

#map = affine_map<(d0, d1) -> (0, 0, 0, 0)>
#map1 = affine_map<(d0, d1) -> (0, 0)>
#map2 = affine_map<(d0, d1) -> (0)>
module attributes {stable_mosaic.version = 14 : i64} {
  func.func @_sc_gather(%arg0: i32, %arg1: i32, %arg2: memref<32x26x4x128xi32, #tpu.memory_space<hbm>>, %arg3: memref<2600000x16xf32, #tpu.memory_space<hbm>>, %arg4: memref<2600000xf32, #tpu.memory_space<hbm>>, %arg5: memref<16384x416xf32, #tpu.memory_space<hbm>>, %arg6: memref<425984xf32, #tpu.memory_space<hbm>>, %arg7: memref<26x4x128xi32, #tpu.memory_space<vmem>>, %arg8: memref<128x16xf32, #tpu.memory_space<vmem>>, %arg9: memref<128xf32, #tpu.memory_space<vmem>>, %arg10: memref<!tpu.dma_semaphore, #tpu.memory_space<semaphore_mem>>, %arg11: memref<!tpu.dma_semaphore, #tpu.memory_space<semaphore_mem>>) attributes {dimension_semantics = [#tpu.dimension_semantics<core_parallel>, #tpu.dimension_semantics<subcore_parallel>], iteration_bounds = array<i64: 2, 16>, scalar_prefetch = 0 : i64, scratch_operands = 5 : i64, tpu.core_type = #tpu.core_type<sc_vector_subcore>, window_params = [{transform_indices = #map}, {transform_indices = #map1}, {transform_indices = #map2}, {transform_indices = #map1}, {transform_indices = #map2}]} {
    %mul3A = arith.constant 2 : i32
    %mul3A_0 = arith.muli %arg1, %mul3A : i32
    %add3A = arith.addi %mul3A_0, %arg0 : i32
    %mul3A_1 = arith.constant 512 : i32
    %mul3A_2 = arith.muli %add3A, %mul3A_1 : i32
    "tpu.region"() ({
      %run_scoped3A = tpu.sem_alloc : memref<!tpu.dma_semaphore, #tpu.memory_space<semaphore_mem>>
      %dma_start3A = arith.constant 0 : i32
      %dma_start3A_8 = arith.constant 0 : i32
      %dma_start3A_9 = arith.constant 0 : i32
      %dma_start3A_10 = tpu.memref_slice %arg2[%add3A, %dma_start3A, %dma_start3A_8, %dma_start3A_9] : memref<32x26x4x128xi32, #tpu.memory_space<hbm>> -> memref<1x26x4x128xi32, #tpu.memory_space<hbm>>
      %dma_start3A_11 = tpu.memref_squeeze %dma_start3A_10 : memref<1x26x4x128xi32, #tpu.memory_space<hbm>> -> memref<26x4x128xi32, #tpu.memory_space<hbm>>
      %dma_start3A_12 = arith.constant 0 : i32
      %dma_start3A_13 = arith.constant 0 : i32
      %dma_start3A_14 = arith.constant 0 : i32
      %dma_start3A_15 = tpu.memref_slice %arg2[%add3A, %dma_start3A_12, %dma_start3A_13, %dma_start3A_14] : memref<32x26x4x128xi32, #tpu.memory_space<hbm>> -> memref<1x26x4x128xi32, #tpu.memory_space<hbm>>
      %dma_start3A_16 = tpu.memref_squeeze %dma_start3A_15 : memref<1x26x4x128xi32, #tpu.memory_space<hbm>> -> memref<26x4x128xi32, #tpu.memory_space<hbm>>
      tpu.enqueue_dma source(%dma_start3A_16 : memref<26x4x128xi32, #tpu.memory_space<hbm>>) target(%arg7 : memref<26x4x128xi32, #tpu.memory_space<vmem>>) target_semaphore(%run_scoped3A : memref<!tpu.dma_semaphore, #tpu.memory_space<semaphore_mem>>)
      %dma_wait3A = arith.constant 0 : i32
      %dma_wait3A_17 = arith.constant 0 : i32
      %dma_wait3A_18 = arith.constant 0 : i32
      %dma_wait3A_19 = tpu.memref_slice %arg2[%add3A, %dma_wait3A, %dma_wait3A_17, %dma_wait3A_18] : memref<32x26x4x128xi32, #tpu.memory_space<hbm>> -> memref<1x26x4x128xi32, #tpu.memory_space<hbm>>
      %dma_wait3A_20 = tpu.memref_squeeze %dma_wait3A_19 : memref<1x26x4x128xi32, #tpu.memory_space<hbm>> -> memref<26x4x128xi32, #tpu.memory_space<hbm>>
      %dma_wait3A_21 = arith.constant 0 : i32
      %dma_wait3A_22 = arith.constant 0 : i32
      %dma_wait3A_23 = arith.constant 0 : i32
      %dma_wait3A_24 = tpu.memref_slice %arg2[%add3A, %dma_wait3A_21, %dma_wait3A_22, %dma_wait3A_23] : memref<32x26x4x128xi32, #tpu.memory_space<hbm>> -> memref<1x26x4x128xi32, #tpu.memory_space<hbm>>
      %dma_wait3A_25 = tpu.memref_squeeze %dma_wait3A_24 : memref<1x26x4x128xi32, #tpu.memory_space<hbm>> -> memref<26x4x128xi32, #tpu.memory_space<hbm>>
      tpu.wait_dma2 semaphore(%run_scoped3A : memref<!tpu.dma_semaphore, #tpu.memory_space<semaphore_mem>>) src(%dma_wait3A_25 : memref<26x4x128xi32, #tpu.memory_space<hbm>>) dst(%arg7 : memref<26x4x128xi32, #tpu.memory_space<vmem>>)
      tpu.yield
    }) : () -> ()
    %scan3A = arith.constant 0 : i32
    %scan3A_3 = arith.constant 0 : i32
    %scan3A_4 = arith.constant 104 : i32
    %scan3A_5 = arith.addi %scan3A_3, %scan3A_4 : i32
    %scan3A_6 = arith.constant 1 : i32
    scf.for %scan3A_8 = %scan3A_3 to %scan3A_5 step %scan3A_6  : i32 {
      %jit3A = arith.constant 4 : i32
      %div3A = arith.divsi %scan3A_8, %jit3A : i32
      %sign3A = arith.constant 0 : i32
      %sign3A_9 = arith.cmpi sgt, %scan3A_8, %sign3A : i32
      %sign3A_10 = arith.extui %sign3A_9 : i1 to i32
      %sign3A_11 = arith.constant 0 : i32
      %sign3A_12 = arith.cmpi slt, %scan3A_8, %sign3A_11 : i32
      %sign3A_13 = arith.extui %sign3A_12 : i1 to i32
      %sign3A_14 = arith.subi %sign3A_10, %sign3A_13 : i32
      %sign3A_15 = arith.constant 0 : i32
      %sign3A_16 = arith.cmpi sgt, %jit3A, %sign3A_15 : i32
      %sign3A_17 = arith.extui %sign3A_16 : i1 to i32
      %sign3A_18 = arith.constant 0 : i32
      %sign3A_19 = arith.cmpi slt, %jit3A, %sign3A_18 : i32
      %sign3A_20 = arith.extui %sign3A_19 : i1 to i32
      %sign3A_21 = arith.subi %sign3A_17, %sign3A_20 : i32
      %ne3A = arith.cmpi ne, %sign3A_14, %sign3A_21 : i32
      %rem3A = arith.remsi %scan3A_8, %jit3A : i32
      %ne3A_22 = arith.constant 0 : i32
      %ne3A_23 = arith.cmpi ne, %rem3A, %ne3A_22 : i32
      %and3A = arith.andi %ne3A, %ne3A_23 : i1
      %sub3A = arith.constant 1 : i32
      %sub3A_24 = arith.subi %div3A, %sub3A : i32
      %select_n3A = arith.select %and3A, %sub3A_24, %div3A : i32
      %jit3A_25 = arith.constant 4 : i32
      %eq3A = arith.constant 0 : i32
      %eq3A_26 = arith.cmpi eq, %jit3A_25, %eq3A : i32
      %jit3A_27 = arith.constant 1 : i32
      %select_n3A_28 = arith.select %eq3A_26, %jit3A_27, %jit3A_25 : i32
      %rem3A_29 = arith.remsi %scan3A_8, %select_n3A_28 : i32
      %ne3A_30 = arith.constant 0 : i32
      %ne3A_31 = arith.cmpi ne, %rem3A_29, %ne3A_30 : i32
      %lt3A = arith.constant 0 : i32
      %lt3A_32 = arith.cmpi slt, %rem3A_29, %lt3A : i32
      %lt3A_33 = arith.constant 0 : i32
      %lt3A_34 = arith.cmpi slt, %select_n3A_28, %lt3A_33 : i32
      %ne3A_35 = arith.xori %lt3A_32, %lt3A_34 : i1
      %and3A_36 = arith.andi %ne3A_35, %ne3A_31 : i1
      %add3A_37 = arith.addi %rem3A_29, %select_n3A_28 : i32
      %select_n3A_38 = arith.select %and3A_36, %add3A_37, %rem3A_29 : i32
      %dma_start3A = arith.constant 0 : i32
      %dma_start3A_39 = tpu.memref_slice %arg7[%select_n3A, %select_n3A_38, %dma_start3A] : memref<26x4x128xi32, #tpu.memory_space<vmem>> -> memref<1x1x128xi32, #tpu.memory_space<vmem>>
      %dma_start3A_40 = tpu.memref_squeeze %dma_start3A_39 : memref<1x1x128xi32, #tpu.memory_space<vmem>> -> memref<128xi32, #tpu.memory_space<vmem>>
      %dma_start3A_41 = arith.constant 0 : i32
      %dma_start3A_42 = arith.constant 0 : i32
      %dma_start3A_43 = tpu.memref_slice %arg3[%dma_start3A_41, %dma_start3A_42] : memref<2600000x16xf32, #tpu.memory_space<hbm>> -> memref<2600000x16xf32, #tpu.memory_space<hbm>>
      tpu.enqueue_indirect_dma source(%dma_start3A_43 : memref<2600000x16xf32, #tpu.memory_space<hbm>>) target(%arg8 : memref<128x16xf32, #tpu.memory_space<vmem>>) offsets(%dma_start3A_40 : memref<128xi32, #tpu.memory_space<vmem>>) semaphore(%arg10 : memref<!tpu.dma_semaphore, #tpu.memory_space<semaphore_mem>>)
      %dma_start3A_44 = arith.constant 0 : i32
      %dma_start3A_45 = tpu.memref_slice %arg7[%select_n3A, %select_n3A_38, %dma_start3A_44] : memref<26x4x128xi32, #tpu.memory_space<vmem>> -> memref<1x1x128xi32, #tpu.memory_space<vmem>>
      %dma_start3A_46 = tpu.memref_squeeze %dma_start3A_45 : memref<1x1x128xi32, #tpu.memory_space<vmem>> -> memref<128xi32, #tpu.memory_space<vmem>>
      %dma_start3A_47 = arith.constant 0 : i32
      %dma_start3A_48 = tpu.memref_slice %arg4[%dma_start3A_47] : memref<2600000xf32, #tpu.memory_space<hbm>> -> memref<2600000xf32, #tpu.memory_space<hbm>>
      tpu.enqueue_indirect_dma source(%dma_start3A_48 : memref<2600000xf32, #tpu.memory_space<hbm>>) target(%arg9 : memref<128xf32, #tpu.memory_space<vmem>>) offsets(%dma_start3A_46 : memref<128xi32, #tpu.memory_space<vmem>>) semaphore(%arg11 : memref<!tpu.dma_semaphore, #tpu.memory_space<semaphore_mem>>)
      %dma_wait3A = arith.constant 0 : i32
      %dma_wait3A_49 = tpu.memref_slice %arg7[%select_n3A, %select_n3A_38, %dma_wait3A] : memref<26x4x128xi32, #tpu.memory_space<vmem>> -> memref<1x1x128xi32, #tpu.memory_space<vmem>>
      %dma_wait3A_50 = tpu.memref_squeeze %dma_wait3A_49 : memref<1x1x128xi32, #tpu.memory_space<vmem>> -> memref<128xi32, #tpu.memory_space<vmem>>
      %dma_wait3A_51 = arith.constant 0 : i32
      %dma_wait3A_52 = arith.constant 0 : i32
      %dma_wait3A_53 = tpu.memref_slice %arg3[%dma_wait3A_51, %dma_wait3A_52] : memref<2600000x16xf32, #tpu.memory_space<hbm>> -> memref<2600000x16xf32, #tpu.memory_space<hbm>>
      tpu.wait_indirect_dma semaphore(%arg10 : memref<!tpu.dma_semaphore, #tpu.memory_space<semaphore_mem>>) src(%dma_wait3A_53 : memref<2600000x16xf32, #tpu.memory_space<hbm>>) dst(%arg8 : memref<128x16xf32, #tpu.memory_space<vmem>>)
      %dma_wait3A_54 = arith.constant 0 : i32
      %dma_wait3A_55 = tpu.memref_slice %arg7[%select_n3A, %select_n3A_38, %dma_wait3A_54] : memref<26x4x128xi32, #tpu.memory_space<vmem>> -> memref<1x1x128xi32, #tpu.memory_space<vmem>>
      %dma_wait3A_56 = tpu.memref_squeeze %dma_wait3A_55 : memref<1x1x128xi32, #tpu.memory_space<vmem>> -> memref<128xi32, #tpu.memory_space<vmem>>
      %dma_wait3A_57 = arith.constant 0 : i32
      %dma_wait3A_58 = tpu.memref_slice %arg4[%dma_wait3A_57] : memref<2600000xf32, #tpu.memory_space<hbm>> -> memref<2600000xf32, #tpu.memory_space<hbm>>
      tpu.wait_indirect_dma semaphore(%arg11 : memref<!tpu.dma_semaphore, #tpu.memory_space<semaphore_mem>>) src(%dma_wait3A_58 : memref<2600000xf32, #tpu.memory_space<hbm>>) dst(%arg9 : memref<128xf32, #tpu.memory_space<vmem>>)
      %mul3A_59 = arith.constant 128 : i32
      %mul3A_60 = arith.muli %select_n3A_38, %mul3A_59 : i32
      %add3A_61 = arith.addi %mul3A_2, %mul3A_60 : i32
      %mul3A_62 = arith.constant 16 : i32
      %mul3A_63 = arith.muli %select_n3A, %mul3A_62 : i32
      "tpu.region"() ({
        %run_scoped3A = tpu.sem_alloc : memref<!tpu.dma_semaphore, #tpu.memory_space<semaphore_mem>>
        %dma_start3A_69 = tpu.memref_slice %arg5[%add3A_61, %mul3A_63] : memref<16384x416xf32, #tpu.memory_space<hbm>> -> memref<128x16xf32, #tpu.memory_space<hbm>>
        %dma_start3A_70 = tpu.memref_slice %arg5[%add3A_61, %mul3A_63] : memref<16384x416xf32, #tpu.memory_space<hbm>> -> memref<128x16xf32, #tpu.memory_space<hbm>>
        tpu.enqueue_dma source(%arg8 : memref<128x16xf32, #tpu.memory_space<vmem>>) target(%dma_start3A_70 : memref<128x16xf32, #tpu.memory_space<hbm>>) target_semaphore(%run_scoped3A : memref<!tpu.dma_semaphore, #tpu.memory_space<semaphore_mem>>)
        %dma_wait3A_71 = tpu.memref_slice %arg5[%add3A_61, %mul3A_63] : memref<16384x416xf32, #tpu.memory_space<hbm>> -> memref<128x16xf32, #tpu.memory_space<hbm>>
        %dma_wait3A_72 = tpu.memref_slice %arg5[%add3A_61, %mul3A_63] : memref<16384x416xf32, #tpu.memory_space<hbm>> -> memref<128x16xf32, #tpu.memory_space<hbm>>
        tpu.wait_dma2 semaphore(%run_scoped3A : memref<!tpu.dma_semaphore, #tpu.memory_space<semaphore_mem>>) src(%arg8 : memref<128x16xf32, #tpu.memory_space<vmem>>) dst(%dma_wait3A_72 : memref<128x16xf32, #tpu.memory_space<hbm>>)
        tpu.yield
      }) : () -> ()
      %mul3A_64 = arith.constant 13312 : i32
      %mul3A_65 = arith.muli %add3A, %mul3A_64 : i32
      %mul3A_66 = arith.constant 128 : i32
      %mul3A_67 = arith.muli %scan3A_8, %mul3A_66 : i32
      %add3A_68 = arith.addi %mul3A_65, %mul3A_67 : i32
      "tpu.region"() ({
        %run_scoped3A = tpu.sem_alloc : memref<!tpu.dma_semaphore, #tpu.memory_space<semaphore_mem>>
        %dma_start3A_69 = tpu.memref_slice %arg6[%add3A_68] : memref<425984xf32, #tpu.memory_space<hbm>> -> memref<128xf32, #tpu.memory_space<hbm>>
        %dma_start3A_70 = tpu.memref_slice %arg6[%add3A_68] : memref<425984xf32, #tpu.memory_space<hbm>> -> memref<128xf32, #tpu.memory_space<hbm>>
        tpu.enqueue_dma source(%arg9 : memref<128xf32, #tpu.memory_space<vmem>>) target(%dma_start3A_70 : memref<128xf32, #tpu.memory_space<hbm>>) target_semaphore(%run_scoped3A : memref<!tpu.dma_semaphore, #tpu.memory_space<semaphore_mem>>)
        %dma_wait3A_71 = tpu.memref_slice %arg6[%add3A_68] : memref<425984xf32, #tpu.memory_space<hbm>> -> memref<128xf32, #tpu.memory_space<hbm>>
        %dma_wait3A_72 = tpu.memref_slice %arg6[%add3A_68] : memref<425984xf32, #tpu.memory_space<hbm>> -> memref<128xf32, #tpu.memory_space<hbm>>
        tpu.wait_dma2 semaphore(%run_scoped3A : memref<!tpu.dma_semaphore, #tpu.memory_space<semaphore_mem>>) src(%arg9 : memref<128xf32, #tpu.memory_space<vmem>>) dst(%dma_wait3A_72 : memref<128xf32, #tpu.memory_space<hbm>>)
        tpu.yield
      }) : () -> ()
    }
    %scan3A_7 = arith.constant 104 : i32
    return
  }
}

module attributes {stable_mosaic.version = 14 : i64} {
  func.func @_tc_body(%arg0: i32, %arg1: memref<512x416xf32, #tpu.memory_space<vmem>>, %arg2: memref<512x26xf32, #tpu.memory_space<vmem>>, %arg3: memref<512x26xf32, #tpu.memory_space<vmem>>, %arg4: memref<26x416xf32, #tpu.memory_space<vmem>>, %arg5: memref<416x16xf32, #tpu.memory_space<vmem>>, %arg6: memref<416x128xf32, #tpu.memory_space<vmem>>, %arg7: memref<1x128xf32, #tpu.memory_space<vmem>>, %arg8: memref<128x128xf32, #tpu.memory_space<vmem>>, %arg9: memref<1x128xf32, #tpu.memory_space<vmem>>, %arg10: memref<1x1xf32, #tpu.memory_space<vmem>>, %arg11: memref<1x1x512xf32, #tpu.memory_space<vmem>>) attributes {dimension_semantics = [#tpu.dimension_semantics<arbitrary>], iteration_bounds = array<i64: 32>, scalar_prefetch = 0 : i64, scratch_operands = 0 : i64, tpu.core_type = #tpu.core_type<tc>, window_params = [{transform_indices = @transform_0, window_bounds = array<i64: 512, 416>}, {transform_indices = @transform_1, window_bounds = array<i64: 512, 26>}, {transform_indices = @transform_2, window_bounds = array<i64: 512, 26>}, {pipeline_mode = #tpu.pipeline_mode<synchronous>, transform_indices = @transform_3, window_bounds = array<i64: 26, 416>}, {pipeline_mode = #tpu.pipeline_mode<synchronous>, transform_indices = @transform_4, window_bounds = array<i64: 416, 16>}, {pipeline_mode = #tpu.pipeline_mode<synchronous>, transform_indices = @transform_5, window_bounds = array<i64: 416, 128>}, {pipeline_mode = #tpu.pipeline_mode<synchronous>, transform_indices = @transform_6, window_bounds = array<i64: 1, 128>}, {pipeline_mode = #tpu.pipeline_mode<synchronous>, transform_indices = @transform_7, window_bounds = array<i64: 128, 128>}, {pipeline_mode = #tpu.pipeline_mode<synchronous>, transform_indices = @transform_8, window_bounds = array<i64: 1, 128>}, {pipeline_mode = #tpu.pipeline_mode<synchronous>, transform_indices = @transform_9, window_bounds = array<i64: 1, 1>}, {transform_indices = @transform_10, window_bounds = array<i64: 1, 1, 512>}]} {
    %get3A = arith.constant 0 : index
    %get3A_0 = arith.constant 0 : index
    %get3A_1 = vector.load %arg1[%get3A, %get3A_0] : memref<512x416xf32, #tpu.memory_space<vmem>>, vector<512x416xf32>
    %get3A_2 = arith.constant 0 : index
    %get3A_3 = arith.constant 0 : index
    %get3A_4 = vector.load %arg2[%get3A_2, %get3A_3] : memref<512x26xf32, #tpu.memory_space<vmem>>, vector<512x26xf32>
    %get3A_5 = arith.constant 0 : index
    %get3A_6 = arith.constant 0 : index
    %get3A_7 = vector.load %arg4[%get3A_5, %get3A_6] : memref<26x416xf32, #tpu.memory_space<vmem>>, vector<26x416xf32>
    %dot_general3A = arith.constant dense<0.000000e+00> : vector<512x416xf32>
    %dot_general3A_8 = tpu.matmul %get3A_4, %get3A_7, %dot_general3A {dimension_numbers = #tpu.dot_dimension_numbers<[1], [0], [0], [1], [0, 0, 1, 1], [], []>, transpose_lhs_hint = false} : vector<512x26xf32>, vector<26x416xf32>, vector<512x416xf32> -> vector<512x416xf32>
    %mul3A = arith.mulf %get3A_1, %dot_general3A_8 : vector<512x416xf32>
    %get3A_9 = arith.constant 0 : index
    %get3A_10 = arith.constant 0 : index
    %get3A_11 = vector.load %arg5[%get3A_9, %get3A_10] : memref<416x16xf32, #tpu.memory_space<vmem>>, vector<416x16xf32>
    %dot_general3A_12 = arith.constant dense<0.000000e+00> : vector<512x16xf32>
    %dot_general3A_13 = tpu.matmul %mul3A, %get3A_11, %dot_general3A_12 {dimension_numbers = #tpu.dot_dimension_numbers<[1], [0], [0], [1], [0, 0, 1, 1], [], []>, transpose_lhs_hint = false} : vector<512x416xf32>, vector<416x16xf32>, vector<512x16xf32> -> vector<512x16xf32>
    %mul3A_14 = arith.mulf %dot_general3A_13, %dot_general3A_13 : vector<512x16xf32>
    %reduce_sum3A = arith.constant dense<0.000000e+00> : vector<512xf32>
    %reduce_sum3A_15 = vector.multi_reduction <add>, %mul3A_14, %reduce_sum3A [1] : vector<512x16xf32> to vector<512xf32>
    %mul3A_16 = arith.mulf %mul3A, %mul3A : vector<512x416xf32>
    %reduce_sum3A_17 = arith.constant dense<0.000000e+00> : vector<512xf32>
    %reduce_sum3A_18 = vector.multi_reduction <add>, %mul3A_16, %reduce_sum3A_17 [1] : vector<512x416xf32> to vector<512xf32>
    %sub3A = arith.subf %reduce_sum3A_15, %reduce_sum3A_18 : vector<512xf32>
    %mul3A_19 = arith.constant 5.000000e-01 : f32
    %mul3A_20 = vector.broadcast %mul3A_19 : f32 to vector<512xf32>
    %mul3A_21 = arith.mulf %mul3A_20, %sub3A : vector<512xf32>
    %get3A_22 = arith.constant 0 : index
    %get3A_23 = arith.constant 0 : index
    %get3A_24 = vector.load %arg3[%get3A_22, %get3A_23] : memref<512x26xf32, #tpu.memory_space<vmem>>, vector<512x26xf32>
    %mul3A_25 = arith.mulf %get3A_24, %get3A_4 : vector<512x26xf32>
    %reduce_sum3A_26 = arith.constant dense<0.000000e+00> : vector<512xf32>
    %reduce_sum3A_27 = vector.multi_reduction <add>, %mul3A_25, %reduce_sum3A_26 [1] : vector<512x26xf32> to vector<512xf32>
    %get3A_28 = arith.constant 0 : index
    %get3A_29 = arith.constant 0 : index
    %get3A_30 = vector.load %arg6[%get3A_28, %get3A_29] : memref<416x128xf32, #tpu.memory_space<vmem>>, vector<416x128xf32>
    %dot_general3A_31 = arith.constant dense<0.000000e+00> : vector<512x128xf32>
    %dot_general3A_32 = tpu.matmul %mul3A, %get3A_30, %dot_general3A_31 {dimension_numbers = #tpu.dot_dimension_numbers<[1], [0], [0], [1], [0, 0, 1, 1], [], []>, transpose_lhs_hint = false} : vector<512x416xf32>, vector<416x128xf32>, vector<512x128xf32> -> vector<512x128xf32>
    %get3A_33 = arith.constant 0 : index
    %get3A_34 = arith.constant 0 : index
    %get3A_35 = vector.load %arg7[%get3A_33, %get3A_34] : memref<1x128xf32, #tpu.memory_space<vmem>>, vector<1x128xf32>
    %add3A = vector.broadcast %get3A_35 : vector<1x128xf32> to vector<512x128xf32>
    %add3A_36 = arith.addf %dot_general3A_32, %add3A : vector<512x128xf32>
    %max3A = arith.constant 0.000000e+00 : f32
    %max3A_37 = vector.broadcast %max3A : f32 to vector<512x128xf32>
    %max3A_38 = arith.maximumf %add3A_36, %max3A_37 : vector<512x128xf32>
    %get3A_39 = arith.constant 0 : index
    %get3A_40 = arith.constant 0 : index
    %get3A_41 = vector.load %arg8[%get3A_39, %get3A_40] : memref<128x128xf32, #tpu.memory_space<vmem>>, vector<128x128xf32>
    %dot_general3A_42 = arith.constant dense<0.000000e+00> : vector<512x128xf32>
    %dot_general3A_43 = tpu.matmul %max3A_38, %get3A_41, %dot_general3A_42 {dimension_numbers = #tpu.dot_dimension_numbers<[1], [0], [0], [1], [0, 0, 1, 1], [], []>, transpose_lhs_hint = false} : vector<512x128xf32>, vector<128x128xf32>, vector<512x128xf32> -> vector<512x128xf32>
    %get3A_44 = arith.constant 0 : index
    %get3A_45 = arith.constant 0 : index
    %get3A_46 = vector.load %arg9[%get3A_44, %get3A_45] : memref<1x128xf32, #tpu.memory_space<vmem>>, vector<1x128xf32>
    %add3A_47 = vector.broadcast %get3A_46 : vector<1x128xf32> to vector<512x128xf32>
    %add3A_48 = arith.addf %dot_general3A_43, %add3A_47 : vector<512x128xf32>
    %max3A_49 = arith.constant 0.000000e+00 : f32
    %max3A_50 = vector.broadcast %max3A_49 : f32 to vector<512x128xf32>
    %max3A_51 = arith.maximumf %add3A_48, %max3A_50 : vector<512x128xf32>
    %add3A_52 = arith.addf %reduce_sum3A_27, %mul3A_21 : vector<512xf32>
    %reduce_sum3A_53 = arith.constant dense<0.000000e+00> : vector<512xf32>
    %reduce_sum3A_54 = vector.multi_reduction <add>, %max3A_51, %reduce_sum3A_53 [1] : vector<512x128xf32> to vector<512xf32>
    %add3A_55 = arith.addf %add3A_52, %reduce_sum3A_54 : vector<512xf32>
    %get3A_56 = arith.constant 0 : index
    %get3A_57 = arith.constant 0 : index
    %get3A_58 = vector.load %arg10[%get3A_56, %get3A_57] : memref<1x1xf32, #tpu.memory_space<vmem>>, vector<1x1xf32>
    %get3A_59 = vector.extract %get3A_58[0, 0] : f32 from vector<1x1xf32>
    %add3A_60 = vector.broadcast %get3A_59 : f32 to vector<512xf32>
    %add3A_61 = arith.addf %add3A_55, %add3A_60 : vector<512xf32>
    %broadcast_in_dim3A = vector.shape_cast %add3A_61 : vector<512xf32> to vector<1x1x512xf32>
    %swap3A = arith.constant 0 : index
    %swap3A_62 = arith.constant 0 : index
    %swap3A_63 = arith.constant 0 : index
    %swap3A_64 = vector.load %arg11[%swap3A, %swap3A_62, %swap3A_63] : memref<1x1x512xf32, #tpu.memory_space<vmem>>, vector<1x1x512xf32>
    tpu.vector_store %arg11[%swap3A, %swap3A_62, %swap3A_63], %broadcast_in_dim3A {strides = array<i32>} : memref<1x1x512xf32, #tpu.memory_space<vmem>>, vector<1x1x512xf32>,
    return
  }
  func.func @transform_0(%arg0: i32) -> (i32, i32) {
    %c0_i32 = arith.constant 0 : i32
    %c0_i32_0 = arith.constant 0 : i32
    return %arg0, %c0_i32 : i32, i32
  }
  func.func @transform_1(%arg0: i32) -> (i32, i32) {
    %c0_i32 = arith.constant 0 : i32
    %c0_i32_0 = arith.constant 0 : i32
    return %arg0, %c0_i32 : i32, i32
  }
  func.func @transform_2(%arg0: i32) -> (i32, i32) {
    %c0_i32 = arith.constant 0 : i32
    %c0_i32_0 = arith.constant 0 : i32
    return %arg0, %c0_i32 : i32, i32
  }
  func.func @transform_3(%arg0: i32) -> (i32, i32) {
    %c0_i32 = arith.constant 0 : i32
    %c0_i32_0 = arith.constant 0 : i32
    %c0_i32_1 = arith.constant 0 : i32
    return %c0_i32, %c0_i32_0 : i32, i32
  }
  func.func @transform_4(%arg0: i32) -> (i32, i32) {
    %c0_i32 = arith.constant 0 : i32
    %c0_i32_0 = arith.constant 0 : i32
    %c0_i32_1 = arith.constant 0 : i32
    return %c0_i32, %c0_i32_0 : i32, i32
  }
  func.func @transform_5(%arg0: i32) -> (i32, i32) {
    %c0_i32 = arith.constant 0 : i32
    %c0_i32_0 = arith.constant 0 : i32
    %c0_i32_1 = arith.constant 0 : i32
    return %c0_i32, %c0_i32_0 : i32, i32
  }
  func.func @transform_6(%arg0: i32) -> (i32, i32) {
    %c0_i32 = arith.constant 0 : i32
    %c0_i32_0 = arith.constant 0 : i32
    %c0_i32_1 = arith.constant 0 : i32
    return %c0_i32, %c0_i32_0 : i32, i32
  }
  func.func @transform_7(%arg0: i32) -> (i32, i32) {
    %c0_i32 = arith.constant 0 : i32
    %c0_i32_0 = arith.constant 0 : i32
    %c0_i32_1 = arith.constant 0 : i32
    return %c0_i32, %c0_i32_0 : i32, i32
  }
  func.func @transform_8(%arg0: i32) -> (i32, i32) {
    %c0_i32 = arith.constant 0 : i32
    %c0_i32_0 = arith.constant 0 : i32
    %c0_i32_1 = arith.constant 0 : i32
    return %c0_i32, %c0_i32_0 : i32, i32
  }
  func.func @transform_9(%arg0: i32) -> (i32, i32) {
    %c0_i32 = arith.constant 0 : i32
    %c0_i32_0 = arith.constant 0 : i32
    %c0_i32_1 = arith.constant 0 : i32
    return %c0_i32, %c0_i32_0 : i32, i32
  }
  func.func @transform_10(%arg0: i32) -> (i32, i32, i32) {
    %c0_i32 = arith.constant 0 : i32
    %c0_i32_0 = arith.constant 0 : i32
    %c0_i32_1 = arith.constant 0 : i32
    return %arg0, %c0_i32, %c0_i32_0 : i32, i32, i32
  }
}

</mosaic_0001>

<sc_bundles>
// kernel: kernel.5.cloned.1.call-start
scs
__scs_entry_jumppad:
0x0: {  	(pc) =	sbr.rel $0x88, $3  }
0x1: {  	(tag) =	ssettag $0x0;
	lr =	simm.s32 $0x1  }
0x2: {  	[smem:$0x3F98] =	sst lr;
	_ =	strace $0xD0000000  }
0x3: {  	_ = 	snop  }
0x4: {  	_ = 	snop  }
0x5: {  	_ = 	snop  }
0x6: {  	_ = 	snop  }
0x7: {  	_ = 	snop  }
__scs_overlays_trampoline_lowered:
0x8: {  	[smem:$0x3FA7] =	sst s0  }
0x9: {  	[smem:$0x3FA8] =	sst s1  }
0xa: {  	[smem:$0x3FA9] =	sst s2  }
0xb: {  	[smem:$0x3FAA] =	sst s3  }
0xc: {  	[smem:$0x3FAB] =	sst s4  }
0xd: {  	[smem:$0x3FAC] =	sst s5  }
0xe: {  	[smem:$0x3FAD] =	sst s6  }
0xf: {  	[smem:$0x3FAE] =	sst s7  }
0x10: {  	[smem:$0x3FAF] =	sst s8  }
0x11: {  	[smem:$0x3FB0] =	sst s9;
	s0 =	simm.s32 @!p0 $0x0  }
0x12: {  	s1 =	sld [smem:$0x3F96];
	s0 =	simm.s32 @p0 $0x1  }
0x13: {  	[smem:$0x3FB1] =	sst s0;
	s0 =	simm.s32 @!p1 $0x0  }
0x14: {  	s2 =	sld [smem:$0x3F95];
	s0 =	simm.s32 @p1 $0x1  }
0x15: {  	[smem:$0x3FB2] =	sst s0;
	s0 =	simm.s32 @!p2 $0x0  }
0x16: {  	s3 =	sld [smem:$0x3FDB];
	s0 =	simm.s32 @p2 $0x1  }
0x17: {  	s4 =	simm.s32 $0x1BF5;
	[smem:$0x3FB4] =	sst s0  }
0x18: {  	s0 =	sld [smem:$0x3F97];
	_ =	swait.ge [sflag:s4], $0x0  }
0x19: {  	s7 =	sld [smem:$0x3F98]  }
0x1a: {  	s8 =	sadd.s32 $0xFFFFE003, lr  }
0x1b: {  	s9 =	sadd.s32 $0xFFFFFEF7, lr;
	s5 =	simm.s32 $0xFFFFFFFF;
	p2 =	slt.u32 s8, $0xFFFFF086  }
0x1c: {  	p1 =	slt.u32 s9, $0xF7A;
	s5 =	simm.s32 @!p2 $0x0  }
0x1d: {  	s5 =	simm.s32 @p1 $0x1;
	p0 =	seq.s32 s7, s2  }
0x1e: {  	s7 =	smul.u32 @!p0 $0xF7A, s2;
	p2 =	seq.s32 @!p0 s5, $0x0  }
0x1f: {  	s9 =	smul.u32 $0xF7A, s1;
	s8 =	simm.s32 @!p0 $0x1BF5;
	p2 =	por !p2, p0  }
0x20: {  	[sflag:s8] =	ssyncset.s32 @!p0 $0xFFFFF086;
	s6 =	sadd.s32 @!p0 s3, s7;
	s7 =	simm.s32 @!p0 $0x108  }
0x21: {  	s3 =	sadd.s32 s3, s9;
	s6 =	sadd.s32 @!p0 $0x88, s6;
	s7 =	simm.s32 @p2 $0x1082  }
0x22: {  	[simem:s7], [sflag:s8] =	dma.local @!p0 [hbm:s6], $0xF7A  }
0x23: {  	s9 =	sor.u32 $0xD0000000, s2;
	s6 =	simm.s32 $0x108;
	_ =	swait.ge @!p0 [sflag:s8], $0x0  }
0x24: {  	s3 =	sadd.s32 $0x88, s3;
	s6 =	simm.s32 @!p1 $0x1082;
	[sflag:s4] =	ssyncset.s32 $0xFFFFF086  }
0x25: {  	[simem:s6], [sflag:s4] =	dma.local [hbm:s3], $0xF7A  }
0x26: {  	[smem:$0x3F98] =	sst s1;
	(tag) =	ssettag s2;
	_ =	strace s9  }
0x27: {  	s1 =	sld [smem:$0x3FA8]  }
0x28: {  	s2 =	sld [smem:$0x3FA9]  }
0x29: {  	s4 =	sld [smem:$0x3FAB]  }
0x2a: {  	p0 =	seq.s32 s5, $0x0;
	s5 =	sld [smem:$0x3FAC]  }
0x2b: {  	s6 =	sld [smem:$0x3FAD]  }
0x2c: {  	s7 =	sld [smem:$0x3FAE]  }
0x2d: {  	s3 =	simm.s32 $0x108;
	s8 =	sld [smem:$0x3FAF]  }
0x2e: {  	s3 =	simm.s32 @!p0 $0x1082;
	s9 =	sld [smem:$0x3FB0]  }
0x2f: {  	lr =	sadd.s32 s0, s3;
	s0 =	sld [smem:$0x3FA7]  }
0x30: {  	s3 =	sld [smem:$0x3FAA]  }
0x31: {  	[smem:$0x3FB3] =	sst s10  }
0x32: {  	s10 =	sld [smem:$0x3FB1];
	_ =	sdelay $0x3  }
0x33: {  	p0 =	seq.s32 s10, $0x1;
	s10 =	sld [smem:$0x3FB3];
	_ =	sdelay $0x3  }
0x34: {  	[smem:$0x3FB3] =	sst s10  }
0x35: {  	s10 =	sld [smem:$0x3FB2];
	_ =	sdelay $0x3  }
0x36: {  	p1 =	seq.s32 s10, $0x1;
	s10 =	sld [smem:$0x3FB3];
	_ =	sdelay $0x3  }
0x37: {  	[smem:$0x3FB3] =	sst s10  }
0x38: {  	s10 =	sld [smem:$0x3FB4]  }
0x39: {  	_ = 	snop;
	(pc) =	sbr.ind lr, $3  }
0x3a: {  	_ = 	snop  }
0x3b: {  	_ = 	snop  }
0x3c: {  	p2 =	seq.s32 s10, $0x1;
	s10 =	sld [smem:$0x3FB3]  }
0x3d: {  	_ =	shalt  }
0x3e: {  	_ =	shalt  }
0x3f: {  	_ =	shalt  }
0x40: {  	_ =	shalt  }
0x41: {  	_ =	shalt  }
0x42: {  	_ =	shalt  }
0x43: {  	_ =	shalt  }
0x44: {  	_ =	shalt  }
0x45: {  	_ =	shalt  }
0x46: {  	_ =	shalt  }
0x47: {  	_ =	shalt  }
0x48: {  	_ =	shalt  }
0x49: {  	_ =	shalt  }
0x4a: {  	_ =	shalt  }
0x4b: {  	_ =	shalt  }
0x4c: {  	_ =	shalt  }
0x4d: {  	_ =	shalt  }
0x4e: {  	_ =	shalt  }
0x4f: {  	_ =	shalt  }
0x50: {  	_ =	shalt  }
0x51: {  	_ =	shalt  }
0x52: {  	_ =	shalt  }
0x53: {  	_ =	shalt  }
0x54: {  	_ =	shalt  }
0x55: {  	_ =	shalt  }
0x56: {  	_ =	shalt  }
0x57: {  	_ =	shalt  }
0x58: {  	_ =	shalt  }
0x59: {  	_ =	shalt  }
0x5a: {  	_ =	shalt  }
0x5b: {  	_ =	shalt  }
0x5c: {  	_ =	shalt  }
0x5d: {  	_ =	shalt  }
0x5e: {  	_ =	shalt  }
0x5f: {  	_ =	shalt  }
0x60: {  	_ =	shalt  }
0x61: {  	_ =	shalt  }
0x62: {  	_ =	shalt  }
0x63: {  	_ =	shalt  }
0x64: {  	_ =	shalt  }
0x65: {  	_ =	shalt  }
0x66: {  	_ =	shalt  }
0x67: {  	_ =	shalt  }
0x68: {  	_ =	shalt  }
0x69: {  	_ =	shalt  }
0x6a: {  	_ =	shalt  }
0x6b: {  	_ =	shalt  }
0x6c: {  	_ =	shalt  }
0x6d: {  	_ =	shalt  }
0x6e: {  	_ =	shalt  }
0x6f: {  	_ =	shalt  }
0x70: {  	_ =	shalt  }
0x71: {  	_ =	shalt  }
0x72: {  	_ =	shalt  }
0x73: {  	_ =	shalt  }
0x74: {  	_ =	shalt  }
0x75: {  	_ =	shalt  }
0x76: {  	_ =	shalt  }
0x77: {  	_ =	shalt  }
0x78: {  	_ =	shalt  }
0x79: {  	_ =	shalt  }
0x7a: {  	_ =	shalt  }
0x7b: {  	_ =	shalt  }
0x7c: {  	_ =	shalt  }
0x7d: {  	_ =	shalt  }
0x7e: {  	_ =	shalt  }
0x7f: {  	_ =	shalt  }
0x80: {  	_ =	shalt  }
0x81: {  	_ =	shalt  }
0x82: {  	_ =	shalt  }
0x83: {  	_ =	shalt  }
0x84: {  	_ =	shalt  }
0x85: {  	_ =	shalt  }
0x86: {  	_ =	shalt  }
0x87: {  	_ =	shalt  }
.Lfunc_end0:
.L_simem_size_0:
called_computation_lowered:
.L_overlay_start_0:
0x88: {  	s2 =	sld [smem:$0x3FD9]  }
0x89: {  	s3 =	sld [smem:$0x3FFE];
	_ =	sdelay $0x1  }
0x8a: {  	s1 =	srdreg.scid  }
0x8b: {  	s0 =	sand.u32 $0x1, s1  }
0x8c: {  	s17 =	sshll.u32 s0, $0xA;
	s2 =	sadd.s32 s3, s2  }
0x8d: {  	s2 =	sadd.s32 s2, s17  }
0x8e: {  	[smem:$0x3FBF] =	sst s2  }
0x8f: {  	_ = 	snop  }
0x90: {  	s2 =	sld [smem:$0x3FC7]  }
0x91: {  	s18 =	sld [smem:$0x3FC6]  }
0x92: {  	s4 =	sld [smem:$0x3FD0];
	(tm) =	ssettm $0x1  }
0x93: {  	s5 =	sld [smem:$0x3FFB];
	_ =	sdelay $0x3  }
0x94: {  	_ =	strace s5  }
0x95: {  	s5 =	sld [smem:$0x3FFC];
	_ =	sdelay $0x3  }
0x96: {  	_ =	strace s5  }
0x97: {  	s5 =	sld [smem:$0x3FFD];
	_ =	sdelay $0x3  }
0x98: {  	_ =	strace s5  }
0x99: {  	_ =	strace $0x8FFFFFFF  }
0x9a: {  	s19 =	sld [smem:$0x3FDB];
	_ =	sdelay $0x1  }
0x9b: {  	s6 =	simm.s32 $_scs_section_size  }
0x9c: {  	s7 =	simm.s32 $_size__tile_overlayer_lowered;
	s8 =	simm.s32 $_tile_overlayer_lowered  }
0x9d: {  	s22 =	simm.s32 $0x1BFF;
	s21 =	sshll.u32 s8, $0x1;
	s5 =	sadd.s32 s6, s19  }
0x9e: {  	s9 =	simm.s32 $0x0;
	s20 =	sshll.u32 s7, $0x1;
	s7 =	sadd.s32 s21, s5  }
0x9f: {  	[timem:s9], [sflag:s22] =	dma.local [hbm:s7], s20  }
0xa0: {  	_ =	swait.ge [sflag:s22], s20  }
0xa1: {  	s6 =	ssub.s32 $0x0, s20;
	[sflag:s22] =	ssyncset.done $0x0  }
0xa2: {  	[sflag:s22] =	ssyncadd.s32 s6;
	_ =	sdelay $0x1  }
0xa3: {  	s23 =	simm.s32 $0x1B8B  }
0xa4: {  	_ =	swait.ge [sflag:s23], $0x1  }
0xa5: {  	[sflag:s23] =	ssyncset.done $0x0  }
0xa6: {  	s25 =	simm.s32 $0x1B8E;
	s24 =	sld [smem:$0x3FFE];
	[sflag:s23] =	ssyncadd.s32 $0xFFFFFFFF  }
0xa7: {  	s26 =	simm.s32 $execute0_lowered;
	[smem:$0x3FD2] =	sst s25  }
0xa8: {  	s7 =	sshll.u32 s26, $0x1;
	_ =	strace $0x80000046;
	[dreg:$0x1] =	wrdreg $0xFFFFFFFF  }
0xa9: {  	s28 =	simm.s32 $_size_execute0_lowered;
	s5 =	sadd.s32 s5, s7;
	[dreg:$0x0] =	wrdreg $0x0  }
0xaa: {  	s7 =	sshll.u32 s28, $0x1;
	[dreg:$0x2] =	wrdreg s5  }
0xab: {  	[dreg:$0x3] =	wrdreg s7  }
0xac: {  	[dreg:$0x4] =	wrdreg $0xC0  }
0xad: {  	_ =	task [dreg:s9], $0x5FFFF  }
0xae: {  	[dreg:$0x1] =	wrdreg $0xFFFFFFFF  }
0xaf: {  	[dreg:$0x0] =	wrdreg $0x60  }
0xb0: {  	[dreg:$0x2] =	wrdreg s18  }
0xb1: {  	[dreg:$0x3] =	wrdreg s2  }
0xb2: {  	[dreg:$0x4] =	wrdreg s4  }
0xb3: {  	[dreg:$0x5] =	wrdreg s24  }
0xb4: {  	[dreg:$0x6] =	wrdreg $0x9  }
0xb5: {  	_ =	task.clear_ibuf [dreg:s9], $0x7FFFF;
	_ =	strace $0x90000046  }
0xb6: {  	s29 =	simm.s32 $0x9;
	_ =	strace $0x80000048  }
0xb7: {  	_ =	swait.ge [sflag:s29], $0x1  }
0xb8: {  	[sflag:s29] =	ssyncadd.s32 $0xFFFFFFFF  }
0xb9: {  	_ =	strace $0x90000048  }
0xba: {  	_ =	sfence  }
0xbb: {  	s30 =	sld [smem:$0x0];
	_ =	sdelay $0x2  }
0xbc: {  	s31 =	sshll.u32 s1, $0xD;
	s1 =	sshrl.u32 s1, $0x2  }
0xbd: {  	s3 =	sand.u32 $0x4000, s31;
	s1 =	sadd.s32 s1, s30  }
0xbe: {  	s0 =	sor.u32 s3, s0;
	s1 =	sshll.u32 s1, $0x11  }
0xbf: {  	s0 =	sor.u32 s1, s0  }
0xc0: {  	s0 =	sadd.s32 $0x8F2B, s0  }
0xc1: {  	[sflag:s0] =	ssyncadd.remote.s32 $0x1  }
0xc2: {  	_ =	sfence.sel $0xFFFF  }
0xc3: {  	[dreg:$0x0] =	wrdreg $0xFFFFFFFF;
	(pc) =	sbr.abs _section_cstart, $3  }
0xc4: {  	[dreg:$0x1] =	wrdreg $0xFFFFFFFF  }
0xc5: {  	_ =	task.clear_ibuf [dreg:s9], $0x2FFFF;
	_ =	strace $0x9FFFFFFF  }
0xc6: {  	(tm) =	ssettm $0x7FFFFFFF  }
0xc7: {  	_ =	shalt  }
tec
execute0_lowered:
.L_overlay_start_1:
0x0: {  	(tag) =	ssettag $0x1  }
0x1: {  	s1 =	rddreg [dreg:$0x0]  }
0x2: {  	s2 =	rddreg [dreg:$0x1]  }
0x3: {  	s3 =	rddreg [dreg:$0x2]  }
0x4: {  	s7 =	rddreg [dreg:$0x3];
	s0 =	srdreg.scid  }
0x5: {  	s17 =	stileid.u32;
	s4 =	simm.s32 $0x0;
	s28 =	simm.s32 $0x8800  }
0x6: {  	s29 =	simm.s32 $0x11000;
	s30 =	simm.s32 $0x5;
	s0 =	sand.u32 $0x1, s0  }
0x7: {  	s5 =	sshll.u32 s17, $0x1;
	[smem:$0x7FF] =	sst s4;
	s31 =	sshll.u32 s17, $0xC  }
0x8: {  	p0 =	sgt.u32 s17, $0xC;
	s5 =	sor.u32 s0, s5;
	_ =	strace $0x80000047  }
0x9: {  	s8 =	ssub.s32 $0x2, s0;
	s0 =	sshll.u32 s0, $0xB;
	s11 =	smul.u32 $0x187000, s5  }
0xa: {  	s6 =	sshll.u32 s5, $0x2;
	s10 =	sshrl.u32 s8, $0x1;
	s14 =	smul.u32 $0x186A00, s5  }
0xb: {  	v0 =	vimm.s32 $0x4780;
	vm0 =	vcmask $0x300;
	s13 =	sshll.u32 s5, $0x8;
	s18 =	sshll.u32 s5, $0xB;
	s22 =	smul.u32 $0x18700, s5  }
0xc: {  	vm14 =	vcmask $0x704;
	v0 =	vsel vm0, $0x0, v0;
	s23 =	sshll.u32 s5, $0x6;
	s16 =	smul.u32 $0x186A0, s5;
	s9 =	sadd.s32 s6, s7  }
0xd: {  	vm15 =	vcmask $0xB08;
	v0 =	vsel vm14, $0x80, v0;
	s6 =	sadd.s32 $0x1A00, s7;
	s7 =	sadd.s32 $0x4F7400, s7;
	s12 =	ssub.s32 s8, s10  }
0xe: {  	vm4 =	vcmask $0xF0C;
	v0 =	vsel vm15, $0x100, v0;
	s8 =	sadd.s32 s1, s18;
	s10 =	sor.u32 $0x20, s5;
	s3 =	sadd.s32 s3, s23  }
0xf: {  	vm5 =	vcmask $0x1310;
	v0 =	vsel vm4, $0x180, v0;
	s13 =	sadd.s32 s2, s13;
	s23 =	sor.u32 s0, s31;
	s0 =	simm.s32 $0x3  }
0x10: {  	vm6 =	vcmask $0x1714;
	s19 =	sshrl.u32 s11, $0x3;
	s20 =	sadd.s32 $0x18700, s8;
	v0 =	vsel vm5, $0x200, v0;
	[dreg:$0x9] =	wrdreg s3  }
0x11: {  	vm7 =	vcmask $0x1B18;
	s21 =	sshrl.u32 s14, $0x3;
	s24 =	sshrl.u32 s22, $0x3;
	[dreg:$0xb] =	wrdreg s13;
	v0 =	vsel vm6, $0x280, v0  }
0x12: {  	vm8 =	vcmask $0x1F1C;
	s9 =	sadd.s32 $0x1800, s9;
	s11 =	sadd.s32 s1, s19;
	[dreg:$0x5] =	wrdreg s20;
	v0 =	vsel vm7, $0x300, v0  }
0x13: {  	vm9 =	vcmask $0x2320;
	s25 =	sshrl.u32 s16, $0x3;
	[dreg:$0xe] =	wrdreg s9;
	s15 =	sadd.s32 $0x18000, s11;
	v0 =	vsel vm8, $0x380, v0  }
0x14: {  	vm10 =	vcmask $0x2724;
	s3 =	sadd.s32 s2, s24;
	s11 =	sadd.s32 $0x30700, s11;
	[dreg:$0x6] =	wrdreg s15;
	v0 =	vsel vm9, $0x4400, v0  }
0x15: {  	vm11 =	vcmask $0x2B28;
	s26 =	sadd.s32 s7, s25;
	s3 =	sadd.s32 $0x3000, s3;
	[dreg:$0x7] =	wrdreg s11;
	v0 =	vsel vm10, $0x4480, v0  }
0x16: {  	vm12 =	vcmask $0x2F2C;
	s11 =	sadd.s32 s6, s21;
	[dreg:$0xc] =	wrdreg s3;
	s3 =	sadd.s32 $0x30D0, s26;
	v0 =	vsel vm11, $0x4500, v0  }
0x17: {  	vm13 =	vcmask $0x3330;
	s22 =	sshll.u32 s10, $0xB;
	s18 =	sadd.s32 $0x30000, s11;
	[dreg:$0xf] =	wrdreg s3;
	v0 =	vsel vm12, $0x4580, v0  }
0x18: {  	vm14 =	vcmask $0x3734;
	s25 =	simm.s32 $0x4;
	s11 =	sadd.s32 $0x30D00, s11;
	[dreg:$0x8] =	wrdreg s18;
	v0 =	vsel vm13, $0x4600, v0  }
0x19: {  	vm15 =	vcmask $0x3B38;
	s21 =	smax.u32 s12, $0x1;
	[dreg:$0xa] =	wrdreg s11;
	s11 =	sadd.s32 $0x3000, s26;
	v0 =	vsel vm14, $0x4680, v0  }
0x1a: {  	s3 =	simm.s32 $0x0;
	s26 =	simm.s32 $0x1;
	[dreg:$0xd] =	wrdreg s11;
	v0 =	vsel vm15, $0x4700, v0  }
.LBB2_1:
.Ltmp0:
0x1b: {  	(pc) =	sbr.rel .LBB2_2-.Ltmp0, $4  }
0x1c: {  	_ = 	snop  }
0x1d: {  	[tilespmem:s4], [sflag:$0x3] =	stream.linear.gather [hbm4b:s8+s4], $0x4000, $0x38;
	[tilespmem:$0x1A000] =	vst v63  }
0x1e: {  	s9 =	rddreg [dreg:$0x5];
	s11 =	simm.s32 $0x4400;
	s31 =	simm.s32 $0x0  }
0x1f: {  	[tilespmem:s11], [sflag:$0x3] =	stream.linear.gather [hbm4b:s9+s4], $0x4000, $0x38;
	[tilespmem:$0x1A000] =	vst v63  }
.LBB2_9:
0x20: {  	s31 =	sadd.s32 $0x1, s31  }
0x21: {  	p1 =	sne.s32 s31, $0x27  }
.Ltmp1:
0x22: {  	_ = 	snop;
	(pc) =	sbr.rel @!p1 .LBB2_10-.Ltmp1, $1  }
0x23: {  	_ =	sdelay $0x3  }
.LBB2_2:
0x24: {  	s13 =	sshll.u32 s31, $0x5  }
0x25: {  	s14 =	sand.u32 $0x1, s31;
	s9 =	sor.u32 s5, s13  }
0x26: {  	p1 =	seq.s32 s14, $0x1;
	s11 =	smulhi.u32 $0x2AAAAAAB, s9  }
.Ltmp2:
0x27: {  	_ = 	snop;
	(pc) =	sbr.rel @p1 .LBB2_6-.Ltmp2, $3  }
0x28: {  	s11 =	sshrl.u32 s11, $0x3  }
0x29: {  	s12 =	smul.u32 $0x30, s11;
	_ =	sdelay $0x1  }
0x2a: {  	s12 =	ssub.s32 s9, s12  }
0x2b: {  	p1 =	seq.s32 s31, $0x26  }
0x2c: {  	s9 =	sor.u32 @!p1 $0x20, s9  }
0x2d: {  	s15 =	smulhi.u32 @!p1 $0x2AAAAAAB, s9;
	_ =	sdelay $0x1  }
0x2e: {  	s15 =	sshrl.u32 @!p1 s15, $0x3  }
0x2f: {  	_ =	swait.ge [sflag:s0], $0x4000;
	s17 =	simm.s32 $0x8;
	s16 =	smul.u32 @!p1 $0x30, s15  }
0x30: {  	s18 =	simm.s32 $0x10;
	s19 =	simm.s32 $0x18;
	[sflag:s0] =	ssyncset.done $0x0  }
0x31: {  	v1 =	vmov s17;
	v2 =	vmov s18;
	[sflag:s0] =	ssyncadd.s32 $0xFFFFC000;
	s15 =	smul.u32 @!p1 $0x187000, s15;
	s9 =	ssub.s32 @!p1 s9, s16  }
0x32: {  	v6 =	vmov s19;
	v3 =	vshll.u32 v1, $0x3;
	v4 =	vshll.u32 v2, $0x3;
	_ =	swait.ge [sflag:s0], $0x4000;
	s9 =	sshll.u32 @!p1 s9, $0xE  }
0x33: {  	v1 =	vand.u32 $0x68, v1;
	v2 =	vand.u32 $0x70, v2;
	v3 =	vand.u32 $0x3C00, v3;
	[sflag:s0] =	ssyncset.done $0x0;
	s9 =	sadd.s32 @!p1 s9, s15  }
0x34: {  	s20 =	simm.s32 $0x9;
	v4 =	vand.u32 $0x3C00, v4;
	v1 =	vor.u32 v1, v3;
	v3 =	vshll.u32 v6, $0x3;
	[sflag:s0] =	ssyncadd.s32 $0xFFFFC000;
	s9 =	sshrl.u32 @!p1 s9, $0x3  }
0x35: {  	v5 =	vadd.s32 v0, v1;
	v1 =	vor.u32 v2, v4;
	v2 =	vand.u32 $0x3C00, v3;
	s16 =	simm.s32 @!p1 $0x8800;
	s15 =	simm.s32 @!p1 $0x0;
	s9 =	sadd.s32 @!p1 s1, s9  }
0x36: {  	v3 =	vmov s20;
	v17 =	vadd.s32 v0, v1;
	v1 =	vand.u32 $0x78, v6;
	[tilespmem:s16], [sflag:$0x4] =	stream.linear.gather @!p1 [hbm4b:s9+s15], $0x4000, $0x38;
	[tilespmem:$0x1A000] =	vst v63  }
0x37: {  	s24 =	simm.s32 $0x11;
	v1 =	vor.u32 v1, v2;
	v2 =	vand.u32 $0x69, v3;
	v3 =	vshll.u32 v3, $0x3;
	s9 =	sadd.s32 @!p1 $0x18700, s9;
	s16 =	simm.s32 @!p1 $0xCC00  }
0x38: {  	v4 =	vmov s24;
	v27 =	vadd.s32 v0, v1;
	v1 =	vand.u32 $0x3C00, v3;
	[tilespmem:s16], [sflag:$0x4] =	stream.linear.gather @!p1 [hbm4b:s9+s15], $0x4000, $0x38;
	[tilespmem:$0x1A000] =	vst v63  }
0x39: {  	v3 =	vshll.u32 v4, $0x3;
	v1 =	vor.u32 v2, v1;
	s16 =	simm.s32 $0x19  }
0x3a: {  	v2 =	vand.u32 $0x71, v4;
	v3 =	vand.u32 $0x3C00, v3;
	v6 =	vmov s16  }
0x3b: {  	s17 =	simm.s32 $0x1;
	v21 =	vadd.s32 v0, v1;
	v1 =	vor.u32 v2, v3;
	v2 =	vshll.u32 v6, $0x3  }
0x3c: {  	v4 =	vmov s17;
	s17 =	simm.s32 $0x13;
	v3 =	vand.u32 $0x79, v6;
	v2 =	vand.u32 $0x3C00, v2  }
0x3d: {  	s18 =	simm.s32 $0xA;
	v8 =	vmov s17;
	v1 =	vadd.s32 v0, v1;
	v2 =	vor.u32 v3, v2  }
0x3e: {  	v6 =	vmov s18;
	v3 =	vshll.u32 v4, $0x3;
	v26 =	vadd.s32 v0, v2  }
0x3f: {  	v2 =	vand.u32 $0x61, v4;
	v3 =	vand.u32 $0x3C00, v3;
	v4 =	vshll.u32 v6, $0x3  }
0x40: {  	s19 =	simm.s32 $0x1A;
	s20 =	simm.s32 $0x2;
	v7 =	vand.u32 $0x6A, v6;
	v29 =	vor.u32 v2, v3;
	v2 =	vand.u32 $0x3C00, v4  }
0x41: {  	v3 =	vmov s19;
	v4 =	vmov s20;
	v2 =	vor.u32 v7, v2  }
0x42: {  	v6 =	vshll.u32 v3, $0x3;
	v28 =	vand.u32 $0x62, v4;
	v29 =	vadd.s32 v0, v29  }
0x43: {  	s24 =	simm.s32 $0x12;
	v20 =	vadd.s32 v0, v2;
	v2 =	vand.u32 $0x7A, v3;
	v3 =	vand.u32 $0x3C00, v6  }
0x44: {  	p2 =	seq.s32 @!p1 s31, $0x0;
	s16 =	simm.s32 $0xB;
	v6 =	vshll.u32 v4, $0x3;
	v4 =	vmov s24;
	v2 =	vor.u32 v2, v3  }
0x45: {  	p1 =	por p1, !p2;
	v3 =	vmov s16;
	v7 =	vshll.u32 v4, $0x3;
	v4 =	vand.u32 $0x72, v4  }
0x46: {  	_ =	swait.ge @p1 [sflag:s26], $0x8000;
	v41 =	vand.u32 $0x3C00, v6;
	v23 =	vadd.s32 v0, v2;
	v2 =	vshll.u32 v3, $0x3  }
0x47: {  	[sflag:s26] =	ssyncset.done @p1 $0x0;
	v3 =	vand.u32 $0x6B, v3;
	v7 =	vand.u32 $0x3C00, v7;
	v43 =	vor.u32 v28, v41  }
0x48: {  	[sflag:s26] =	ssyncadd.s32 @p1 $0xFFFF8000;
	v4 =	vor.u32 v4, v7;
	v7 =	vand.u32 $0x73, v8;
	v8 =	vshll.u32 v8, $0x3  }
0x49: {  	v44 =	vld.idx.msk [tilespmem:v27+s4+$0x0], $0xffff;
	s20 =	simm.s32 $0xC;
	v2 =	vand.u32 $0x3C00, v2;
	v27 =	vadd.s32 v0, v43;
	v24 =	vadd.s32 v0, v4  }
0x4a: {  	s18 =	simm.s32 $0x1B;
	v4 =	vand.u32 $0x3C00, v8;
	v2 =	vor.u32 v3, v2;
	v8 =	vmov s20  }
0x4b: {  	s19 =	simm.s32 $0x3;
	v3 =	vor.u32 v7, v4;
	v4 =	vmov s18;
	v22 =	vadd.s32 v0, v2  }
0x4c: {  	v15 =	vadd.s32 v0, v3;
	v2 =	vshll.u32 v4, $0x3;
	v3 =	vmov s19  }
0x4d: {  	v4 =	vand.u32 $0x7B, v4;
	v2 =	vand.u32 $0x3C00, v2;
	v7 =	vshll.u32 v3, $0x3  }
0x4e: {  	v3 =	vand.u32 $0x63, v3;
	v2 =	vor.u32 v4, v2;
	v4 =	vand.u32 $0x3C00, v7  }
0x4f: {  	s24 =	simm.s32 $0x14;
	v25 =	vadd.s32 v0, v2;
	v30 =	vor.u32 v3, v4;
	v2 =	vshll.u32 v8, $0x3  }
0x50: {  	v3 =	vmov s24;
	v4 =	vand.u32 $0x6C, v8;
	v2 =	vand.u32 $0x3C00, v2  }
0x51: {  	v7 =	vshll.u32 v3, $0x3;
	v3 =	vand.u32 $0x74, v3;
	v2 =	vor.u32 v4, v2  }
0x52: {  	s15 =	simm.s32 $0x1C;
	s16 =	simm.s32 $0x4;
	v28 =	vadd.s32 v0, v30;
	v4 =	vand.u32 $0x3C00, v7;
	v18 =	vadd.s32 v0, v2  }
0x53: {  	v2 =	vor.u32 v3, v4;
	v3 =	vmov s15;
	v4 =	vmov s16  }
0x54: {  	s16 =	simm.s32 $0x16;
	v12 =	vadd.s32 v0, v2;
	v2 =	vshll.u32 v3, $0x3;
	v7 =	vshll.u32 v4, $0x3  }
0x55: {  	s15 =	simm.s32 $0x7;
	v3 =	vand.u32 $0x7C, v3;
	v4 =	vand.u32 $0x64, v4;
	v8 =	vmov s16  }
0x56: {  	v38 =	vmov s15;
	s16 =	simm.s32 $0x0;
	v2 =	vand.u32 $0x3C00, v2;
	v7 =	vand.u32 $0x3C00, v7  }
0x57: {  	s17 =	simm.s32 $0xD;
	s18 =	simm.s32 $0x15;
	v39 =	vand.u32 $0x67, v38;
	v45 =	vmov s16;
	v2 =	vor.u32 v3, v2  }
0x58: {  	v10 =	vor.u32 v4, v7;
	v3 =	vmov s17;
	v4 =	vmov s18  }
0x59: {  	s18 =	simm.s32 $0x6;
	v48 =	vand.u32 $0x60, v45;
	v19 =	vadd.s32 v0, v2;
	v2 =	vand.u32 $0x6D, v3  }
0x5a: {  	v3 =	vshll.u32 v3, $0x3;
	v7 =	vand.u32 $0x75, v4;
	v16 =	vmov s18  }
0x5b: {  	v4 =	vshll.u32 v4, $0x3;
	s18 =	simm.s32 $0x30;
	v3 =	vand.u32 $0x3C00, v3;
	v32 =	vshll.u32 v16, $0x3  }
0x5c: {  	s19 =	simm.s32 $0x1D;
	v40 =	vand.u32 $0x66, v16;
	v16 =	vadd.s32 v0, v10;
	v47 =	vmov s18  }
0x5d: {  	s18 =	simm.s32 $0x21;
	v2 =	vor.u32 v2, v3;
	v3 =	vand.u32 $0x3C00, v4;
	v4 =	vmov s19  }
0x5e: {  	v32 =	vand.u32 $0x3C00, v32;
	v50 =	vand.u32 $0x70, v47;
	v62 =	vmov s18  }
0x5f: {  	s24 =	simm.s32 $0xE;
	v14 =	vadd.s32 v0, v2;
	v2 =	vor.u32 v7, v3;
	v3 =	vshll.u32 v4, $0x3  }
0x60: {  	v17 =	vld.idx.msk [tilespmem:v17+s4+$0x0], $0xffff;
	s20 =	simm.s32 $0x5;
	v7 =	vmov s24;
	v32 =	vor.u32 v40, v32;
	v9 =	vadd.s32 v0, v2  }
0x61: {  	v2 =	vand.u32 $0x7D, v4;
	v3 =	vand.u32 $0x3C00, v3;
	v4 =	vmov s20  }
0x62: {  	v6 =	vadd.s32 v0, v32;
	v2 =	vor.u32 v2, v3;
	v3 =	vshll.u32 v4, $0x3  }
0x63: {  	v13 =	vadd.s32 v0, v2;
	v2 =	vand.u32 $0x65, v4;
	v3 =	vand.u32 $0x3C00, v3  }
0x64: {  	s15 =	simm.s32 $0x11100;
	s17 =	simm.s32 $0x1E;
	v4 =	vshll.u32 v8, $0x3;
	v31 =	vor.u32 v2, v3;
	v2 =	vand.u32 $0x76, v8  }
0x65: {  	[tilespmem:s15+$0x0] =	vst v17;
	v3 =	vand.u32 $0x3C00, v4;
	v4 =	vshll.u32 v7, $0x3;
	v8 =	vmov s17  }
0x66: {  	v1 =	vld.idx.msk [tilespmem:v1+s4+$0x0], $0xffff;
	v7 =	vand.u32 $0x6E, v7;
	s17 =	simm.s32 $0x28;
	v2 =	vor.u32 v2, v3;
	v4 =	vand.u32 $0x3C00, v4  }
0x67: {  	v42 =	vld.idx.msk [tilespmem:v5+s4+$0x0], $0xffff;
	v10 =	vadd.s32 v0, v31;
	v46 =	vmov s17;
	v3 =	vadd.s32 v0, v2  }
0x68: {  	s24 =	simm.s32 $0x1F;
	v2 =	vshll.u32 v8, $0x3;
	v8 =	vand.u32 $0x7E, v8;
	v4 =	vor.u32 v7, v4  }
0x69: {  	s17 =	simm.s32 $0x39;
	v7 =	vmov s24;
	v36 =	vshll.u32 v46, $0x3;
	v49 =	vand.u32 $0x68, v46  }
0x6a: {  	s24 =	simm.s32 $0x31;
	v58 =	vmov s17;
	v2 =	vand.u32 $0x3C00, v2;
	v37 =	vand.u32 $0x7F, v7  }
0x6b: {  	[tilespmem:s15+$0x10] =	vst v1;
	v7 =	vshll.u32 v7, $0x3;
	v36 =	vand.u32 $0x3C00, v36;
	v54 =	vmov s24  }
0x6c: {  	[tilespmem:s15+$0xFFFFFF80] =	vst v42;
	s20 =	simm.s32 $0x17;
	v61 =	vld.idx.msk [tilespmem:v24+s4+$0x0], $0xffff;
	v60 =	vshll.u32 v58, $0x3;
	v1 =	vand.u32 $0x79, v58;
	v2 =	vor.u32 v8, v2  }
0x6d: {  	v21 =	vld.idx.msk [tilespmem:v21+s4+$0x0], $0xffff;
	v8 =	vadd.s32 v0, v4;
	v4 =	vmov s20;
	v7 =	vand.u32 $0x3C00, v7  }
0x6e: {  	s19 =	simm.s32 $0xF;
	s24 =	simm.s32 $0x22;
	v51 =	vor.u32 v49, v36;
	v57 =	vshll.u32 v54, $0x3;
	v59 =	vand.u32 $0x71, v54  }
0x6f: {  	v42 =	vmov s24;
	v11 =	vadd.s32 v0, v2;
	v2 =	vmov s19  }
0x70: {  	[tilespmem:s15+$0x80] =	vst v44;
	s20 =	simm.s32 $0x29;
	v34 =	vand.u32 $0x77, v4;
	v4 =	vshll.u32 v4, $0x3;
	v7 =	vor.u32 v37, v7  }
0x71: {  	s16 =	simm.s32 $0x32;
	v26 =	vld.idx.msk [tilespmem:v26+s4+$0x0], $0xffff;
	[tilespmem:s15+$0x20] =	vst v61;
	v37 =	vshll.u32 v47, $0x3;
	v30 =	vadd.s32 v0, v51;
	v53 =	vmov s20  }
0x72: {  	[tilespmem:s15+$0xFFFFFF90] =	vst v21;
	v46 =	vld.idx.msk [tilespmem:v15+s4+$0x0], $0xffff;
	v21 =	vand.u32 $0x3C00, v57;
	v15 =	vand.u32 $0x62, v42;
	v47 =	vmov s16  }
0x73: {  	v20 =	vld.idx.msk [tilespmem:v20+s4+$0x0], $0xffff;
	v33 =	vshll.u32 v2, $0x3;
	v2 =	vand.u32 $0x6F, v2;
	v35 =	vand.u32 $0x3C00, v4  }
0x74: {  	v7 =	vadd.s32 v0, v7;
	v37 =	vand.u32 $0x3C00, v37;
	v55 =	vand.u32 $0x69, v53  }
0x75: {  	v49 =	vshll.u32 v47, $0x3;
	v33 =	vand.u32 $0x3C00, v33;
	v32 =	vor.u32 v50, v37  }
0x76: {  	v24 =	vand.u32 $0x72, v47;
	v2 =	vor.u32 v2, v33;
	v32 =	vadd.s32 v0, v32  }
0x77: {  	[tilespmem:s15+$0x90] =	vst v26;
	s19 =	simm.s32 $0x38;
	v4 =	vadd.s32 v0, v2;
	v2 =	vor.u32 v34, v35;
	v34 =	vshll.u32 v38, $0x3  }
0x78: {  	v23 =	vld.idx.msk [tilespmem:v23+s4+$0x0], $0xffff;
	[tilespmem:s15+$0xFFFFFFA0] =	vst v20;
	v38 =	vmov s19;
	v35 =	vand.u32 $0x3C00, v49;
	v34 =	vand.u32 $0x3C00, v34  }
0x79: {  	v22 =	vld.idx.msk [tilespmem:v22+s4+$0x0], $0xffff;
	v2 =	vadd.s32 v0, v2;
	v52 =	vshll.u32 v38, $0x3;
	v33 =	vor.u32 v39, v34  }
0x7a: {  	s19 =	simm.s32 $0x2A;
	v17 =	vand.u32 $0x78, v38;
	v5 =	vadd.s32 v0, v33;
	v33 =	vshll.u32 v45, $0x3  }
0x7b: {  	v63 =	vmov s19;
	v24 =	vor.u32 v24, v35;
	v33 =	vand.u32 $0x3C00, v33  }
0x7c: {  	v31 =	vand.u32 $0x3C00, v52;
	v34 =	vshll.u32 v53, $0x3;
	v33 =	vor.u32 v48, v33  }
0x7d: {  	s18 =	simm.s32 $0x33;
	[tilespmem:s15+$0xA0] =	vst v23;
	v40 =	vand.u32 $0x6A, v63;
	v20 =	vshll.u32 v63, $0x3;
	v33 =	vadd.s32 v0, v33  }
0x7e: {  	v23 =	vld.idx.msk [tilespmem:v25+s4+$0x0], $0xffff;
	[tilespmem:s15+$0xFFFFFFB0] =	vst v22;
	v53 =	vmov s18;
	v24 =	vadd.s32 v0, v24;
	s18 =	simm.s32 $0x3C;
	v17 =	vor.u32 v17, v31  }
0x7f: {  	v18 =	vld.idx.msk [tilespmem:v18+s4+$0x0], $0xffff;
	v54 =	vand.u32 $0x73, v53;
	v38 =	vmov s18;
	v56 =	vadd.s32 v0, v17  }
0x80: {  	s17 =	simm.s32 $0x2B;
	v17 =	vand.u32 $0x3C00, v34;
	v52 =	vld.idx.msk [tilespmem:v32+s4+$0x0], $0xffff;
	v32 =	vshll.u32 v53, $0x3;
	v39 =	vshll.u32 v38, $0x3  }
0x81: {  	v30 =	vld.idx.msk [tilespmem:v30+s4+$0x0], $0xffff;
	v17 =	vor.u32 v55, v17;
	v48 =	vmov s17;
	v32 =	vand.u32 $0x3C00, v32  }
0x82: {  	s17 =	simm.s32 $0x34;
	v31 =	vadd.s32 v0, v17;
	v17 =	vor.u32 v59, v21;
	v51 =	vshll.u32 v48, $0x3;
	v44 =	vld.idx.msk [tilespmem:v33+s4+$0x0], $0xffff  }
0x83: {  	[tilespmem:s15+$0xB0] =	vst v23;
	v21 =	vor.u32 v54, v32;
	v35 =	vmov s17;
	v26 =	vadd.s32 v0, v17  }
0x84: {  	[tilespmem:s15+$0x30] =	vst v46;
	v19 =	vld.idx.msk [tilespmem:v19+s4+$0x0], $0xffff;
	s17 =	simm.s32 $0x3D;
	v17 =	vand.u32 $0x3C00, v60;
	v55 =	vand.u32 $0x3C00, v51;
	v21 =	vadd.s32 v0, v21  }
0x85: {  	s24 =	simm.s32 $0x11300;
	v63 =	vld.idx.msk [tilespmem:v12+s4+$0x0], $0xffff;
	s18 =	simm.s32 $0x25;
	[tilespmem:s15+$0xFFFFFFC0] =	vst v18;
	v36 =	vshll.u32 v35, $0x3;
	v37 =	vand.u32 $0x74, v35;
	v49 =	vmov s17  }
0x86: {  	[tilespmem:s24+$0xFFFFFF80] =	vst v30;
	v14 =	vld.idx.msk [tilespmem:v14+s4+$0x0], $0xffff;
	v51 =	vmov s18;
	v1 =	vor.u32 v1, v17;
	v17 =	vshll.u32 v62, $0x3  }
0x87: {  	s16 =	simm.s32 $0x2C;
	s19 =	simm.s32 $0x3B;
	v54 =	vand.u32 $0x65, v51;
	v41 =	vadd.s32 v0, v1;
	v1 =	vand.u32 $0x61, v62;
	v50 =	vld.idx.msk [tilespmem:v56+s4+$0x0], $0xffff;
	[tilespmem:s15+$0xFFFFFF00] =	vst v44  }
0x88: {  	s20 =	simm.s32 $0x3A;
	v17 =	vand.u32 $0x3C00, v17;
	v56 =	vmov s19;
	[tilespmem:s24+$0x0] =	vst v52;
	v62 =	vmov s16;
	v29 =	vld.idx.msk [tilespmem:v29+s4+$0x0], $0xffff  }
0x89: {  	[tilespmem:s15+$0xC0] =	vst v19;
	v1 =	vor.u32 v1, v17;
	v17 =	vand.u32 $0x3C00, v20;
	v20 =	vmov s20;
	v18 =	vld.idx.msk [tilespmem:v26+s4+$0x0], $0xffff  }
0x8a: {  	[tilespmem:s15+$0x40] =	vst v63;
	v57 =	vshll.u32 v56, $0x3;
	v59 =	vand.u32 $0x7B, v56;
	v17 =	vor.u32 v40, v17;
	v31 =	vld.idx.msk [tilespmem:v31+s4+$0x0], $0xffff  }
0x8b: {  	v13 =	vld.idx.msk [tilespmem:v13+s4+$0x0], $0xffff;
	s20 =	simm.s32 $0x23;
	v34 =	vshll.u32 v62, $0x3;
	v43 =	vshll.u32 v20, $0x3;
	v45 =	vadd.s32 v0, v17;
	[tilespmem:s15+$0xFFFFFFD0] =	vst v14  }
0x8c: {  	v9 =	vld.idx.msk [tilespmem:v9+s4+$0x0], $0xffff;
	s19 =	simm.s32 $0x24;
	v20 =	vand.u32 $0x7A, v20;
	v58 =	vmov s20;
	v25 =	vand.u32 $0x3C00, v43;
	[tilespmem:s24+$0x80] =	vst v50  }
0x8d: {  	v30 =	vand.u32 $0x3C00, v57;
	v40 =	vmov s19;
	v20 =	vor.u32 v20, v25;
	v60 =	vld.idx.msk [tilespmem:v41+s4+$0x0], $0xffff;
	[tilespmem:s15+$0xFFFFFF10] =	vst v29  }
0x8e: {  	v17 =	vshll.u32 v42, $0x3;
	v30 =	vor.u32 v59, v30;
	v20 =	vadd.s32 v0, v20;
	[tilespmem:s24+$0x10] =	vst v18;
	v19 =	vld.idx.msk [tilespmem:v27+s4+$0x0], $0xffff  }
0x8f: {  	v61 =	vshll.u32 v58, $0x3;
	v22 =	vand.u32 $0x63, v58;
	v25 =	vand.u32 $0x6B, v48;
	[tilespmem:s24+$0xFFFFFF90] =	vst v31;
	v24 =	vld.idx.msk [tilespmem:v24+s4+$0x0], $0xffff  }
0x90: {  	s17 =	simm.s32 $0x26;
	v26 =	vand.u32 $0x6C, v62;
	v42 =	vshll.u32 v40, $0x3;
	[tilespmem:s15+$0xD0] =	vst v13;
	v25 =	vor.u32 v25, v55;
	v31 =	vld.idx.msk [tilespmem:v45+s4+$0x0], $0xffff  }
0x91: {  	s19 =	simm.s32 $0x2E;
	v43 =	vand.u32 $0x64, v40;
	v59 =	vmov s17;
	s17 =	simm.s32 $0x3F;
	v11 =	vld.idx.msk [tilespmem:v11+s4+$0x0], $0xffff;
	[tilespmem:s15+$0x50] =	vst v9;
	v25 =	vadd.s32 v0, v25  }
0x92: {  	v52 =	vmov s19;
	v32 =	vand.u32 $0x3C00, v61;
	v8 =	vld.idx.msk [tilespmem:v8+s4+$0x0], $0xffff;
	v61 =	vmov s17;
	[tilespmem:s24+$0x90] =	vst v60  }
0x93: {  	v12 =	vor.u32 v22, v32;
	v22 =	vand.u32 $0x3C00, v34;
	v50 =	vshll.u32 v49, $0x3;
	v18 =	vld.idx.msk [tilespmem:v20+s4+$0x0], $0xffff;
	[tilespmem:s15+$0xFFFFFF20] =	vst v19  }
0x94: {  	s20 =	simm.s32 $0x2D;
	v22 =	vor.u32 v26, v22;
	v26 =	vand.u32 $0x3C00, v36;
	v20 =	vadd.s32 v0, v30;
	[tilespmem:s24+$0x20] =	vst v24;
	v14 =	vld.idx.msk [tilespmem:v28+s4+$0x0], $0xffff  }
0x95: {  	s16 =	simm.s32 $0x35;
	v23 =	vor.u32 v37, v26;
	v26 =	vand.u32 $0x3C00, v39;
	v44 =	vmov s20;
	s20 =	simm.s32 $0x36;
	[tilespmem:s24+$0xFFFFFFA0] =	vst v31;
	v13 =	vld.idx.msk [tilespmem:v21+s4+$0x0], $0xffff  }
0x96: {  	v23 =	vadd.s32 v0, v23;
	v45 =	vmov s16;
	v53 =	vmov s20;
	[tilespmem:s15+$0xE0] =	vst v11;
	v25 =	vld.idx.msk [tilespmem:v25+s4+$0x0], $0xffff  }
0x97: {  	s16 =	simm.s32 $0x3E;
	v47 =	vand.u32 $0x75, v45;
	v55 =	vshll.u32 v53, $0x3;
	[tilespmem:s15+$0xFFFFFFE0] =	vst v8;
	v19 =	vadd.s32 v0, v22  }
0x98: {  	s19 =	simm.s32 $0x37;
	v57 =	vmov s16;
	v56 =	vand.u32 $0x3C00, v55;
	v4 =	vld.idx.msk [tilespmem:v4+s4+$0x0], $0xffff;
	v27 =	vand.u32 $0x7C, v38;
	[tilespmem:s24+$0xA0] =	vst v18  }
0x99: {  	v58 =	vshll.u32 v57, $0x3;
	v60 =	vmov s19;
	v41 =	vor.u32 v27, v26;
	v20 =	vld.idx.msk [tilespmem:v20+s4+$0x0], $0xffff;
	[tilespmem:s15+$0xFFFFFF30] =	vst v14  }
0x9a: {  	v62 =	vand.u32 $0x77, v60;
	v27 =	vshll.u32 v44, $0x3;
	v22 =	vadd.s32 v0, v41;
	[tilespmem:s24+$0x30] =	vst v13;
	v9 =	vld.idx.msk [tilespmem:v16+s4+$0x0], $0xffff  }
0x9b: {  	v46 =	vand.u32 $0x3C00, v27;
	v18 =	vand.u32 $0x6D, v44;
	[tilespmem:s24+$0xFFFFFFB0] =	vst v25;
	v28 =	vshll.u32 v45, $0x3;
	v11 =	vld.idx.msk [tilespmem:v23+s4+$0x0], $0xffff  }
0x9c: {  	v26 =	vand.u32 $0x3C00, v42;
	v18 =	vor.u32 v18, v46;
	v48 =	vand.u32 $0x3C00, v28;
	v19 =	vld.idx.msk [tilespmem:v19+s4+$0x0], $0xffff  }
0x9d: {  	v21 =	vand.u32 $0x3C00, v50;
	[tilespmem:s15+$0xFFFFFFF0] =	vst v4;
	v14 =	vadd.s32 v0, v18;
	v18 =	vor.u32 v47, v48  }
0x9e: {  	v3 =	vld.idx.msk [tilespmem:v3+s4+$0x0], $0xffff;
	v4 =	vand.u32 $0x3C00, v17;
	[tilespmem:s24+$0xB0] =	vst v20;
	v16 =	vadd.s32 v0, v18;
	v18 =	vand.u32 $0x7D, v49  }
0x9f: {  	v26 =	vor.u32 v43, v26;
	v20 =	vshll.u32 v51, $0x3;
	v13 =	vld.idx.msk [tilespmem:v22+s4+$0x0], $0xffff;
	v18 =	vor.u32 v18, v21;
	[tilespmem:s15+$0xFFFFFF40] =	vst v9  }
0xa0: {  	v20 =	vand.u32 $0x3C00, v20;
	v22 =	vand.u32 $0x7E, v57;
	[tilespmem:s24+$0x40] =	vst v11;
	v18 =	vadd.s32 v0, v18;
	v8 =	vld.idx.msk [tilespmem:v10+s4+$0x0], $0xffff  }
0xa1: {  	v7 =	vld.idx.msk [tilespmem:v7+s4+$0x0], $0xffff;
	v20 =	vor.u32 v54, v20;
	v11 =	vshll.u32 v59, $0x3;
	v21 =	vand.u32 $0x76, v53;
	[tilespmem:s24+$0xFFFFFFC0] =	vst v19  }
0xa2: {  	v21 =	vor.u32 v21, v56;
	v19 =	vand.u32 $0x6E, v52;
	v14 =	vld.idx.msk [tilespmem:v14+s4+$0x0], $0xffff;
	v9 =	vshll.u32 v52, $0x3  }
0xa3: {  	[tilespmem:s15+$0x60] =	vst v3;
	v9 =	vand.u32 $0x3C00, v9;
	v10 =	vadd.s32 v0, v21;
	v21 =	vand.u32 $0x3C00, v58  }
0xa4: {  	s18 =	simm.s32 $0x2F;
	v11 =	vand.u32 $0x3C00, v11;
	[tilespmem:s24+$0xC0] =	vst v13;
	v16 =	vld.idx.msk [tilespmem:v16+s4+$0x0], $0xffff;
	v9 =	vor.u32 v19, v9;
	v13 =	vor.u32 v22, v21  }
0xa5: {  	v18 =	vld.idx.msk [tilespmem:v18+s4+$0x0], $0xffff;
	v21 =	vshll.u32 v60, $0x3;
	v19 =	vadd.s32 v0, v13;
	v13 =	vmov s18;
	[tilespmem:s15+$0xFFFFFF50] =	vst v8  }
0xa6: {  	[tilespmem:s15+$0xF0] =	vst v7;
	v9 =	vadd.s32 v0, v9;
	v21 =	vand.u32 $0x3C00, v21;
	v8 =	vshll.u32 v13, $0x3;
	v6 =	vld.idx.msk [tilespmem:v6+s4+$0x0], $0xffff  }
0xa7: {  	v7 =	vand.u32 $0x6F, v13;
	[tilespmem:s24+$0xFFFFFFD0] =	vst v14;
	v14 =	vshll.u32 v61, $0x3;
	v8 =	vand.u32 $0x3C00, v8  }
0xa8: {  	s20 =	simm.s32 $0x27;
	v63 =	vld.idx.msk [tilespmem:v2+s4+$0x0], $0xffff;
	v3 =	vor.u32 v62, v21;
	v7 =	vor.u32 v7, v8;
	v8 =	vand.u32 $0x7F, v61  }
0xa9: {  	[tilespmem:s24+$0x50] =	vst v16;
	v13 =	vadd.s32 v0, v7;
	v7 =	vand.u32 $0x3C00, v14;
	v14 =	vmov s20  }
0xaa: {  	v2 =	vadd.s32 v0, v3;
	v3 =	vld.idx.msk [tilespmem:v10+s4+$0x0], $0xffff;
	[tilespmem:s24+$0xD0] =	vst v18;
	v7 =	vor.u32 v8, v7;
	v8 =	vand.u32 $0x67, v14  }
0xab: {  	v18 =	vld.idx.msk [tilespmem:v19+s4+$0x0], $0xffff;
	v10 =	vshll.u32 v14, $0x3;
	v14 =	vadd.s32 v0, v7;
	[tilespmem:s15+$0xFFFFFF60] =	vst v6;
	v6 =	vand.u32 $0x66, v59  }
0xac: {  	v10 =	vand.u32 $0x3C00, v10;
	v7 =	vadd.s32 v0, v26;
	v16 =	vld.idx.msk [tilespmem:v5+s4+$0x0], $0xffff;
	v5 =	vor.u32 v6, v11  }
0xad: {  	[tilespmem:s15+$0x70] =	vst v63;
	v11 =	vor.u32 v8, v10;
	v6 =	vadd.s32 v0, v20;
	v8 =	vor.u32 v15, v4  }
0xae: {  	s9 =	simm.s32 $0x20;
	s16 =	simm.s32 $0x40;
	v19 =	vld.idx.msk [tilespmem:v9+s4+$0x0], $0xffff;
	v10 =	vadd.s32 v0, v12;
	v5 =	vadd.s32 v0, v5;
	v4 =	vadd.s32 v0, v11  }
.LBB2_4:
0xaf: {  	s17 =	sadd.s32 $0x8, s16  }
0xb0: {  	s19 =	sadd.s32 $0x10, s16;
	s20 =	sadd.s32 $0x18, s16;
	v9 =	vmov s9;
	v12 =	vadd.s32 v0, v1;
	v11 =	vadd.s32 v0, v8;
	s9 =	smov.u32 s16  }
0xb1: {  	s18 =	sadd.s32 $0x1, s9;
	v1 =	vmov s17;
	v8 =	vmov s19;
	s17 =	sadd.s32 $0x12, s9;
	s19 =	sadd.s32 $0x20, s16;
	v15 =	vand.u32 $0x60, v9;
	[tilespmem:s24+$0xE0] =	vst v18  }
0xb2: {  	p1 =	slt.u32 s16, $0x7E0;
	v20 =	vmov s20;
	v17 =	vshll.u32 v1, $0x3;
	v18 =	vshll.u32 v8, $0x3;
	v14 =	vld.idx.msk [tilespmem:v14+s4+$0x0], $0xffff;
	[tilespmem:s15+$0xFFFFFF70] =	vst v16;
	s15 =	smov.u32 s24  }
0xb3: {  	v9 =	vshll.u32 v9, $0x3;
	v16 =	vand.u32 $0x3C00, v17;
	v17 =	vand.u32 $0x3C00, v18;
	[tilespmem:s24+$0xFFFFFFE0] =	vst v19  }
0xb4: {  	v1 =	vand.u32 $0x68, v1;
	v8 =	vand.u32 $0x70, v8;
	v9 =	vand.u32 $0x3C00, v9;
	v13 =	vld.idx.msk [tilespmem:v13+s4+$0x0], $0xffff  }
0xb5: {  	v9 =	vor.u32 v15, v9;
	v1 =	vor.u32 v1, v16;
	v16 =	vshll.u32 v20, $0x3  }
0xb6: {  	v8 =	vor.u32 v8, v17;
	v9 =	vadd.s32 v0, v9;
	v1 =	vadd.s32 v0, v1  }
0xb7: {  	s16 =	sadd.s32 $0x9, s9;
	s20 =	sadd.s32 $0x11, s9;
	v15 =	vand.u32 $0x78, v20;
	v8 =	vadd.s32 v0, v8;
	v16 =	vand.u32 $0x3C00, v16  }
0xb8: {  	v18 =	vmov s20;
	v17 =	vmov s16;
	v15 =	vor.u32 v15, v16;
	[tilespmem:s24+$0xF0] =	vst v14  }
0xb9: {  	s16 =	sadd.s32 $0x19, s9;
	v16 =	vshll.u32 v17, $0x3;
	v15 =	vadd.s32 v0, v15;
	v14 =	vand.u32 $0x69, v17  }
0xba: {  	v19 =	vmov s16;
	v16 =	vand.u32 $0x3C00, v16;
	v17 =	vshll.u32 v18, $0x3;
	[tilespmem:s24+$0xFFFFFFF0] =	vst v13  }
0xbb: {  	v13 =	vor.u32 v14, v16;
	v14 =	vand.u32 $0x71, v18;
	v16 =	vand.u32 $0x3C00, v17;
	v9 =	vld.idx.msk [tilespmem:v9+s4+$0x0], $0xffff  }
0xbc: {  	v13 =	vadd.s32 v0, v13;
	v17 =	vld.idx.msk [tilespmem:v1+s4+$0x0], $0xffff;
	v1 =	vor.u32 v14, v16;
	v14 =	vshll.u32 v19, $0x3  }
0xbd: {  	s16 =	sadd.s32 $0xA, s9;
	v16 =	vadd.s32 v0, v1;
	v1 =	vand.u32 $0x79, v19;
	v14 =	vand.u32 $0x3C00, v14  }
0xbe: {  	v18 =	vmov s18;
	v19 =	vmov s16;
	v1 =	vor.u32 v1, v14  }
0xbf: {  	v14 =	vshll.u32 v18, $0x3;
	v20 =	vand.u32 $0x6A, v19;
	v15 =	vld.idx.msk [tilespmem:v15+s4+$0x0], $0xffff;
	v21 =	vadd.s32 v0, v1  }
0xc0: {  	s16 =	sadd.s32 $0x1A, s9;
	v1 =	vand.u32 $0x61, v18;
	v14 =	vand.u32 $0x3C00, v14;
	v18 =	vshll.u32 v19, $0x3;
	v19 =	vld.idx.msk [tilespmem:v8+s4+$0x0], $0xffff  }
0xc1: {  	s18 =	sadd.s32 $0x2, s9;
	s24 =	sadd.s32 $0x200, s24;
	v1 =	vor.u32 v1, v14;
	v8 =	vand.u32 $0x3C00, v18;
	v14 =	vmov s16;
	[tilespmem:s15+$0xFFFFFF00] =	vst v9  }
0xc2: {  	v9 =	vmov s18;
	v8 =	vor.u32 v20, v8;
	[tilespmem:s24+$0xFFFFFF80] =	vst v17;
	v17 =	vshll.u32 v14, $0x3;
	v12 =	vld.idx.msk [tilespmem:v12+s4+$0x0], $0xffff  }
0xc3: {  	v18 =	vadd.s32 v0, v8;
	v14 =	vand.u32 $0x7A, v14;
	v13 =	vld.idx.msk [tilespmem:v13+s4+$0x0], $0xffff;
	v17 =	vand.u32 $0x3C00, v17  }
0xc4: {  	s16 =	sadd.s32 $0xB, s9;
	v8 =	vand.u32 $0x62, v9;
	v9 =	vshll.u32 v9, $0x3;
	v14 =	vor.u32 v14, v17  }
0xc5: {  	v20 =	vmov s17;
	v17 =	vmov s16;
	s16 =	sadd.s32 $0x13, s9;
	[tilespmem:s24+$0x80] =	vst v15;
	v14 =	vadd.s32 v0, v14  }
0xc6: {  	v15 =	vshll.u32 v17, $0x3;
	v22 =	vmov s16;
	[tilespmem:s24+$0x0] =	vst v19;
	v19 =	vshll.u32 v20, $0x3;
	v21 =	vld.idx.msk [tilespmem:v21+s4+$0x0], $0xffff  }
0xc7: {  	v17 =	vand.u32 $0x6B, v17;
	v20 =	vand.u32 $0x72, v20;
	v16 =	vld.idx.msk [tilespmem:v16+s4+$0x0], $0xffff;
	v19 =	vand.u32 $0x3C00, v19  }
0xc8: {  	v19 =	vor.u32 v20, v19;
	v20 =	vand.u32 $0x73, v22;
	v22 =	vshll.u32 v22, $0x3;
	[tilespmem:s15+$0xFFFFFF10] =	vst v12  }
0xc9: {  	s16 =	sadd.s32 $0x1B, s9;
	v12 =	vand.u32 $0x3C00, v15;
	[tilespmem:s24+$0xFFFFFF90] =	vst v13;
	v13 =	vadd.s32 v0, v19;
	v15 =	vand.u32 $0x3C00, v22;
	v19 =	vld.idx.msk [tilespmem:v11+s4+$0x0], $0xffff  }
0xca: {  	v11 =	vor.u32 v17, v12;
	v18 =	vld.idx.msk [tilespmem:v18+s4+$0x0], $0xffff;
	v12 =	vor.u32 v20, v15;
	v15 =	vmov s16  }
0xcb: {  	s16 =	sadd.s32 $0x3, s9;
	v17 =	vadd.s32 v0, v11;
	v12 =	vadd.s32 v0, v12;
	v11 =	vshll.u32 v15, $0x3  }
0xcc: {  	v20 =	vmov s16;
	s16 =	sadd.s32 $0xC, s9;
	v15 =	vand.u32 $0x7B, v15;
	[tilespmem:s24+$0x90] =	vst v21;
	v11 =	vand.u32 $0x3C00, v11  }
0xcd: {  	v21 =	vshll.u32 v20, $0x3;
	v22 =	vmov s16;
	[tilespmem:s24+$0x10] =	vst v16;
	v14 =	vld.idx.msk [tilespmem:v14+s4+$0x0], $0xffff;
	v11 =	vor.u32 v15, v11  }
0xce: {  	s16 =	sadd.s32 $0x14, s9;
	v15 =	vand.u32 $0x63, v20;
	v16 =	vand.u32 $0x3C00, v21;
	v13 =	vld.idx.msk [tilespmem:v13+s4+$0x0], $0xffff;
	v20 =	vadd.s32 v0, v11  }
0xcf: {  	v11 =	vor.u32 v15, v16;
	v15 =	vshll.u32 v22, $0x3;
	v16 =	vmov s16;
	[tilespmem:s15+$0xFFFFFF20] =	vst v19  }
0xd0: {  	v15 =	vand.u32 $0x3C00, v15;
	v19 =	vshll.u32 v16, $0x3;
	[tilespmem:s24+$0xFFFFFFA0] =	vst v18;
	v18 =	vand.u32 $0x6C, v22;
	v21 =	vld.idx.msk [tilespmem:v10+s4+$0x0], $0xffff  }
0xd1: {  	s16 =	sadd.s32 $0x1C, s9;
	v17 =	vld.idx.msk [tilespmem:v17+s4+$0x0], $0xffff;
	v10 =	vor.u32 v18, v15;
	v15 =	vand.u32 $0x74, v16;
	v16 =	vand.u32 $0x3C00, v19  }
0xd2: {  	s17 =	sadd.s32 $0x4, s9;
	v18 =	vadd.s32 v0, v10;
	v10 =	vor.u32 v15, v16;
	v15 =	vmov s16  }
0xd3: {  	v16 =	vmov s17;
	v19 =	vadd.s32 v0, v10;
	[tilespmem:s24+$0xA0] =	vst v14;
	v10 =	vshll.u32 v15, $0x3  }
0xd4: {  	v14 =	vshll.u32 v16, $0x3;
	v15 =	vand.u32 $0x7C, v15;
	[tilespmem:s24+$0x20] =	vst v13;
	v13 =	vld.idx.msk [tilespmem:v20+s4+$0x0], $0xffff;
	v10 =	vand.u32 $0x3C00, v10  }
0xd5: {  	s16 =	sadd.s32 $0xD, s9;
	v16 =	vand.u32 $0x64, v16;
	v14 =	vand.u32 $0x3C00, v14;
	v12 =	vld.idx.msk [tilespmem:v12+s4+$0x0], $0xffff;
	v15 =	vor.u32 v15, v10  }
0xd6: {  	v10 =	vor.u32 v16, v14;
	v14 =	vmov s16;
	s16 =	sadd.s32 $0x15, s9;
	v15 =	vadd.s32 v0, v15;
	[tilespmem:s15+$0xFFFFFF30] =	vst v21  }
0xd7: {  	v16 =	vand.u32 $0x6D, v14;
	v14 =	vshll.u32 v14, $0x3;
	[tilespmem:s24+$0xFFFFFFB0] =	vst v17;
	v17 =	vmov s16;
	v7 =	vld.idx.msk [tilespmem:v7+s4+$0x0], $0xffff  }
0xd8: {  	v14 =	vand.u32 $0x3C00, v14;
	s16 =	sadd.s32 $0x1D, s9;
	v18 =	vld.idx.msk [tilespmem:v18+s4+$0x0], $0xffff;
	v20 =	vand.u32 $0x75, v17;
	v17 =	vshll.u32 v17, $0x3  }
0xd9: {  	v14 =	vor.u32 v16, v14;
	v16 =	vand.u32 $0x3C00, v17;
	v17 =	vmov s16  }
0xda: {  	v14 =	vadd.s32 v0, v14;
	v16 =	vor.u32 v20, v16;
	[tilespmem:s24+$0xB0] =	vst v13;
	v13 =	vshll.u32 v17, $0x3  }
0xdb: {  	s17 =	sadd.s32 $0xE, s9;
	s16 =	sadd.s32 $0x5, s9;
	[tilespmem:s24+$0x30] =	vst v12;
	v12 =	vadd.s32 v0, v16;
	v15 =	vld.idx.msk [tilespmem:v15+s4+$0x0], $0xffff;
	v16 =	vand.u32 $0x7D, v17;
	v13 =	vand.u32 $0x3C00, v13  }
0xdc: {  	v20 =	vmov s17;
	v17 =	vmov s16;
	s16 =	sadd.s32 $0x16, s9;
	v19 =	vld.idx.msk [tilespmem:v19+s4+$0x0], $0xffff;
	v13 =	vor.u32 v16, v13  }
0xdd: {  	v16 =	vshll.u32 v17, $0x3;
	v21 =	vmov s16;
	v13 =	vadd.s32 v0, v13;
	[tilespmem:s15+$0xFFFFFF40] =	vst v7  }
0xde: {  	v7 =	vand.u32 $0x65, v17;
	v16 =	vand.u32 $0x3C00, v16;
	v17 =	vshll.u32 v21, $0x3;
	[tilespmem:s24+$0xFFFFFFC0] =	vst v18;
	v6 =	vld.idx.msk [tilespmem:v6+s4+$0x0], $0xffff  }
0xdf: {  	s16 =	sadd.s32 $0x1E, s9;
	v22 =	vor.u32 v7, v16;
	v16 =	vand.u32 $0x3C00, v17;
	v7 =	vld.idx.msk [tilespmem:v14+s4+$0x0], $0xffff;
	v14 =	vand.u32 $0x76, v21  }
0xe0: {  	v17 =	vshll.u32 v20, $0x3;
	v14 =	vor.u32 v14, v16;
	v16 =	vmov s16  }
0xe1: {  	v17 =	vand.u32 $0x3C00, v17;
	v14 =	vadd.s32 v0, v14;
	[tilespmem:s24+$0xC0] =	vst v15;
	v15 =	vshll.u32 v16, $0x3  }
0xe2: {  	v18 =	vand.u32 $0x6E, v20;
	s16 =	sadd.s32 $0x6, s9;
	[tilespmem:s24+$0x40] =	vst v19;
	v19 =	vld.idx.msk [tilespmem:v13+s4+$0x0], $0xffff;
	v13 =	vand.u32 $0x7E, v16;
	v15 =	vand.u32 $0x3C00, v15  }
0xe3: {  	v17 =	vor.u32 v18, v17;
	v16 =	vmov s16;
	v12 =	vld.idx.msk [tilespmem:v12+s4+$0x0], $0xffff;
	v13 =	vor.u32 v13, v15  }
0xe4: {  	s18 =	sadd.s32 $0x1F, s9;
	s17 =	sadd.s32 $0x17, s9;
	v17 =	vadd.s32 v0, v17;
	s16 =	sadd.s32 $0xF, s9;
	v15 =	vshll.u32 v16, $0x3;
	v18 =	vadd.s32 v0, v13;
	[tilespmem:s15+$0xFFFFFF50] =	vst v6  }
0xe5: {  	v20 =	vmov s18;
	v6 =	vmov s16;
	v13 =	vmov s17;
	v5 =	vld.idx.msk [tilespmem:v5+s4+$0x0], $0xffff  }
0xe6: {  	v21 =	vand.u32 $0x77, v13;
	v13 =	vshll.u32 v13, $0x3;
	[tilespmem:s24+$0xFFFFFFD0] =	vst v7;
	v7 =	vshll.u32 v6, $0x3  }
0xe7: {  	v6 =	vand.u32 $0x6F, v6;
	v23 =	vand.u32 $0x3C00, v13;
	v7 =	vand.u32 $0x3C00, v7  }
0xe8: {  	v6 =	vor.u32 v6, v7;
	v7 =	vand.u32 $0x7F, v20;
	v20 =	vshll.u32 v20, $0x3;
	[tilespmem:s15+$0x60] =	vst v3  }
0xe9: {  	s16 =	sadd.s32 $0x7, s9;
	v13 =	vadd.s32 v0, v6;
	[tilespmem:s24+$0x50] =	vst v12;
	v6 =	vor.u32 v21, v23;
	v12 =	vand.u32 $0x3C00, v20;
	v20 =	vld.idx.msk [tilespmem:v2+s4+$0x0], $0xffff  }
0xea: {  	v21 =	vmov s16;
	v3 =	vld.idx.msk [tilespmem:v14+s4+$0x0], $0xffff;
	v2 =	vadd.s32 v0, v6;
	[tilespmem:s24+$0xD0] =	vst v19;
	v6 =	vor.u32 v7, v12  }
.Ltmp3:
0xeb: {  	v12 =	vand.u32 $0x67, v21;
	v7 =	vshll.u32 v21, $0x3;
	v18 =	vld.idx.msk [tilespmem:v18+s4+$0x0], $0xffff;
	v14 =	vadd.s32 v0, v6;
	[tilespmem:s15+$0xFFFFFF60] =	vst v5;
	(pc) =	sbr.rel @p1 .LBB2_4-.Ltmp3, $4  }
0xec: {  	v5 =	vand.u32 $0x66, v16;
	v6 =	vand.u32 $0x3C00, v15;
	v15 =	vand.u32 $0x3C00, v7;
	v16 =	vld.idx.msk [tilespmem:v4+s4+$0x0], $0xffff  }
0xed: {  	v7 =	vadd.s32 v0, v10;
	v4 =	vor.u32 v5, v6;
	v12 =	vor.u32 v12, v15;
	v19 =	vld.idx.msk [tilespmem:v17+s4+$0x0], $0xffff  }
0xee: {  	v9 =	vand.u32 $0x3C00, v9;
	v6 =	vadd.s32 v0, v22;
	v5 =	vadd.s32 v0, v4  }
0xef: {  	v8 =	vor.u32 v8, v9;
	s16 =	smov.u32 s19;
	v10 =	vadd.s32 v0, v11;
	v4 =	vadd.s32 v0, v12;
	[tilespmem:s15+$0x70] =	vst v20  }
0xf0: {  	v9 =	vmov s9  }
0xf1: {  	v11 =	vshll.u32 v9, $0x3  }
0xf2: {  	v9 =	vand.u32 $0x60, v9;
	v11 =	vand.u32 $0x3C00, v11  }
0xf3: {  	v9 =	vor.u32 v9, v11  }
0xf4: {  	v9 =	vadd.s32 v0, v9;
	_ =	sdelay $0x4  }
0xf5: {  	v9 =	vld.idx.msk [tilespmem:v9+s4+$0x0], $0xffff  }
0xf6: {  	v1 =	vadd.s32 v0, v1;
	_ =	sdelay $0x3  }
0xf7: {  	[tilespmem:s24+$0xFFFFFF00] =	vst v9  }
0xf8: {  	v1 =	vld.idx.msk [tilespmem:v1+s4+$0x0], $0xffff  }
0xf9: {  	v8 =	vadd.s32 v0, v8;
	_ =	sdelay $0x3  }
0xfa: {  	[tilespmem:s24+$0xFFFFFF10] =	vst v1  }
0xfb: {  	v1 =	vld.idx.msk [tilespmem:v8+s4+$0x0], $0xffff;
	_ =	sdelay $0x4  }
0xfc: {  	[tilespmem:s24+$0xFFFFFF20] =	vst v1  }
0xfd: {  	v1 =	vld.idx.msk [tilespmem:v10+s4+$0x0], $0xffff;
	_ =	sdelay $0x4  }
0xfe: {  	[tilespmem:s24+$0xFFFFFF30] =	vst v1  }
0xff: {  	v1 =	vld.idx.msk [tilespmem:v7+s4+$0x0], $0xffff;
	_ =	sdelay $0x4  }
0x100: {  	[tilespmem:s24+$0xFFFFFF40] =	vst v1  }
0x101: {  	v1 =	vld.idx.msk [tilespmem:v6+s4+$0x0], $0xffff;
	_ =	sdelay $0x4  }
0x102: {  	[tilespmem:s24+$0xFFFFFF50] =	vst v1  }
0x103: {  	v1 =	vld.idx.msk [tilespmem:v5+s4+$0x0], $0xffff;
	_ =	sdelay $0x1  }
0x104: {  	[tilespmem:s24+$0xE0] =	vst v18  }
0x105: {  	[tilespmem:s24+$0x60] =	vst v3;
	v62 =	vld.idx.msk [tilespmem:v14+s4+$0x0], $0xffff  }
0x106: {  	v2 =	vld.idx.msk [tilespmem:v2+s4+$0x0], $0xffff;
	[tilespmem:s24+$0xFFFFFFE0] =	vst v19  }
0x107: {  	v63 =	vld.idx.msk [tilespmem:v13+s4+$0x0], $0xffff;
	[tilespmem:s24+$0xFFFFFF60] =	vst v1  }
0x108: {  	v1 =	vld.idx.msk [tilespmem:v4+s4+$0x0], $0xffff  }
0x109: {  	s19 =	smul.u32 $0x30D40, s11;
	p1 =	seq.s32 s14, $0x0;
	[tilespmem:s15+$0xFFFFFF70] =	vst v16  }
.Ltmp4:
0x10a: {  	s20 =	sshll.u32 s12, $0xC;
	[tilespmem:s24+$0xF0] =	vst v62;
	(pc) =	sbr.rel @p1 .LBB2_9-.Ltmp4, $4  }
0x10b: {  	s9 =	sadd.s32 s19, s20;
	[tilespmem:s24+$0x70] =	vst v2  }
0x10c: {  	s9 =	sand.u32 $0x1FFFFFC0, s9;
	[tilespmem:s24+$0xFFFFFFF0] =	vst v63  }
0x10d: {  	s9 =	sadd.s32 s6, s9;
	[tilespmem:s24+$0xFFFFFF70] =	vst v1  }
0x10e: {  	[hbm4b:s9+s4] =	stream.linear.scatter [tilespmem:s29], [sflag:$0x1], $0x8000, $0x38;
	[tilespmem:$0x1A000] =	vst v63  }
.LBB2_6:
0x10f: {  	s9 =	simm.s32 $0x8  }
0x110: {  	s14 =	simm.s32 $0x10;
	s19 =	simm.s32 $0x18;
	v1 =	vmov s9  }
0x111: {  	v2 =	vmov s14;
	v6 =	vmov s19;
	v3 =	vshll.u32 v1, $0x3  }
0x112: {  	v4 =	vshll.u32 v2, $0x3;
	v1 =	vand.u32 $0x68, v1;
	v3 =	vand.u32 $0x3C00, v3  }
0x113: {  	v2 =	vand.u32 $0x70, v2;
	v4 =	vand.u32 $0x3C00, v4;
	v1 =	vor.u32 v1, v3  }
0x114: {  	s20 =	simm.s32 $0x9;
	s24 =	simm.s32 $0x11;
	v3 =	vshll.u32 v6, $0x3;
	v5 =	vadd.s32 v0, v1;
	v1 =	vor.u32 v2, v4  }
0x115: {  	s14 =	simm.s32 $0x19;
	v2 =	vand.u32 $0x3C00, v3;
	v3 =	vmov s20;
	v4 =	vmov s24  }
0x116: {  	v18 =	vadd.s32 v0, v1;
	v1 =	vand.u32 $0x78, v6;
	v6 =	vmov s14  }
0x117: {  	v1 =	vor.u32 v1, v2;
	v2 =	vand.u32 $0x69, v3;
	v3 =	vshll.u32 v3, $0x3  }
0x118: {  	v27 =	vadd.s32 v0, v1;
	v1 =	vand.u32 $0x3C00, v3;
	v3 =	vshll.u32 v4, $0x3  }
0x119: {  	v1 =	vor.u32 v2, v1;
	v2 =	vand.u32 $0x71, v4;
	v3 =	vand.u32 $0x3C00, v3  }
0x11a: {  	s24 =	simm.s32 $0x13;
	v20 =	vadd.s32 v0, v1;
	v1 =	vor.u32 v2, v3;
	v2 =	vshll.u32 v6, $0x3  }
0x11b: {  	s15 =	simm.s32 $0x1;
	s16 =	simm.s32 $0xA;
	v8 =	vmov s24;
	v3 =	vand.u32 $0x79, v6;
	v2 =	vand.u32 $0x3C00, v2  }
0x11c: {  	v4 =	vmov s15;
	v6 =	vmov s16;
	v2 =	vor.u32 v3, v2  }
0x11d: {  	v1 =	vadd.s32 v0, v1;
	v3 =	vshll.u32 v4, $0x3;
	v26 =	vadd.s32 v0, v2  }
0x11e: {  	v2 =	vand.u32 $0x61, v4;
	v3 =	vand.u32 $0x3C00, v3;
	v4 =	vshll.u32 v6, $0x3  }
0x11f: {  	s17 =	simm.s32 $0x1A;
	s18 =	simm.s32 $0x2;
	v7 =	vand.u32 $0x6A, v6;
	v28 =	vor.u32 v2, v3;
	v2 =	vand.u32 $0x3C00, v4  }
0x120: {  	v3 =	vmov s17;
	v4 =	vmov s18;
	v2 =	vor.u32 v7, v2  }
0x121: {  	v6 =	vshll.u32 v3, $0x3;
	v29 =	vand.u32 $0x62, v4;
	v28 =	vadd.s32 v0, v28  }
0x122: {  	s19 =	simm.s32 $0x12;
	v19 =	vadd.s32 v0, v2;
	v2 =	vand.u32 $0x7A, v3;
	v3 =	vand.u32 $0x3C00, v6  }
0x123: {  	s20 =	simm.s32 $0xB;
	v6 =	vshll.u32 v4, $0x3;
	v4 =	vmov s19;
	v2 =	vor.u32 v2, v3  }
0x124: {  	v3 =	vmov s20;
	v7 =	vshll.u32 v4, $0x3;
	v4 =	vand.u32 $0x72, v4  }
0x125: {  	v39 =	vand.u32 $0x3C00, v6;
	v23 =	vadd.s32 v0, v2;
	v2 =	vshll.u32 v3, $0x3  }
0x126: {  	v3 =	vand.u32 $0x6B, v3;
	v7 =	vand.u32 $0x3C00, v7;
	v41 =	vor.u32 v29, v39  }
0x127: {  	v4 =	vor.u32 v4, v7;
	v7 =	vand.u32 $0x73, v8;
	v8 =	vshll.u32 v8, $0x3  }
0x128: {  	s14 =	simm.s32 $0x1B;
	v2 =	vand.u32 $0x3C00, v2;
	v24 =	vadd.s32 v0, v4;
	v4 =	vand.u32 $0x3C00, v8  }
0x129: {  	v2 =	vor.u32 v3, v2;
	v3 =	vor.u32 v7, v4;
	v4 =	vmov s14  }
0x12a: {  	s15 =	simm.s32 $0x3;
	v21 =	vadd.s32 v0, v2;
	v15 =	vadd.s32 v0, v3;
	v2 =	vshll.u32 v4, $0x3  }
0x12b: {  	s16 =	simm.s32 $0xC;
	v3 =	vmov s15;
	v4 =	vand.u32 $0x7B, v4;
	v2 =	vand.u32 $0x3C00, v2  }
0x12c: {  	v8 =	vmov s16;
	v7 =	vshll.u32 v3, $0x3;
	v2 =	vor.u32 v4, v2  }
0x12d: {  	s17 =	simm.s32 $0x14;
	v3 =	vand.u32 $0x63, v3;
	v4 =	vand.u32 $0x3C00, v7;
	v25 =	vadd.s32 v0, v2  }
0x12e: {  	s16 =	simm.s32 $0xE;
	v30 =	vor.u32 v3, v4;
	v2 =	vshll.u32 v8, $0x3;
	v3 =	vmov s17  }
0x12f: {  	v4 =	vand.u32 $0x6C, v8;
	v8 =	vmov s16;
	s17 =	simm.s32 $0x16;
	v2 =	vand.u32 $0x3C00, v2  }
0x130: {  	v7 =	vshll.u32 v3, $0x3;
	v3 =	vand.u32 $0x74, v3;
	v9 =	vmov s17  }
0x131: {  	s17 =	simm.s32 $0x7;
	v29 =	vadd.s32 v0, v30;
	v2 =	vor.u32 v4, v2;
	v4 =	vand.u32 $0x3C00, v7  }
0x132: {  	s18 =	simm.s32 $0x1C;
	s19 =	simm.s32 $0x4;
	v37 =	vmov s17;
	v16 =	vadd.s32 v0, v2;
	v2 =	vor.u32 v3, v4  }
0x133: {  	s17 =	simm.s32 $0x39;
	v3 =	vmov s18;
	v4 =	vmov s19;
	v38 =	vand.u32 $0x67, v37  }
0x134: {  	v56 =	vmov s17;
	v10 =	vadd.s32 v0, v2;
	v2 =	vshll.u32 v3, $0x3  }
0x135: {  	s19 =	simm.s32 $0x6;
	v7 =	vshll.u32 v4, $0x3;
	v3 =	vand.u32 $0x7C, v3;
	v4 =	vand.u32 $0x64, v4  }
0x136: {  	v22 =	vmov s19;
	v58 =	vshll.u32 v56, $0x3;
	v2 =	vand.u32 $0x3C00, v2  }
0x137: {  	s19 =	simm.s32 $0x28;
	v7 =	vand.u32 $0x3C00, v7;
	v32 =	vshll.u32 v22, $0x3;
	v35 =	vand.u32 $0x66, v22  }
0x138: {  	s24 =	simm.s32 $0x15;
	s20 =	simm.s32 $0xD;
	v44 =	vmov s19;
	v2 =	vor.u32 v3, v2;
	v14 =	vor.u32 v4, v7  }
0x139: {  	s19 =	simm.s32 $0x2A;
	v3 =	vmov s20;
	v4 =	vmov s24;
	v32 =	vand.u32 $0x3C00, v32  }
0x13a: {  	v47 =	vand.u32 $0x68, v44;
	v61 =	vmov s19;
	v17 =	vadd.s32 v0, v2  }
0x13b: {  	v2 =	vand.u32 $0x6D, v3;
	v3 =	vshll.u32 v3, $0x3;
	v7 =	vand.u32 $0x75, v4  }
0x13c: {  	p1 =	seq.s32 s31, $0x26;
	v4 =	vshll.u32 v4, $0x3;
	v22 =	vadd.s32 v0, v14;
	v3 =	vand.u32 $0x3C00, v3  }
0x13d: {  	s13 =	sadd.s32 @!p1 s10, s13;
	s14 =	simm.s32 $0x1D;
	v32 =	vor.u32 v35, v32;
	v2 =	vor.u32 v2, v3;
	v3 =	vand.u32 $0x3C00, v4  }
0x13e: {  	v4 =	vmov s14;
	s14 =	smulhi.u32 @!p1 $0x2AAAAAAB, s13;
	v13 =	vadd.s32 v0, v2;
	v2 =	vor.u32 v7, v3  }
0x13f: {  	s15 =	simm.s32 $0x5;
	v62 =	vand.u32 $0x6A, v61;
	v3 =	vshll.u32 v4, $0x3;
	v7 =	vadd.s32 v0, v2  }
0x140: {  	_ =	swait.ge [sflag:s25], $0x4000;
	v2 =	vand.u32 $0x7D, v4;
	v3 =	vand.u32 $0x3C00, v3;
	v4 =	vmov s15;
	s9 =	sshrl.u32 @!p1 s14, $0x3  }
0x141: {  	[sflag:s25] =	ssyncset.done $0x0;
	v6 =	vadd.s32 v0, v32;
	v2 =	vor.u32 v2, v3;
	v3 =	vshll.u32 v4, $0x3;
	s15 =	smul.u32 @!p1 $0x30, s9  }
0x142: {  	[sflag:s25] =	ssyncadd.s32 $0xFFFFC000;
	v11 =	vadd.s32 v0, v2;
	v2 =	vand.u32 $0x65, v4;
	v3 =	vand.u32 $0x3C00, v3  }
0x143: {  	_ =	swait.ge [sflag:s25], $0x4000;
	s9 =	smul.u32 @!p1 $0x187000, s9;
	v4 =	vshll.u32 v9, $0x3;
	v31 =	vor.u32 v2, v3;
	v2 =	vand.u32 $0x76, v9;
	s13 =	ssub.s32 @!p1 s13, s15  }
0x144: {  	[sflag:s25] =	ssyncset.done $0x0;
	s18 =	simm.s32 $0x1E;
	v3 =	vand.u32 $0x3C00, v4;
	v4 =	vshll.u32 v8, $0x3;
	v8 =	vand.u32 $0x6E, v8;
	s13 =	sshll.u32 @!p1 s13, $0xE  }
0x145: {  	[sflag:s25] =	ssyncadd.s32 $0xFFFFC000;
	s16 =	simm.s32 $0x1F;
	v2 =	vor.u32 v2, v3;
	v3 =	vmov s18;
	v4 =	vand.u32 $0x3C00, v4;
	s9 =	sadd.s32 @!p1 s13, s9  }
0x146: {  	s24 =	simm.s32 $0x17;
	v14 =	vadd.s32 v0, v31;
	s18 =	simm.s32 $0x0;
	v2 =	vadd.s32 v0, v2;
	v9 =	vshll.u32 v3, $0x3;
	s9 =	sshrl.u32 @!p1 s9, $0x3  }
0x147: {  	v3 =	vand.u32 $0x7E, v3;
	v4 =	vor.u32 v8, v4;
	s13 =	simm.s32 @!p1 $0x0;
	v43 =	vmov s18;
	s18 =	simm.s32 $0x21;
	s9 =	sadd.s32 @!p1 s1, s9  }
0x148: {  	v9 =	vand.u32 $0x3C00, v9;
	v8 =	vadd.s32 v0, v4;
	v4 =	vmov s24;
	[tilespmem:s13], [sflag:$0x3] =	stream.linear.gather @!p1 [hbm4b:s9+s13], $0x4000, $0x38;
	[tilespmem:$0x1A000] =	vst v63  }
0x149: {  	s20 =	simm.s32 $0xF;
	s15 =	simm.s32 @!p1 $0x4400;
	v46 =	vand.u32 $0x60, v43;
	v60 =	vmov s18;
	v3 =	vor.u32 v3, v9;
	s9 =	sadd.s32 @!p1 $0x18700, s9  }
0x14a: {  	v9 =	vmov s16;
	v34 =	vand.u32 $0x77, v4;
	v4 =	vshll.u32 v4, $0x3;
	[tilespmem:s15], [sflag:$0x3] =	stream.linear.gather @!p1 [hbm4b:s9+s13], $0x4000, $0x38;
	[tilespmem:$0x1A000] =	vst v63  }
0x14b: {  	s16 =	simm.s32 $0x31;
	v12 =	vadd.s32 v0, v3;
	v3 =	vmov s20;
	v4 =	vand.u32 $0x3C00, v4;
	_ =	swait.ge [sflag:s26], $0x8000  }
0x14c: {  	v36 =	vand.u32 $0x7F, v9;
	v9 =	vshll.u32 v9, $0x3;
	v52 =	vmov s16;
	[sflag:s26] =	ssyncset.done $0x0  }
0x14d: {  	s20 =	simm.s32 $0x30;
	v33 =	vshll.u32 v3, $0x3;
	v3 =	vand.u32 $0x6F, v3;
	v4 =	vor.u32 v34, v4;
	[sflag:s26] =	ssyncadd.s32 $0xFFFF8000  }
0x14e: {  	v9 =	vand.u32 $0x3C00, v9;
	v34 =	vshll.u32 v37, $0x3;
	v45 =	vmov s20;
	v40 =	vld.idx.msk [tilespmem:v5+s28+$0x0], $0xffff  }
0x14f: {  	v55 =	vshll.u32 v52, $0x3;
	v57 =	vand.u32 $0x71, v52;
	v33 =	vand.u32 $0x3C00, v33;
	v42 =	vld.idx.msk [tilespmem:v27+s28+$0x0], $0xffff  }
0x150: {  	v4 =	vadd.s32 v0, v4;
	v9 =	vor.u32 v36, v9;
	v34 =	vand.u32 $0x3C00, v34  }
0x151: {  	s16 =	simm.s32 $0x2B;
	v36 =	vshll.u32 v44, $0x3;
	v37 =	vshll.u32 v45, $0x3;
	v48 =	vand.u32 $0x70, v45  }
0x152: {  	s24 =	simm.s32 $0x38;
	s13 =	simm.s32 $0x11100;
	v45 =	vmov s16;
	v3 =	vor.u32 v3, v33;
	v9 =	vadd.s32 v0, v9  }
0x153: {  	s15 =	simm.s32 $0x29;
	v33 =	vor.u32 v38, v34;
	v38 =	vmov s24;
	v36 =	vand.u32 $0x3C00, v36;
	v18 =	vld.idx.msk [tilespmem:v18+s28+$0x0], $0xffff;
	[tilespmem:s13+$0xFFFFFF80] =	vst v40  }
0x154: {  	v37 =	vand.u32 $0x3C00, v37;
	v51 =	vmov s15;
	v3 =	vadd.s32 v0, v3;
	[tilespmem:s13+$0x80] =	vst v42;
	v20 =	vld.idx.msk [tilespmem:v20+s28+$0x0], $0xffff  }
0x155: {  	s24 =	simm.s32 $0x22;
	v49 =	vor.u32 v47, v36;
	v50 =	vshll.u32 v38, $0x3;
	v32 =	vor.u32 v48, v37;
	v26 =	vld.idx.msk [tilespmem:v26+s28+$0x0], $0xffff  }
0x156: {  	s15 =	simm.s32 $0x32;
	v53 =	vand.u32 $0x69, v51;
	v34 =	vshll.u32 v51, $0x3;
	v39 =	vmov s24  }
0x157: {  	v44 =	vmov s15;
	v5 =	vadd.s32 v0, v33;
	v33 =	vshll.u32 v43, $0x3  }
0x158: {  	s16 =	simm.s32 $0x24;
	v48 =	vshll.u32 v45, $0x3;
	v30 =	vadd.s32 v0, v49;
	v33 =	vand.u32 $0x3C00, v33;
	[tilespmem:s13+$0x0] =	vst v18  }
0x159: {  	v37 =	vmov s16;
	v32 =	vadd.s32 v0, v32;
	v33 =	vor.u32 v46, v33;
	v1 =	vld.idx.msk [tilespmem:v1+s28+$0x0], $0xffff;
	[tilespmem:s13+$0xFFFFFF90] =	vst v20  }
0x15a: {  	s17 =	simm.s32 $0x33;
	v31 =	vand.u32 $0x3C00, v50;
	v33 =	vadd.s32 v0, v33;
	v18 =	vand.u32 $0x78, v38;
	[tilespmem:s13+$0x90] =	vst v26;
	v19 =	vld.idx.msk [tilespmem:v19+s28+$0x0], $0xffff  }
0x15b: {  	v50 =	vmov s17;
	v52 =	vand.u32 $0x3C00, v48;
	v18 =	vor.u32 v18, v31;
	v23 =	vld.idx.msk [tilespmem:v23+s28+$0x0], $0xffff  }
0x15c: {  	v27 =	vadd.s32 v0, v41;
	v54 =	vadd.s32 v0, v18;
	v18 =	vand.u32 $0x3C00, v34  }
0x15d: {  	v51 =	vand.u32 $0x73, v50;
	v30 =	vld.idx.msk [tilespmem:v30+s28+$0x0], $0xffff;
	v18 =	vor.u32 v53, v18;
	v20 =	vand.u32 $0x3C00, v55  }
0x15e: {  	v46 =	vshll.u32 v44, $0x3;
	v49 =	vld.idx.msk [tilespmem:v32+s28+$0x0], $0xffff;
	v31 =	vadd.s32 v0, v18;
	[tilespmem:s13+$0x10] =	vst v1;
	v18 =	vor.u32 v57, v20  }
0x15f: {  	v41 =	vld.idx.msk [tilespmem:v33+s28+$0x0], $0xffff;
	v1 =	vand.u32 $0x79, v56;
	v26 =	vadd.s32 v0, v18;
	v18 =	vand.u32 $0x3C00, v58;
	[tilespmem:s13+$0xFFFFFFA0] =	vst v19  }
0x160: {  	v35 =	vand.u32 $0x3C00, v46;
	v32 =	vshll.u32 v50, $0x3;
	v1 =	vor.u32 v1, v18;
	[tilespmem:s13+$0xA0] =	vst v23;
	v21 =	vld.idx.msk [tilespmem:v21+s28+$0x0], $0xffff  }
0x161: {  	s14 =	simm.s32 $0x11300;
	v32 =	vand.u32 $0x3C00, v32;
	v18 =	vshll.u32 v60, $0x3;
	v63 =	vadd.s32 v0, v1;
	v23 =	vld.idx.msk [tilespmem:v25+s28+$0x0], $0xffff  }
0x162: {  	s18 =	simm.s32 $0x3B;
	[tilespmem:s14+$0xFFFFFF80] =	vst v30;
	v59 =	vld.idx.msk [tilespmem:v24+s28+$0x0], $0xffff;
	v1 =	vand.u32 $0x61, v60;
	v18 =	vand.u32 $0x3C00, v18;
	v19 =	vshll.u32 v61, $0x3  }
0x163: {  	s19 =	simm.s32 $0x23;
	v53 =	vmov s18;
	[tilespmem:s14+$0x0] =	vst v49;
	v47 =	vld.idx.msk [tilespmem:v54+s28+$0x0], $0xffff;
	v1 =	vor.u32 v1, v18;
	v18 =	vand.u32 $0x3C00, v19  }
0x164: {  	v55 =	vmov s19;
	v56 =	vand.u32 $0x7B, v53;
	[tilespmem:s13+$0xFFFFFF00] =	vst v41;
	v31 =	vld.idx.msk [tilespmem:v31+s28+$0x0], $0xffff;
	v18 =	vor.u32 v62, v18  }
0x165: {  	s20 =	simm.s32 $0x3A;
	s19 =	simm.s32 $0x3D;
	v24 =	vand.u32 $0x72, v44;
	v20 =	vor.u32 v51, v32;
	v28 =	vld.idx.msk [tilespmem:v28+s28+$0x0], $0xffff;
	v42 =	vadd.s32 v0, v18;
	[tilespmem:s13+$0xFFFFFFB0] =	vst v21  }
0x166: {  	v54 =	vshll.u32 v53, $0x3;
	v46 =	vmov s19;
	v19 =	vmov s20;
	[tilespmem:s13+$0xB0] =	vst v23;
	v16 =	vld.idx.msk [tilespmem:v16+s28+$0x0], $0xffff  }
0x167: {  	v24 =	vor.u32 v24, v35;
	v30 =	vand.u32 $0x3C00, v54;
	[tilespmem:s13+$0x20] =	vst v59;
	v40 =	vshll.u32 v19, $0x3;
	v17 =	vld.idx.msk [tilespmem:v17+s28+$0x0], $0xffff  }
0x168: {  	v58 =	vshll.u32 v55, $0x3;
	[tilespmem:s14+$0x80] =	vst v47;
	v43 =	vld.idx.msk [tilespmem:v15+s28+$0x0], $0xffff;
	v19 =	vand.u32 $0x7A, v19;
	v25 =	vand.u32 $0x3C00, v40  }
0x169: {  	s15 =	simm.s32 $0x3C;
	s17 =	simm.s32 $0x2D;
	v20 =	vadd.s32 v0, v20;
	[tilespmem:s14+$0xFFFFFF90] =	vst v31;
	v57 =	vld.idx.msk [tilespmem:v63+s28+$0x0], $0xffff;
	v19 =	vor.u32 v19, v25;
	v25 =	vand.u32 $0x6B, v45  }
0x16a: {  	v35 =	vmov s15;
	v41 =	vmov s17;
	[tilespmem:s13+$0xFFFFFF10] =	vst v28;
	v25 =	vor.u32 v25, v52;
	v31 =	vld.idx.msk [tilespmem:v42+s28+$0x0], $0xffff  }
0x16b: {  	v48 =	vand.u32 $0x7D, v46;
	v24 =	vadd.s32 v0, v24;
	v25 =	vadd.s32 v0, v25;
	[tilespmem:s13+$0xFFFFFFC0] =	vst v16;
	v16 =	vld.idx.msk [tilespmem:v26+s28+$0x0], $0xffff  }
0x16c: {  	s15 =	simm.s32 $0x36;
	v30 =	vor.u32 v56, v30;
	v32 =	vand.u32 $0x3C00, v58;
	s20 =	simm.s32 $0x2C;
	v19 =	vadd.s32 v0, v19;
	[tilespmem:s13+$0xC0] =	vst v17;
	v17 =	vld.idx.msk [tilespmem:v27+s28+$0x0], $0xffff  }
0x16d: {  	s16 =	simm.s32 $0x3E;
	v36 =	vshll.u32 v35, $0x3;
	v51 =	vmov s15;
	v59 =	vmov s20;
	[tilespmem:s13+$0x30] =	vst v43  }
0x16e: {  	v56 =	vmov s16;
	v61 =	vshll.u32 v59, $0x3;
	v21 =	vand.u32 $0x63, v55;
	v60 =	vld.idx.msk [tilespmem:v10+s28+$0x0], $0xffff;
	[tilespmem:s14+$0x90] =	vst v57  }
0x16f: {  	v10 =	vor.u32 v21, v32;
	v21 =	vand.u32 $0x3C00, v61;
	v26 =	vand.u32 $0x6C, v59;
	v13 =	vld.idx.msk [tilespmem:v13+s28+$0x0], $0xffff;
	[tilespmem:s14+$0xFFFFFFA0] =	vst v31  }
0x170: {  	v53 =	vshll.u32 v51, $0x3;
	v54 =	vand.u32 $0x76, v51;
	v21 =	vor.u32 v26, v21;
	v25 =	vld.idx.msk [tilespmem:v25+s28+$0x0], $0xffff;
	[tilespmem:s14+$0x10] =	vst v16  }
0x171: {  	s24 =	simm.s32 $0x34;
	v47 =	vshll.u32 v46, $0x3;
	v15 =	vand.u32 $0x62, v39;
	v16 =	vld.idx.msk [tilespmem:v19+s28+$0x0], $0xffff;
	[tilespmem:s13+$0xFFFFFF20] =	vst v17;
	v17 =	vadd.s32 v0, v21  }
0x172: {  	v62 =	vmov s24;
	v18 =	vshll.u32 v39, $0x3;
	v19 =	vadd.s32 v0, v30;
	v24 =	vld.idx.msk [tilespmem:v24+s28+$0x0], $0xffff  }
0x173: {  	s20 =	simm.s32 $0x25;
	v63 =	vshll.u32 v62, $0x3;
	v34 =	vand.u32 $0x74, v62;
	v39 =	vshll.u32 v37, $0x3;
	[tilespmem:s13+$0x40] =	vst v60;
	v11 =	vld.idx.msk [tilespmem:v11+s28+$0x0], $0xffff  }
0x174: {  	v40 =	vand.u32 $0x64, v37;
	v49 =	vmov s20;
	v26 =	vand.u32 $0x3C00, v63;
	[tilespmem:s13+$0xFFFFFFD0] =	vst v13;
	v13 =	vld.idx.msk [tilespmem:v29+s28+$0x0], $0xffff  }
0x175: {  	s24 =	simm.s32 $0x2E;
	v27 =	vand.u32 $0x7C, v35;
	v7 =	vld.idx.msk [tilespmem:v7+s28+$0x0], $0xffff;
	v23 =	vor.u32 v34, v26;
	v26 =	vand.u32 $0x3C00, v36;
	[tilespmem:s14+$0xFFFFFFB0] =	vst v25  }
0x176: {  	v50 =	vmov s24;
	v38 =	vor.u32 v27, v26;
	v27 =	vshll.u32 v41, $0x3;
	[tilespmem:s14+$0xA0] =	vst v16;
	v17 =	vld.idx.msk [tilespmem:v17+s28+$0x0], $0xffff  }
0x177: {  	v52 =	vand.u32 $0x65, v49;
	v43 =	vand.u32 $0x3C00, v27;
	v16 =	vand.u32 $0x6D, v41;
	[tilespmem:s14+$0x20] =	vst v24;
	v19 =	vld.idx.msk [tilespmem:v19+s28+$0x0], $0xffff  }
0x178: {  	s18 =	simm.s32 $0x35;
	v55 =	vand.u32 $0x3C00, v53;
	v21 =	vadd.s32 v0, v38;
	[tilespmem:s13+$0xD0] =	vst v11;
	v16 =	vor.u32 v16, v43;
	v11 =	vld.idx.msk [tilespmem:v20+s28+$0x0], $0xffff  }
0x179: {  	v42 =	vmov s18;
	v57 =	vshll.u32 v56, $0x3;
	v12 =	vld.idx.msk [tilespmem:v12+s28+$0x0], $0xffff;
	[tilespmem:s13+$0xFFFFFF30] =	vst v13;
	v13 =	vadd.s32 v0, v16  }
0x17a: {  	v10 =	vadd.s32 v0, v10;
	v28 =	vshll.u32 v42, $0x3;
	v23 =	vadd.s32 v0, v23;
	[tilespmem:s13+$0x50] =	vst v7;
	v7 =	vld.idx.msk [tilespmem:v22+s28+$0x0], $0xffff  }
0x17b: {  	s20 =	simm.s32 $0x3F;
	v44 =	vand.u32 $0x75, v42;
	v45 =	vand.u32 $0x3C00, v28;
	v26 =	vand.u32 $0x3C00, v39;
	v8 =	vld.idx.msk [tilespmem:v8+s28+$0x0], $0xffff;
	[tilespmem:s14+$0xFFFFFFC0] =	vst v17  }
0x17c: {  	v60 =	vmov s20;
	v26 =	vor.u32 v40, v26;
	v2 =	vld.idx.msk [tilespmem:v2+s28+$0x0], $0xffff;
	v20 =	vand.u32 $0x3C00, v47;
	[tilespmem:s14+$0xB0] =	vst v19  }
0x17d: {  	v16 =	vor.u32 v44, v45;
	v22 =	vand.u32 $0x7E, v56;
	v20 =	vor.u32 v48, v20;
	[tilespmem:s14+$0x30] =	vst v11;
	v11 =	vld.idx.msk [tilespmem:v21+s28+$0x0], $0xffff  }
0x17e: {  	[tilespmem:s13+$0xE0] =	vst v12;
	v16 =	vadd.s32 v0, v16;
	v20 =	vadd.s32 v0, v20;
	v17 =	vand.u32 $0x6E, v50;
	v13 =	vld.idx.msk [tilespmem:v13+s28+$0x0], $0xffff  }
0x17f: {  	v19 =	vshll.u32 v49, $0x3;
	[tilespmem:s13+$0xFFFFFF40] =	vst v7;
	v7 =	vshll.u32 v50, $0x3;
	v21 =	vor.u32 v54, v55;
	v12 =	vld.idx.msk [tilespmem:v23+s28+$0x0], $0xffff  }
0x180: {  	[tilespmem:s13+$0xFFFFFFE0] =	vst v8;
	v8 =	vld.idx.msk [tilespmem:v14+s28+$0x0], $0xffff;
	v7 =	vand.u32 $0x3C00, v7;
	v14 =	vadd.s32 v0, v21;
	v21 =	vand.u32 $0x3C00, v57  }
0x181: {  	s19 =	simm.s32 $0x37;
	[tilespmem:s13+$0x60] =	vst v2;
	v9 =	vld.idx.msk [tilespmem:v9+s28+$0x0], $0xffff;
	v19 =	vand.u32 $0x3C00, v19;
	v7 =	vor.u32 v17, v7;
	v17 =	vor.u32 v22, v21  }
0x182: {  	s24 =	simm.s32 $0x27;
	v62 =	vld.idx.msk [tilespmem:v3+s28+$0x0], $0xffff;
	v59 =	vadd.s32 v0, v7;
	v7 =	vadd.s32 v0, v17;
	v17 =	vmov s19;
	[tilespmem:s14+$0xC0] =	vst v11  }
0x183: {  	s17 =	simm.s32 $0x26;
	s18 =	simm.s32 $0x2F;
	v63 =	vld.idx.msk [tilespmem:v4+s28+$0x0], $0xffff;
	v4 =	vmov s24;
	v19 =	vor.u32 v52, v19;
	v61 =	vand.u32 $0x77, v17;
	[tilespmem:s14+$0xFFFFFFD0] =	vst v13  }
0x184: {  	v17 =	vshll.u32 v17, $0x3;
	v11 =	vmov s17;
	[tilespmem:s14+$0x40] =	vst v12;
	v12 =	vmov s18;
	v20 =	vld.idx.msk [tilespmem:v20+s28+$0x0], $0xffff  }
0x185: {  	v17 =	vand.u32 $0x3C00, v17;
	v13 =	vshll.u32 v60, $0x3;
	[tilespmem:s13+$0xFFFFFF50] =	vst v8;
	v16 =	vld.idx.msk [tilespmem:v16+s28+$0x0], $0xffff;
	v8 =	vshll.u32 v12, $0x3  }
0x186: {  	[tilespmem:s13+$0xF0] =	vst v9;
	v58 =	vshll.u32 v11, $0x3;
	v6 =	vld.idx.msk [tilespmem:v6+s28+$0x0], $0xffff;
	v9 =	vand.u32 $0x6F, v12;
	v8 =	vand.u32 $0x3C00, v8  }
0x187: {  	v2 =	vor.u32 v61, v17;
	v3 =	vand.u32 $0x3C00, v13;
	v8 =	vor.u32 v9, v8  }
0x188: {  	[tilespmem:s13+$0xFFFFFFF0] =	vst v62;
	v2 =	vadd.s32 v0, v2;
	v9 =	vand.u32 $0x7F, v60;
	v12 =	vadd.s32 v0, v8  }
0x189: {  	v8 =	vor.u32 v9, v3;
	v9 =	vand.u32 $0x67, v4;
	v4 =	vshll.u32 v4, $0x3;
	[tilespmem:s14+$0xD0] =	vst v20  }
0x18a: {  	v13 =	vadd.s32 v0, v8;
	v8 =	vand.u32 $0x3C00, v58;
	v4 =	vand.u32 $0x3C00, v4;
	[tilespmem:s14+$0x50] =	vst v16;
	v16 =	vld.idx.msk [tilespmem:v7+s28+$0x0], $0xffff  }
0x18b: {  	[tilespmem:s13+$0xFFFFFF60] =	vst v6;
	v6 =	vand.u32 $0x66, v11;
	v7 =	vadd.s32 v0, v26;
	v4 =	vor.u32 v9, v4;
	v3 =	vld.idx.msk [tilespmem:v14+s28+$0x0], $0xffff  }
0x18c: {  	[tilespmem:s13+$0x70] =	vst v63;
	v14 =	vld.idx.msk [tilespmem:v5+s28+$0x0], $0xffff;
	v5 =	vor.u32 v6, v8;
	v8 =	vand.u32 $0x3C00, v18;
	v6 =	vadd.s32 v0, v19  }
0x18d: {  	s9 =	simm.s32 $0x20;
	s18 =	simm.s32 $0x40;
	v17 =	vld.idx.msk [tilespmem:v59+s28+$0x0], $0xffff;
	v4 =	vadd.s32 v0, v4;
	v5 =	vadd.s32 v0, v5;
	v8 =	vor.u32 v15, v8  }
.LBB2_7:
0x18e: {  	s15 =	sadd.s32 $0x8, s18  }
0x18f: {  	s16 =	sadd.s32 $0x10, s18;
	s19 =	sadd.s32 $0x18, s18;
	v9 =	vmov s9;
	v15 =	vadd.s32 v0, v1;
	v11 =	vadd.s32 v0, v8;
	s9 =	smov.u32 s18  }
0x190: {  	s17 =	sadd.s32 $0x1, s9;
	v1 =	vmov s15;
	v8 =	vmov s16;
	s16 =	sadd.s32 $0x12, s9;
	s15 =	sadd.s32 $0x20, s18;
	v18 =	vand.u32 $0x60, v9;
	[tilespmem:s14+$0xE0] =	vst v16  }
0x191: {  	p1 =	slt.u32 s18, $0x7E0;
	v20 =	vmov s19;
	v16 =	vshll.u32 v1, $0x3;
	v19 =	vshll.u32 v8, $0x3;
	v13 =	vld.idx.msk [tilespmem:v13+s28+$0x0], $0xffff;
	[tilespmem:s13+$0xFFFFFF70] =	vst v14;
	s13 =	smov.u32 s14  }
0x192: {  	v9 =	vshll.u32 v9, $0x3;
	v14 =	vand.u32 $0x3C00, v16;
	v16 =	vand.u32 $0x3C00, v19;
	[tilespmem:s14+$0xFFFFFFE0] =	vst v17  }
0x193: {  	v1 =	vand.u32 $0x68, v1;
	v8 =	vand.u32 $0x70, v8;
	v9 =	vand.u32 $0x3C00, v9;
	v12 =	vld.idx.msk [tilespmem:v12+s28+$0x0], $0xffff  }
0x194: {  	v9 =	vor.u32 v18, v9;
	v1 =	vor.u32 v1, v14;
	v14 =	vshll.u32 v20, $0x3  }
0x195: {  	v8 =	vor.u32 v8, v16;
	v9 =	vadd.s32 v0, v9;
	v1 =	vadd.s32 v0, v1  }
0x196: {  	s18 =	sadd.s32 $0x9, s9;
	s19 =	sadd.s32 $0x11, s9;
	v16 =	vand.u32 $0x78, v20;
	v8 =	vadd.s32 v0, v8;
	v14 =	vand.u32 $0x3C00, v14  }
0x197: {  	v17 =	vmov s18;
	v18 =	vmov s19;
	v14 =	vor.u32 v16, v14;
	[tilespmem:s14+$0xF0] =	vst v13  }
0x198: {  	s18 =	sadd.s32 $0x19, s9;
	v16 =	vshll.u32 v17, $0x3;
	v14 =	vadd.s32 v0, v14;
	v13 =	vand.u32 $0x69, v17  }
0x199: {  	v19 =	vmov s18;
	v16 =	vand.u32 $0x3C00, v16;
	v17 =	vshll.u32 v18, $0x3;
	[tilespmem:s14+$0xFFFFFFF0] =	vst v12  }
0x19a: {  	v12 =	vor.u32 v13, v16;
	v13 =	vand.u32 $0x71, v18;
	v16 =	vand.u32 $0x3C00, v17;
	v9 =	vld.idx.msk [tilespmem:v9+s28+$0x0], $0xffff  }
0x19b: {  	v12 =	vadd.s32 v0, v12;
	v17 =	vld.idx.msk [tilespmem:v1+s28+$0x0], $0xffff;
	v1 =	vor.u32 v13, v16;
	v13 =	vshll.u32 v19, $0x3  }
0x19c: {  	s18 =	sadd.s32 $0xA, s9;
	v16 =	vadd.s32 v0, v1;
	v1 =	vand.u32 $0x79, v19;
	v13 =	vand.u32 $0x3C00, v13  }
0x19d: {  	v18 =	vmov s17;
	v19 =	vmov s18;
	v1 =	vor.u32 v1, v13  }
0x19e: {  	v13 =	vshll.u32 v18, $0x3;
	v20 =	vand.u32 $0x6A, v19;
	v14 =	vld.idx.msk [tilespmem:v14+s28+$0x0], $0xffff;
	v21 =	vadd.s32 v0, v1  }
0x19f: {  	s17 =	sadd.s32 $0x1A, s9;
	v1 =	vand.u32 $0x61, v18;
	v13 =	vand.u32 $0x3C00, v13;
	v18 =	vshll.u32 v19, $0x3;
	v19 =	vld.idx.msk [tilespmem:v8+s28+$0x0], $0xffff  }
0x1a0: {  	s14 =	sadd.s32 $0x200, s14;
	s18 =	sadd.s32 $0x2, s9;
	v1 =	vor.u32 v1, v13;
	v8 =	vand.u32 $0x3C00, v18;
	v13 =	vmov s17;
	[tilespmem:s13+$0xFFFFFF00] =	vst v9  }
0x1a1: {  	v9 =	vmov s18;
	v8 =	vor.u32 v20, v8;
	[tilespmem:s14+$0xFFFFFF80] =	vst v17;
	v17 =	vshll.u32 v13, $0x3;
	v15 =	vld.idx.msk [tilespmem:v15+s28+$0x0], $0xffff  }
0x1a2: {  	v18 =	vadd.s32 v0, v8;
	v13 =	vand.u32 $0x7A, v13;
	v12 =	vld.idx.msk [tilespmem:v12+s28+$0x0], $0xffff;
	v17 =	vand.u32 $0x3C00, v17  }
0x1a3: {  	s17 =	sadd.s32 $0xB, s9;
	v8 =	vand.u32 $0x62, v9;
	v9 =	vshll.u32 v9, $0x3;
	v13 =	vor.u32 v13, v17  }
0x1a4: {  	v20 =	vmov s16;
	s16 =	sadd.s32 $0x13, s9;
	v17 =	vmov s17;
	[tilespmem:s14+$0x80] =	vst v14;
	v13 =	vadd.s32 v0, v13  }
0x1a5: {  	v22 =	vmov s16;
	v14 =	vshll.u32 v17, $0x3;
	[tilespmem:s14+$0x0] =	vst v19;
	v19 =	vshll.u32 v20, $0x3;
	v21 =	vld.idx.msk [tilespmem:v21+s28+$0x0], $0xffff  }
0x1a6: {  	v17 =	vand.u32 $0x6B, v17;
	v20 =	vand.u32 $0x72, v20;
	v16 =	vld.idx.msk [tilespmem:v16+s28+$0x0], $0xffff;
	v19 =	vand.u32 $0x3C00, v19  }
0x1a7: {  	v19 =	vor.u32 v20, v19;
	v20 =	vand.u32 $0x73, v22;
	v22 =	vshll.u32 v22, $0x3;
	[tilespmem:s13+$0xFFFFFF10] =	vst v15  }
0x1a8: {  	s16 =	sadd.s32 $0x1B, s9;
	[tilespmem:s14+$0xFFFFFF90] =	vst v12;
	v12 =	vand.u32 $0x3C00, v14;
	v14 =	vadd.s32 v0, v19;
	v15 =	vand.u32 $0x3C00, v22;
	v19 =	vld.idx.msk [tilespmem:v11+s28+$0x0], $0xffff  }
0x1a9: {  	v18 =	vld.idx.msk [tilespmem:v18+s28+$0x0], $0xffff;
	v11 =	vor.u32 v17, v12;
	v12 =	vor.u32 v20, v15;
	v15 =	vmov s16  }
0x1aa: {  	s16 =	sadd.s32 $0x3, s9;
	v17 =	vadd.s32 v0, v11;
	v12 =	vadd.s32 v0, v12;
	v11 =	vshll.u32 v15, $0x3  }
0x1ab: {  	v20 =	vmov s16;
	s16 =	sadd.s32 $0xC, s9;
	v15 =	vand.u32 $0x7B, v15;
	[tilespmem:s14+$0x90] =	vst v21;
	v11 =	vand.u32 $0x3C00, v11  }
0x1ac: {  	v21 =	vshll.u32 v20, $0x3;
	v22 =	vmov s16;
	[tilespmem:s14+$0x10] =	vst v16;
	v13 =	vld.idx.msk [tilespmem:v13+s28+$0x0], $0xffff;
	v11 =	vor.u32 v15, v11  }
0x1ad: {  	s16 =	sadd.s32 $0x14, s9;
	v15 =	vand.u32 $0x63, v20;
	v16 =	vand.u32 $0x3C00, v21;
	v14 =	vld.idx.msk [tilespmem:v14+s28+$0x0], $0xffff;
	v20 =	vadd.s32 v0, v11  }
0x1ae: {  	v11 =	vor.u32 v15, v16;
	v15 =	vshll.u32 v22, $0x3;
	v16 =	vmov s16;
	[tilespmem:s13+$0xFFFFFF20] =	vst v19  }
0x1af: {  	v15 =	vand.u32 $0x3C00, v15;
	v19 =	vshll.u32 v16, $0x3;
	[tilespmem:s14+$0xFFFFFFA0] =	vst v18;
	v18 =	vand.u32 $0x6C, v22;
	v21 =	vld.idx.msk [tilespmem:v10+s28+$0x0], $0xffff  }
0x1b0: {  	s16 =	sadd.s32 $0x1C, s9;
	v17 =	vld.idx.msk [tilespmem:v17+s28+$0x0], $0xffff;
	v10 =	vor.u32 v18, v15;
	v15 =	vand.u32 $0x74, v16;
	v16 =	vand.u32 $0x3C00, v19  }
0x1b1: {  	s17 =	sadd.s32 $0x4, s9;
	v18 =	vadd.s32 v0, v10;
	v10 =	vor.u32 v15, v16;
	v15 =	vmov s16  }
0x1b2: {  	v16 =	vmov s17;
	v19 =	vadd.s32 v0, v10;
	[tilespmem:s14+$0xA0] =	vst v13;
	v10 =	vshll.u32 v15, $0x3  }
0x1b3: {  	v13 =	vshll.u32 v16, $0x3;
	v15 =	vand.u32 $0x7C, v15;
	[tilespmem:s14+$0x20] =	vst v14;
	v14 =	vld.idx.msk [tilespmem:v20+s28+$0x0], $0xffff;
	v10 =	vand.u32 $0x3C00, v10  }
0x1b4: {  	s16 =	sadd.s32 $0xD, s9;
	v16 =	vand.u32 $0x64, v16;
	v13 =	vand.u32 $0x3C00, v13;
	v12 =	vld.idx.msk [tilespmem:v12+s28+$0x0], $0xffff;
	v15 =	vor.u32 v15, v10  }
0x1b5: {  	v10 =	vor.u32 v16, v13;
	v13 =	vmov s16;
	s16 =	sadd.s32 $0x15, s9;
	v15 =	vadd.s32 v0, v15;
	[tilespmem:s13+$0xFFFFFF30] =	vst v21  }
0x1b6: {  	v16 =	vand.u32 $0x6D, v13;
	v13 =	vshll.u32 v13, $0x3;
	[tilespmem:s14+$0xFFFFFFB0] =	vst v17;
	v17 =	vmov s16;
	v7 =	vld.idx.msk [tilespmem:v7+s28+$0x0], $0xffff  }
0x1b7: {  	v13 =	vand.u32 $0x3C00, v13;
	s16 =	sadd.s32 $0x1D, s9;
	v18 =	vld.idx.msk [tilespmem:v18+s28+$0x0], $0xffff;
	v20 =	vand.u32 $0x75, v17;
	v17 =	vshll.u32 v17, $0x3  }
0x1b8: {  	v13 =	vor.u32 v16, v13;
	v16 =	vand.u32 $0x3C00, v17;
	v17 =	vmov s16  }
0x1b9: {  	v13 =	vadd.s32 v0, v13;
	v16 =	vor.u32 v20, v16;
	[tilespmem:s14+$0xB0] =	vst v14;
	v14 =	vshll.u32 v17, $0x3  }
0x1ba: {  	s17 =	sadd.s32 $0xE, s9;
	s16 =	sadd.s32 $0x5, s9;
	[tilespmem:s14+$0x30] =	vst v12;
	v12 =	vadd.s32 v0, v16;
	v15 =	vld.idx.msk [tilespmem:v15+s28+$0x0], $0xffff;
	v16 =	vand.u32 $0x7D, v17;
	v14 =	vand.u32 $0x3C00, v14  }
0x1bb: {  	v20 =	vmov s17;
	v17 =	vmov s16;
	s16 =	sadd.s32 $0x16, s9;
	v19 =	vld.idx.msk [tilespmem:v19+s28+$0x0], $0xffff;
	v14 =	vor.u32 v16, v14  }
0x1bc: {  	v16 =	vshll.u32 v17, $0x3;
	v21 =	vmov s16;
	v14 =	vadd.s32 v0, v14;
	[tilespmem:s13+$0xFFFFFF40] =	vst v7  }
0x1bd: {  	v7 =	vand.u32 $0x65, v17;
	v16 =	vand.u32 $0x3C00, v16;
	v17 =	vshll.u32 v21, $0x3;
	[tilespmem:s14+$0xFFFFFFC0] =	vst v18;
	v6 =	vld.idx.msk [tilespmem:v6+s28+$0x0], $0xffff  }
0x1be: {  	s16 =	sadd.s32 $0x1E, s9;
	v18 =	vor.u32 v7, v16;
	v16 =	vand.u32 $0x3C00, v17;
	v7 =	vld.idx.msk [tilespmem:v13+s28+$0x0], $0xffff;
	v13 =	vand.u32 $0x76, v21  }
0x1bf: {  	v17 =	vshll.u32 v20, $0x3;
	v13 =	vor.u32 v13, v16;
	v16 =	vmov s16  }
0x1c0: {  	v17 =	vand.u32 $0x3C00, v17;
	v13 =	vadd.s32 v0, v13;
	[tilespmem:s14+$0xC0] =	vst v15;
	v15 =	vshll.u32 v16, $0x3  }
0x1c1: {  	v20 =	vand.u32 $0x6E, v20;
	s16 =	sadd.s32 $0x6, s9;
	v16 =	vand.u32 $0x7E, v16;
	[tilespmem:s14+$0x40] =	vst v19;
	v14 =	vld.idx.msk [tilespmem:v14+s28+$0x0], $0xffff;
	v15 =	vand.u32 $0x3C00, v15  }
0x1c2: {  	v17 =	vor.u32 v20, v17;
	v19 =	vmov s16;
	v20 =	vld.idx.msk [tilespmem:v12+s28+$0x0], $0xffff;
	v12 =	vor.u32 v16, v15  }
0x1c3: {  	s18 =	sadd.s32 $0x1F, s9;
	s17 =	sadd.s32 $0x17, s9;
	v17 =	vadd.s32 v0, v17;
	s16 =	sadd.s32 $0xF, s9;
	v15 =	vshll.u32 v19, $0x3;
	v16 =	vadd.s32 v0, v12;
	[tilespmem:s13+$0xFFFFFF50] =	vst v6  }
0x1c4: {  	v21 =	vmov s18;
	v6 =	vmov s16;
	v12 =	vmov s17;
	v5 =	vld.idx.msk [tilespmem:v5+s28+$0x0], $0xffff  }
0x1c5: {  	v22 =	vand.u32 $0x77, v12;
	v12 =	vshll.u32 v12, $0x3;
	[tilespmem:s14+$0xFFFFFFD0] =	vst v7;
	v7 =	vshll.u32 v6, $0x3  }
0x1c6: {  	v6 =	vand.u32 $0x6F, v6;
	v23 =	vand.u32 $0x3C00, v12;
	v7 =	vand.u32 $0x3C00, v7  }
0x1c7: {  	v6 =	vor.u32 v6, v7;
	v7 =	vand.u32 $0x7F, v21;
	v21 =	vshll.u32 v21, $0x3;
	[tilespmem:s13+$0x60] =	vst v3  }
0x1c8: {  	s16 =	sadd.s32 $0x7, s9;
	v12 =	vadd.s32 v0, v6;
	[tilespmem:s14+$0x50] =	vst v20;
	v6 =	vor.u32 v22, v23;
	v20 =	vand.u32 $0x3C00, v21;
	v21 =	vld.idx.msk [tilespmem:v2+s28+$0x0], $0xffff  }
0x1c9: {  	v22 =	vmov s16;
	v3 =	vld.idx.msk [tilespmem:v13+s28+$0x0], $0xffff;
	v2 =	vadd.s32 v0, v6;
	[tilespmem:s14+$0xD0] =	vst v14;
	v6 =	vor.u32 v7, v20  }
.Ltmp5:
0x1ca: {  	v20 =	vand.u32 $0x67, v22;
	v7 =	vshll.u32 v22, $0x3;
	v16 =	vld.idx.msk [tilespmem:v16+s28+$0x0], $0xffff;
	v13 =	vadd.s32 v0, v6;
	[tilespmem:s13+$0xFFFFFF60] =	vst v5;
	(pc) =	sbr.rel @p1 .LBB2_7-.Ltmp5, $4  }
0x1cb: {  	v5 =	vand.u32 $0x66, v19;
	v6 =	vand.u32 $0x3C00, v15;
	v15 =	vand.u32 $0x3C00, v7;
	v14 =	vld.idx.msk [tilespmem:v4+s28+$0x0], $0xffff  }
0x1cc: {  	v7 =	vadd.s32 v0, v10;
	v4 =	vor.u32 v5, v6;
	v15 =	vor.u32 v20, v15;
	v17 =	vld.idx.msk [tilespmem:v17+s28+$0x0], $0xffff  }
0x1cd: {  	v9 =	vand.u32 $0x3C00, v9;
	v6 =	vadd.s32 v0, v18;
	v5 =	vadd.s32 v0, v4  }
0x1ce: {  	v8 =	vor.u32 v8, v9;
	s18 =	smov.u32 s15;
	v10 =	vadd.s32 v0, v11;
	v4 =	vadd.s32 v0, v15;
	[tilespmem:s13+$0x70] =	vst v21  }
0x1cf: {  	v9 =	vmov s9  }
0x1d0: {  	v11 =	vshll.u32 v9, $0x3  }
0x1d1: {  	v9 =	vand.u32 $0x60, v9;
	v11 =	vand.u32 $0x3C00, v11  }
0x1d2: {  	v9 =	vor.u32 v9, v11  }
0x1d3: {  	v9 =	vadd.s32 v0, v9;
	_ =	sdelay $0x4  }
0x1d4: {  	v9 =	vld.idx.msk [tilespmem:v9+s28+$0x0], $0xffff  }
0x1d5: {  	v1 =	vadd.s32 v0, v1;
	_ =	sdelay $0x3  }
0x1d6: {  	[tilespmem:s14+$0xFFFFFF00] =	vst v9  }
0x1d7: {  	v1 =	vld.idx.msk [tilespmem:v1+s28+$0x0], $0xffff  }
0x1d8: {  	v8 =	vadd.s32 v0, v8;
	_ =	sdelay $0x3  }
0x1d9: {  	[tilespmem:s14+$0xFFFFFF10] =	vst v1  }
0x1da: {  	v1 =	vld.idx.msk [tilespmem:v8+s28+$0x0], $0xffff;
	_ =	sdelay $0x4  }
0x1db: {  	[tilespmem:s14+$0xFFFFFF20] =	vst v1  }
0x1dc: {  	v1 =	vld.idx.msk [tilespmem:v10+s28+$0x0], $0xffff;
	_ =	sdelay $0x4  }
0x1dd: {  	[tilespmem:s14+$0xFFFFFF30] =	vst v1  }
0x1de: {  	v1 =	vld.idx.msk [tilespmem:v7+s28+$0x0], $0xffff;
	_ =	sdelay $0x4  }
0x1df: {  	[tilespmem:s14+$0xFFFFFF40] =	vst v1  }
0x1e0: {  	v1 =	vld.idx.msk [tilespmem:v6+s28+$0x0], $0xffff;
	_ =	sdelay $0x4  }
0x1e1: {  	[tilespmem:s14+$0xFFFFFF50] =	vst v1  }
0x1e2: {  	v1 =	vld.idx.msk [tilespmem:v5+s28+$0x0], $0xffff;
	_ =	sdelay $0x1  }
0x1e3: {  	[tilespmem:s14+$0xE0] =	vst v16  }
0x1e4: {  	[tilespmem:s14+$0x60] =	vst v3;
	v62 =	vld.idx.msk [tilespmem:v13+s28+$0x0], $0xffff  }
0x1e5: {  	v2 =	vld.idx.msk [tilespmem:v2+s28+$0x0], $0xffff;
	[tilespmem:s14+$0xFFFFFFE0] =	vst v17  }
0x1e6: {  	v63 =	vld.idx.msk [tilespmem:v12+s28+$0x0], $0xffff;
	[tilespmem:s14+$0xFFFFFF60] =	vst v1  }
0x1e7: {  	v1 =	vld.idx.msk [tilespmem:v4+s28+$0x0], $0xffff  }
0x1e8: {  	s20 =	smul.u32 $0x30D40, s11;
	[tilespmem:s13+$0xFFFFFF70] =	vst v14  }
.Ltmp6:
0x1e9: {  	s24 =	sshll.u32 s12, $0xC;
	[tilespmem:s14+$0xF0] =	vst v62;
	(pc) =	sbr.rel .LBB2_9-.Ltmp6, $4  }
0x1ea: {  	s9 =	sadd.s32 s20, s24;
	[tilespmem:s14+$0x70] =	vst v2  }
0x1eb: {  	s9 =	sand.u32 $0x1FFFFFC0, s9;
	[tilespmem:s14+$0xFFFFFFF0] =	vst v63  }
0x1ec: {  	s9 =	sadd.s32 s6, s9;
	[tilespmem:s14+$0xFFFFFF70] =	vst v1  }
0x1ed: {  	[hbm4b:s9+s4] =	stream.linear.scatter [tilespmem:s29], [sflag:$0x1], $0x8000, $0x38;
	[tilespmem:$0x1A000] =	vst v63  }
.LBB2_10:
.Ltmp7:
0x1ee: {  	(pc) =	sbr.rel @p0 .LBB2_14-.Ltmp7, $4  }
0x1ef: {  	_ = 	snop  }
0x1f0: {  	_ =	swait.ge [sflag:s26], $0x8000  }
0x1f1: {  	[sflag:s26] =	ssyncset.done $0x0  }
0x1f2: {  	[sflag:s26] =	ssyncadd.s32 $0xFFFF8000  }
0x1f3: {  	s9 =	simm.s32 $0x8  }
0x1f4: {  	s11 =	simm.s32 $0x10;
	s17 =	simm.s32 $0x18;
	v1 =	vmov s9  }
0x1f5: {  	v2 =	vmov s11;
	v6 =	vmov s17;
	v3 =	vshll.u32 v1, $0x3  }
0x1f6: {  	v4 =	vshll.u32 v2, $0x3;
	v1 =	vand.u32 $0x68, v1;
	v3 =	vand.u32 $0x3C00, v3  }
0x1f7: {  	v2 =	vand.u32 $0x70, v2;
	v4 =	vand.u32 $0x3C00, v4;
	v1 =	vor.u32 v1, v3  }
0x1f8: {  	s18 =	simm.s32 $0x9;
	s19 =	simm.s32 $0x11;
	v3 =	vshll.u32 v6, $0x3;
	v5 =	vadd.s32 v0, v1;
	v1 =	vor.u32 v2, v4  }
0x1f9: {  	s20 =	simm.s32 $0x19;
	v2 =	vand.u32 $0x3C00, v3;
	v3 =	vmov s18;
	v4 =	vmov s19  }
0x1fa: {  	v17 =	vadd.s32 v0, v1;
	v1 =	vand.u32 $0x78, v6;
	v6 =	vmov s20  }
0x1fb: {  	v1 =	vor.u32 v1, v2;
	v2 =	vand.u32 $0x69, v3;
	v3 =	vshll.u32 v3, $0x3  }
0x1fc: {  	v27 =	vadd.s32 v0, v1;
	v1 =	vand.u32 $0x3C00, v3;
	v3 =	vshll.u32 v4, $0x3  }
0x1fd: {  	v1 =	vor.u32 v2, v1;
	v2 =	vand.u32 $0x71, v4;
	v3 =	vand.u32 $0x3C00, v3  }
0x1fe: {  	s15 =	simm.s32 $0x13;
	v21 =	vadd.s32 v0, v1;
	v1 =	vor.u32 v2, v3;
	v2 =	vshll.u32 v6, $0x3  }
0x1ff: {  	s24 =	simm.s32 $0x1;
	s31 =	simm.s32 $0xA;
	v8 =	vmov s15;
	v3 =	vand.u32 $0x79, v6;
	v2 =	vand.u32 $0x3C00, v2  }
0x200: {  	v4 =	vmov s24;
	v6 =	vmov s31;
	v2 =	vor.u32 v3, v2  }
0x201: {  	v1 =	vadd.s32 v0, v1;
	v3 =	vshll.u32 v4, $0x3;
	v26 =	vadd.s32 v0, v2  }
0x202: {  	v2 =	vand.u32 $0x61, v4;
	v3 =	vand.u32 $0x3C00, v3;
	v4 =	vshll.u32 v6, $0x3  }
0x203: {  	s12 =	simm.s32 $0x2;
	s11 =	simm.s32 $0x1A;
	v7 =	vand.u32 $0x6A, v6;
	v29 =	vor.u32 v2, v3;
	v2 =	vand.u32 $0x3C00, v4  }
0x204: {  	v3 =	vmov s11;
	v4 =	vmov s12;
	v2 =	vor.u32 v7, v2  }
0x205: {  	v6 =	vshll.u32 v3, $0x3;
	v28 =	vand.u32 $0x62, v4;
	v29 =	vadd.s32 v0, v29  }
0x206: {  	s13 =	simm.s32 $0x12;
	v20 =	vadd.s32 v0, v2;
	v2 =	vand.u32 $0x7A, v3;
	v3 =	vand.u32 $0x3C00, v6  }
0x207: {  	s14 =	simm.s32 $0xB;
	v6 =	vshll.u32 v4, $0x3;
	v4 =	vmov s13;
	v2 =	vor.u32 v2, v3  }
0x208: {  	v3 =	vmov s14;
	v7 =	vshll.u32 v4, $0x3;
	v4 =	vand.u32 $0x72, v4  }
0x209: {  	v41 =	vand.u32 $0x3C00, v6;
	v23 =	vadd.s32 v0, v2;
	v2 =	vshll.u32 v3, $0x3  }
0x20a: {  	v3 =	vand.u32 $0x6B, v3;
	v7 =	vand.u32 $0x3C00, v7;
	v43 =	vor.u32 v28, v41  }
0x20b: {  	v4 =	vor.u32 v4, v7;
	v7 =	vand.u32 $0x73, v8;
	v8 =	vshll.u32 v8, $0x3  }
0x20c: {  	s18 =	simm.s32 $0xC;
	v2 =	vand.u32 $0x3C00, v2;
	v24 =	vadd.s32 v0, v4;
	v4 =	vand.u32 $0x3C00, v8  }
0x20d: {  	s16 =	simm.s32 $0x1B;
	v2 =	vor.u32 v3, v2;
	v8 =	vmov s18;
	v3 =	vor.u32 v7, v4  }
0x20e: {  	s17 =	simm.s32 $0x3;
	v4 =	vmov s16;
	v22 =	vadd.s32 v0, v2;
	v15 =	vadd.s32 v0, v3  }
0x20f: {  	v2 =	vshll.u32 v4, $0x3;
	v3 =	vmov s17;
	v4 =	vand.u32 $0x7B, v4  }
0x210: {  	s17 =	simm.s32 $0x6;
	v2 =	vand.u32 $0x3C00, v2;
	v7 =	vshll.u32 v3, $0x3;
	v3 =	vand.u32 $0x63, v3  }
0x211: {  	v16 =	vmov s17;
	s17 =	simm.s32 $0x31;
	v2 =	vor.u32 v4, v2;
	v4 =	vand.u32 $0x3C00, v7  }
0x212: {  	v32 =	vshll.u32 v16, $0x3;
	v40 =	vand.u32 $0x66, v16;
	v54 =	vmov s17  }
0x213: {  	s15 =	simm.s32 $0x16;
	s19 =	simm.s32 $0x14;
	v25 =	vadd.s32 v0, v2;
	v30 =	vor.u32 v3, v4;
	v2 =	vshll.u32 v8, $0x3  }
0x214: {  	v3 =	vmov s19;
	v4 =	vand.u32 $0x6C, v8;
	v8 =	vmov s15  }
0x215: {  	v32 =	vand.u32 $0x3C00, v32;
	v57 =	vshll.u32 v54, $0x3;
	v59 =	vand.u32 $0x71, v54  }
0x216: {  	v2 =	vand.u32 $0x3C00, v2;
	v7 =	vshll.u32 v3, $0x3;
	v3 =	vand.u32 $0x74, v3  }
0x217: {  	v32 =	vor.u32 v40, v32;
	v2 =	vor.u32 v4, v2;
	v4 =	vand.u32 $0x3C00, v7  }
0x218: {  	s20 =	simm.s32 $0x1C;
	s24 =	simm.s32 $0x4;
	v28 =	vadd.s32 v0, v30;
	v18 =	vadd.s32 v0, v2;
	v2 =	vor.u32 v3, v4  }
0x219: {  	v3 =	vmov s20;
	v4 =	vmov s24;
	v12 =	vadd.s32 v0, v2  }
0x21a: {  	v2 =	vshll.u32 v3, $0x3;
	v7 =	vshll.u32 v4, $0x3;
	v3 =	vand.u32 $0x7C, v3  }
0x21b: {  	v4 =	vand.u32 $0x64, v4;
	v2 =	vand.u32 $0x3C00, v2;
	v7 =	vand.u32 $0x3C00, v7  }
0x21c: {  	s31 =	simm.s32 $0xD;
	s11 =	simm.s32 $0x15;
	v6 =	vadd.s32 v0, v32;
	v2 =	vor.u32 v3, v2;
	v11 =	vor.u32 v4, v7  }
0x21d: {  	v3 =	vmov s31;
	v4 =	vmov s11;
	v19 =	vadd.s32 v0, v2  }
0x21e: {  	s11 =	simm.s32 $0x7;
	v2 =	vand.u32 $0x6D, v3;
	v3 =	vshll.u32 v3, $0x3;
	v7 =	vand.u32 $0x75, v4  }
0x21f: {  	v4 =	vshll.u32 v4, $0x3;
	v38 =	vmov s11;
	v3 =	vand.u32 $0x3C00, v3  }
0x220: {  	s12 =	simm.s32 $0x1D;
	v16 =	vadd.s32 v0, v11;
	v39 =	vand.u32 $0x67, v38;
	v2 =	vor.u32 v2, v3  }
0x221: {  	s14 =	simm.s32 $0xE;
	v3 =	vand.u32 $0x3C00, v4;
	v4 =	vmov s12;
	v14 =	vadd.s32 v0, v2  }
0x222: {  	v2 =	vor.u32 v7, v3;
	v3 =	vshll.u32 v4, $0x3;
	v7 =	vmov s14  }
0x223: {  	s13 =	simm.s32 $0x5;
	s14 =	simm.s32 $0x30;
	v9 =	vadd.s32 v0, v2;
	v2 =	vand.u32 $0x7D, v4;
	v3 =	vand.u32 $0x3C00, v3  }
0x224: {  	s20 =	rddreg [dreg:$0x6];
	v4 =	vmov s13;
	s13 =	simm.s32 $0x0;
	v47 =	vmov s14;
	v2 =	vor.u32 v2, v3  }
0x225: {  	v3 =	vshll.u32 v4, $0x3;
	[tilespmem:s13], [sflag:$0x1] =	stream.linear.gather [hbm4b:s20+s13], $0x3400, $0x38;
	v45 =	vmov s13;
	v50 =	vand.u32 $0x70, v47;
	[tilespmem:$0x1A000] =	vst v63  }
0x226: {  	s20 =	simm.s32 $0x2A;
	v13 =	vadd.s32 v0, v2;
	v2 =	vand.u32 $0x65, v4;
	v3 =	vand.u32 $0x3C00, v3  }
0x227: {  	v4 =	vshll.u32 v8, $0x3;
	v48 =	vand.u32 $0x60, v45;
	v63 =	vmov s20  }
0x228: {  	v31 =	vor.u32 v2, v3;
	v2 =	vand.u32 $0x76, v8;
	v3 =	vand.u32 $0x3C00, v4  }
0x229: {  	s16 =	simm.s32 $0x1E;
	s24 =	rddreg [dreg:$0x7];
	s31 =	simm.s32 $0x4400;
	v4 =	vshll.u32 v7, $0x3;
	v7 =	vand.u32 $0x6E, v7;
	v40 =	vand.u32 $0x6A, v63  }
0x22a: {  	[tilespmem:s31], [sflag:$0x1] =	stream.linear.gather [hbm4b:s24+s13], $0x3400, $0x38;
	v2 =	vor.u32 v2, v3;
	v3 =	vmov s16;
	v4 =	vand.u32 $0x3C00, v4;
	[tilespmem:$0x1A000] =	vst v63  }
0x22b: {  	_ =	swait.ge [sflag:s26], $0x3400;
	v11 =	vadd.s32 v0, v31;
	s16 =	simm.s32 $0x29;
	v2 =	vadd.s32 v0, v2;
	v8 =	vshll.u32 v3, $0x3  }
0x22c: {  	s19 =	simm.s32 $0x17;
	v3 =	vand.u32 $0x7E, v3;
	v4 =	vor.u32 v7, v4;
	[sflag:s26] =	ssyncset.done $0x0;
	v53 =	vmov s16  }
0x22d: {  	s12 =	simm.s32 $0x1F;
	v8 =	vand.u32 $0x3C00, v8;
	v7 =	vadd.s32 v0, v4;
	v4 =	vmov s19;
	[sflag:s26] =	ssyncadd.s32 $0xFFFFCC00  }
0x22e: {  	v55 =	vand.u32 $0x69, v53;
	s19 =	simm.s32 $0x21;
	v3 =	vor.u32 v3, v8;
	v8 =	vmov s12;
	_ =	swait.ge [sflag:s26], $0x3400  }
0x22f: {  	s18 =	simm.s32 $0xF;
	v34 =	vand.u32 $0x77, v4;
	v4 =	vshll.u32 v4, $0x3;
	v62 =	vmov s19;
	[sflag:s26] =	ssyncset.done $0x0  }
0x230: {  	s12 =	simm.s32 $0x28;
	v10 =	vadd.s32 v0, v3;
	v3 =	vmov s18;
	v35 =	vand.u32 $0x3C00, v4;
	[sflag:s26] =	ssyncadd.s32 $0xFFFFCC00  }
0x231: {  	v37 =	vand.u32 $0x7F, v8;
	v8 =	vshll.u32 v8, $0x3;
	v46 =	vmov s12;
	v42 =	vld.idx.msk [tilespmem:v5+s4+$0x0], $0xffff  }
0x232: {  	s18 =	simm.s32 $0x39;
	v33 =	vshll.u32 v3, $0x3;
	v3 =	vand.u32 $0x6F, v3;
	v8 =	vand.u32 $0x3C00, v8;
	v44 =	vld.idx.msk [tilespmem:v27+s4+$0x0], $0xffff  }
0x233: {  	v36 =	vshll.u32 v46, $0x3;
	v49 =	vand.u32 $0x68, v46;
	v58 =	vmov s18  }
0x234: {  	v33 =	vand.u32 $0x3C00, v33;
	v8 =	vor.u32 v37, v8;
	v27 =	vadd.s32 v0, v43  }
0x235: {  	s11 =	simm.s32 $0x11100;
	s13 =	simm.s32 $0x32;
	v17 =	vld.idx.msk [tilespmem:v17+s4+$0x0], $0xffff;
	v37 =	vshll.u32 v47, $0x3;
	v36 =	vand.u32 $0x3C00, v36;
	v60 =	vshll.u32 v58, $0x3  }
0x236: {  	v47 =	vmov s13;
	v3 =	vor.u32 v3, v33;
	v8 =	vadd.s32 v0, v8;
	[tilespmem:s11+$0xFFFFFF80] =	vst v42  }
0x237: {  	v4 =	vadd.s32 v0, v3;
	v3 =	vor.u32 v34, v35;
	v34 =	vshll.u32 v38, $0x3;
	[tilespmem:s11+$0x80] =	vst v44;
	v21 =	vld.idx.msk [tilespmem:v21+s4+$0x0], $0xffff  }
0x238: {  	v37 =	vand.u32 $0x3C00, v37;
	v51 =	vor.u32 v49, v36;
	v34 =	vand.u32 $0x3C00, v34;
	v26 =	vld.idx.msk [tilespmem:v26+s4+$0x0], $0xffff  }
0x239: {  	v49 =	vshll.u32 v47, $0x3;
	v30 =	vadd.s32 v0, v51;
	v33 =	vor.u32 v39, v34  }
0x23a: {  	s15 =	simm.s32 $0x38;
	v32 =	vor.u32 v50, v37;
	v5 =	vadd.s32 v0, v33;
	v33 =	vshll.u32 v45, $0x3;
	[tilespmem:s11+$0x0] =	vst v17  }
0x23b: {  	v38 =	vmov s15;
	v32 =	vadd.s32 v0, v32;
	v33 =	vand.u32 $0x3C00, v33;
	v1 =	vld.idx.msk [tilespmem:v1+s4+$0x0], $0xffff  }
0x23c: {  	v35 =	vand.u32 $0x3C00, v49;
	v52 =	vshll.u32 v38, $0x3;
	v33 =	vor.u32 v48, v33;
	[tilespmem:s11+$0xFFFFFF90] =	vst v21  }
0x23d: {  	v31 =	vand.u32 $0x3C00, v52;
	v17 =	vand.u32 $0x78, v38;
	v33 =	vadd.s32 v0, v33;
	[tilespmem:s11+$0x90] =	vst v26;
	v20 =	vld.idx.msk [tilespmem:v20+s4+$0x0], $0xffff  }
0x23e: {  	s15 =	simm.s32 $0x33;
	v3 =	vadd.s32 v0, v3;
	v34 =	vshll.u32 v53, $0x3;
	v17 =	vor.u32 v17, v31;
	v23 =	vld.idx.msk [tilespmem:v23+s4+$0x0], $0xffff  }
0x23f: {  	s31 =	simm.s32 $0x22;
	v53 =	vmov s15;
	v56 =	vadd.s32 v0, v17;
	v17 =	vand.u32 $0x3C00, v34;
	v30 =	vld.idx.msk [tilespmem:v30+s4+$0x0], $0xffff  }
0x240: {  	s20 =	simm.s32 $0x3C;
	v42 =	vmov s31;
	v17 =	vor.u32 v55, v17;
	v52 =	vld.idx.msk [tilespmem:v32+s4+$0x0], $0xffff;
	v21 =	vand.u32 $0x3C00, v57;
	[tilespmem:s11+$0x10] =	vst v1  }
0x241: {  	v38 =	vmov s20;
	v31 =	vadd.s32 v0, v17;
	v17 =	vor.u32 v59, v21;
	v61 =	vld.idx.msk [tilespmem:v24+s4+$0x0], $0xffff  }
0x242: {  	v1 =	vand.u32 $0x79, v58;
	v26 =	vadd.s32 v0, v17;
	v17 =	vand.u32 $0x3C00, v60;
	v44 =	vld.idx.msk [tilespmem:v33+s4+$0x0], $0xffff;
	[tilespmem:s11+$0xFFFFFFA0] =	vst v20  }
0x243: {  	s14 =	simm.s32 $0x2B;
	s12 =	simm.s32 $0x11300;
	v54 =	vand.u32 $0x73, v53;
	v39 =	vshll.u32 v38, $0x3;
	v1 =	vor.u32 v1, v17;
	[tilespmem:s11+$0xA0] =	vst v23;
	v22 =	vld.idx.msk [tilespmem:v22+s4+$0x0], $0xffff  }
0x244: {  	v48 =	vmov s14;
	[tilespmem:s12+$0xFFFFFF80] =	vst v30;
	v17 =	vshll.u32 v62, $0x3;
	v41 =	vadd.s32 v0, v1;
	v23 =	vld.idx.msk [tilespmem:v25+s4+$0x0], $0xffff  }
0x245: {  	v50 =	vld.idx.msk [tilespmem:v56+s4+$0x0], $0xffff;
	[tilespmem:s12+$0x0] =	vst v52;
	v1 =	vand.u32 $0x61, v62;
	v17 =	vand.u32 $0x3C00, v17;
	v20 =	vshll.u32 v63, $0x3  }
0x246: {  	s14 =	simm.s32 $0x3D;
	v51 =	vshll.u32 v48, $0x3;
	v31 =	vld.idx.msk [tilespmem:v31+s4+$0x0], $0xffff;
	v1 =	vor.u32 v1, v17;
	[tilespmem:s11+$0x20] =	vst v61;
	v17 =	vand.u32 $0x3C00, v20  }
0x247: {  	s15 =	simm.s32 $0x25;
	v32 =	vshll.u32 v53, $0x3;
	v49 =	vmov s14;
	v46 =	vld.idx.msk [tilespmem:v15+s4+$0x0], $0xffff;
	[tilespmem:s11+$0xFFFFFF00] =	vst v44;
	v17 =	vor.u32 v40, v17  }
0x248: {  	s17 =	simm.s32 $0x23;
	s24 =	simm.s32 $0x3A;
	v55 =	vand.u32 $0x3C00, v51;
	v51 =	vmov s15;
	v29 =	vld.idx.msk [tilespmem:v29+s4+$0x0], $0xffff;
	v45 =	vadd.s32 v0, v17;
	[tilespmem:s11+$0xFFFFFFB0] =	vst v22  }
0x249: {  	s16 =	simm.s32 $0x3B;
	v32 =	vand.u32 $0x3C00, v32;
	v58 =	vmov s17;
	v20 =	vmov s24;
	[tilespmem:s11+$0xB0] =	vst v23;
	v18 =	vld.idx.msk [tilespmem:v18+s4+$0x0], $0xffff  }
0x24a: {  	v24 =	vand.u32 $0x72, v47;
	v56 =	vmov s16;
	[tilespmem:s12+$0x80] =	vst v50;
	v43 =	vshll.u32 v20, $0x3;
	v19 =	vld.idx.msk [tilespmem:v19+s4+$0x0], $0xffff  }
0x24b: {  	s17 =	simm.s32 $0x36;
	v21 =	vor.u32 v54, v32;
	v20 =	vand.u32 $0x7A, v20;
	[tilespmem:s12+$0xFFFFFF90] =	vst v31;
	v25 =	vand.u32 $0x3C00, v43  }
0x24c: {  	v53 =	vmov s17;
	v60 =	vld.idx.msk [tilespmem:v41+s4+$0x0], $0xffff;
	v20 =	vor.u32 v20, v25;
	v25 =	vand.u32 $0x6B, v48;
	[tilespmem:s11+$0x30] =	vst v46  }
0x24d: {  	v54 =	vand.u32 $0x65, v51;
	v24 =	vor.u32 v24, v35;
	v25 =	vor.u32 v25, v55;
	[tilespmem:s11+$0xFFFFFF10] =	vst v29;
	v31 =	vld.idx.msk [tilespmem:v45+s4+$0x0], $0xffff  }
0x24e: {  	s19 =	simm.s32 $0x34;
	v57 =	vshll.u32 v56, $0x3;
	v59 =	vand.u32 $0x7B, v56;
	v25 =	vadd.s32 v0, v25;
	[tilespmem:s11+$0xFFFFFFC0] =	vst v18;
	v18 =	vld.idx.msk [tilespmem:v26+s4+$0x0], $0xffff  }
0x24f: {  	s18 =	simm.s32 $0x2C;
	v35 =	vmov s19;
	v21 =	vadd.s32 v0, v21;
	v20 =	vadd.s32 v0, v20;
	[tilespmem:s11+$0xC0] =	vst v19;
	v19 =	vld.idx.msk [tilespmem:v27+s4+$0x0], $0xffff  }
0x250: {  	v24 =	vadd.s32 v0, v24;
	v62 =	vmov s18;
	v61 =	vshll.u32 v58, $0x3;
	v63 =	vld.idx.msk [tilespmem:v12+s4+$0x0], $0xffff  }
0x251: {  	v34 =	vshll.u32 v62, $0x3;
	v32 =	vand.u32 $0x3C00, v61;
	v22 =	vand.u32 $0x63, v58;
	[tilespmem:s12+$0x90] =	vst v60;
	v14 =	vld.idx.msk [tilespmem:v14+s4+$0x0], $0xffff  }
0x252: {  	s16 =	simm.s32 $0x2E;
	v12 =	vor.u32 v22, v32;
	v22 =	vand.u32 $0x3C00, v34;
	v26 =	vand.u32 $0x6C, v62;
	v13 =	vld.idx.msk [tilespmem:v13+s4+$0x0], $0xffff;
	[tilespmem:s12+$0xFFFFFFA0] =	vst v31  }
0x253: {  	v52 =	vmov s16;
	v30 =	vand.u32 $0x3C00, v57;
	v22 =	vor.u32 v26, v22;
	v25 =	vld.idx.msk [tilespmem:v25+s4+$0x0], $0xffff;
	[tilespmem:s12+$0x10] =	vst v18  }
0x254: {  	s19 =	simm.s32 $0x26;
	v36 =	vshll.u32 v35, $0x3;
	v30 =	vor.u32 v59, v30;
	v18 =	vld.idx.msk [tilespmem:v20+s4+$0x0], $0xffff;
	[tilespmem:s11+$0xFFFFFF20] =	vst v19;
	v19 =	vadd.s32 v0, v22  }
0x255: {  	v37 =	vand.u32 $0x74, v35;
	s18 =	simm.s32 $0x3E;
	v59 =	vmov s19;
	[tilespmem:s11+$0x40] =	vst v63;
	v20 =	vadd.s32 v0, v30;
	v24 =	vld.idx.msk [tilespmem:v24+s4+$0x0], $0xffff  }
0x256: {  	s31 =	simm.s32 $0x2D;
	s14 =	simm.s32 $0x3F;
	v57 =	vmov s18;
	v50 =	vshll.u32 v49, $0x3;
	v15 =	vand.u32 $0x62, v42;
	v9 =	vld.idx.msk [tilespmem:v9+s4+$0x0], $0xffff;
	[tilespmem:s11+$0xFFFFFFD0] =	vst v14  }
0x257: {  	v44 =	vmov s31;
	v61 =	vmov s14;
	v26 =	vand.u32 $0x3C00, v36;
	v14 =	vld.idx.msk [tilespmem:v28+s4+$0x0], $0xffff;
	[tilespmem:s11+$0xD0] =	vst v13  }
0x258: {  	s24 =	simm.s32 $0x24;
	v27 =	vand.u32 $0x7C, v38;
	v23 =	vor.u32 v37, v26;
	v26 =	vand.u32 $0x3C00, v39;
	v7 =	vld.idx.msk [tilespmem:v7+s4+$0x0], $0xffff;
	[tilespmem:s12+$0xFFFFFFB0] =	vst v25  }
0x259: {  	v40 =	vmov s24;
	v41 =	vor.u32 v27, v26;
	v27 =	vshll.u32 v44, $0x3;
	[tilespmem:s12+$0xA0] =	vst v18;
	v19 =	vld.idx.msk [tilespmem:v19+s4+$0x0], $0xffff  }
0x25a: {  	v17 =	vshll.u32 v42, $0x3;
	v46 =	vand.u32 $0x3C00, v27;
	v18 =	vand.u32 $0x6D, v44;
	[tilespmem:s12+$0x20] =	vst v24;
	v20 =	vld.idx.msk [tilespmem:v20+s4+$0x0], $0xffff  }
0x25b: {  	s13 =	simm.s32 $0x35;
	v42 =	vshll.u32 v40, $0x3;
	v22 =	vadd.s32 v0, v41;
	[tilespmem:s11+$0x50] =	vst v9;
	v18 =	vor.u32 v18, v46;
	v13 =	vld.idx.msk [tilespmem:v21+s4+$0x0], $0xffff  }
0x25c: {  	v43 =	vand.u32 $0x64, v40;
	v45 =	vmov s13;
	v10 =	vld.idx.msk [tilespmem:v10+s4+$0x0], $0xffff;
	[tilespmem:s11+$0xFFFFFF30] =	vst v14;
	v14 =	vadd.s32 v0, v18  }
0x25d: {  	v55 =	vshll.u32 v53, $0x3;
	v23 =	vadd.s32 v0, v23;
	v28 =	vshll.u32 v45, $0x3;
	v9 =	vld.idx.msk [tilespmem:v16+s4+$0x0], $0xffff;
	[tilespmem:s11+$0xFFFFFFE0] =	vst v7  }
0x25e: {  	s24 =	simm.s32 $0x37;
	v56 =	vand.u32 $0x3C00, v55;
	v47 =	vand.u32 $0x75, v45;
	v48 =	vand.u32 $0x3C00, v28;
	[tilespmem:s12+$0xFFFFFFC0] =	vst v19  }
0x25f: {  	v58 =	vshll.u32 v57, $0x3;
	v60 =	vmov s24;
	v18 =	vor.u32 v47, v48;
	v4 =	vld.idx.msk [tilespmem:v4+s4+$0x0], $0xffff;
	[tilespmem:s12+$0xB0] =	vst v20  }
0x260: {  	v21 =	vand.u32 $0x3C00, v50;
	v16 =	vadd.s32 v0, v18;
	v18 =	vand.u32 $0x7D, v49;
	[tilespmem:s12+$0x30] =	vst v13;
	v13 =	vld.idx.msk [tilespmem:v22+s4+$0x0], $0xffff  }
0x261: {  	v62 =	vand.u32 $0x77, v60;
	v26 =	vand.u32 $0x3C00, v42;
	[tilespmem:s11+$0xE0] =	vst v10;
	v18 =	vor.u32 v18, v21;
	v14 =	vld.idx.msk [tilespmem:v14+s4+$0x0], $0xffff  }
0x262: {  	v26 =	vor.u32 v43, v26;
	v21 =	vand.u32 $0x76, v53;
	v18 =	vadd.s32 v0, v18;
	[tilespmem:s11+$0xFFFFFF40] =	vst v9;
	v10 =	vld.idx.msk [tilespmem:v23+s4+$0x0], $0xffff  }
0x263: {  	v21 =	vor.u32 v21, v56;
	v19 =	vand.u32 $0x6E, v52;
	v20 =	vshll.u32 v51, $0x3;
	v7 =	vld.idx.msk [tilespmem:v11+s4+$0x0], $0xffff  }
0x264: {  	v2 =	vld.idx.msk [tilespmem:v2+s4+$0x0], $0xffff;
	v20 =	vand.u32 $0x3C00, v20;
	v9 =	vshll.u32 v52, $0x3;
	v22 =	vand.u32 $0x7E, v57;
	[tilespmem:s11+$0xFFFFFFF0] =	vst v4  }
0x265: {  	v8 =	vld.idx.msk [tilespmem:v8+s4+$0x0], $0xffff;
	v20 =	vor.u32 v54, v20;
	v9 =	vand.u32 $0x3C00, v9;
	v11 =	vadd.s32 v0, v21;
	[tilespmem:s12+$0xC0] =	vst v13  }
0x266: {  	v21 =	vand.u32 $0x3C00, v58;
	v4 =	vand.u32 $0x3C00, v17;
	v9 =	vor.u32 v19, v9;
	[tilespmem:s12+$0xFFFFFFD0] =	vst v14  }
0x267: {  	s20 =	simm.s32 $0x2F;
	v9 =	vadd.s32 v0, v9;
	v13 =	vor.u32 v22, v21;
	v21 =	vshll.u32 v60, $0x3;
	[tilespmem:s12+$0x40] =	vst v10;
	v18 =	vld.idx.msk [tilespmem:v18+s4+$0x0], $0xffff  }
0x268: {  	v14 =	vshll.u32 v61, $0x3;
	v19 =	vadd.s32 v0, v13;
	v13 =	vmov s20;
	[tilespmem:s11+$0xFFFFFF50] =	vst v7;
	v16 =	vld.idx.msk [tilespmem:v16+s4+$0x0], $0xffff  }
0x269: {  	[tilespmem:s11+$0x60] =	vst v2;
	v10 =	vshll.u32 v59, $0x3;
	v21 =	vand.u32 $0x3C00, v21;
	v7 =	vshll.u32 v13, $0x3;
	v6 =	vld.idx.msk [tilespmem:v6+s4+$0x0], $0xffff  }
0x26a: {  	[tilespmem:s11+$0xF0] =	vst v8;
	v8 =	vand.u32 $0x6F, v13;
	v2 =	vor.u32 v62, v21;
	v7 =	vand.u32 $0x3C00, v7  }
0x26b: {  	s31 =	simm.s32 $0x27;
	v63 =	vld.idx.msk [tilespmem:v3+s4+$0x0], $0xffff;
	v10 =	vand.u32 $0x3C00, v10;
	v7 =	vor.u32 v8, v7;
	v8 =	vand.u32 $0x7F, v61  }
0x26c: {  	v13 =	vadd.s32 v0, v7;
	v7 =	vand.u32 $0x3C00, v14;
	v14 =	vmov s31;
	[tilespmem:s12+$0xD0] =	vst v18  }
0x26d: {  	v2 =	vadd.s32 v0, v2;
	v7 =	vor.u32 v8, v7;
	v8 =	vand.u32 $0x67, v14;
	[tilespmem:s12+$0x50] =	vst v16;
	v18 =	vld.idx.msk [tilespmem:v19+s4+$0x0], $0xffff  }
0x26e: {  	[tilespmem:s11+$0xFFFFFF60] =	vst v6;
	v6 =	vand.u32 $0x66, v59;
	v3 =	vld.idx.msk [tilespmem:v11+s4+$0x0], $0xffff;
	v11 =	vshll.u32 v14, $0x3;
	v14 =	vadd.s32 v0, v7  }
0x26f: {  	v16 =	vld.idx.msk [tilespmem:v5+s4+$0x0], $0xffff;
	v7 =	vadd.s32 v0, v26;
	v5 =	vor.u32 v6, v10;
	v11 =	vand.u32 $0x3C00, v11  }
0x270: {  	[tilespmem:s11+$0x70] =	vst v63;
	v6 =	vadd.s32 v0, v20;
	v10 =	vadd.s32 v0, v12;
	v11 =	vor.u32 v8, v11  }
0x271: {  	s9 =	simm.s32 $0x20;
	s16 =	simm.s32 $0x40;
	v19 =	vld.idx.msk [tilespmem:v9+s4+$0x0], $0xffff;
	v5 =	vadd.s32 v0, v5;
	v8 =	vor.u32 v15, v4;
	v4 =	vadd.s32 v0, v11  }
.LBB2_12:
0x272: {  	s13 =	sadd.s32 $0x8, s16  }
0x273: {  	s14 =	sadd.s32 $0x10, s16;
	s17 =	sadd.s32 $0x18, s16;
	v9 =	vmov s9;
	v12 =	vadd.s32 v0, v1;
	v11 =	vadd.s32 v0, v8;
	s9 =	smov.u32 s16  }
0x274: {  	s15 =	sadd.s32 $0x1, s9;
	v1 =	vmov s13;
	v8 =	vmov s14;
	s14 =	sadd.s32 $0x12, s9;
	s13 =	sadd.s32 $0x20, s16;
	v15 =	vand.u32 $0x60, v9;
	[tilespmem:s12+$0xE0] =	vst v18  }
0x275: {  	p1 =	slt.u32 s16, $0x660;
	v20 =	vmov s17;
	v17 =	vshll.u32 v1, $0x3;
	v18 =	vshll.u32 v8, $0x3;
	v14 =	vld.idx.msk [tilespmem:v14+s4+$0x0], $0xffff;
	[tilespmem:s11+$0xFFFFFF70] =	vst v16;
	s11 =	smov.u32 s12  }
0x276: {  	v9 =	vshll.u32 v9, $0x3;
	v16 =	vand.u32 $0x3C00, v17;
	v17 =	vand.u32 $0x3C00, v18;
	[tilespmem:s12+$0xFFFFFFE0] =	vst v19  }
0x277: {  	v1 =	vand.u32 $0x68, v1;
	v8 =	vand.u32 $0x70, v8;
	v9 =	vand.u32 $0x3C00, v9;
	v13 =	vld.idx.msk [tilespmem:v13+s4+$0x0], $0xffff  }
0x278: {  	v9 =	vor.u32 v15, v9;
	v1 =	vor.u32 v1, v16;
	v16 =	vshll.u32 v20, $0x3  }
0x279: {  	v8 =	vor.u32 v8, v17;
	v9 =	vadd.s32 v0, v9;
	v1 =	vadd.s32 v0, v1  }
0x27a: {  	s16 =	sadd.s32 $0x9, s9;
	s17 =	sadd.s32 $0x11, s9;
	v15 =	vand.u32 $0x78, v20;
	v8 =	vadd.s32 v0, v8;
	v16 =	vand.u32 $0x3C00, v16  }
0x27b: {  	v18 =	vmov s17;
	v17 =	vmov s16;
	v15 =	vor.u32 v15, v16;
	[tilespmem:s12+$0xF0] =	vst v14  }
0x27c: {  	s16 =	sadd.s32 $0x19, s9;
	v16 =	vshll.u32 v17, $0x3;
	v15 =	vadd.s32 v0, v15;
	v14 =	vand.u32 $0x69, v17  }
0x27d: {  	v19 =	vmov s16;
	v16 =	vand.u32 $0x3C00, v16;
	v17 =	vshll.u32 v18, $0x3;
	[tilespmem:s12+$0xFFFFFFF0] =	vst v13  }
0x27e: {  	v13 =	vor.u32 v14, v16;
	v14 =	vand.u32 $0x71, v18;
	v16 =	vand.u32 $0x3C00, v17;
	v9 =	vld.idx.msk [tilespmem:v9+s4+$0x0], $0xffff  }
0x27f: {  	v13 =	vadd.s32 v0, v13;
	v17 =	vld.idx.msk [tilespmem:v1+s4+$0x0], $0xffff;
	v1 =	vor.u32 v14, v16;
	v14 =	vshll.u32 v19, $0x3  }
0x280: {  	s16 =	sadd.s32 $0xA, s9;
	v16 =	vadd.s32 v0, v1;
	v1 =	vand.u32 $0x79, v19;
	v14 =	vand.u32 $0x3C00, v14  }
0x281: {  	v18 =	vmov s15;
	v19 =	vmov s16;
	v1 =	vor.u32 v1, v14  }
0x282: {  	v14 =	vshll.u32 v18, $0x3;
	v20 =	vand.u32 $0x6A, v19;
	v15 =	vld.idx.msk [tilespmem:v15+s4+$0x0], $0xffff;
	v21 =	vadd.s32 v0, v1  }
0x283: {  	s15 =	sadd.s32 $0x1A, s9;
	v1 =	vand.u32 $0x61, v18;
	v14 =	vand.u32 $0x3C00, v14;
	v18 =	vshll.u32 v19, $0x3;
	v19 =	vld.idx.msk [tilespmem:v8+s4+$0x0], $0xffff  }
0x284: {  	s12 =	sadd.s32 $0x200, s12;
	s16 =	sadd.s32 $0x2, s9;
	v1 =	vor.u32 v1, v14;
	v8 =	vand.u32 $0x3C00, v18;
	v14 =	vmov s15;
	[tilespmem:s11+$0xFFFFFF00] =	vst v9  }
0x285: {  	v9 =	vmov s16;
	v8 =	vor.u32 v20, v8;
	[tilespmem:s12+$0xFFFFFF80] =	vst v17;
	v17 =	vshll.u32 v14, $0x3;
	v12 =	vld.idx.msk [tilespmem:v12+s4+$0x0], $0xffff  }
0x286: {  	v18 =	vadd.s32 v0, v8;
	v14 =	vand.u32 $0x7A, v14;
	v13 =	vld.idx.msk [tilespmem:v13+s4+$0x0], $0xffff;
	v17 =	vand.u32 $0x3C00, v17  }
0x287: {  	s15 =	sadd.s32 $0xB, s9;
	v8 =	vand.u32 $0x62, v9;
	v9 =	vshll.u32 v9, $0x3;
	v14 =	vor.u32 v14, v17  }
0x288: {  	v20 =	vmov s14;
	s14 =	sadd.s32 $0x13, s9;
	v17 =	vmov s15;
	[tilespmem:s12+$0x80] =	vst v15;
	v14 =	vadd.s32 v0, v14  }
0x289: {  	v22 =	vmov s14;
	v15 =	vshll.u32 v17, $0x3;
	[tilespmem:s12+$0x0] =	vst v19;
	v19 =	vshll.u32 v20, $0x3;
	v21 =	vld.idx.msk [tilespmem:v21+s4+$0x0], $0xffff  }
0x28a: {  	v17 =	vand.u32 $0x6B, v17;
	v20 =	vand.u32 $0x72, v20;
	v16 =	vld.idx.msk [tilespmem:v16+s4+$0x0], $0xffff;
	v19 =	vand.u32 $0x3C00, v19  }
0x28b: {  	v19 =	vor.u32 v20, v19;
	v20 =	vand.u32 $0x73, v22;
	v22 =	vshll.u32 v22, $0x3;
	[tilespmem:s11+$0xFFFFFF10] =	vst v12  }
0x28c: {  	s14 =	sadd.s32 $0x1B, s9;
	v12 =	vand.u32 $0x3C00, v15;
	[tilespmem:s12+$0xFFFFFF90] =	vst v13;
	v13 =	vadd.s32 v0, v19;
	v15 =	vand.u32 $0x3C00, v22;
	v19 =	vld.idx.msk [tilespmem:v11+s4+$0x0], $0xffff  }
0x28d: {  	v11 =	vor.u32 v17, v12;
	v18 =	vld.idx.msk [tilespmem:v18+s4+$0x0], $0xffff;
	v12 =	vor.u32 v20, v15;
	v15 =	vmov s14  }
0x28e: {  	s14 =	sadd.s32 $0x3, s9;
	v17 =	vadd.s32 v0, v11;
	v12 =	vadd.s32 v0, v12;
	v11 =	vshll.u32 v15, $0x3  }
0x28f: {  	v20 =	vmov s14;
	s14 =	sadd.s32 $0xC, s9;
	v15 =	vand.u32 $0x7B, v15;
	[tilespmem:s12+$0x90] =	vst v21;
	v11 =	vand.u32 $0x3C00, v11  }
0x290: {  	v21 =	vshll.u32 v20, $0x3;
	v22 =	vmov s14;
	[tilespmem:s12+$0x10] =	vst v16;
	v14 =	vld.idx.msk [tilespmem:v14+s4+$0x0], $0xffff;
	v11 =	vor.u32 v15, v11  }
0x291: {  	s14 =	sadd.s32 $0x14, s9;
	v15 =	vand.u32 $0x63, v20;
	v16 =	vand.u32 $0x3C00, v21;
	v13 =	vld.idx.msk [tilespmem:v13+s4+$0x0], $0xffff;
	v20 =	vadd.s32 v0, v11  }
0x292: {  	v11 =	vor.u32 v15, v16;
	v15 =	vshll.u32 v22, $0x3;
	v16 =	vmov s14;
	[tilespmem:s11+$0xFFFFFF20] =	vst v19  }
0x293: {  	v15 =	vand.u32 $0x3C00, v15;
	v19 =	vshll.u32 v16, $0x3;
	[tilespmem:s12+$0xFFFFFFA0] =	vst v18;
	v18 =	vand.u32 $0x6C, v22;
	v21 =	vld.idx.msk [tilespmem:v10+s4+$0x0], $0xffff  }
0x294: {  	s14 =	sadd.s32 $0x1C, s9;
	v17 =	vld.idx.msk [tilespmem:v17+s4+$0x0], $0xffff;
	v10 =	vor.u32 v18, v15;
	v15 =	vand.u32 $0x74, v16;
	v16 =	vand.u32 $0x3C00, v19  }
0x295: {  	s15 =	sadd.s32 $0x4, s9;
	v18 =	vadd.s32 v0, v10;
	v10 =	vor.u32 v15, v16;
	v15 =	vmov s14  }
0x296: {  	v16 =	vmov s15;
	v19 =	vadd.s32 v0, v10;
	[tilespmem:s12+$0xA0] =	vst v14;
	v10 =	vshll.u32 v15, $0x3  }
0x297: {  	v14 =	vshll.u32 v16, $0x3;
	v15 =	vand.u32 $0x7C, v15;
	[tilespmem:s12+$0x20] =	vst v13;
	v13 =	vld.idx.msk [tilespmem:v20+s4+$0x0], $0xffff;
	v10 =	vand.u32 $0x3C00, v10  }
0x298: {  	s14 =	sadd.s32 $0xD, s9;
	v16 =	vand.u32 $0x64, v16;
	v14 =	vand.u32 $0x3C00, v14;
	v12 =	vld.idx.msk [tilespmem:v12+s4+$0x0], $0xffff;
	v15 =	vor.u32 v15, v10  }
0x299: {  	v10 =	vor.u32 v16, v14;
	v14 =	vmov s14;
	s14 =	sadd.s32 $0x15, s9;
	v15 =	vadd.s32 v0, v15;
	[tilespmem:s11+$0xFFFFFF30] =	vst v21  }
0x29a: {  	v16 =	vand.u32 $0x6D, v14;
	v14 =	vshll.u32 v14, $0x3;
	[tilespmem:s12+$0xFFFFFFB0] =	vst v17;
	v17 =	vmov s14;
	v7 =	vld.idx.msk [tilespmem:v7+s4+$0x0], $0xffff  }
0x29b: {  	v14 =	vand.u32 $0x3C00, v14;
	s14 =	sadd.s32 $0x1D, s9;
	v18 =	vld.idx.msk [tilespmem:v18+s4+$0x0], $0xffff;
	v20 =	vand.u32 $0x75, v17;
	v17 =	vshll.u32 v17, $0x3  }
0x29c: {  	v14 =	vor.u32 v16, v14;
	v16 =	vand.u32 $0x3C00, v17;
	v17 =	vmov s14  }
0x29d: {  	v14 =	vadd.s32 v0, v14;
	v16 =	vor.u32 v20, v16;
	[tilespmem:s12+$0xB0] =	vst v13;
	v13 =	vshll.u32 v17, $0x3  }
0x29e: {  	s15 =	sadd.s32 $0xE, s9;
	s14 =	sadd.s32 $0x5, s9;
	[tilespmem:s12+$0x30] =	vst v12;
	v12 =	vadd.s32 v0, v16;
	v15 =	vld.idx.msk [tilespmem:v15+s4+$0x0], $0xffff;
	v16 =	vand.u32 $0x7D, v17;
	v13 =	vand.u32 $0x3C00, v13  }
0x29f: {  	v20 =	vmov s15;
	v17 =	vmov s14;
	s14 =	sadd.s32 $0x16, s9;
	v19 =	vld.idx.msk [tilespmem:v19+s4+$0x0], $0xffff;
	v13 =	vor.u32 v16, v13  }
0x2a0: {  	v16 =	vshll.u32 v17, $0x3;
	v21 =	vmov s14;
	v13 =	vadd.s32 v0, v13;
	[tilespmem:s11+$0xFFFFFF40] =	vst v7  }
0x2a1: {  	v7 =	vand.u32 $0x65, v17;
	v16 =	vand.u32 $0x3C00, v16;
	v17 =	vshll.u32 v21, $0x3;
	[tilespmem:s12+$0xFFFFFFC0] =	vst v18;
	v6 =	vld.idx.msk [tilespmem:v6+s4+$0x0], $0xffff  }
0x2a2: {  	s14 =	sadd.s32 $0x1E, s9;
	v22 =	vor.u32 v7, v16;
	v16 =	vand.u32 $0x3C00, v17;
	v7 =	vld.idx.msk [tilespmem:v14+s4+$0x0], $0xffff;
	v14 =	vand.u32 $0x76, v21  }
0x2a3: {  	v17 =	vshll.u32 v20, $0x3;
	v14 =	vor.u32 v14, v16;
	v16 =	vmov s14  }
0x2a4: {  	v17 =	vand.u32 $0x3C00, v17;
	v14 =	vadd.s32 v0, v14;
	[tilespmem:s12+$0xC0] =	vst v15;
	v15 =	vshll.u32 v16, $0x3  }
0x2a5: {  	v18 =	vand.u32 $0x6E, v20;
	s14 =	sadd.s32 $0x6, s9;
	[tilespmem:s12+$0x40] =	vst v19;
	v19 =	vld.idx.msk [tilespmem:v13+s4+$0x0], $0xffff;
	v13 =	vand.u32 $0x7E, v16;
	v15 =	vand.u32 $0x3C00, v15  }
0x2a6: {  	v17 =	vor.u32 v18, v17;
	v16 =	vmov s14;
	v12 =	vld.idx.msk [tilespmem:v12+s4+$0x0], $0xffff;
	v13 =	vor.u32 v13, v15  }
0x2a7: {  	s16 =	sadd.s32 $0x1F, s9;
	s15 =	sadd.s32 $0x17, s9;
	v17 =	vadd.s32 v0, v17;
	s14 =	sadd.s32 $0xF, s9;
	v15 =	vshll.u32 v16, $0x3;
	v18 =	vadd.s32 v0, v13;
	[tilespmem:s11+$0xFFFFFF50] =	vst v6  }
0x2a8: {  	v20 =	vmov s16;
	v6 =	vmov s14;
	v13 =	vmov s15;
	v5 =	vld.idx.msk [tilespmem:v5+s4+$0x0], $0xffff  }
0x2a9: {  	v21 =	vand.u32 $0x77, v13;
	v13 =	vshll.u32 v13, $0x3;
	[tilespmem:s12+$0xFFFFFFD0] =	vst v7;
	v7 =	vshll.u32 v6, $0x3  }
0x2aa: {  	v6 =	vand.u32 $0x6F, v6;
	v23 =	vand.u32 $0x3C00, v13;
	v7 =	vand.u32 $0x3C00, v7  }
0x2ab: {  	v6 =	vor.u32 v6, v7;
	v7 =	vand.u32 $0x7F, v20;
	v20 =	vshll.u32 v20, $0x3;
	[tilespmem:s11+$0x60] =	vst v3  }
0x2ac: {  	s14 =	sadd.s32 $0x7, s9;
	v13 =	vadd.s32 v0, v6;
	[tilespmem:s12+$0x50] =	vst v12;
	v6 =	vor.u32 v21, v23;
	v12 =	vand.u32 $0x3C00, v20;
	v20 =	vld.idx.msk [tilespmem:v2+s4+$0x0], $0xffff  }
0x2ad: {  	v21 =	vmov s14;
	v3 =	vld.idx.msk [tilespmem:v14+s4+$0x0], $0xffff;
	v2 =	vadd.s32 v0, v6;
	[tilespmem:s12+$0xD0] =	vst v19;
	v6 =	vor.u32 v7, v12  }
.Ltmp8:
0x2ae: {  	v12 =	vand.u32 $0x67, v21;
	v7 =	vshll.u32 v21, $0x3;
	v18 =	vld.idx.msk [tilespmem:v18+s4+$0x0], $0xffff;
	v14 =	vadd.s32 v0, v6;
	[tilespmem:s11+$0xFFFFFF60] =	vst v5;
	(pc) =	sbr.rel @p1 .LBB2_12-.Ltmp8, $4  }
0x2af: {  	v5 =	vand.u32 $0x66, v16;
	v6 =	vand.u32 $0x3C00, v15;
	v15 =	vand.u32 $0x3C00, v7;
	v16 =	vld.idx.msk [tilespmem:v4+s4+$0x0], $0xffff  }
0x2b0: {  	v7 =	vadd.s32 v0, v10;
	v4 =	vor.u32 v5, v6;
	v12 =	vor.u32 v12, v15;
	v19 =	vld.idx.msk [tilespmem:v17+s4+$0x0], $0xffff  }
0x2b1: {  	v9 =	vand.u32 $0x3C00, v9;
	v6 =	vadd.s32 v0, v22;
	v5 =	vadd.s32 v0, v4  }
0x2b2: {  	v8 =	vor.u32 v8, v9;
	s16 =	smov.u32 s13;
	v10 =	vadd.s32 v0, v11;
	v4 =	vadd.s32 v0, v12;
	[tilespmem:s11+$0x70] =	vst v20  }
0x2b3: {  	v9 =	vmov s9  }
0x2b4: {  	v11 =	vshll.u32 v9, $0x3  }
0x2b5: {  	v9 =	vand.u32 $0x60, v9;
	v11 =	vand.u32 $0x3C00, v11  }
0x2b6: {  	v9 =	vor.u32 v9, v11  }
0x2b7: {  	v9 =	vadd.s32 v0, v9;
	_ =	sdelay $0x4  }
0x2b8: {  	v9 =	vld.idx.msk [tilespmem:v9+s4+$0x0], $0xffff  }
0x2b9: {  	v1 =	vadd.s32 v0, v1;
	_ =	sdelay $0x3  }
0x2ba: {  	[tilespmem:s12+$0xFFFFFF00] =	vst v9  }
0x2bb: {  	v1 =	vld.idx.msk [tilespmem:v1+s4+$0x0], $0xffff  }
0x2bc: {  	v8 =	vadd.s32 v0, v8;
	_ =	sdelay $0x3  }
0x2bd: {  	[tilespmem:s12+$0xFFFFFF10] =	vst v1  }
0x2be: {  	v1 =	vld.idx.msk [tilespmem:v8+s4+$0x0], $0xffff;
	_ =	sdelay $0x4  }
0x2bf: {  	[tilespmem:s12+$0xFFFFFF20] =	vst v1  }
0x2c0: {  	v1 =	vld.idx.msk [tilespmem:v10+s4+$0x0], $0xffff;
	_ =	sdelay $0x4  }
0x2c1: {  	[tilespmem:s12+$0xFFFFFF30] =	vst v1  }
0x2c2: {  	v1 =	vld.idx.msk [tilespmem:v7+s4+$0x0], $0xffff;
	_ =	sdelay $0x4  }
0x2c3: {  	[tilespmem:s12+$0xFFFFFF40] =	vst v1  }
0x2c4: {  	v1 =	vld.idx.msk [tilespmem:v6+s4+$0x0], $0xffff;
	_ =	sdelay $0x4  }
0x2c5: {  	[tilespmem:s12+$0xFFFFFF50] =	vst v1  }
0x2c6: {  	v1 =	vld.idx.msk [tilespmem:v5+s4+$0x0], $0xffff;
	_ =	sdelay $0x1  }
0x2c7: {  	[tilespmem:s12+$0xE0] =	vst v18  }
0x2c8: {  	[tilespmem:s12+$0x60] =	vst v3;
	v62 =	vld.idx.msk [tilespmem:v14+s4+$0x0], $0xffff  }
0x2c9: {  	v2 =	vld.idx.msk [tilespmem:v2+s4+$0x0], $0xffff;
	[tilespmem:s12+$0xFFFFFFE0] =	vst v19  }
0x2ca: {  	v63 =	vld.idx.msk [tilespmem:v13+s4+$0x0], $0xffff;
	[tilespmem:s12+$0xFFFFFF60] =	vst v1  }
0x2cb: {  	v1 =	vld.idx.msk [tilespmem:v4+s4+$0x0], $0xffff  }
0x2cc: {  	[tilespmem:s11+$0xFFFFFF70] =	vst v16  }
0x2cd: {  	[tilespmem:s12+$0xF0] =	vst v62  }
0x2ce: {  	[tilespmem:s12+$0x70] =	vst v2  }
0x2cf: {  	[tilespmem:s12+$0xFFFFFFF0] =	vst v63  }
0x2d0: {  	[tilespmem:s12+$0xFFFFFF70] =	vst v1  }
0x2d1: {  	s20 =	rddreg [dreg:$0x8]  }
0x2d2: {  	[hbm4b:s20+s4] =	stream.linear.scatter [tilespmem:s29], [sflag:$0x5], $0x6800, $0x38;
	[tilespmem:$0x1A000] =	vst v63  }
0x2d3: {  	_ =	swait.ge [sflag:s30], $0x6800  }
0x2d4: {  	[sflag:s30] =	ssyncset.done $0x0  }
0x2d5: {  	s24 =	rddreg [dreg:$0x9];
	[sflag:s30] =	ssyncadd.s32 $0xFFFF9800  }
0x2d6: {  	[tilespmem:s29], [sflag:$0x1] =	stream.linear.gather [hbm4b:s24+s4], $0x200, $0x38;
	[tilespmem:$0x1A000] =	vst v63  }
0x2d7: {  	_ =	swait.ge [sflag:s26], $0x200  }
0x2d8: {  	[sflag:s26] =	ssyncset.done $0x0  }
0x2d9: {  	s31 =	rddreg [dreg:$0xa];
	[sflag:s26] =	ssyncadd.s32 $0xFFFFFE00  }
0x2da: {  	[hbm4b:s31+s4] =	stream.linear.scatter [tilespmem:s29], [sflag:$0x5], $0x200, $0x38;
	[tilespmem:$0x1A000] =	vst v63  }
0x2db: {  	_ =	swait.ge [sflag:s30], $0x200  }
0x2dc: {  	[sflag:s30] =	ssyncset.done $0x0  }
0x2dd: {  	[sflag:s30] =	ssyncadd.s32 $0xFFFFFE00  }
.LBB2_14:
0x2de: {  	s9 =	smulhi.u32 $0xAAAAAAAB, s10  }
0x2df: {  	s11 =	rddreg [dreg:$0xb];
	s12 =	simm.s32 $0x19000;
	s20 =	simm.s32 $0x1  }
0x2e0: {  	[tilespmem:s12], [sflag:$0x3] =	stream.linear.gather [hbm4b:s11+s4], $0x800, $0x38;
	[tilespmem:$0x1A000] =	vst v63  }
0x2e1: {  	s24 =	smulhi.u32 $0xAAAAAAAB, s5;
	s11 =	sand.u32 $0x1, s20  }
0x2e2: {  	s9 =	sshrl.u32 s9, $0x5;
	p1 =	seq.s32 s11, $0x0  }
0x2e3: {  	s31 =	sshrl.u32 s24, $0x5;
	s9 =	smul.u32 $0x700, s9;
	s12 =	simm.s32 @p1 $0x4  }
0x2e4: {  	s11 =	smul.u32 $0x6A0, s31;
	_ =	swait.ge @p1 [sflag:s12], $0x800  }
0x2e5: {  	s13 =	simm.s32 @p1 $0x0;
	s9 =	sadd.s32 s9, s22;
	[sflag:s12] =	ssyncset.done @p1 $0x0  }
0x2e6: {  	s15 =	sadd.s32 s11, s23;
	s14 =	sshrl.u32 @p1 s9, $0x3;
	[sflag:s12] =	ssyncadd.s32 @p1 $0xFFFFF800  }
0x2e7: {  	s12 =	simm.s32 @p1 $0x19000;
	s11 =	sadd.s32 @p1 s2, s14;
	s14 =	sshrl.u32 @p1 s15, $0x3  }
0x2e8: {  	[tilespmem:s12], [sflag:$0x3] =	stream.linear.gather @p1 [hbm4b:s11+s13], $0x800, $0x38;
	[tilespmem:$0x1A000] =	vst v63  }
0x2e9: {  	s11 =	sadd.s32 @p1 s7, s14;
	s12 =	simm.s32 @p1 $0x19800;
	s14 =	simm.s32 @p1 $0x5  }
0x2ea: {  	[hbm4b:s11+s13] =	stream.linear.scatter @p1 [tilespmem:s12], [sflag:$0x5], $0x800, $0x38;
	[tilespmem:$0x1A000] =	vst v63  }
0x2eb: {  	p2 =	por @!p1 $0x0, $0x0;
	_ =	swait.ge @p1 [sflag:s14], $0x800  }
0x2ec: {  	p2 =	por p2, p1;
	[sflag:s14] =	ssyncset.done @p1 $0x0  }
0x2ed: {  	s9 =	sshrl.u32 @!p2 s9, $0x3;
	s13 =	simm.s32 @!p1 $0x3;
	[sflag:s14] =	ssyncadd.s32 @p1 $0xFFFFF800  }
0x2ee: {  	s16 =	simm.s32 @!p1 $0x6;
	s9 =	sadd.s32 @!p2 s2, s9;
	_ =	swait.ge @!p1 [sflag:s13], $0x800  }
0x2ef: {  	s12 =	simm.s32 $0x2;
	s14 =	sshrl.u32 @!p1 s15, $0x3;
	[sflag:s13] =	ssyncset.done @!p1 $0x0  }
0x2f0: {  	s15 =	simm.s32 @!p2 $0x19800;
	[sflag:s13] =	ssyncadd.s32 @!p1 $0xFFFFF800;
	s13 =	simm.s32 @!p2 $0x0  }
0x2f1: {  	[tilespmem:s15], [sflag:$0x4] =	stream.linear.gather @!p2 [hbm4b:s9+s13], $0x800, $0x38;
	[tilespmem:$0x1A000] =	vst v63  }
0x2f2: {  	s9 =	sadd.s32 @!p1 s7, s14;
	s13 =	simm.s32 @!p1 $0x0;
	s14 =	simm.s32 @!p1 $0x19000  }
0x2f3: {  	[hbm4b:s9+s13] =	stream.linear.scatter @!p1 [tilespmem:s14], [sflag:$0x6], $0x800, $0x38;
	[tilespmem:$0x1A000] =	vst v63  }
0x2f4: {  	s11 =	simm.s32 $0x3;
	s15 =	sadd.s32 $0x20, s10;
	s9 =	sadd.s32 $0x10000, s23  }
0x2f5: {  	s14 =	sadd.s32 $0x20, s5;
	s13 =	sadd.s32 $0x10000, s22;
	_ =	swait.ge @!p1 [sflag:s16], $0x800  }
.LBB2_15:
0x2f6: {  	s17 =	smulhi.u32 $0xAAAAAAAB, s15  }
0x2f7: {  	[sflag:s16] =	ssyncset.done @!p1 $0x0;
	s18 =	smov.u32 s11;
	s11 =	sadd.s32 $0x1, s11  }
0x2f8: {  	p2 =	sne.s32 s11, $0x28;
	[sflag:s16] =	ssyncadd.s32 @!p1 $0xFFFFF800  }
0x2f9: {  	s19 =	sand.u32 $0x1, s12;
	s16 =	sshrl.u32 s17, $0x5;
	s17 =	smulhi.u32 $0xAAAAAAAB, s14  }
0x2fa: {  	p1 =	seq.s32 s19, $0x0;
	s16 =	smul.u32 $0x700, s16  }
0x2fb: {  	s19 =	simm.s32 @p1 $0x4;
	p3 =	sgt.u32 @!p1 s12, $0x26;
	s17 =	sshrl.u32 s17, $0x5  }
0x2fc: {  	s12 =	sadd.s32 s16, s13;
	s16 =	smul.u32 $0x6A0, s17;
	s17 =	simm.s32 @p1 $0x0  }
0x2fd: {  	p3 =	por p3, p1;
	_ =	swait.ge @p1 [sflag:s19], $0x800;
	s20 =	sshrl.u32 @p1 s12, $0x3  }
0x2fe: {  	s16 =	sadd.s32 s16, s9;
	[sflag:s19] =	ssyncset.done @p1 $0x0;
	s20 =	sadd.s32 @p1 s2, s20  }
0x2ff: {  	[sflag:s19] =	ssyncadd.s32 @p1 $0xFFFFF800;
	s19 =	simm.s32 @p1 $0x19000;
	s24 =	sshrl.u32 @p1 s16, $0x3  }
0x300: {  	[tilespmem:s19], [sflag:$0x3] =	stream.linear.gather @p1 [hbm4b:s20+s17], $0x800, $0x38;
	[tilespmem:$0x1A000] =	vst v63  }
0x301: {  	s19 =	sadd.s32 @p1 s7, s24;
	s20 =	simm.s32 @p1 $0x19800;
	s24 =	simm.s32 @p1 $0x5  }
0x302: {  	[hbm4b:s19+s17] =	stream.linear.scatter @p1 [tilespmem:s20], [sflag:$0x5], $0x800, $0x38;
	[tilespmem:$0x1A000] =	vst v63  }
0x303: {  	s12 =	sshrl.u32 @!p3 s12, $0x3;
	s16 =	sshrl.u32 @!p1 s16, $0x3;
	_ =	swait.ge @p1 [sflag:s24], $0x800  }
0x304: {  	s17 =	sadd.s32 @!p3 s2, s12;
	s19 =	sadd.s32 @!p1 s7, s16;
	[sflag:s24] =	ssyncset.done @p1 $0x0  }
0x305: {  	s16 =	simm.s32 @!p1 $0x3;
	s12 =	smov.u32 s18;
	[sflag:s24] =	ssyncadd.s32 @p1 $0xFFFFF800  }
0x306: {  	s14 =	sadd.s32 $0x20, s14;
	_ =	swait.ge @!p1 [sflag:s16], $0x800  }
0x307: {  	s9 =	sadd.s32 $0x10000, s9;
	s18 =	simm.s32 @!p3 $0x19800;
	[sflag:s16] =	ssyncset.done @!p1 $0x0  }
.Ltmp9:
0x308: {  	[sflag:s16] =	ssyncadd.s32 @!p1 $0xFFFFF800;
	s16 =	simm.s32 @!p3 $0x0;
	(pc) =	sbr.rel @p2 .LBB2_15-.Ltmp9, $4  }
0x309: {  	[tilespmem:s18], [sflag:$0x4] =	stream.linear.gather @!p3 [hbm4b:s17+s16], $0x800, $0x38;
	[tilespmem:$0x1A000] =	vst v63  }
0x30a: {  	s17 =	simm.s32 @!p1 $0x0;
	s18 =	simm.s32 @!p1 $0x19000;
	s16 =	simm.s32 @!p1 $0x6  }
0x30b: {  	[hbm4b:s19+s17] =	stream.linear.scatter @!p1 [tilespmem:s18], [sflag:$0x6], $0x800, $0x38;
	[tilespmem:$0x1A000] =	vst v63  }
0x30c: {  	s15 =	sadd.s32 $0x20, s15;
	s13 =	sadd.s32 $0x10000, s13;
	_ =	swait.ge @!p1 [sflag:s16], $0x800  }
0x30d: {  	s11 =	smulhi.u32 $0xAAAAAAAB, s15  }
0x30e: {  	s14 =	smulhi.u32 $0xAAAAAAAB, s14;
	s31 =	sand.u32 $0x1, s12;
	[sflag:s16] =	ssyncset.done @!p1 $0x0  }
0x30f: {  	p2 =	seq.s32 s31, $0x0;
	[sflag:s16] =	ssyncadd.s32 @!p1 $0xFFFFF800;
	s11 =	sshrl.u32 s11, $0x5  }
0x310: {  	s14 =	sshrl.u32 s14, $0x5;
	s15 =	simm.s32 @p2 $0x4;
	s11 =	smul.u32 $0x700, s11  }
0x311: {  	s14 =	smul.u32 $0x6A0, s14;
	_ =	swait.ge @p2 [sflag:s15], $0x800  }
0x312: {  	[sflag:s15] =	ssyncset.done @p2 $0x0;
	s11 =	sadd.s32 s11, s13  }
0x313: {  	s13 =	simm.s32 @p2 $0x0;
	s9 =	sadd.s32 s14, s9;
	s14 =	sshrl.u32 @p2 s11, $0x3  }
0x314: {  	[sflag:s15] =	ssyncadd.s32 @p2 $0xFFFFF800;
	s15 =	simm.s32 @p2 $0x19000;
	s14 =	sadd.s32 @p2 s2, s14  }
0x315: {  	[tilespmem:s15], [sflag:$0x3] =	stream.linear.gather @p2 [hbm4b:s14+s13], $0x800, $0x38;
	[tilespmem:$0x1A000] =	vst v63  }
0x316: {  	s14 =	sshrl.u32 @p2 s9, $0x3  }
0x317: {  	s15 =	simm.s32 @p2 $0x19800;
	s14 =	sadd.s32 @p2 s7, s14  }
0x318: {  	[hbm4b:s14+s13] =	stream.linear.scatter @p2 [tilespmem:s15], [sflag:$0x5], $0x800, $0x38;
	[tilespmem:$0x1A000] =	vst v63  }
0x319: {  	s13 =	simm.s32 @p2 $0x5  }
0x31a: {  	_ =	swait.ge @p2 [sflag:s13], $0x800  }
0x31b: {  	p1 =	sgt.u32 @!p2 s12, $0x26;
	[sflag:s13] =	ssyncset.done @p2 $0x0  }
0x31c: {  	s12 =	simm.s32 @!p2 $0x3;
	p1 =	por p1, p2;
	[sflag:s13] =	ssyncadd.s32 @p2 $0xFFFFF800  }
0x31d: {  	s11 =	sshrl.u32 @!p1 s11, $0x3;
	s9 =	sshrl.u32 @!p2 s9, $0x3;
	_ =	swait.ge @!p2 [sflag:s12], $0x800  }
0x31e: {  	s11 =	sadd.s32 @!p1 s2, s11;
	s9 =	sadd.s32 @!p2 s7, s9;
	[sflag:s12] =	ssyncset.done @!p2 $0x0  }
0x31f: {  	s13 =	simm.s32 @!p1 $0x19800;
	[sflag:s12] =	ssyncadd.s32 @!p2 $0xFFFFF800;
	s12 =	simm.s32 @!p1 $0x0  }
0x320: {  	[tilespmem:s13], [sflag:$0x4] =	stream.linear.gather @!p1 [hbm4b:s11+s12], $0x800, $0x38;
	[tilespmem:$0x1A000] =	vst v63  }
0x321: {  	s11 =	simm.s32 @!p2 $0x0;
	s12 =	simm.s32 @!p2 $0x19000;
	s13 =	simm.s32 @!p2 $0x6  }
0x322: {  	[hbm4b:s9+s11] =	stream.linear.scatter @!p2 [tilespmem:s12], [sflag:$0x6], $0x800, $0x38;
	[tilespmem:$0x1A000] =	vst v63  }
0x323: {  	_ =	swait.ge @!p2 [sflag:s13], $0x800  }
0x324: {  	s9 =	simm.s32 @!p0 $0x0;
	[sflag:s13] =	ssyncset.done @!p2 $0x0  }
0x325: {  	s11 =	simm.s32 @!p0 $0x19000;
	s12 =	rddreg [dreg:$0xc];
	[sflag:s13] =	ssyncadd.s32 @!p2 $0xFFFFF800  }
0x326: {  	[tilespmem:s11], [sflag:$0x2] =	stream.linear.gather @!p0 [hbm4b:s12+s9], $0x680, $0x38;
	[tilespmem:$0x1A000] =	vst v63  }
0x327: {  	s12 =	simm.s32 @!p0 $0x2  }
0x328: {  	_ =	swait.ge @!p0 [sflag:s12], $0x680  }
0x329: {  	[sflag:s12] =	ssyncset.done @!p0 $0x0  }
0x32a: {  	s13 =	rddreg [dreg:$0xd];
	[sflag:s12] =	ssyncadd.s32 @!p0 $0xFFFFF980  }
0x32b: {  	[hbm4b:s13+s9] =	stream.linear.scatter @!p0 [tilespmem:s11], [sflag:$0x5], $0x680, $0x38;
	[tilespmem:$0x1A000] =	vst v63  }
0x32c: {  	s13 =	simm.s32 @!p0 $0x5  }
0x32d: {  	_ =	swait.ge @!p0 [sflag:s13], $0x680  }
0x32e: {  	[sflag:s13] =	ssyncset.done @!p0 $0x0  }
0x32f: {  	s14 =	rddreg [dreg:$0xe];
	[sflag:s13] =	ssyncadd.s32 @!p0 $0xFFFFF980  }
0x330: {  	[tilespmem:s11], [sflag:$0x2] =	stream.linear.gather @!p0 [hbm4b:s14+s9], $0x20, $0x38;
	[tilespmem:$0x1A000] =	vst v63  }
0x331: {  	s3 =	sadd.s32 $0x1, s3;
	_ =	swait.ge @!p0 [sflag:s12], $0x20  }
0x332: {  	p1 =	sne.s32 s3, s21;
	[sflag:s12] =	ssyncset.done @!p0 $0x0  }
.Ltmp10:
0x333: {  	[sflag:s12] =	ssyncadd.s32 @!p0 $0xFFFFFFE0;
	s12 =	rddreg [dreg:$0xf];
	(pc) =	sbr.rel @p1 .LBB2_1-.Ltmp10, $4  }
0x334: {  	[hbm4b:s12+s9] =	stream.linear.scatter @!p0 [tilespmem:s11], [sflag:$0x5], $0x20, $0x38;
	[tilespmem:$0x1A000] =	vst v63  }
0x335: {  	_ =	swait.ge @!p0 [sflag:s13], $0x20  }
0x336: {  	[sflag:s13] =	ssyncset.done @!p0 $0x0  }
0x337: {  	[sflag:s13] =	ssyncadd.s32 @!p0 $0xFFFFFFE0  }
0x338: {  	_ =	sfence.sel $0x180000  }
0x339: {  	[bflag:$0x0] =	sbarrier.arrive $0xFFFF  }
0x33a: {  	_ =	strace $0x90000047  }
0x33b: {  	s0 =	stileid.u32;
	[bflag:$0x2] =	sbarrier.arrive $0xFFFF  }
0x33c: {  	p0 =	sne.s32 s0, $0x0;
	s0 =	rddreg [dreg:$0x4]  }
0x33d: {  	s0 =	sadd.s32 @!p0 $0x100000, s0  }
0x33e: {  	[sflag:s0] =	ssyncadd.tile.s32 @!p0 $0x1;
	_ =	shalt  }
.Lfunc_end2:
_tile_overlayer_lowered:
.L_overlay_start_2:
0x33f: {  	(tag) =	ssettag $0x2  }
0x340: {  	s0 =	rddreg [dreg:$0x0];
	s2 =	stileid.u32  }
0x341: {  	s1 =	rddreg [dreg:$0x1];
	p0 =	sne.s32 s2, $0x0  }
0x342: {  	s3 =	rddreg [dreg:$0x2];
	[bflag:$0x3] =	sbarrier.arrive $0xFFFF;
	s2 =	simm.s32 @!p0 $0x1C05  }
0x343: {  	[timem:s3], [sflag:s2] =	dma.local @!p0 [hbm:s0], s1  }
0x344: {  	s0 =	simm.s32 @!p0 $0x5  }
0x345: {  	_ =	swait.ge @!p0 [sflag:s0], s1  }
0x346: {  	s1 =	ssub.s32 @!p0 $0x0, s1;
	[sflag:s0] =	ssyncset.done @!p0 $0x0  }
0x347: {  	[sflag:s0] =	ssyncadd.s32 @!p0 s1  }
0x348: {  	[bflag:$0x3] =	sbarrier.arrive $0xFFFF  }
0x349: {  	_ =	shalt  }

// kernel: kernel.8.cloned.1.call-start
scs
__scs_entry_jumppad:
0x0: {  	(pc) =	sbr.rel $0x88, $3  }
0x1: {  	(tag) =	ssettag $0x0;
	lr =	simm.s32 $0x1  }
0x2: {  	[smem:$0x3F98] =	sst lr;
	_ =	strace $0xD0000000  }
0x3: {  	_ = 	snop  }
0x4: {  	_ = 	snop  }
0x5: {  	_ = 	snop  }
0x6: {  	_ = 	snop  }
0x7: {  	_ = 	snop  }
__scs_overlays_trampoline_lowered:
0x8: {  	[smem:$0x3FA7] =	sst s0  }
0x9: {  	[smem:$0x3FA8] =	sst s1  }
0xa: {  	[smem:$0x3FA9] =	sst s2  }
0xb: {  	[smem:$0x3FAA] =	sst s3  }
0xc: {  	[smem:$0x3FAB] =	sst s4  }
0xd: {  	[smem:$0x3FAC] =	sst s5  }
0xe: {  	[smem:$0x3FAD] =	sst s6  }
0xf: {  	[smem:$0x3FAE] =	sst s7  }
0x10: {  	[smem:$0x3FAF] =	sst s8  }
0x11: {  	[smem:$0x3FB0] =	sst s9;
	s0 =	simm.s32 @!p0 $0x0  }
0x12: {  	s1 =	sld [smem:$0x3F96];
	s0 =	simm.s32 @p0 $0x1  }
0x13: {  	[smem:$0x3FB1] =	sst s0;
	s0 =	simm.s32 @!p1 $0x0  }
0x14: {  	s2 =	sld [smem:$0x3F95];
	s0 =	simm.s32 @p1 $0x1  }
0x15: {  	[smem:$0x3FB2] =	sst s0;
	s0 =	simm.s32 @!p2 $0x0  }
0x16: {  	s3 =	sld [smem:$0x3FDB];
	s0 =	simm.s32 @p2 $0x1  }
0x17: {  	s4 =	simm.s32 $0x1BF5;
	[smem:$0x3FB4] =	sst s0  }
0x18: {  	s0 =	sld [smem:$0x3F97];
	_ =	swait.ge [sflag:s4], $0x0  }
0x19: {  	s7 =	sld [smem:$0x3F98]  }
0x1a: {  	s8 =	sadd.s32 $0xFFFFE003, lr  }
0x1b: {  	s9 =	sadd.s32 $0xFFFFFEF7, lr;
	s5 =	simm.s32 $0xFFFFFFFF;
	p2 =	slt.u32 s8, $0xFFFFF086  }
0x1c: {  	p1 =	slt.u32 s9, $0xF7A;
	s5 =	simm.s32 @!p2 $0x0  }
0x1d: {  	s5 =	simm.s32 @p1 $0x1;
	p0 =	seq.s32 s7, s2  }
0x1e: {  	s7 =	smul.u32 @!p0 $0xF7A, s2;
	p2 =	seq.s32 @!p0 s5, $0x0  }
0x1f: {  	s9 =	smul.u32 $0xF7A, s1;
	s8 =	simm.s32 @!p0 $0x1BF5;
	p2 =	por !p2, p0  }
0x20: {  	[sflag:s8] =	ssyncset.s32 @!p0 $0xFFFFF086;
	s6 =	sadd.s32 @!p0 s3, s7;
	s7 =	simm.s32 @!p0 $0x108  }
0x21: {  	s3 =	sadd.s32 s3, s9;
	s6 =	sadd.s32 @!p0 $0x88, s6;
	s7 =	simm.s32 @p2 $0x1082  }
0x22: {  	[simem:s7], [sflag:s8] =	dma.local @!p0 [hbm:s6], $0xF7A  }
0x23: {  	s9 =	sor.u32 $0xD0000000, s2;
	s6 =	simm.s32 $0x108;
	_ =	swait.ge @!p0 [sflag:s8], $0x0  }
0x24: {  	s3 =	sadd.s32 $0x88, s3;
	s6 =	simm.s32 @!p1 $0x1082;
	[sflag:s4] =	ssyncset.s32 $0xFFFFF086  }
0x25: {  	[simem:s6], [sflag:s4] =	dma.local [hbm:s3], $0xF7A  }
0x26: {  	[smem:$0x3F98] =	sst s1;
	(tag) =	ssettag s2;
	_ =	strace s9  }
0x27: {  	s1 =	sld [smem:$0x3FA8]  }
0x28: {  	s2 =	sld [smem:$0x3FA9]  }
0x29: {  	s4 =	sld [smem:$0x3FAB]  }
0x2a: {  	p0 =	seq.s32 s5, $0x0;
	s5 =	sld [smem:$0x3FAC]  }
0x2b: {  	s6 =	sld [smem:$0x3FAD]  }
0x2c: {  	s7 =	sld [smem:$0x3FAE]  }
0x2d: {  	s3 =	simm.s32 $0x108;
	s8 =	sld [smem:$0x3FAF]  }
0x2e: {  	s3 =	simm.s32 @!p0 $0x1082;
	s9 =	sld [smem:$0x3FB0]  }
0x2f: {  	lr =	sadd.s32 s0, s3;
	s0 =	sld [smem:$0x3FA7]  }
0x30: {  	s3 =	sld [smem:$0x3FAA]  }
0x31: {  	[smem:$0x3FB3] =	sst s10  }
0x32: {  	s10 =	sld [smem:$0x3FB1];
	_ =	sdelay $0x3  }
0x33: {  	p0 =	seq.s32 s10, $0x1;
	s10 =	sld [smem:$0x3FB3];
	_ =	sdelay $0x3  }
0x34: {  	[smem:$0x3FB3] =	sst s10  }
0x35: {  	s10 =	sld [smem:$0x3FB2];
	_ =	sdelay $0x3  }
0x36: {  	p1 =	seq.s32 s10, $0x1;
	s10 =	sld [smem:$0x3FB3];
	_ =	sdelay $0x3  }
0x37: {  	[smem:$0x3FB3] =	sst s10  }
0x38: {  	s10 =	sld [smem:$0x3FB4]  }
0x39: {  	_ = 	snop;
	(pc) =	sbr.ind lr, $3  }
0x3a: {  	_ = 	snop  }
0x3b: {  	_ = 	snop  }
0x3c: {  	p2 =	seq.s32 s10, $0x1;
	s10 =	sld [smem:$0x3FB3]  }
0x3d: {  	_ =	shalt  }
0x3e: {  	_ =	shalt  }
0x3f: {  	_ =	shalt  }
0x40: {  	_ =	shalt  }
0x41: {  	_ =	shalt  }
0x42: {  	_ =	shalt  }
0x43: {  	_ =	shalt  }
0x44: {  	_ =	shalt  }
0x45: {  	_ =	shalt  }
0x46: {  	_ =	shalt  }
0x47: {  	_ =	shalt  }
0x48: {  	_ =	shalt  }
0x49: {  	_ =	shalt  }
0x4a: {  	_ =	shalt  }
0x4b: {  	_ =	shalt  }
0x4c: {  	_ =	shalt  }
0x4d: {  	_ =	shalt  }
0x4e: {  	_ =	shalt  }
0x4f: {  	_ =	shalt  }
0x50: {  	_ =	shalt  }
0x51: {  	_ =	shalt  }
0x52: {  	_ =	shalt  }
0x53: {  	_ =	shalt  }
0x54: {  	_ =	shalt  }
0x55: {  	_ =	shalt  }
0x56: {  	_ =	shalt  }
0x57: {  	_ =	shalt  }
0x58: {  	_ =	shalt  }
0x59: {  	_ =	shalt  }
0x5a: {  	_ =	shalt  }
0x5b: {  	_ =	shalt  }
0x5c: {  	_ =	shalt  }
0x5d: {  	_ =	shalt  }
0x5e: {  	_ =	shalt  }
0x5f: {  	_ =	shalt  }
0x60: {  	_ =	shalt  }
0x61: {  	_ =	shalt  }
0x62: {  	_ =	shalt  }
0x63: {  	_ =	shalt  }
0x64: {  	_ =	shalt  }
0x65: {  	_ =	shalt  }
0x66: {  	_ =	shalt  }
0x67: {  	_ =	shalt  }
0x68: {  	_ =	shalt  }
0x69: {  	_ =	shalt  }
0x6a: {  	_ =	shalt  }
0x6b: {  	_ =	shalt  }
0x6c: {  	_ =	shalt  }
0x6d: {  	_ =	shalt  }
0x6e: {  	_ =	shalt  }
0x6f: {  	_ =	shalt  }
0x70: {  	_ =	shalt  }
0x71: {  	_ =	shalt  }
0x72: {  	_ =	shalt  }
0x73: {  	_ =	shalt  }
0x74: {  	_ =	shalt  }
0x75: {  	_ =	shalt  }
0x76: {  	_ =	shalt  }
0x77: {  	_ =	shalt  }
0x78: {  	_ =	shalt  }
0x79: {  	_ =	shalt  }
0x7a: {  	_ =	shalt  }
0x7b: {  	_ =	shalt  }
0x7c: {  	_ =	shalt  }
0x7d: {  	_ =	shalt  }
0x7e: {  	_ =	shalt  }
0x7f: {  	_ =	shalt  }
0x80: {  	_ =	shalt  }
0x81: {  	_ =	shalt  }
0x82: {  	_ =	shalt  }
0x83: {  	_ =	shalt  }
0x84: {  	_ =	shalt  }
0x85: {  	_ =	shalt  }
0x86: {  	_ =	shalt  }
0x87: {  	_ =	shalt  }
.Lfunc_end0:
.L_simem_size_0:
called_computation.1_lowered:
.L_overlay_start_0:
0x88: {  	s2 =	sld [smem:$0x3FD9]  }
0x89: {  	s3 =	sld [smem:$0x3FFE];
	_ =	sdelay $0x1  }
0x8a: {  	s1 =	srdreg.scid  }
0x8b: {  	s0 =	sand.u32 $0x1, s1  }
0x8c: {  	s16 =	sshll.u32 s0, $0xA;
	s2 =	sadd.s32 s3, s2  }
0x8d: {  	s2 =	sadd.s32 s2, s16  }
0x8e: {  	[smem:$0x3FBF] =	sst s2  }
0x8f: {  	_ = 	snop  }
0x90: {  	(tm) =	ssettm $0x1  }
0x91: {  	s17 =	sld [smem:$0x3FFB];
	_ =	sdelay $0x3  }
0x92: {  	_ =	strace s17  }
0x93: {  	s2 =	sld [smem:$0x3FFC];
	_ =	sdelay $0x3  }
0x94: {  	_ =	strace s2  }
0x95: {  	s2 =	sld [smem:$0x3FFD];
	_ =	sdelay $0x3  }
0x96: {  	_ =	strace s2  }
0x97: {  	_ =	strace $0x8FFFFFFF  }
0x98: {  	s18 =	sld [smem:$0x3FDB];
	_ =	sdelay $0x1  }
0x99: {  	s19 =	simm.s32 $_scs_section_size  }
0x9a: {  	s4 =	simm.s32 $_size__tile_overlayer_lowered;
	s5 =	simm.s32 $_tile_overlayer_lowered  }
0x9b: {  	s22 =	simm.s32 $0x1BFF;
	s21 =	sshll.u32 s5, $0x1;
	s2 =	sadd.s32 s19, s18  }
0x9c: {  	s6 =	simm.s32 $0x0;
	s20 =	sshll.u32 s4, $0x1;
	s4 =	sadd.s32 s21, s2  }
0x9d: {  	[timem:s6], [sflag:s22] =	dma.local [hbm:s4], s20  }
0x9e: {  	_ =	swait.ge [sflag:s22], s20  }
0x9f: {  	s3 =	ssub.s32 $0x0, s20;
	[sflag:s22] =	ssyncset.done $0x0  }
0xa0: {  	[sflag:s22] =	ssyncadd.s32 s3;
	_ =	sdelay $0x1  }
0xa1: {  	s23 =	simm.s32 $0x1B8B  }
0xa2: {  	_ =	swait.ge [sflag:s23], $0x1  }
0xa3: {  	[sflag:s23] =	ssyncset.done $0x0  }
0xa4: {  	s25 =	simm.s32 $0x1B8E;
	s24 =	sld [smem:$0x3FFE];
	[sflag:s23] =	ssyncadd.s32 $0xFFFFFFFF  }
0xa5: {  	s26 =	simm.s32 $execute0_lowered;
	[smem:$0x3FD2] =	sst s25  }
0xa6: {  	s4 =	sshll.u32 s26, $0x1;
	_ =	strace $0x80000049;
	[dreg:$0x1] =	wrdreg $0xFFFFFFFF  }
0xa7: {  	s28 =	simm.s32 $_size_execute0_lowered;
	s2 =	sadd.s32 s2, s4;
	[dreg:$0x0] =	wrdreg $0x0  }
0xa8: {  	s4 =	sshll.u32 s28, $0x1;
	[dreg:$0x2] =	wrdreg s2  }
0xa9: {  	[dreg:$0x3] =	wrdreg s4  }
0xaa: {  	[dreg:$0x4] =	wrdreg $0xC0  }
0xab: {  	_ =	task [dreg:s6], $0x5FFFF  }
0xac: {  	[dreg:$0x1] =	wrdreg $0xFFFFFFFF  }
0xad: {  	[dreg:$0x0] =	wrdreg $0x60  }
0xae: {  	[dreg:$0x2] =	wrdreg s24  }
0xaf: {  	[dreg:$0x3] =	wrdreg $0x9  }
0xb0: {  	_ =	task.clear_ibuf [dreg:s6], $0x4FFFF;
	_ =	strace $0x90000049  }
0xb1: {  	s29 =	simm.s32 $0x9;
	_ =	strace $0x8000004B  }
0xb2: {  	_ =	swait.ge [sflag:s29], $0x1  }
0xb3: {  	[sflag:s29] =	ssyncadd.s32 $0xFFFFFFFF  }
0xb4: {  	_ =	strace $0x9000004B  }
0xb5: {  	_ =	sfence  }
0xb6: {  	s30 =	sld [smem:$0x0];
	_ =	sdelay $0x2  }
0xb7: {  	s31 =	sshll.u32 s1, $0xD;
	s1 =	sshrl.u32 s1, $0x2  }
0xb8: {  	s3 =	sand.u32 $0x4000, s31;
	s1 =	sadd.s32 s1, s30  }
0xb9: {  	s0 =	sor.u32 s3, s0;
	s1 =	sshll.u32 s1, $0x11  }
0xba: {  	s0 =	sor.u32 s1, s0  }
0xbb: {  	s0 =	sadd.s32 $0x8F2B, s0  }
0xbc: {  	[sflag:s0] =	ssyncadd.remote.s32 $0x1  }
0xbd: {  	_ =	sfence.sel $0xFFFF  }
0xbe: {  	[dreg:$0x0] =	wrdreg $0xFFFFFFFF;
	(pc) =	sbr.abs _section_cstart, $3  }
0xbf: {  	[dreg:$0x1] =	wrdreg $0xFFFFFFFF  }
0xc0: {  	_ =	task.clear_ibuf [dreg:s6], $0x2FFFF;
	_ =	strace $0x9FFFFFFF  }
0xc1: {  	(tm) =	ssettm $0x7FFFFFFF  }
tec
execute0_lowered:
.L_overlay_start_1:
0x0: {  	(tag) =	ssettag $0x1  }
0x1: {  	s1 =	srdreg.scid  }
0x2: {  	s0 =	stileid.u32;
	s7 =	rddreg [dreg:$0x0];
	s2 =	simm.s32 $0x0  }
0x3: {  	s13 =	simm.s32 $0x3C00;
	s14 =	simm.s32 $0x1;
	s15 =	simm.s32 $0x2  }
0x4: {  	s16 =	simm.s32 $0x10;
	s17 =	simm.s32 $0x1A0;
	s18 =	simm.s32 $0x0  }
0x5: {  	s5 =	sand.u32 $0x1, s1;
	s29 =	sshll.u32 s0, $0x1;
	s1 =	rddreg [dreg:$0x1]  }
0x6: {  	s8 =	smul.u32 $0x6800, s0;
	[smem:$0x7FF] =	sst s2;
	s4 =	sadd.s32 $0x4F7400, s7  }
0x7: {  	s6 =	sor.u32 s5, s29;
	s9 =	smul.u32 $0x3400, s5;
	_ =	strace $0x8000004A  }
0x8: {  	s30 =	ssub.s32 $0x2, s5;
	s5 =	sadd.s32 $0x553A00, s7;
	s3 =	smul.u32 $0x3400, s6  }
0x9: {  	s11 =	sshrl.u32 s30, $0x1;
	s6 =	sshll.u32 s6, $0x9;
	s8 =	sadd.s32 s9, s8  }
0xa: {  	s31 =	ssub.s32 s30, s11;
	s11 =	simm.s32 $0x80;
	s3 =	sshrl.u32 s3, $0x3  }
0xb: {  	s8 =	sshrl.u32 s8, $0x3;
	s10 =	sadd.s32 s3, s7;
	s3 =	sadd.s32 $0x1A00, s7  }
0xc: {  	s12 =	sadd.s32 s8, s7;
	s8 =	smax.u32 s31, $0x1;
	s7 =	sadd.s32 $0x546A00, s10  }
0xd: {  	s9 =	sadd.s32 $0x623A00, s12;
	s10 =	simm.s32 $0x3;
	s12 =	simm.s32 $0x3400  }
.LBB2_1:
0xe: {  	[tilespmem:s2], [sflag:$0x3] =	stream.linear.gather [hbm4b:s7+s2], $0x3400, $0x38;
	[tilespmem:$0x3C80] =	vst v63  }
0xf: {  	s19 =	simm.s32 $0x0;
	_ =	swait.ge [sflag:s10], $0x3400  }
0x10: {  	s20 =	sand.u32 $0x180, s2;
	s19 =	sand.u32 $0x3FFFFE00, s19;
	[sflag:s10] =	ssyncset.done $0x0  }
0x11: {  	s19 =	sor.u32 s20, s19;
	[sflag:s10] =	ssyncadd.s32 $0xFFFFCC00  }
0x12: {  	[tilespmem:s12], [sflag:$0x1] =	stream.indirect.gather [hbm4b:s3+s11], $0x10, s19, s11, $0xb8;
	[tilespmem:$0x3C80] =	vst v63  }
0x13: {  	_ = 	snop  }
0x14: {  	[tilespmem:s13], [sflag:$0x2] =	stream.indirect.gather [hbm4b:s4+s11], $0x1, s19, s11, $0xb8;
	[tilespmem:$0x3C80] =	vst v63  }
0x15: {  	s30 =	sor.u32 s6, s20;
	_ =	swait.ge [sflag:s14], $0x800  }
0x16: {  	s31 =	simm.s32 $0x0;
	s19 =	smul.u32 $0x1A0, s30;
	[sflag:s14] =	ssyncset.done $0x0  }
0x17: {  	s20 =	sand.u32 $0xFFFFFFF0, s31;
	[sflag:s14] =	ssyncadd.s32 $0xFFFFF800  }
0x18: {  	s19 =	sadd.s32 s20, s19;
	_ =	swait.ge [sflag:s15], $0x80  }
0x19: {  	s19 =	sshrl.u32 s19, $0x3;
	[sflag:s15] =	ssyncset.done $0x0  }
0x1a: {  	s19 =	sadd.s32 s5, s19;
	[sflag:s15] =	ssyncadd.s32 $0xFFFFFF80  }
0x1b: {  	[hbm4b:s19+s16] =	stream.strided.scatter [tilespmem:s12], [sflag:$0x3], $0x800, s17, s16, $0x38;
	[tilespmem:$0x3C80] =	vst v63  }
0x1c: {  	_ =	swait.ge [sflag:s10], $0x800  }
0x1d: {  	s23 =	simm.s32 $0x2;
	[sflag:s10] =	ssyncset.done $0x0  }
0x1e: {  	s24 =	simm.s32 $0x80;
	s21 =	simm.s32 $0x80;
	[sflag:s10] =	ssyncadd.s32 $0xFFFFF800  }
0x1f: {  	[hbm4b:s9+s2] =	stream.linear.scatter [tilespmem:s13], [sflag:$0x3], $0x80, $0x38;
	[tilespmem:$0x3C80] =	vst v63  }
0x20: {  	s22 =	sand.u32 $0x180, s21;
	s24 =	sand.u32 $0x3FFFFE00, s24;
	_ =	swait.ge [sflag:s10], $0x80  }
0x21: {  	s20 =	simm.s32 $0x1;
	s19 =	sadd.s32 $0x10, s9;
	[sflag:s10] =	ssyncset.done $0x0  }
.LBB2_2:
0x22: {  	s24 =	sor.u32 s22, s24;
	[sflag:s10] =	ssyncadd.s32 $0xFFFFFF80  }
0x23: {  	s25 =	smov.u32 s23;
	s26 =	sadd.s32 $0x1, s23;
	s28 =	smov.u32 s19  }
0x24: {  	[tilespmem:s12], [sflag:$0x1] =	stream.indirect.gather [hbm4b:s3+s11], $0x10, s24, s11, $0xb8;
	[tilespmem:$0x3C80] =	vst v63  }
0x25: {  	p0 =	sne.s32 s23, $0x67  }
0x26: {  	[tilespmem:s13], [sflag:$0x2] =	stream.indirect.gather [hbm4b:s4+s11], $0x1, s24, s11, $0xb8;
	[tilespmem:$0x3C80] =	vst v63  }
0x27: {  	s22 =	sor.u32 s6, s22;
	_ =	swait.ge [sflag:s14], $0x800  }
0x28: {  	s20 =	sshll.u32 s20, $0x2;
	s22 =	smul.u32 $0x1A0, s22;
	[sflag:s14] =	ssyncset.done $0x0  }
0x29: {  	s23 =	sand.u32 $0xFFFFFFF0, s20;
	s20 =	smov.u32 s25;
	[sflag:s14] =	ssyncadd.s32 $0xFFFFF800  }
0x2a: {  	s22 =	sadd.s32 s23, s22;
	_ =	swait.ge [sflag:s15], $0x80  }
0x2b: {  	s22 =	sshrl.u32 s22, $0x3;
	[sflag:s15] =	ssyncset.done $0x0  }
0x2c: {  	s22 =	sadd.s32 s5, s22;
	[sflag:s15] =	ssyncadd.s32 $0xFFFFFF80  }
0x2d: {  	[hbm4b:s22+s16] =	stream.strided.scatter [tilespmem:s12], [sflag:$0x3], $0x800, s17, s16, $0x38;
	[tilespmem:$0x3C80] =	vst v63  }
0x2e: {  	_ =	swait.ge [sflag:s10], $0x800  }
.Ltmp0:
0x2f: {  	[sflag:s10] =	ssyncset.done $0x0;
	(pc) =	sbr.rel @p0 .LBB2_2-.Ltmp0, $4  }
0x30: {  	s19 =	sadd.s32 $0x10, s19;
	s23 =	sshll.u32 s20, $0x7;
	[sflag:s10] =	ssyncadd.s32 $0xFFFFF800  }
0x31: {  	[hbm4b:s28+s2] =	stream.linear.scatter [tilespmem:s13], [sflag:$0x3], $0x80, $0x38;
	[tilespmem:$0x3C80] =	vst v63  }
0x32: {  	s21 =	sadd.s32 $0x80, s21;
	s24 =	sand.u32 $0x3FFFFE00, s23;
	_ =	swait.ge [sflag:s10], $0x80  }
0x33: {  	s23 =	smov.u32 s26;
	s22 =	sand.u32 $0x180, s21;
	[sflag:s10] =	ssyncset.done $0x0  }
0x34: {  	s21 =	sor.u32 s22, s24;
	[sflag:s10] =	ssyncadd.s32 $0xFFFFFF80  }
0x35: {  	[tilespmem:s12], [sflag:$0x1] =	stream.indirect.gather [hbm4b:s3+s11], $0x10, s21, s11, $0xb8;
	[tilespmem:$0x3C80] =	vst v63  }
0x36: {  	_ = 	snop  }
0x37: {  	[tilespmem:s13], [sflag:$0x2] =	stream.indirect.gather [hbm4b:s4+s11], $0x1, s21, s11, $0xb8;
	[tilespmem:$0x3C80] =	vst v63  }
0x38: {  	s31 =	sor.u32 s6, s22;
	_ =	swait.ge [sflag:s14], $0x800  }
0x39: {  	s20 =	sshll.u32 s20, $0x2;
	s21 =	smul.u32 $0x1A0, s31;
	[sflag:s14] =	ssyncset.done $0x0  }
0x3a: {  	s20 =	sand.u32 $0xFFFFFFF0, s20;
	[sflag:s14] =	ssyncadd.s32 $0xFFFFF800  }
0x3b: {  	s20 =	sadd.s32 s20, s21;
	_ =	swait.ge [sflag:s15], $0x80  }
0x3c: {  	s20 =	sshrl.u32 s20, $0x3;
	[sflag:s15] =	ssyncset.done $0x0  }
0x3d: {  	s20 =	sadd.s32 s5, s20;
	[sflag:s15] =	ssyncadd.s32 $0xFFFFFF80  }
0x3e: {  	[hbm4b:s20+s16] =	stream.strided.scatter [tilespmem:s12], [sflag:$0x3], $0x800, s17, s16, $0x38;
	[tilespmem:$0x3C80] =	vst v63  }
0x3f: {  	s18 =	sadd.s32 $0x1, s18;
	_ =	swait.ge [sflag:s10], $0x800  }
0x40: {  	p0 =	sne.s32 s18, s8;
	[sflag:s10] =	ssyncset.done $0x0  }
.Ltmp1:
0x41: {  	[sflag:s10] =	ssyncadd.s32 $0xFFFFF800;
	(pc) =	sbr.rel @p0 .LBB2_1-.Ltmp1, $4  }
0x42: {  	[hbm4b:s19+s2] =	stream.linear.scatter [tilespmem:s13], [sflag:$0x3], $0x80, $0x38;
	[tilespmem:$0x3C80] =	vst v63  }
0x43: {  	_ =	swait.ge [sflag:s10], $0x80  }
0x44: {  	[sflag:s10] =	ssyncset.done $0x0  }
0x45: {  	[sflag:s10] =	ssyncadd.s32 $0xFFFFFF80  }
0x46: {  	_ =	sfence.sel $0x180000  }
0x47: {  	[bflag:$0x0] =	sbarrier.arrive $0xFFFF  }
0x48: {  	p0 =	sne.s32 s0, $0x0;
	_ =	strace $0x9000004A  }
0x49: {  	s0 =	sadd.s32 @!p0 $0x100000, s1;
	[bflag:$0x2] =	sbarrier.arrive $0xFFFF  }
0x4a: {  	[sflag:s0] =	ssyncadd.tile.s32 @!p0 $0x1;
	_ =	shalt  }
.Lfunc_end2:
_tile_overlayer_lowered:
.L_overlay_start_2:
0x4b: {  	(tag) =	ssettag $0x2  }
0x4c: {  	s0 =	rddreg [dreg:$0x0];
	s2 =	stileid.u32  }
0x4d: {  	s1 =	rddreg [dreg:$0x1];
	p0 =	sne.s32 s2, $0x0  }
0x4e: {  	s3 =	rddreg [dreg:$0x2];
	[bflag:$0x3] =	sbarrier.arrive $0xFFFF;
	s2 =	simm.s32 @!p0 $0x1C03  }
0x4f: {  	[timem:s3], [sflag:s2] =	dma.local @!p0 [hbm:s0], s1  }
0x50: {  	s0 =	simm.s32 @!p0 $0x3  }
0x51: {  	_ =	swait.ge @!p0 [sflag:s0], s1  }
0x52: {  	s1 =	ssub.s32 @!p0 $0x0, s1;
	[sflag:s0] =	ssyncset.done @!p0 $0x0  }
0x53: {  	[sflag:s0] =	ssyncadd.s32 @!p0 s1  }
0x54: {  	[bflag:$0x3] =	sbarrier.arrive $0xFFFF  }
0x55: {  	_ =	shalt  }

</sc_bundles>
